<compile_context>
chip_gen: v7x
topology: tpu7x:2x2x1
jax: 0.10.2.dev20260603
libtpu: 0.0.44.dev20260713+nightly
codegen_flags: <defaults>
</compile_context>

<pallas_src>
import functools
import jax
import jax.numpy as jnp
from jax import lax
from jax.experimental import pallas as pl
from jax.experimental.pallas import tpu as pltpu
from jax.experimental.pallas import tpu_sc as plsc

TOKENS = 32768
SEGS = 16
NODE_D = 512
GOAL_D = 128
CH = 1024
NBUF = 8
NCH = TOKENS // CH
OUTER = NCH // NBUF
WEIGHT = 0.7

WIN = 2064
MAX_BASE = TOKENS - WIN
LANES = 16


def _tc_body(w1n_ref, w1g_ref, b1_ref, w2_ref, b2_ref,
             nodes_hbm, goal_hbm, out_ref,
             nbuf_ref, gbuf_ref, scores_ref, sems):

    def node_copy(c, b):
        return pltpu.make_async_copy(
            nodes_hbm.at[pl.ds(c * CH, CH), :], nbuf_ref.at[b], sems.at[b, 0])

    def goal_copy(c, b):
        return pltpu.make_async_copy(
            goal_hbm.at[pl.ds(c * CH, CH), :], gbuf_ref.at[b], sems.at[b, 1])

    for b in range(NBUF):
        node_copy(b, b).start()
        goal_copy(b, b).start()

    def outer(i, _):
        for b in range(NBUF):
            c = i * NBUF + b
            node_copy(c, b).wait()
            goal_copy(c, b).wait()

            h = jnp.dot(nbuf_ref[b], w1n_ref[...],
                        preferred_element_type=jnp.float32)
            h = h + jnp.dot(gbuf_ref[b], w1g_ref[...],
                            preferred_element_type=jnp.float32)
            h = jnp.maximum(h + b1_ref[...], 0.0)
            scores = (jnp.sum(h * w2_ref[...], axis=1, keepdims=True)
                      + b2_ref[...])
            scores_ref[pl.ds(c * (CH // 128), CH // 128), :] = (
                scores.reshape(CH // 128, 128))

            @pl.when(i < OUTER - 1)
            def _prefetch():
                node_copy(c + NBUF, b).start()
                goal_copy(c + NBUF, b).start()
        return 0

    lax.fori_loop(0, OUTER, outer, 0)
    out_ref[...] = scores_ref[...]


def _tc_scores(nodes, goal, W1, b1, W2, b2):
    w1nT = W1[:, :NODE_D].T
    w1gT = W1[:, NODE_D:].T

    full = lambda i: (0, 0)
    out = pl.pallas_call(
        _tc_body,
        grid=(1,),
        in_specs=[
            pl.BlockSpec((NODE_D, SEGS), full),
            pl.BlockSpec((GOAL_D, SEGS), full),
            pl.BlockSpec((1, SEGS), full),
            pl.BlockSpec((1, SEGS), full),
            pl.BlockSpec((1, 1), full),
            pl.BlockSpec(memory_space=pl.ANY),
            pl.BlockSpec(memory_space=pl.ANY),
        ],
        out_specs=pl.BlockSpec((TOKENS // 128, 128), full),
        out_shape=jax.ShapeDtypeStruct((TOKENS // 128, 128), jnp.float32),
        scratch_shapes=[
            pltpu.VMEM((NBUF, CH, NODE_D), jnp.float32),
            pltpu.VMEM((NBUF, CH, GOAL_D), jnp.float32),
            pltpu.VMEM((TOKENS // 128, 128), jnp.float32),
            pltpu.SemaphoreType.DMA((NBUF, 2)),
        ],
        compiler_params=pltpu.CompilerParams(
            dimension_semantics=("arbitrary",)),
    )(w1nT, w1gT, b1.reshape(1, SEGS), W2.reshape(1, SEGS),
      b2.reshape(1, 1), nodes, goal)
    return out.reshape(TOKENS)


def _sc_pool(scores, starts, ends):
    mesh = plsc.VectorSubcoreMesh(core_axis_name="c", subcore_axis_name="s")

    @functools.partial(
        pl.kernel, mesh=mesh,
        out_type=jax.ShapeDtypeStruct((SEGS, LANES), jnp.float32),
        scratch_types=[
            pltpu.VMEM((WIN,), jnp.float32),
            pltpu.VMEM((LANES,), jnp.int32),
            pltpu.VMEM((LANES,), jnp.int32),
            pltpu.VMEM((LANES,), jnp.float32),
            pltpu.VMEM((LANES,), jnp.float32),
            pltpu.VMEM((LANES,), jnp.float32),
            pltpu.SMEM((2,), jnp.int32),
        ],
    )
    def k(scores_hbm, starts_hbm, ends_hbm, out_hbm, win_v, sv, ev, res_v,
          s_ref, m_ref, se_smem):
        cid = lax.axis_index("c")
        sid = lax.axis_index("s")
        seg = cid * 8 + sid

        @pl.when(sid < 8)
        def _active():
            pltpu.sync_copy(starts_hbm, sv)
            pltpu.sync_copy(ends_hbm, ev)
            sv_vec = sv[...]
            ev_vec = ev[...]
            for K in range(SEGS):
                @pl.when(seg == K)
                def _pick(K=K):
                    se_smem[0] = sv_vec[K]
                    se_smem[1] = ev_vec[K]
            start = se_smem[0]
            end = se_smem[1]
            base = jnp.minimum((start // 8) * 8, MAX_BASE)

            pltpu.sync_copy(scores_hbm.at[pl.ds(base, WIN)], win_v)

            lane = lax.broadcasted_iota(jnp.int32, (LANES,), 0)
            s_acc = jnp.zeros((LANES,), jnp.float32)
            m_acc = jnp.full((LANES,), -jnp.inf, jnp.float32)

            for i in range(WIN // LANES):
                x = win_v[pl.ds(i * LANES, LANES)]
                g = (base + i * LANES) + lane
                inseg = (g >= start) & (g < end)
                s_acc = s_acc + jnp.where(inseg, x, 0.0)
                m_acc = jnp.maximum(m_acc, jnp.where(inseg, x, -jnp.inf))

            s_ref[...] = s_acc
            m_ref[...] = m_acc

            def allreduce(v, op):
                dn = lax.GatherDimensionNumbers(
                    offset_dims=(), collapsed_slice_dims=(0,),
                    start_index_map=(0,))
                for step in (1, 2, 4, 8):
                    idx = jnp.bitwise_xor(lane, step).reshape(LANES, 1)
                    perm = lax.gather(
                        v, idx, dn, (1,),
                        mode=lax.GatherScatterMode.PROMISE_IN_BOUNDS)
                    v = op(v, perm)
                return v

            sum_vec = allreduce(s_ref[...], jnp.add)
            max_vec = allreduce(m_ref[...], jnp.maximum)
            count = (end - start).astype(jnp.float32)
            res_v[...] = (WEIGHT * max_vec
                          + (1.0 - WEIGHT) * (sum_vec / count))
            pltpu.sync_copy(res_v, out_hbm.at[seg])

    out = k(scores, starts, ends)
    return out[:, 15]


def kernel(nodes, goal, num_nodes, W1, b1, W2, b2):
    nn = num_nodes.astype(jnp.int32)
    ends = jnp.cumsum(nn)
    starts = ends - nn
    scores = _tc_scores(nodes, goal, W1, b1, W2, b2)
    return _sc_pool(scores, starts, ends)

# --- scband reference (transcript-rebuilt; emitter-appended) ---
"""Pipeline reference for scband-critic-model-90512140796584 (READ-ONLY COPY).

The authoritative reference and input builder live on the scoring server;
editing this copy changes nothing except your own understanding.
"""

import jax, jax.numpy as jnp
import numpy as np

HIDDEN_SIZE = 512
GOAL_SIZE = 128
WEIGHT = 0.7
TOTAL_TOKENS = 32768
BATCH = 16

def setup_inputs(seed: int = 0) -> dict:
    key = jax.random.key(seed)
    k1, k2, k3, k4, k5, k6, k7 = jax.random.split(key, 7)
    nodes = jax.random.normal(k1, (TOTAL_TOKENS, HIDDEN_SIZE), dtype=jnp.float32)
    goal = jax.random.normal(k2, (TOTAL_TOKENS, GOAL_SIZE), dtype=jnp.float32)
    # segment lengths: min 1 to guarantee non-empty segments; sum <= 16*2047 < 32768
    num_nodes = jax.random.randint(k3, (BATCH,), 1, 2048, dtype=jnp.int64)
    in_dim = HIDDEN_SIZE + GOAL_SIZE
    W1 = jax.random.normal(k4, (16, in_dim), dtype=jnp.float32) * (1.0 / np.sqrt(in_dim))
    b1 = jax.random.normal(k5, (16,), dtype=jnp.float32) * 0.01
    W2 = jax.random.normal(k6, (1, 16), dtype=jnp.float32) * 0.25
    b2 = jax.random.normal(k7, (1,), dtype=jnp.float32) * 0.01
    return {"nodes": nodes, "goal": goal, "num_nodes": num_nodes, "W1": W1, "b1": b1, "W2": W2, "b2": b2}

def reference(nodes, goal, num_nodes, W1, b1, W2, b2):
    concat = jnp.concatenate([nodes, goal], axis=1)
    h = jnp.maximum(concat @ W1.T + b1, 0.0)
    outputs_all = (h @ W2.T + b2).flatten()
    ends = jnp.cumsum(num_nodes)
    starts = ends - num_nodes
    idx = jnp.arange(TOTAL_TOKENS, dtype=ends.dtype)
    mask = (idx[None, :] >= starts[:, None]) & (idx[None, :] < ends[:, None])
    seg_sum = jnp.sum(jnp.where(mask, outputs_all[None, :], 0.0), axis=1)
    mean_out = seg_sum / num_nodes.astype(outputs_all.dtype)
    max_out = jnp.max(jnp.where(mask, outputs_all[None, :], -jnp.inf), axis=1)
    return max_out * WEIGHT + mean_out * (1.0 - WEIGHT)

if __name__ == "__main__":
    import jax
    _d = setup_inputs()
    print(jax.jit(kernel)(*tuple(_d.values())))

</pallas_src>

<mosaic_0001>
#map = affine_map<(d0, d1) -> (0)>
#map1 = affine_map<(d0, d1) -> (0, 0)>
module attributes {stable_mosaic.version = 14 : i64} {
  func.func @k(%arg0: i32, %arg1: i32, %arg2: memref<32768xf32, #tpu.memory_space<hbm>>, %arg3: memref<16xi32, #tpu.memory_space<hbm>>, %arg4: memref<16xi32, #tpu.memory_space<hbm>>, %arg5: memref<16x16xf32, #tpu.memory_space<hbm>>, %arg6: memref<2064xf32, #tpu.memory_space<vmem>>, %arg7: memref<16xi32, #tpu.memory_space<vmem>>, %arg8: memref<16xi32, #tpu.memory_space<vmem>>, %arg9: memref<16xf32, #tpu.memory_space<vmem>>, %arg10: memref<16xf32, #tpu.memory_space<vmem>>, %arg11: memref<16xf32, #tpu.memory_space<vmem>>, %arg12: memref<2xi32, #tpu.memory_space<smem>>) attributes {dimension_semantics = [#tpu.dimension_semantics<core_parallel>, #tpu.dimension_semantics<subcore_parallel>], iteration_bounds = array<i64: 2, 16>, scalar_prefetch = 0 : i64, scratch_operands = 7 : i64, tpu.core_type = #tpu.core_type<sc_vector_subcore>, window_params = [{transform_indices = #map}, {transform_indices = #map}, {transform_indices = #map}, {transform_indices = #map1}]} {
    %mul3A = arith.constant 8 : i32
    %mul3A_0 = arith.muli %arg0, %mul3A : i32
    %add3A = arith.addi %mul3A_0, %arg1 : i32
    %lt3A = arith.constant 8 : i32
    %lt3A_1 = arith.cmpi slt, %arg1, %lt3A : i32
    %convert_element_type3A = arith.extui %lt3A_1 : i1 to i32
    %cond3A = arith.constant 0 : i32
    %cond3A_2 = arith.cmpi ne, %convert_element_type3A, %cond3A : i32
    scf.if %cond3A_2 {
      "tpu.region"() ({
        %run_scoped3A = tpu.sem_alloc : memref<!tpu.dma_semaphore, #tpu.memory_space<semaphore_mem>>
        tpu.enqueue_dma source(%arg3 : memref<16xi32, #tpu.memory_space<hbm>>) target(%arg7 : memref<16xi32, #tpu.memory_space<vmem>>) target_semaphore(%run_scoped3A : memref<!tpu.dma_semaphore, #tpu.memory_space<semaphore_mem>>)
        tpu.wait_dma2 semaphore(%run_scoped3A : memref<!tpu.dma_semaphore, #tpu.memory_space<semaphore_mem>>) src(%arg3 : memref<16xi32, #tpu.memory_space<hbm>>) dst(%arg7 : memref<16xi32, #tpu.memory_space<vmem>>)
        tpu.yield
      }) : () -> ()
      "tpu.region"() ({
        %run_scoped3A = tpu.sem_alloc : memref<!tpu.dma_semaphore, #tpu.memory_space<semaphore_mem>>
        tpu.enqueue_dma source(%arg4 : memref<16xi32, #tpu.memory_space<hbm>>) target(%arg8 : memref<16xi32, #tpu.memory_space<vmem>>) target_semaphore(%run_scoped3A : memref<!tpu.dma_semaphore, #tpu.memory_space<semaphore_mem>>)
        tpu.wait_dma2 semaphore(%run_scoped3A : memref<!tpu.dma_semaphore, #tpu.memory_space<semaphore_mem>>) src(%arg4 : memref<16xi32, #tpu.memory_space<hbm>>) dst(%arg8 : memref<16xi32, #tpu.memory_space<vmem>>)
        tpu.yield
      }) : () -> ()
      %get3A = arith.constant 0 : index
      %get3A_3 = tpu.vector_load %arg7[%get3A] {strides = array<i32>} : memref<16xi32, #tpu.memory_space<vmem>>, vector<16xi32>,
      %get3A_4 = vector.shape_cast %get3A_3 : vector<16xi32> to vector<16xi32>
      %get3A_5 = arith.constant 0 : index
      %get3A_6 = tpu.vector_load %arg8[%get3A_5] {strides = array<i32>} : memref<16xi32, #tpu.memory_space<vmem>>, vector<16xi32>,
      %get3A_7 = vector.shape_cast %get3A_6 : vector<16xi32> to vector<16xi32>
      %eq3A = arith.constant 0 : i32
      %eq3A_8 = arith.cmpi eq, %add3A, %eq3A : i32
      %convert_element_type3A_9 = arith.extui %eq3A_8 : i1 to i32
      %cond3A_10 = arith.constant 0 : i32
      %cond3A_11 = arith.cmpi ne, %convert_element_type3A_9, %cond3A_10 : i32
      scf.if %cond3A_11 {
        %slice3A = vector.extract_strided_slice %get3A_4 {offsets = [0], sizes = [1], strides = [1]} : vector<16xi32> to vector<1xi32>
        %squeeze3A = vector.extract %slice3A[0] : i32 from vector<1xi32>
        %swap3A_2774 = arith.constant 0 : i32
        %swap3A_2775 = arith.index_cast %swap3A_2774 : i32 to index
        %swap3A_2776 = memref.load %arg12[%swap3A_2775] : memref<2xi32, #tpu.memory_space<smem>>
        memref.store %squeeze3A, %arg12[%swap3A_2775] : memref<2xi32, #tpu.memory_space<smem>>
        %slice3A_2777 = vector.extract_strided_slice %get3A_7 {offsets = [0], sizes = [1], strides = [1]} : vector<16xi32> to vector<1xi32>
        %squeeze3A_2778 = vector.extract %slice3A_2777[0] : i32 from vector<1xi32>
        %swap3A_2779 = arith.constant 1 : i32
        %swap3A_2780 = arith.index_cast %swap3A_2779 : i32 to index
        %swap3A_2781 = memref.load %arg12[%swap3A_2780] : memref<2xi32, #tpu.memory_space<smem>>
        memref.store %squeeze3A_2778, %arg12[%swap3A_2780] : memref<2xi32, #tpu.memory_space<smem>>
      } else {
      }
      %eq3A_12 = arith.constant 1 : i32
      %eq3A_13 = arith.cmpi eq, %add3A, %eq3A_12 : i32
      %convert_element_type3A_14 = arith.extui %eq3A_13 : i1 to i32
      %cond3A_15 = arith.constant 0 : i32
      %cond3A_16 = arith.cmpi ne, %convert_element_type3A_14, %cond3A_15 : i32
      scf.if %cond3A_16 {
        %slice3A = vector.extract_strided_slice %get3A_4 {offsets = [1], sizes = [1], strides = [1]} : vector<16xi32> to vector<1xi32>
        %squeeze3A = vector.extract %slice3A[0] : i32 from vector<1xi32>
        %swap3A_2774 = arith.constant 0 : i32
        %swap3A_2775 = arith.index_cast %swap3A_2774 : i32 to index
        %swap3A_2776 = memref.load %arg12[%swap3A_2775] : memref<2xi32, #tpu.memory_space<smem>>
        memref.store %squeeze3A, %arg12[%swap3A_2775] : memref<2xi32, #tpu.memory_space<smem>>
        %slice3A_2777 = vector.extract_strided_slice %get3A_7 {offsets = [1], sizes = [1], strides = [1]} : vector<16xi32> to vector<1xi32>
        %squeeze3A_2778 = vector.extract %slice3A_2777[0] : i32 from vector<1xi32>
        %swap3A_2779 = arith.constant 1 : i32
        %swap3A_2780 = arith.index_cast %swap3A_2779 : i32 to index
        %swap3A_2781 = memref.load %arg12[%swap3A_2780] : memref<2xi32, #tpu.memory_space<smem>>
        memref.store %squeeze3A_2778, %arg12[%swap3A_2780] : memref<2xi32, #tpu.memory_space<smem>>
      } else {
      }
      %eq3A_17 = arith.constant 2 : i32
      %eq3A_18 = arith.cmpi eq, %add3A, %eq3A_17 : i32
      %convert_element_type3A_19 = arith.extui %eq3A_18 : i1 to i32
      %cond3A_20 = arith.constant 0 : i32
      %cond3A_21 = arith.cmpi ne, %convert_element_type3A_19, %cond3A_20 : i32
      scf.if %cond3A_21 {
        %slice3A = vector.extract_strided_slice %get3A_4 {offsets = [2], sizes = [1], strides = [1]} : vector<16xi32> to vector<1xi32>
        %squeeze3A = vector.extract %slice3A[0] : i32 from vector<1xi32>
        %swap3A_2774 = arith.constant 0 : i32
        %swap3A_2775 = arith.index_cast %swap3A_2774 : i32 to index
        %swap3A_2776 = memref.load %arg12[%swap3A_2775] : memref<2xi32, #tpu.memory_space<smem>>
        memref.store %squeeze3A, %arg12[%swap3A_2775] : memref<2xi32, #tpu.memory_space<smem>>
        %slice3A_2777 = vector.extract_strided_slice %get3A_7 {offsets = [2], sizes = [1], strides = [1]} : vector<16xi32> to vector<1xi32>
        %squeeze3A_2778 = vector.extract %slice3A_2777[0] : i32 from vector<1xi32>
        %swap3A_2779 = arith.constant 1 : i32
        %swap3A_2780 = arith.index_cast %swap3A_2779 : i32 to index
        %swap3A_2781 = memref.load %arg12[%swap3A_2780] : memref<2xi32, #tpu.memory_space<smem>>
        memref.store %squeeze3A_2778, %arg12[%swap3A_2780] : memref<2xi32, #tpu.memory_space<smem>>
      } else {
      }
      %eq3A_22 = arith.constant 3 : i32
      %eq3A_23 = arith.cmpi eq, %add3A, %eq3A_22 : i32
      %convert_element_type3A_24 = arith.extui %eq3A_23 : i1 to i32
      %cond3A_25 = arith.constant 0 : i32
      %cond3A_26 = arith.cmpi ne, %convert_element_type3A_24, %cond3A_25 : i32
      scf.if %cond3A_26 {
        %slice3A = vector.extract_strided_slice %get3A_4 {offsets = [3], sizes = [1], strides = [1]} : vector<16xi32> to vector<1xi32>
        %squeeze3A = vector.extract %slice3A[0] : i32 from vector<1xi32>
        %swap3A_2774 = arith.constant 0 : i32
        %swap3A_2775 = arith.index_cast %swap3A_2774 : i32 to index
        %swap3A_2776 = memref.load %arg12[%swap3A_2775] : memref<2xi32, #tpu.memory_space<smem>>
        memref.store %squeeze3A, %arg12[%swap3A_2775] : memref<2xi32, #tpu.memory_space<smem>>
        %slice3A_2777 = vector.extract_strided_slice %get3A_7 {offsets = [3], sizes = [1], strides = [1]} : vector<16xi32> to vector<1xi32>
        %squeeze3A_2778 = vector.extract %slice3A_2777[0] : i32 from vector<1xi32>
        %swap3A_2779 = arith.constant 1 : i32
        %swap3A_2780 = arith.index_cast %swap3A_2779 : i32 to index
        %swap3A_2781 = memref.load %arg12[%swap3A_2780] : memref<2xi32, #tpu.memory_space<smem>>
        memref.store %squeeze3A_2778, %arg12[%swap3A_2780] : memref<2xi32, #tpu.memory_space<smem>>
      } else {
      }
      %eq3A_27 = arith.constant 4 : i32
      %eq3A_28 = arith.cmpi eq, %add3A, %eq3A_27 : i32
      %convert_element_type3A_29 = arith.extui %eq3A_28 : i1 to i32
      %cond3A_30 = arith.constant 0 : i32
      %cond3A_31 = arith.cmpi ne, %convert_element_type3A_29, %cond3A_30 : i32
      scf.if %cond3A_31 {
        %slice3A = vector.extract_strided_slice %get3A_4 {offsets = [4], sizes = [1], strides = [1]} : vector<16xi32> to vector<1xi32>
        %squeeze3A = vector.extract %slice3A[0] : i32 from vector<1xi32>
        %swap3A_2774 = arith.constant 0 : i32
        %swap3A_2775 = arith.index_cast %swap3A_2774 : i32 to index
        %swap3A_2776 = memref.load %arg12[%swap3A_2775] : memref<2xi32, #tpu.memory_space<smem>>
        memref.store %squeeze3A, %arg12[%swap3A_2775] : memref<2xi32, #tpu.memory_space<smem>>
        %slice3A_2777 = vector.extract_strided_slice %get3A_7 {offsets = [4], sizes = [1], strides = [1]} : vector<16xi32> to vector<1xi32>
        %squeeze3A_2778 = vector.extract %slice3A_2777[0] : i32 from vector<1xi32>
        %swap3A_2779 = arith.constant 1 : i32
        %swap3A_2780 = arith.index_cast %swap3A_2779 : i32 to index
        %swap3A_2781 = memref.load %arg12[%swap3A_2780] : memref<2xi32, #tpu.memory_space<smem>>
        memref.store %squeeze3A_2778, %arg12[%swap3A_2780] : memref<2xi32, #tpu.memory_space<smem>>
      } else {
      }
      %eq3A_32 = arith.constant 5 : i32
      %eq3A_33 = arith.cmpi eq, %add3A, %eq3A_32 : i32
      %convert_element_type3A_34 = arith.extui %eq3A_33 : i1 to i32
      %cond3A_35 = arith.constant 0 : i32
      %cond3A_36 = arith.cmpi ne, %convert_element_type3A_34, %cond3A_35 : i32
      scf.if %cond3A_36 {
        %slice3A = vector.extract_strided_slice %get3A_4 {offsets = [5], sizes = [1], strides = [1]} : vector<16xi32> to vector<1xi32>
        %squeeze3A = vector.extract %slice3A[0] : i32 from vector<1xi32>
        %swap3A_2774 = arith.constant 0 : i32
        %swap3A_2775 = arith.index_cast %swap3A_2774 : i32 to index
        %swap3A_2776 = memref.load %arg12[%swap3A_2775] : memref<2xi32, #tpu.memory_space<smem>>
        memref.store %squeeze3A, %arg12[%swap3A_2775] : memref<2xi32, #tpu.memory_space<smem>>
        %slice3A_2777 = vector.extract_strided_slice %get3A_7 {offsets = [5], sizes = [1], strides = [1]} : vector<16xi32> to vector<1xi32>
        %squeeze3A_2778 = vector.extract %slice3A_2777[0] : i32 from vector<1xi32>
        %swap3A_2779 = arith.constant 1 : i32
        %swap3A_2780 = arith.index_cast %swap3A_2779 : i32 to index
        %swap3A_2781 = memref.load %arg12[%swap3A_2780] : memref<2xi32, #tpu.memory_space<smem>>
        memref.store %squeeze3A_2778, %arg12[%swap3A_2780] : memref<2xi32, #tpu.memory_space<smem>>
      } else {
      }
      %eq3A_37 = arith.constant 6 : i32
      %eq3A_38 = arith.cmpi eq, %add3A, %eq3A_37 : i32
      %convert_element_type3A_39 = arith.extui %eq3A_38 : i1 to i32
      %cond3A_40 = arith.constant 0 : i32
      %cond3A_41 = arith.cmpi ne, %convert_element_type3A_39, %cond3A_40 : i32
      scf.if %cond3A_41 {
        %slice3A = vector.extract_strided_slice %get3A_4 {offsets = [6], sizes = [1], strides = [1]} : vector<16xi32> to vector<1xi32>
        %squeeze3A = vector.extract %slice3A[0] : i32 from vector<1xi32>
        %swap3A_2774 = arith.constant 0 : i32
        %swap3A_2775 = arith.index_cast %swap3A_2774 : i32 to index
        %swap3A_2776 = memref.load %arg12[%swap3A_2775] : memref<2xi32, #tpu.memory_space<smem>>
        memref.store %squeeze3A, %arg12[%swap3A_2775] : memref<2xi32, #tpu.memory_space<smem>>
        %slice3A_2777 = vector.extract_strided_slice %get3A_7 {offsets = [6], sizes = [1], strides = [1]} : vector<16xi32> to vector<1xi32>
        %squeeze3A_2778 = vector.extract %slice3A_2777[0] : i32 from vector<1xi32>
        %swap3A_2779 = arith.constant 1 : i32
        %swap3A_2780 = arith.index_cast %swap3A_2779 : i32 to index
        %swap3A_2781 = memref.load %arg12[%swap3A_2780] : memref<2xi32, #tpu.memory_space<smem>>
        memref.store %squeeze3A_2778, %arg12[%swap3A_2780] : memref<2xi32, #tpu.memory_space<smem>>
      } else {
      }
      %eq3A_42 = arith.constant 7 : i32
      %eq3A_43 = arith.cmpi eq, %add3A, %eq3A_42 : i32
      %convert_element_type3A_44 = arith.extui %eq3A_43 : i1 to i32
      %cond3A_45 = arith.constant 0 : i32
      %cond3A_46 = arith.cmpi ne, %convert_element_type3A_44, %cond3A_45 : i32
      scf.if %cond3A_46 {
        %slice3A = vector.extract_strided_slice %get3A_4 {offsets = [7], sizes = [1], strides = [1]} : vector<16xi32> to vector<1xi32>
        %squeeze3A = vector.extract %slice3A[0] : i32 from vector<1xi32>
        %swap3A_2774 = arith.constant 0 : i32
        %swap3A_2775 = arith.index_cast %swap3A_2774 : i32 to index
        %swap3A_2776 = memref.load %arg12[%swap3A_2775] : memref<2xi32, #tpu.memory_space<smem>>
        memref.store %squeeze3A, %arg12[%swap3A_2775] : memref<2xi32, #tpu.memory_space<smem>>
        %slice3A_2777 = vector.extract_strided_slice %get3A_7 {offsets = [7], sizes = [1], strides = [1]} : vector<16xi32> to vector<1xi32>
        %squeeze3A_2778 = vector.extract %slice3A_2777[0] : i32 from vector<1xi32>
        %swap3A_2779 = arith.constant 1 : i32
        %swap3A_2780 = arith.index_cast %swap3A_2779 : i32 to index
        %swap3A_2781 = memref.load %arg12[%swap3A_2780] : memref<2xi32, #tpu.memory_space<smem>>
        memref.store %squeeze3A_2778, %arg12[%swap3A_2780] : memref<2xi32, #tpu.memory_space<smem>>
      } else {
      }
      %eq3A_47 = arith.constant 8 : i32
      %eq3A_48 = arith.cmpi eq, %add3A, %eq3A_47 : i32
      %convert_element_type3A_49 = arith.extui %eq3A_48 : i1 to i32
      %cond3A_50 = arith.constant 0 : i32
      %cond3A_51 = arith.cmpi ne, %convert_element_type3A_49, %cond3A_50 : i32
      scf.if %cond3A_51 {
        %slice3A = vector.extract_strided_slice %get3A_4 {offsets = [8], sizes = [1], strides = [1]} : vector<16xi32> to vector<1xi32>
        %squeeze3A = vector.extract %slice3A[0] : i32 from vector<1xi32>
        %swap3A_2774 = arith.constant 0 : i32
        %swap3A_2775 = arith.index_cast %swap3A_2774 : i32 to index
        %swap3A_2776 = memref.load %arg12[%swap3A_2775] : memref<2xi32, #tpu.memory_space<smem>>
        memref.store %squeeze3A, %arg12[%swap3A_2775] : memref<2xi32, #tpu.memory_space<smem>>
        %slice3A_2777 = vector.extract_strided_slice %get3A_7 {offsets = [8], sizes = [1], strides = [1]} : vector<16xi32> to vector<1xi32>
        %squeeze3A_2778 = vector.extract %slice3A_2777[0] : i32 from vector<1xi32>
        %swap3A_2779 = arith.constant 1 : i32
        %swap3A_2780 = arith.index_cast %swap3A_2779 : i32 to index
        %swap3A_2781 = memref.load %arg12[%swap3A_2780] : memref<2xi32, #tpu.memory_space<smem>>
        memref.store %squeeze3A_2778, %arg12[%swap3A_2780] : memref<2xi32, #tpu.memory_space<smem>>
      } else {
      }
      %eq3A_52 = arith.constant 9 : i32
      %eq3A_53 = arith.cmpi eq, %add3A, %eq3A_52 : i32
      %convert_element_type3A_54 = arith.extui %eq3A_53 : i1 to i32
      %cond3A_55 = arith.constant 0 : i32
      %cond3A_56 = arith.cmpi ne, %convert_element_type3A_54, %cond3A_55 : i32
      scf.if %cond3A_56 {
        %slice3A = vector.extract_strided_slice %get3A_4 {offsets = [9], sizes = [1], strides = [1]} : vector<16xi32> to vector<1xi32>
        %squeeze3A = vector.extract %slice3A[0] : i32 from vector<1xi32>
        %swap3A_2774 = arith.constant 0 : i32
        %swap3A_2775 = arith.index_cast %swap3A_2774 : i32 to index
        %swap3A_2776 = memref.load %arg12[%swap3A_2775] : memref<2xi32, #tpu.memory_space<smem>>
        memref.store %squeeze3A, %arg12[%swap3A_2775] : memref<2xi32, #tpu.memory_space<smem>>
        %slice3A_2777 = vector.extract_strided_slice %get3A_7 {offsets = [9], sizes = [1], strides = [1]} : vector<16xi32> to vector<1xi32>
        %squeeze3A_2778 = vector.extract %slice3A_2777[0] : i32 from vector<1xi32>
        %swap3A_2779 = arith.constant 1 : i32
        %swap3A_2780 = arith.index_cast %swap3A_2779 : i32 to index
        %swap3A_2781 = memref.load %arg12[%swap3A_2780] : memref<2xi32, #tpu.memory_space<smem>>
        memref.store %squeeze3A_2778, %arg12[%swap3A_2780] : memref<2xi32, #tpu.memory_space<smem>>
      } else {
      }
      %eq3A_57 = arith.constant 10 : i32
      %eq3A_58 = arith.cmpi eq, %add3A, %eq3A_57 : i32
      %convert_element_type3A_59 = arith.extui %eq3A_58 : i1 to i32
      %cond3A_60 = arith.constant 0 : i32
      %cond3A_61 = arith.cmpi ne, %convert_element_type3A_59, %cond3A_60 : i32
      scf.if %cond3A_61 {
        %slice3A = vector.extract_strided_slice %get3A_4 {offsets = [10], sizes = [1], strides = [1]} : vector<16xi32> to vector<1xi32>
        %squeeze3A = vector.extract %slice3A[0] : i32 from vector<1xi32>
        %swap3A_2774 = arith.constant 0 : i32
        %swap3A_2775 = arith.index_cast %swap3A_2774 : i32 to index
        %swap3A_2776 = memref.load %arg12[%swap3A_2775] : memref<2xi32, #tpu.memory_space<smem>>
        memref.store %squeeze3A, %arg12[%swap3A_2775] : memref<2xi32, #tpu.memory_space<smem>>
        %slice3A_2777 = vector.extract_strided_slice %get3A_7 {offsets = [10], sizes = [1], strides = [1]} : vector<16xi32> to vector<1xi32>
        %squeeze3A_2778 = vector.extract %slice3A_2777[0] : i32 from vector<1xi32>
        %swap3A_2779 = arith.constant 1 : i32
        %swap3A_2780 = arith.index_cast %swap3A_2779 : i32 to index
        %swap3A_2781 = memref.load %arg12[%swap3A_2780] : memref<2xi32, #tpu.memory_space<smem>>
        memref.store %squeeze3A_2778, %arg12[%swap3A_2780] : memref<2xi32, #tpu.memory_space<smem>>
      } else {
      }
      %eq3A_62 = arith.constant 11 : i32
      %eq3A_63 = arith.cmpi eq, %add3A, %eq3A_62 : i32
      %convert_element_type3A_64 = arith.extui %eq3A_63 : i1 to i32
      %cond3A_65 = arith.constant 0 : i32
      %cond3A_66 = arith.cmpi ne, %convert_element_type3A_64, %cond3A_65 : i32
      scf.if %cond3A_66 {
        %slice3A = vector.extract_strided_slice %get3A_4 {offsets = [11], sizes = [1], strides = [1]} : vector<16xi32> to vector<1xi32>
        %squeeze3A = vector.extract %slice3A[0] : i32 from vector<1xi32>
        %swap3A_2774 = arith.constant 0 : i32
        %swap3A_2775 = arith.index_cast %swap3A_2774 : i32 to index
        %swap3A_2776 = memref.load %arg12[%swap3A_2775] : memref<2xi32, #tpu.memory_space<smem>>
        memref.store %squeeze3A, %arg12[%swap3A_2775] : memref<2xi32, #tpu.memory_space<smem>>
        %slice3A_2777 = vector.extract_strided_slice %get3A_7 {offsets = [11], sizes = [1], strides = [1]} : vector<16xi32> to vector<1xi32>
        %squeeze3A_2778 = vector.extract %slice3A_2777[0] : i32 from vector<1xi32>
        %swap3A_2779 = arith.constant 1 : i32
        %swap3A_2780 = arith.index_cast %swap3A_2779 : i32 to index
        %swap3A_2781 = memref.load %arg12[%swap3A_2780] : memref<2xi32, #tpu.memory_space<smem>>
        memref.store %squeeze3A_2778, %arg12[%swap3A_2780] : memref<2xi32, #tpu.memory_space<smem>>
      } else {
      }
      %eq3A_67 = arith.constant 12 : i32
      %eq3A_68 = arith.cmpi eq, %add3A, %eq3A_67 : i32
      %convert_element_type3A_69 = arith.extui %eq3A_68 : i1 to i32
      %cond3A_70 = arith.constant 0 : i32
      %cond3A_71 = arith.cmpi ne, %convert_element_type3A_69, %cond3A_70 : i32
      scf.if %cond3A_71 {
        %slice3A = vector.extract_strided_slice %get3A_4 {offsets = [12], sizes = [1], strides = [1]} : vector<16xi32> to vector<1xi32>
        %squeeze3A = vector.extract %slice3A[0] : i32 from vector<1xi32>
        %swap3A_2774 = arith.constant 0 : i32
        %swap3A_2775 = arith.index_cast %swap3A_2774 : i32 to index
        %swap3A_2776 = memref.load %arg12[%swap3A_2775] : memref<2xi32, #tpu.memory_space<smem>>
        memref.store %squeeze3A, %arg12[%swap3A_2775] : memref<2xi32, #tpu.memory_space<smem>>
        %slice3A_2777 = vector.extract_strided_slice %get3A_7 {offsets = [12], sizes = [1], strides = [1]} : vector<16xi32> to vector<1xi32>
        %squeeze3A_2778 = vector.extract %slice3A_2777[0] : i32 from vector<1xi32>
        %swap3A_2779 = arith.constant 1 : i32
        %swap3A_2780 = arith.index_cast %swap3A_2779 : i32 to index
        %swap3A_2781 = memref.load %arg12[%swap3A_2780] : memref<2xi32, #tpu.memory_space<smem>>
        memref.store %squeeze3A_2778, %arg12[%swap3A_2780] : memref<2xi32, #tpu.memory_space<smem>>
      } else {
      }
      %eq3A_72 = arith.constant 13 : i32
      %eq3A_73 = arith.cmpi eq, %add3A, %eq3A_72 : i32
      %convert_element_type3A_74 = arith.extui %eq3A_73 : i1 to i32
      %cond3A_75 = arith.constant 0 : i32
      %cond3A_76 = arith.cmpi ne, %convert_element_type3A_74, %cond3A_75 : i32
      scf.if %cond3A_76 {
        %slice3A = vector.extract_strided_slice %get3A_4 {offsets = [13], sizes = [1], strides = [1]} : vector<16xi32> to vector<1xi32>
        %squeeze3A = vector.extract %slice3A[0] : i32 from vector<1xi32>
        %swap3A_2774 = arith.constant 0 : i32
        %swap3A_2775 = arith.index_cast %swap3A_2774 : i32 to index
        %swap3A_2776 = memref.load %arg12[%swap3A_2775] : memref<2xi32, #tpu.memory_space<smem>>
        memref.store %squeeze3A, %arg12[%swap3A_2775] : memref<2xi32, #tpu.memory_space<smem>>
        %slice3A_2777 = vector.extract_strided_slice %get3A_7 {offsets = [13], sizes = [1], strides = [1]} : vector<16xi32> to vector<1xi32>
        %squeeze3A_2778 = vector.extract %slice3A_2777[0] : i32 from vector<1xi32>
        %swap3A_2779 = arith.constant 1 : i32
        %swap3A_2780 = arith.index_cast %swap3A_2779 : i32 to index
        %swap3A_2781 = memref.load %arg12[%swap3A_2780] : memref<2xi32, #tpu.memory_space<smem>>
        memref.store %squeeze3A_2778, %arg12[%swap3A_2780] : memref<2xi32, #tpu.memory_space<smem>>
      } else {
      }
      %eq3A_77 = arith.constant 14 : i32
      %eq3A_78 = arith.cmpi eq, %add3A, %eq3A_77 : i32
      %convert_element_type3A_79 = arith.extui %eq3A_78 : i1 to i32
      %cond3A_80 = arith.constant 0 : i32
      %cond3A_81 = arith.cmpi ne, %convert_element_type3A_79, %cond3A_80 : i32
      scf.if %cond3A_81 {
        %slice3A = vector.extract_strided_slice %get3A_4 {offsets = [14], sizes = [1], strides = [1]} : vector<16xi32> to vector<1xi32>
        %squeeze3A = vector.extract %slice3A[0] : i32 from vector<1xi32>
        %swap3A_2774 = arith.constant 0 : i32
        %swap3A_2775 = arith.index_cast %swap3A_2774 : i32 to index
        %swap3A_2776 = memref.load %arg12[%swap3A_2775] : memref<2xi32, #tpu.memory_space<smem>>
        memref.store %squeeze3A, %arg12[%swap3A_2775] : memref<2xi32, #tpu.memory_space<smem>>
        %slice3A_2777 = vector.extract_strided_slice %get3A_7 {offsets = [14], sizes = [1], strides = [1]} : vector<16xi32> to vector<1xi32>
        %squeeze3A_2778 = vector.extract %slice3A_2777[0] : i32 from vector<1xi32>
        %swap3A_2779 = arith.constant 1 : i32
        %swap3A_2780 = arith.index_cast %swap3A_2779 : i32 to index
        %swap3A_2781 = memref.load %arg12[%swap3A_2780] : memref<2xi32, #tpu.memory_space<smem>>
        memref.store %squeeze3A_2778, %arg12[%swap3A_2780] : memref<2xi32, #tpu.memory_space<smem>>
      } else {
      }
      %eq3A_82 = arith.constant 15 : i32
      %eq3A_83 = arith.cmpi eq, %add3A, %eq3A_82 : i32
      %convert_element_type3A_84 = arith.extui %eq3A_83 : i1 to i32
      %cond3A_85 = arith.constant 0 : i32
      %cond3A_86 = arith.cmpi ne, %convert_element_type3A_84, %cond3A_85 : i32
      scf.if %cond3A_86 {
        %slice3A = vector.extract_strided_slice %get3A_4 {offsets = [15], sizes = [1], strides = [1]} : vector<16xi32> to vector<1xi32>
        %squeeze3A = vector.extract %slice3A[0] : i32 from vector<1xi32>
        %swap3A_2774 = arith.constant 0 : i32
        %swap3A_2775 = arith.index_cast %swap3A_2774 : i32 to index
        %swap3A_2776 = memref.load %arg12[%swap3A_2775] : memref<2xi32, #tpu.memory_space<smem>>
        memref.store %squeeze3A, %arg12[%swap3A_2775] : memref<2xi32, #tpu.memory_space<smem>>
        %slice3A_2777 = vector.extract_strided_slice %get3A_7 {offsets = [15], sizes = [1], strides = [1]} : vector<16xi32> to vector<1xi32>
        %squeeze3A_2778 = vector.extract %slice3A_2777[0] : i32 from vector<1xi32>
        %swap3A_2779 = arith.constant 1 : i32
        %swap3A_2780 = arith.index_cast %swap3A_2779 : i32 to index
        %swap3A_2781 = memref.load %arg12[%swap3A_2780] : memref<2xi32, #tpu.memory_space<smem>>
        memref.store %squeeze3A_2778, %arg12[%swap3A_2780] : memref<2xi32, #tpu.memory_space<smem>>
      } else {
      }
      %get3A_87 = arith.constant 0 : i32
      %get3A_88 = arith.index_cast %get3A_87 : i32 to index
      %get3A_89 = memref.load %arg12[%get3A_88] : memref<2xi32, #tpu.memory_space<smem>>
      %get3A_90 = arith.constant 1 : i32
      %get3A_91 = arith.index_cast %get3A_90 : i32 to index
      %get3A_92 = memref.load %arg12[%get3A_91] : memref<2xi32, #tpu.memory_space<smem>>
      %jit3A = arith.constant 8 : i32
      %div3A = arith.divsi %get3A_89, %jit3A : i32
      %sign3A = arith.constant 0 : i32
      %sign3A_93 = arith.cmpi sgt, %get3A_89, %sign3A : i32
      %sign3A_94 = arith.extui %sign3A_93 : i1 to i32
      %sign3A_95 = arith.constant 0 : i32
      %sign3A_96 = arith.cmpi slt, %get3A_89, %sign3A_95 : i32
      %sign3A_97 = arith.extui %sign3A_96 : i1 to i32
      %sign3A_98 = arith.subi %sign3A_94, %sign3A_97 : i32
      %sign3A_99 = arith.constant 0 : i32
      %sign3A_100 = arith.cmpi sgt, %jit3A, %sign3A_99 : i32
      %sign3A_101 = arith.extui %sign3A_100 : i1 to i32
      %sign3A_102 = arith.constant 0 : i32
      %sign3A_103 = arith.cmpi slt, %jit3A, %sign3A_102 : i32
      %sign3A_104 = arith.extui %sign3A_103 : i1 to i32
      %sign3A_105 = arith.subi %sign3A_101, %sign3A_104 : i32
      %ne3A = arith.cmpi ne, %sign3A_98, %sign3A_105 : i32
      %rem3A = arith.remsi %get3A_89, %jit3A : i32
      %ne3A_106 = arith.constant 0 : i32
      %ne3A_107 = arith.cmpi ne, %rem3A, %ne3A_106 : i32
      %and3A = arith.andi %ne3A, %ne3A_107 : i1
      %sub3A = arith.constant 1 : i32
      %sub3A_108 = arith.subi %div3A, %sub3A : i32
      %select_n3A = arith.select %and3A, %sub3A_108, %div3A : i32
      %mul3A_109 = arith.constant 8 : i32
      %mul3A_110 = arith.muli %select_n3A, %mul3A_109 : i32
      %min3A = arith.constant 30704 : i32
      %min3A_111 = arith.minsi %mul3A_110, %min3A : i32
      "tpu.region"() ({
        %run_scoped3A = tpu.sem_alloc : memref<!tpu.dma_semaphore, #tpu.memory_space<semaphore_mem>>
        %dma_start3A = tpu.memref_slice %arg2[%min3A_111] : memref<32768xf32, #tpu.memory_space<hbm>> -> memref<2064xf32, #tpu.memory_space<hbm>>
        %dma_start3A_2774 = tpu.memref_slice %arg2[%min3A_111] : memref<32768xf32, #tpu.memory_space<hbm>> -> memref<2064xf32, #tpu.memory_space<hbm>>
        tpu.enqueue_dma source(%dma_start3A_2774 : memref<2064xf32, #tpu.memory_space<hbm>>) target(%arg6 : memref<2064xf32, #tpu.memory_space<vmem>>) target_semaphore(%run_scoped3A : memref<!tpu.dma_semaphore, #tpu.memory_space<semaphore_mem>>)
        %dma_wait3A = tpu.memref_slice %arg2[%min3A_111] : memref<32768xf32, #tpu.memory_space<hbm>> -> memref<2064xf32, #tpu.memory_space<hbm>>
        %dma_wait3A_2775 = tpu.memref_slice %arg2[%min3A_111] : memref<32768xf32, #tpu.memory_space<hbm>> -> memref<2064xf32, #tpu.memory_space<hbm>>
        tpu.wait_dma2 semaphore(%run_scoped3A : memref<!tpu.dma_semaphore, #tpu.memory_space<semaphore_mem>>) src(%dma_wait3A_2775 : memref<2064xf32, #tpu.memory_space<hbm>>) dst(%arg6 : memref<2064xf32, #tpu.memory_space<vmem>>)
        tpu.yield
      }) : () -> ()
      %iota3A = tpu.iota {dimensions = array<i32: 0>} : vector<16xi32>
      %broadcast_in_dim3A = arith.constant 0.000000e+00 : f32
      %broadcast_in_dim3A_112 = vector.broadcast %broadcast_in_dim3A : f32 to vector<16xf32>
      %broadcast_in_dim3A_113 = arith.constant 0xFF800000 : f32
      %broadcast_in_dim3A_114 = vector.broadcast %broadcast_in_dim3A_113 : f32 to vector<16xf32>
      %get3A_115 = arith.constant 0 : index
      %get3A_116 = tpu.vector_load %arg6[%get3A_115] {strides = array<i32>} : memref<2064xf32, #tpu.memory_space<vmem>>, vector<16xf32>,
      %get3A_117 = vector.shape_cast %get3A_116 : vector<16xf32> to vector<16xf32>
      %add3A_118 = arith.constant 0 : i32
      %add3A_119 = arith.addi %min3A_111, %add3A_118 : i32
      %add3A_120 = vector.broadcast %add3A_119 : i32 to vector<16xi32>
      %add3A_121 = arith.addi %add3A_120, %iota3A : vector<16xi32>
      %ge3A = vector.broadcast %get3A_89 : i32 to vector<16xi32>
      %ge3A_122 = arith.cmpi sge, %add3A_121, %ge3A : vector<16xi32>
      %lt3A_123 = vector.broadcast %get3A_92 : i32 to vector<16xi32>
      %lt3A_124 = arith.cmpi slt, %add3A_121, %lt3A_123 : vector<16xi32>
      %and3A_125 = arith.andi %ge3A_122, %lt3A_124 : vector<16xi1>
      %jit3A_126 = arith.constant 0.000000e+00 : f32
      %broadcast_in_dim3A_127 = vector.broadcast %jit3A_126 : f32 to vector<16xf32>
      %select_n3A_128 = arith.select %and3A_125, %get3A_117, %broadcast_in_dim3A_127 : vector<16xi1>, vector<16xf32>
      %add3A_129 = arith.addf %broadcast_in_dim3A_112, %select_n3A_128 : vector<16xf32>
      %jit3A_130 = arith.constant 0xFF800000 : f32
      %broadcast_in_dim3A_131 = vector.broadcast %jit3A_130 : f32 to vector<16xf32>
      %select_n3A_132 = arith.select %and3A_125, %get3A_117, %broadcast_in_dim3A_131 : vector<16xi1>, vector<16xf32>
      %max3A = arith.maximumf %broadcast_in_dim3A_114, %select_n3A_132 : vector<16xf32>
      %get3A_133 = arith.constant 16 : index
      %get3A_134 = tpu.vector_load %arg6[%get3A_133] {strides = array<i32>} : memref<2064xf32, #tpu.memory_space<vmem>>, vector<16xf32>,
      %get3A_135 = vector.shape_cast %get3A_134 : vector<16xf32> to vector<16xf32>
      %add3A_136 = arith.constant 16 : i32
      %add3A_137 = arith.addi %min3A_111, %add3A_136 : i32
      %add3A_138 = vector.broadcast %add3A_137 : i32 to vector<16xi32>
      %add3A_139 = arith.addi %add3A_138, %iota3A : vector<16xi32>
      %ge3A_140 = vector.broadcast %get3A_89 : i32 to vector<16xi32>
      %ge3A_141 = arith.cmpi sge, %add3A_139, %ge3A_140 : vector<16xi32>
      %lt3A_142 = vector.broadcast %get3A_92 : i32 to vector<16xi32>
      %lt3A_143 = arith.cmpi slt, %add3A_139, %lt3A_142 : vector<16xi32>
      %and3A_144 = arith.andi %ge3A_141, %lt3A_143 : vector<16xi1>
      %jit3A_145 = arith.constant 0.000000e+00 : f32
      %broadcast_in_dim3A_146 = vector.broadcast %jit3A_145 : f32 to vector<16xf32>
      %select_n3A_147 = arith.select %and3A_144, %get3A_135, %broadcast_in_dim3A_146 : vector<16xi1>, vector<16xf32>
      %add3A_148 = arith.addf %add3A_129, %select_n3A_147 : vector<16xf32>
      %jit3A_149 = arith.constant 0xFF800000 : f32
      %broadcast_in_dim3A_150 = vector.broadcast %jit3A_149 : f32 to vector<16xf32>
      %select_n3A_151 = arith.select %and3A_144, %get3A_135, %broadcast_in_dim3A_150 : vector<16xi1>, vector<16xf32>
      %max3A_152 = arith.maximumf %max3A, %select_n3A_151 : vector<16xf32>
      %get3A_153 = arith.constant 32 : index
      %get3A_154 = tpu.vector_load %arg6[%get3A_153] {strides = array<i32>} : memref<2064xf32, #tpu.memory_space<vmem>>, vector<16xf32>,
      %get3A_155 = vector.shape_cast %get3A_154 : vector<16xf32> to vector<16xf32>
      %add3A_156 = arith.constant 32 : i32
      %add3A_157 = arith.addi %min3A_111, %add3A_156 : i32
      %add3A_158 = vector.broadcast %add3A_157 : i32 to vector<16xi32>
      %add3A_159 = arith.addi %add3A_158, %iota3A : vector<16xi32>
      %ge3A_160 = vector.broadcast %get3A_89 : i32 to vector<16xi32>
      %ge3A_161 = arith.cmpi sge, %add3A_159, %ge3A_160 : vector<16xi32>
      %lt3A_162 = vector.broadcast %get3A_92 : i32 to vector<16xi32>
      %lt3A_163 = arith.cmpi slt, %add3A_159, %lt3A_162 : vector<16xi32>
      %and3A_164 = arith.andi %ge3A_161, %lt3A_163 : vector<16xi1>
      %jit3A_165 = arith.constant 0.000000e+00 : f32
      %broadcast_in_dim3A_166 = vector.broadcast %jit3A_165 : f32 to vector<16xf32>
      %select_n3A_167 = arith.select %and3A_164, %get3A_155, %broadcast_in_dim3A_166 : vector<16xi1>, vector<16xf32>
      %add3A_168 = arith.addf %add3A_148, %select_n3A_167 : vector<16xf32>
      %jit3A_169 = arith.constant 0xFF800000 : f32
      %broadcast_in_dim3A_170 = vector.broadcast %jit3A_169 : f32 to vector<16xf32>
      %select_n3A_171 = arith.select %and3A_164, %get3A_155, %broadcast_in_dim3A_170 : vector<16xi1>, vector<16xf32>
      %max3A_172 = arith.maximumf %max3A_152, %select_n3A_171 : vector<16xf32>
      %get3A_173 = arith.constant 48 : index
      %get3A_174 = tpu.vector_load %arg6[%get3A_173] {strides = array<i32>} : memref<2064xf32, #tpu.memory_space<vmem>>, vector<16xf32>,
      %get3A_175 = vector.shape_cast %get3A_174 : vector<16xf32> to vector<16xf32>
      %add3A_176 = arith.constant 48 : i32
      %add3A_177 = arith.addi %min3A_111, %add3A_176 : i32
      %add3A_178 = vector.broadcast %add3A_177 : i32 to vector<16xi32>
      %add3A_179 = arith.addi %add3A_178, %iota3A : vector<16xi32>
      %ge3A_180 = vector.broadcast %get3A_89 : i32 to vector<16xi32>
      %ge3A_181 = arith.cmpi sge, %add3A_179, %ge3A_180 : vector<16xi32>
      %lt3A_182 = vector.broadcast %get3A_92 : i32 to vector<16xi32>
      %lt3A_183 = arith.cmpi slt, %add3A_179, %lt3A_182 : vector<16xi32>
      %and3A_184 = arith.andi %ge3A_181, %lt3A_183 : vector<16xi1>
      %jit3A_185 = arith.constant 0.000000e+00 : f32
      %broadcast_in_dim3A_186 = vector.broadcast %jit3A_185 : f32 to vector<16xf32>
      %select_n3A_187 = arith.select %and3A_184, %get3A_175, %broadcast_in_dim3A_186 : vector<16xi1>, vector<16xf32>
      %add3A_188 = arith.addf %add3A_168, %select_n3A_187 : vector<16xf32>
      %jit3A_189 = arith.constant 0xFF800000 : f32
      %broadcast_in_dim3A_190 = vector.broadcast %jit3A_189 : f32 to vector<16xf32>
      %select_n3A_191 = arith.select %and3A_184, %get3A_175, %broadcast_in_dim3A_190 : vector<16xi1>, vector<16xf32>
      %max3A_192 = arith.maximumf %max3A_172, %select_n3A_191 : vector<16xf32>
      %get3A_193 = arith.constant 64 : index
      %get3A_194 = tpu.vector_load %arg6[%get3A_193] {strides = array<i32>} : memref<2064xf32, #tpu.memory_space<vmem>>, vector<16xf32>,
      %get3A_195 = vector.shape_cast %get3A_194 : vector<16xf32> to vector<16xf32>
      %add3A_196 = arith.constant 64 : i32
      %add3A_197 = arith.addi %min3A_111, %add3A_196 : i32
      %add3A_198 = vector.broadcast %add3A_197 : i32 to vector<16xi32>
      %add3A_199 = arith.addi %add3A_198, %iota3A : vector<16xi32>
      %ge3A_200 = vector.broadcast %get3A_89 : i32 to vector<16xi32>
      %ge3A_201 = arith.cmpi sge, %add3A_199, %ge3A_200 : vector<16xi32>
      %lt3A_202 = vector.broadcast %get3A_92 : i32 to vector<16xi32>
      %lt3A_203 = arith.cmpi slt, %add3A_199, %lt3A_202 : vector<16xi32>
      %and3A_204 = arith.andi %ge3A_201, %lt3A_203 : vector<16xi1>
      %jit3A_205 = arith.constant 0.000000e+00 : f32
      %broadcast_in_dim3A_206 = vector.broadcast %jit3A_205 : f32 to vector<16xf32>
      %select_n3A_207 = arith.select %and3A_204, %get3A_195, %broadcast_in_dim3A_206 : vector<16xi1>, vector<16xf32>
      %add3A_208 = arith.addf %add3A_188, %select_n3A_207 : vector<16xf32>
      %jit3A_209 = arith.constant 0xFF800000 : f32
      %broadcast_in_dim3A_210 = vector.broadcast %jit3A_209 : f32 to vector<16xf32>
      %select_n3A_211 = arith.select %and3A_204, %get3A_195, %broadcast_in_dim3A_210 : vector<16xi1>, vector<16xf32>
      %max3A_212 = arith.maximumf %max3A_192, %select_n3A_211 : vector<16xf32>
      %get3A_213 = arith.constant 80 : index
      %get3A_214 = tpu.vector_load %arg6[%get3A_213] {strides = array<i32>} : memref<2064xf32, #tpu.memory_space<vmem>>, vector<16xf32>,
      %get3A_215 = vector.shape_cast %get3A_214 : vector<16xf32> to vector<16xf32>
      %add3A_216 = arith.constant 80 : i32
      %add3A_217 = arith.addi %min3A_111, %add3A_216 : i32
      %add3A_218 = vector.broadcast %add3A_217 : i32 to vector<16xi32>
      %add3A_219 = arith.addi %add3A_218, %iota3A : vector<16xi32>
      %ge3A_220 = vector.broadcast %get3A_89 : i32 to vector<16xi32>
      %ge3A_221 = arith.cmpi sge, %add3A_219, %ge3A_220 : vector<16xi32>
      %lt3A_222 = vector.broadcast %get3A_92 : i32 to vector<16xi32>
      %lt3A_223 = arith.cmpi slt, %add3A_219, %lt3A_222 : vector<16xi32>
      %and3A_224 = arith.andi %ge3A_221, %lt3A_223 : vector<16xi1>
      %jit3A_225 = arith.constant 0.000000e+00 : f32
      %broadcast_in_dim3A_226 = vector.broadcast %jit3A_225 : f32 to vector<16xf32>
      %select_n3A_227 = arith.select %and3A_224, %get3A_215, %broadcast_in_dim3A_226 : vector<16xi1>, vector<16xf32>
      %add3A_228 = arith.addf %add3A_208, %select_n3A_227 : vector<16xf32>
      %jit3A_229 = arith.constant 0xFF800000 : f32
      %broadcast_in_dim3A_230 = vector.broadcast %jit3A_229 : f32 to vector<16xf32>
      %select_n3A_231 = arith.select %and3A_224, %get3A_215, %broadcast_in_dim3A_230 : vector<16xi1>, vector<16xf32>
      %max3A_232 = arith.maximumf %max3A_212, %select_n3A_231 : vector<16xf32>
      %get3A_233 = arith.constant 96 : index
      %get3A_234 = tpu.vector_load %arg6[%get3A_233] {strides = array<i32>} : memref<2064xf32, #tpu.memory_space<vmem>>, vector<16xf32>,
      %get3A_235 = vector.shape_cast %get3A_234 : vector<16xf32> to vector<16xf32>
      %add3A_236 = arith.constant 96 : i32
      %add3A_237 = arith.addi %min3A_111, %add3A_236 : i32
      %add3A_238 = vector.broadcast %add3A_237 : i32 to vector<16xi32>
      %add3A_239 = arith.addi %add3A_238, %iota3A : vector<16xi32>
      %ge3A_240 = vector.broadcast %get3A_89 : i32 to vector<16xi32>
      %ge3A_241 = arith.cmpi sge, %add3A_239, %ge3A_240 : vector<16xi32>
      %lt3A_242 = vector.broadcast %get3A_92 : i32 to vector<16xi32>
      %lt3A_243 = arith.cmpi slt, %add3A_239, %lt3A_242 : vector<16xi32>
      %and3A_244 = arith.andi %ge3A_241, %lt3A_243 : vector<16xi1>
      %jit3A_245 = arith.constant 0.000000e+00 : f32
      %broadcast_in_dim3A_246 = vector.broadcast %jit3A_245 : f32 to vector<16xf32>
      %select_n3A_247 = arith.select %and3A_244, %get3A_235, %broadcast_in_dim3A_246 : vector<16xi1>, vector<16xf32>
      %add3A_248 = arith.addf %add3A_228, %select_n3A_247 : vector<16xf32>
      %jit3A_249 = arith.constant 0xFF800000 : f32
      %broadcast_in_dim3A_250 = vector.broadcast %jit3A_249 : f32 to vector<16xf32>
      %select_n3A_251 = arith.select %and3A_244, %get3A_235, %broadcast_in_dim3A_250 : vector<16xi1>, vector<16xf32>
      %max3A_252 = arith.maximumf %max3A_232, %select_n3A_251 : vector<16xf32>
      %get3A_253 = arith.constant 112 : index
      %get3A_254 = tpu.vector_load %arg6[%get3A_253] {strides = array<i32>} : memref<2064xf32, #tpu.memory_space<vmem>>, vector<16xf32>,
      %get3A_255 = vector.shape_cast %get3A_254 : vector<16xf32> to vector<16xf32>
      %add3A_256 = arith.constant 112 : i32
      %add3A_257 = arith.addi %min3A_111, %add3A_256 : i32
      %add3A_258 = vector.broadcast %add3A_257 : i32 to vector<16xi32>
      %add3A_259 = arith.addi %add3A_258, %iota3A : vector<16xi32>
      %ge3A_260 = vector.broadcast %get3A_89 : i32 to vector<16xi32>
      %ge3A_261 = arith.cmpi sge, %add3A_259, %ge3A_260 : vector<16xi32>
      %lt3A_262 = vector.broadcast %get3A_92 : i32 to vector<16xi32>
      %lt3A_263 = arith.cmpi slt, %add3A_259, %lt3A_262 : vector<16xi32>
      %and3A_264 = arith.andi %ge3A_261, %lt3A_263 : vector<16xi1>
      %jit3A_265 = arith.constant 0.000000e+00 : f32
      %broadcast_in_dim3A_266 = vector.broadcast %jit3A_265 : f32 to vector<16xf32>
      %select_n3A_267 = arith.select %and3A_264, %get3A_255, %broadcast_in_dim3A_266 : vector<16xi1>, vector<16xf32>
      %add3A_268 = arith.addf %add3A_248, %select_n3A_267 : vector<16xf32>
      %jit3A_269 = arith.constant 0xFF800000 : f32
      %broadcast_in_dim3A_270 = vector.broadcast %jit3A_269 : f32 to vector<16xf32>
      %select_n3A_271 = arith.select %and3A_264, %get3A_255, %broadcast_in_dim3A_270 : vector<16xi1>, vector<16xf32>
      %max3A_272 = arith.maximumf %max3A_252, %select_n3A_271 : vector<16xf32>
      %get3A_273 = arith.constant 128 : index
      %get3A_274 = tpu.vector_load %arg6[%get3A_273] {strides = array<i32>} : memref<2064xf32, #tpu.memory_space<vmem>>, vector<16xf32>,
      %get3A_275 = vector.shape_cast %get3A_274 : vector<16xf32> to vector<16xf32>
      %add3A_276 = arith.constant 128 : i32
      %add3A_277 = arith.addi %min3A_111, %add3A_276 : i32
      %add3A_278 = vector.broadcast %add3A_277 : i32 to vector<16xi32>
      %add3A_279 = arith.addi %add3A_278, %iota3A : vector<16xi32>
      %ge3A_280 = vector.broadcast %get3A_89 : i32 to vector<16xi32>
      %ge3A_281 = arith.cmpi sge, %add3A_279, %ge3A_280 : vector<16xi32>
      %lt3A_282 = vector.broadcast %get3A_92 : i32 to vector<16xi32>
      %lt3A_283 = arith.cmpi slt, %add3A_279, %lt3A_282 : vector<16xi32>
      %and3A_284 = arith.andi %ge3A_281, %lt3A_283 : vector<16xi1>
      %jit3A_285 = arith.constant 0.000000e+00 : f32
      %broadcast_in_dim3A_286 = vector.broadcast %jit3A_285 : f32 to vector<16xf32>
      %select_n3A_287 = arith.select %and3A_284, %get3A_275, %broadcast_in_dim3A_286 : vector<16xi1>, vector<16xf32>
      %add3A_288 = arith.addf %add3A_268, %select_n3A_287 : vector<16xf32>
      %jit3A_289 = arith.constant 0xFF800000 : f32
      %broadcast_in_dim3A_290 = vector.broadcast %jit3A_289 : f32 to vector<16xf32>
      %select_n3A_291 = arith.select %and3A_284, %get3A_275, %broadcast_in_dim3A_290 : vector<16xi1>, vector<16xf32>
      %max3A_292 = arith.maximumf %max3A_272, %select_n3A_291 : vector<16xf32>
      %get3A_293 = arith.constant 144 : index
      %get3A_294 = tpu.vector_load %arg6[%get3A_293] {strides = array<i32>} : memref<2064xf32, #tpu.memory_space<vmem>>, vector<16xf32>,
      %get3A_295 = vector.shape_cast %get3A_294 : vector<16xf32> to vector<16xf32>
      %add3A_296 = arith.constant 144 : i32
      %add3A_297 = arith.addi %min3A_111, %add3A_296 : i32
      %add3A_298 = vector.broadcast %add3A_297 : i32 to vector<16xi32>
      %add3A_299 = arith.addi %add3A_298, %iota3A : vector<16xi32>
      %ge3A_300 = vector.broadcast %get3A_89 : i32 to vector<16xi32>
      %ge3A_301 = arith.cmpi sge, %add3A_299, %ge3A_300 : vector<16xi32>
      %lt3A_302 = vector.broadcast %get3A_92 : i32 to vector<16xi32>
      %lt3A_303 = arith.cmpi slt, %add3A_299, %lt3A_302 : vector<16xi32>
      %and3A_304 = arith.andi %ge3A_301, %lt3A_303 : vector<16xi1>
      %jit3A_305 = arith.constant 0.000000e+00 : f32
      %broadcast_in_dim3A_306 = vector.broadcast %jit3A_305 : f32 to vector<16xf32>
      %select_n3A_307 = arith.select %and3A_304, %get3A_295, %broadcast_in_dim3A_306 : vector<16xi1>, vector<16xf32>
      %add3A_308 = arith.addf %add3A_288, %select_n3A_307 : vector<16xf32>
      %jit3A_309 = arith.constant 0xFF800000 : f32
      %broadcast_in_dim3A_310 = vector.broadcast %jit3A_309 : f32 to vector<16xf32>
      %select_n3A_311 = arith.select %and3A_304, %get3A_295, %broadcast_in_dim3A_310 : vector<16xi1>, vector<16xf32>
      %max3A_312 = arith.maximumf %max3A_292, %select_n3A_311 : vector<16xf32>
      %get3A_313 = arith.constant 160 : index
      %get3A_314 = tpu.vector_load %arg6[%get3A_313] {strides = array<i32>} : memref<2064xf32, #tpu.memory_space<vmem>>, vector<16xf32>,
      %get3A_315 = vector.shape_cast %get3A_314 : vector<16xf32> to vector<16xf32>
      %add3A_316 = arith.constant 160 : i32
      %add3A_317 = arith.addi %min3A_111, %add3A_316 : i32
      %add3A_318 = vector.broadcast %add3A_317 : i32 to vector<16xi32>
      %add3A_319 = arith.addi %add3A_318, %iota3A : vector<16xi32>
      %ge3A_320 = vector.broadcast %get3A_89 : i32 to vector<16xi32>
      %ge3A_321 = arith.cmpi sge, %add3A_319, %ge3A_320 : vector<16xi32>
      %lt3A_322 = vector.broadcast %get3A_92 : i32 to vector<16xi32>
      %lt3A_323 = arith.cmpi slt, %add3A_319, %lt3A_322 : vector<16xi32>
      %and3A_324 = arith.andi %ge3A_321, %lt3A_323 : vector<16xi1>
      %jit3A_325 = arith.constant 0.000000e+00 : f32
      %broadcast_in_dim3A_326 = vector.broadcast %jit3A_325 : f32 to vector<16xf32>
      %select_n3A_327 = arith.select %and3A_324, %get3A_315, %broadcast_in_dim3A_326 : vector<16xi1>, vector<16xf32>
      %add3A_328 = arith.addf %add3A_308, %select_n3A_327 : vector<16xf32>
      %jit3A_329 = arith.constant 0xFF800000 : f32
      %broadcast_in_dim3A_330 = vector.broadcast %jit3A_329 : f32 to vector<16xf32>
      %select_n3A_331 = arith.select %and3A_324, %get3A_315, %broadcast_in_dim3A_330 : vector<16xi1>, vector<16xf32>
      %max3A_332 = arith.maximumf %max3A_312, %select_n3A_331 : vector<16xf32>
      %get3A_333 = arith.constant 176 : index
      %get3A_334 = tpu.vector_load %arg6[%get3A_333] {strides = array<i32>} : memref<2064xf32, #tpu.memory_space<vmem>>, vector<16xf32>,
      %get3A_335 = vector.shape_cast %get3A_334 : vector<16xf32> to vector<16xf32>
      %add3A_336 = arith.constant 176 : i32
      %add3A_337 = arith.addi %min3A_111, %add3A_336 : i32
      %add3A_338 = vector.broadcast %add3A_337 : i32 to vector<16xi32>
      %add3A_339 = arith.addi %add3A_338, %iota3A : vector<16xi32>
      %ge3A_340 = vector.broadcast %get3A_89 : i32 to vector<16xi32>
      %ge3A_341 = arith.cmpi sge, %add3A_339, %ge3A_340 : vector<16xi32>
      %lt3A_342 = vector.broadcast %get3A_92 : i32 to vector<16xi32>
      %lt3A_343 = arith.cmpi slt, %add3A_339, %lt3A_342 : vector<16xi32>
      %and3A_344 = arith.andi %ge3A_341, %lt3A_343 : vector<16xi1>
      %jit3A_345 = arith.constant 0.000000e+00 : f32
      %broadcast_in_dim3A_346 = vector.broadcast %jit3A_345 : f32 to vector<16xf32>
      %select_n3A_347 = arith.select %and3A_344, %get3A_335, %broadcast_in_dim3A_346 : vector<16xi1>, vector<16xf32>
      %add3A_348 = arith.addf %add3A_328, %select_n3A_347 : vector<16xf32>
      %jit3A_349 = arith.constant 0xFF800000 : f32
      %broadcast_in_dim3A_350 = vector.broadcast %jit3A_349 : f32 to vector<16xf32>
      %select_n3A_351 = arith.select %and3A_344, %get3A_335, %broadcast_in_dim3A_350 : vector<16xi1>, vector<16xf32>
      %max3A_352 = arith.maximumf %max3A_332, %select_n3A_351 : vector<16xf32>
      %get3A_353 = arith.constant 192 : index
      %get3A_354 = tpu.vector_load %arg6[%get3A_353] {strides = array<i32>} : memref<2064xf32, #tpu.memory_space<vmem>>, vector<16xf32>,
      %get3A_355 = vector.shape_cast %get3A_354 : vector<16xf32> to vector<16xf32>
      %add3A_356 = arith.constant 192 : i32
      %add3A_357 = arith.addi %min3A_111, %add3A_356 : i32
      %add3A_358 = vector.broadcast %add3A_357 : i32 to vector<16xi32>
      %add3A_359 = arith.addi %add3A_358, %iota3A : vector<16xi32>
      %ge3A_360 = vector.broadcast %get3A_89 : i32 to vector<16xi32>
      %ge3A_361 = arith.cmpi sge, %add3A_359, %ge3A_360 : vector<16xi32>
      %lt3A_362 = vector.broadcast %get3A_92 : i32 to vector<16xi32>
      %lt3A_363 = arith.cmpi slt, %add3A_359, %lt3A_362 : vector<16xi32>
      %and3A_364 = arith.andi %ge3A_361, %lt3A_363 : vector<16xi1>
      %jit3A_365 = arith.constant 0.000000e+00 : f32
      %broadcast_in_dim3A_366 = vector.broadcast %jit3A_365 : f32 to vector<16xf32>
      %select_n3A_367 = arith.select %and3A_364, %get3A_355, %broadcast_in_dim3A_366 : vector<16xi1>, vector<16xf32>
      %add3A_368 = arith.addf %add3A_348, %select_n3A_367 : vector<16xf32>
      %jit3A_369 = arith.constant 0xFF800000 : f32
      %broadcast_in_dim3A_370 = vector.broadcast %jit3A_369 : f32 to vector<16xf32>
      %select_n3A_371 = arith.select %and3A_364, %get3A_355, %broadcast_in_dim3A_370 : vector<16xi1>, vector<16xf32>
      %max3A_372 = arith.maximumf %max3A_352, %select_n3A_371 : vector<16xf32>
      %get3A_373 = arith.constant 208 : index
      %get3A_374 = tpu.vector_load %arg6[%get3A_373] {strides = array<i32>} : memref<2064xf32, #tpu.memory_space<vmem>>, vector<16xf32>,
      %get3A_375 = vector.shape_cast %get3A_374 : vector<16xf32> to vector<16xf32>
      %add3A_376 = arith.constant 208 : i32
      %add3A_377 = arith.addi %min3A_111, %add3A_376 : i32
      %add3A_378 = vector.broadcast %add3A_377 : i32 to vector<16xi32>
      %add3A_379 = arith.addi %add3A_378, %iota3A : vector<16xi32>
      %ge3A_380 = vector.broadcast %get3A_89 : i32 to vector<16xi32>
      %ge3A_381 = arith.cmpi sge, %add3A_379, %ge3A_380 : vector<16xi32>
      %lt3A_382 = vector.broadcast %get3A_92 : i32 to vector<16xi32>
      %lt3A_383 = arith.cmpi slt, %add3A_379, %lt3A_382 : vector<16xi32>
      %and3A_384 = arith.andi %ge3A_381, %lt3A_383 : vector<16xi1>
      %jit3A_385 = arith.constant 0.000000e+00 : f32
      %broadcast_in_dim3A_386 = vector.broadcast %jit3A_385 : f32 to vector<16xf32>
      %select_n3A_387 = arith.select %and3A_384, %get3A_375, %broadcast_in_dim3A_386 : vector<16xi1>, vector<16xf32>
      %add3A_388 = arith.addf %add3A_368, %select_n3A_387 : vector<16xf32>
      %jit3A_389 = arith.constant 0xFF800000 : f32
      %broadcast_in_dim3A_390 = vector.broadcast %jit3A_389 : f32 to vector<16xf32>
      %select_n3A_391 = arith.select %and3A_384, %get3A_375, %broadcast_in_dim3A_390 : vector<16xi1>, vector<16xf32>
      %max3A_392 = arith.maximumf %max3A_372, %select_n3A_391 : vector<16xf32>
      %get3A_393 = arith.constant 224 : index
      %get3A_394 = tpu.vector_load %arg6[%get3A_393] {strides = array<i32>} : memref<2064xf32, #tpu.memory_space<vmem>>, vector<16xf32>,
      %get3A_395 = vector.shape_cast %get3A_394 : vector<16xf32> to vector<16xf32>
      %add3A_396 = arith.constant 224 : i32
      %add3A_397 = arith.addi %min3A_111, %add3A_396 : i32
      %add3A_398 = vector.broadcast %add3A_397 : i32 to vector<16xi32>
      %add3A_399 = arith.addi %add3A_398, %iota3A : vector<16xi32>
      %ge3A_400 = vector.broadcast %get3A_89 : i32 to vector<16xi32>
      %ge3A_401 = arith.cmpi sge, %add3A_399, %ge3A_400 : vector<16xi32>
      %lt3A_402 = vector.broadcast %get3A_92 : i32 to vector<16xi32>
      %lt3A_403 = arith.cmpi slt, %add3A_399, %lt3A_402 : vector<16xi32>
      %and3A_404 = arith.andi %ge3A_401, %lt3A_403 : vector<16xi1>
      %jit3A_405 = arith.constant 0.000000e+00 : f32
      %broadcast_in_dim3A_406 = vector.broadcast %jit3A_405 : f32 to vector<16xf32>
      %select_n3A_407 = arith.select %and3A_404, %get3A_395, %broadcast_in_dim3A_406 : vector<16xi1>, vector<16xf32>
      %add3A_408 = arith.addf %add3A_388, %select_n3A_407 : vector<16xf32>
      %jit3A_409 = arith.constant 0xFF800000 : f32
      %broadcast_in_dim3A_410 = vector.broadcast %jit3A_409 : f32 to vector<16xf32>
      %select_n3A_411 = arith.select %and3A_404, %get3A_395, %broadcast_in_dim3A_410 : vector<16xi1>, vector<16xf32>
      %max3A_412 = arith.maximumf %max3A_392, %select_n3A_411 : vector<16xf32>
      %get3A_413 = arith.constant 240 : index
      %get3A_414 = tpu.vector_load %arg6[%get3A_413] {strides = array<i32>} : memref<2064xf32, #tpu.memory_space<vmem>>, vector<16xf32>,
      %get3A_415 = vector.shape_cast %get3A_414 : vector<16xf32> to vector<16xf32>
      %add3A_416 = arith.constant 240 : i32
      %add3A_417 = arith.addi %min3A_111, %add3A_416 : i32
      %add3A_418 = vector.broadcast %add3A_417 : i32 to vector<16xi32>
      %add3A_419 = arith.addi %add3A_418, %iota3A : vector<16xi32>
      %ge3A_420 = vector.broadcast %get3A_89 : i32 to vector<16xi32>
      %ge3A_421 = arith.cmpi sge, %add3A_419, %ge3A_420 : vector<16xi32>
      %lt3A_422 = vector.broadcast %get3A_92 : i32 to vector<16xi32>
      %lt3A_423 = arith.cmpi slt, %add3A_419, %lt3A_422 : vector<16xi32>
      %and3A_424 = arith.andi %ge3A_421, %lt3A_423 : vector<16xi1>
      %jit3A_425 = arith.constant 0.000000e+00 : f32
      %broadcast_in_dim3A_426 = vector.broadcast %jit3A_425 : f32 to vector<16xf32>
      %select_n3A_427 = arith.select %and3A_424, %get3A_415, %broadcast_in_dim3A_426 : vector<16xi1>, vector<16xf32>
      %add3A_428 = arith.addf %add3A_408, %select_n3A_427 : vector<16xf32>
      %jit3A_429 = arith.constant 0xFF800000 : f32
      %broadcast_in_dim3A_430 = vector.broadcast %jit3A_429 : f32 to vector<16xf32>
      %select_n3A_431 = arith.select %and3A_424, %get3A_415, %broadcast_in_dim3A_430 : vector<16xi1>, vector<16xf32>
      %max3A_432 = arith.maximumf %max3A_412, %select_n3A_431 : vector<16xf32>
      %get3A_433 = arith.constant 256 : index
      %get3A_434 = tpu.vector_load %arg6[%get3A_433] {strides = array<i32>} : memref<2064xf32, #tpu.memory_space<vmem>>, vector<16xf32>,
      %get3A_435 = vector.shape_cast %get3A_434 : vector<16xf32> to vector<16xf32>
      %add3A_436 = arith.constant 256 : i32
      %add3A_437 = arith.addi %min3A_111, %add3A_436 : i32
      %add3A_438 = vector.broadcast %add3A_437 : i32 to vector<16xi32>
      %add3A_439 = arith.addi %add3A_438, %iota3A : vector<16xi32>
      %ge3A_440 = vector.broadcast %get3A_89 : i32 to vector<16xi32>
      %ge3A_441 = arith.cmpi sge, %add3A_439, %ge3A_440 : vector<16xi32>
      %lt3A_442 = vector.broadcast %get3A_92 : i32 to vector<16xi32>
      %lt3A_443 = arith.cmpi slt, %add3A_439, %lt3A_442 : vector<16xi32>
      %and3A_444 = arith.andi %ge3A_441, %lt3A_443 : vector<16xi1>
      %jit3A_445 = arith.constant 0.000000e+00 : f32
      %broadcast_in_dim3A_446 = vector.broadcast %jit3A_445 : f32 to vector<16xf32>
      %select_n3A_447 = arith.select %and3A_444, %get3A_435, %broadcast_in_dim3A_446 : vector<16xi1>, vector<16xf32>
      %add3A_448 = arith.addf %add3A_428, %select_n3A_447 : vector<16xf32>
      %jit3A_449 = arith.constant 0xFF800000 : f32
      %broadcast_in_dim3A_450 = vector.broadcast %jit3A_449 : f32 to vector<16xf32>
      %select_n3A_451 = arith.select %and3A_444, %get3A_435, %broadcast_in_dim3A_450 : vector<16xi1>, vector<16xf32>
      %max3A_452 = arith.maximumf %max3A_432, %select_n3A_451 : vector<16xf32>
      %get3A_453 = arith.constant 272 : index
      %get3A_454 = tpu.vector_load %arg6[%get3A_453] {strides = array<i32>} : memref<2064xf32, #tpu.memory_space<vmem>>, vector<16xf32>,
      %get3A_455 = vector.shape_cast %get3A_454 : vector<16xf32> to vector<16xf32>
      %add3A_456 = arith.constant 272 : i32
      %add3A_457 = arith.addi %min3A_111, %add3A_456 : i32
      %add3A_458 = vector.broadcast %add3A_457 : i32 to vector<16xi32>
      %add3A_459 = arith.addi %add3A_458, %iota3A : vector<16xi32>
      %ge3A_460 = vector.broadcast %get3A_89 : i32 to vector<16xi32>
      %ge3A_461 = arith.cmpi sge, %add3A_459, %ge3A_460 : vector<16xi32>
      %lt3A_462 = vector.broadcast %get3A_92 : i32 to vector<16xi32>
      %lt3A_463 = arith.cmpi slt, %add3A_459, %lt3A_462 : vector<16xi32>
      %and3A_464 = arith.andi %ge3A_461, %lt3A_463 : vector<16xi1>
      %jit3A_465 = arith.constant 0.000000e+00 : f32
      %broadcast_in_dim3A_466 = vector.broadcast %jit3A_465 : f32 to vector<16xf32>
      %select_n3A_467 = arith.select %and3A_464, %get3A_455, %broadcast_in_dim3A_466 : vector<16xi1>, vector<16xf32>
      %add3A_468 = arith.addf %add3A_448, %select_n3A_467 : vector<16xf32>
      %jit3A_469 = arith.constant 0xFF800000 : f32
      %broadcast_in_dim3A_470 = vector.broadcast %jit3A_469 : f32 to vector<16xf32>
      %select_n3A_471 = arith.select %and3A_464, %get3A_455, %broadcast_in_dim3A_470 : vector<16xi1>, vector<16xf32>
      %max3A_472 = arith.maximumf %max3A_452, %select_n3A_471 : vector<16xf32>
      %get3A_473 = arith.constant 288 : index
      %get3A_474 = tpu.vector_load %arg6[%get3A_473] {strides = array<i32>} : memref<2064xf32, #tpu.memory_space<vmem>>, vector<16xf32>,
      %get3A_475 = vector.shape_cast %get3A_474 : vector<16xf32> to vector<16xf32>
      %add3A_476 = arith.constant 288 : i32
      %add3A_477 = arith.addi %min3A_111, %add3A_476 : i32
      %add3A_478 = vector.broadcast %add3A_477 : i32 to vector<16xi32>
      %add3A_479 = arith.addi %add3A_478, %iota3A : vector<16xi32>
      %ge3A_480 = vector.broadcast %get3A_89 : i32 to vector<16xi32>
      %ge3A_481 = arith.cmpi sge, %add3A_479, %ge3A_480 : vector<16xi32>
      %lt3A_482 = vector.broadcast %get3A_92 : i32 to vector<16xi32>
      %lt3A_483 = arith.cmpi slt, %add3A_479, %lt3A_482 : vector<16xi32>
      %and3A_484 = arith.andi %ge3A_481, %lt3A_483 : vector<16xi1>
      %jit3A_485 = arith.constant 0.000000e+00 : f32
      %broadcast_in_dim3A_486 = vector.broadcast %jit3A_485 : f32 to vector<16xf32>
      %select_n3A_487 = arith.select %and3A_484, %get3A_475, %broadcast_in_dim3A_486 : vector<16xi1>, vector<16xf32>
      %add3A_488 = arith.addf %add3A_468, %select_n3A_487 : vector<16xf32>
      %jit3A_489 = arith.constant 0xFF800000 : f32
      %broadcast_in_dim3A_490 = vector.broadcast %jit3A_489 : f32 to vector<16xf32>
      %select_n3A_491 = arith.select %and3A_484, %get3A_475, %broadcast_in_dim3A_490 : vector<16xi1>, vector<16xf32>
      %max3A_492 = arith.maximumf %max3A_472, %select_n3A_491 : vector<16xf32>
      %get3A_493 = arith.constant 304 : index
      %get3A_494 = tpu.vector_load %arg6[%get3A_493] {strides = array<i32>} : memref<2064xf32, #tpu.memory_space<vmem>>, vector<16xf32>,
      %get3A_495 = vector.shape_cast %get3A_494 : vector<16xf32> to vector<16xf32>
      %add3A_496 = arith.constant 304 : i32
      %add3A_497 = arith.addi %min3A_111, %add3A_496 : i32
      %add3A_498 = vector.broadcast %add3A_497 : i32 to vector<16xi32>
      %add3A_499 = arith.addi %add3A_498, %iota3A : vector<16xi32>
      %ge3A_500 = vector.broadcast %get3A_89 : i32 to vector<16xi32>
      %ge3A_501 = arith.cmpi sge, %add3A_499, %ge3A_500 : vector<16xi32>
      %lt3A_502 = vector.broadcast %get3A_92 : i32 to vector<16xi32>
      %lt3A_503 = arith.cmpi slt, %add3A_499, %lt3A_502 : vector<16xi32>
      %and3A_504 = arith.andi %ge3A_501, %lt3A_503 : vector<16xi1>
      %jit3A_505 = arith.constant 0.000000e+00 : f32
      %broadcast_in_dim3A_506 = vector.broadcast %jit3A_505 : f32 to vector<16xf32>
      %select_n3A_507 = arith.select %and3A_504, %get3A_495, %broadcast_in_dim3A_506 : vector<16xi1>, vector<16xf32>
      %add3A_508 = arith.addf %add3A_488, %select_n3A_507 : vector<16xf32>
      %jit3A_509 = arith.constant 0xFF800000 : f32
      %broadcast_in_dim3A_510 = vector.broadcast %jit3A_509 : f32 to vector<16xf32>
      %select_n3A_511 = arith.select %and3A_504, %get3A_495, %broadcast_in_dim3A_510 : vector<16xi1>, vector<16xf32>
      %max3A_512 = arith.maximumf %max3A_492, %select_n3A_511 : vector<16xf32>
      %get3A_513 = arith.constant 320 : index
      %get3A_514 = tpu.vector_load %arg6[%get3A_513] {strides = array<i32>} : memref<2064xf32, #tpu.memory_space<vmem>>, vector<16xf32>,
      %get3A_515 = vector.shape_cast %get3A_514 : vector<16xf32> to vector<16xf32>
      %add3A_516 = arith.constant 320 : i32
      %add3A_517 = arith.addi %min3A_111, %add3A_516 : i32
      %add3A_518 = vector.broadcast %add3A_517 : i32 to vector<16xi32>
      %add3A_519 = arith.addi %add3A_518, %iota3A : vector<16xi32>
      %ge3A_520 = vector.broadcast %get3A_89 : i32 to vector<16xi32>
      %ge3A_521 = arith.cmpi sge, %add3A_519, %ge3A_520 : vector<16xi32>
      %lt3A_522 = vector.broadcast %get3A_92 : i32 to vector<16xi32>
      %lt3A_523 = arith.cmpi slt, %add3A_519, %lt3A_522 : vector<16xi32>
      %and3A_524 = arith.andi %ge3A_521, %lt3A_523 : vector<16xi1>
      %jit3A_525 = arith.constant 0.000000e+00 : f32
      %broadcast_in_dim3A_526 = vector.broadcast %jit3A_525 : f32 to vector<16xf32>
      %select_n3A_527 = arith.select %and3A_524, %get3A_515, %broadcast_in_dim3A_526 : vector<16xi1>, vector<16xf32>
      %add3A_528 = arith.addf %add3A_508, %select_n3A_527 : vector<16xf32>
      %jit3A_529 = arith.constant 0xFF800000 : f32
      %broadcast_in_dim3A_530 = vector.broadcast %jit3A_529 : f32 to vector<16xf32>
      %select_n3A_531 = arith.select %and3A_524, %get3A_515, %broadcast_in_dim3A_530 : vector<16xi1>, vector<16xf32>
      %max3A_532 = arith.maximumf %max3A_512, %select_n3A_531 : vector<16xf32>
      %get3A_533 = arith.constant 336 : index
      %get3A_534 = tpu.vector_load %arg6[%get3A_533] {strides = array<i32>} : memref<2064xf32, #tpu.memory_space<vmem>>, vector<16xf32>,
      %get3A_535 = vector.shape_cast %get3A_534 : vector<16xf32> to vector<16xf32>
      %add3A_536 = arith.constant 336 : i32
      %add3A_537 = arith.addi %min3A_111, %add3A_536 : i32
      %add3A_538 = vector.broadcast %add3A_537 : i32 to vector<16xi32>
      %add3A_539 = arith.addi %add3A_538, %iota3A : vector<16xi32>
      %ge3A_540 = vector.broadcast %get3A_89 : i32 to vector<16xi32>
      %ge3A_541 = arith.cmpi sge, %add3A_539, %ge3A_540 : vector<16xi32>
      %lt3A_542 = vector.broadcast %get3A_92 : i32 to vector<16xi32>
      %lt3A_543 = arith.cmpi slt, %add3A_539, %lt3A_542 : vector<16xi32>
      %and3A_544 = arith.andi %ge3A_541, %lt3A_543 : vector<16xi1>
      %jit3A_545 = arith.constant 0.000000e+00 : f32
      %broadcast_in_dim3A_546 = vector.broadcast %jit3A_545 : f32 to vector<16xf32>
      %select_n3A_547 = arith.select %and3A_544, %get3A_535, %broadcast_in_dim3A_546 : vector<16xi1>, vector<16xf32>
      %add3A_548 = arith.addf %add3A_528, %select_n3A_547 : vector<16xf32>
      %jit3A_549 = arith.constant 0xFF800000 : f32
      %broadcast_in_dim3A_550 = vector.broadcast %jit3A_549 : f32 to vector<16xf32>
      %select_n3A_551 = arith.select %and3A_544, %get3A_535, %broadcast_in_dim3A_550 : vector<16xi1>, vector<16xf32>
      %max3A_552 = arith.maximumf %max3A_532, %select_n3A_551 : vector<16xf32>
      %get3A_553 = arith.constant 352 : index
      %get3A_554 = tpu.vector_load %arg6[%get3A_553] {strides = array<i32>} : memref<2064xf32, #tpu.memory_space<vmem>>, vector<16xf32>,
      %get3A_555 = vector.shape_cast %get3A_554 : vector<16xf32> to vector<16xf32>
      %add3A_556 = arith.constant 352 : i32
      %add3A_557 = arith.addi %min3A_111, %add3A_556 : i32
      %add3A_558 = vector.broadcast %add3A_557 : i32 to vector<16xi32>
      %add3A_559 = arith.addi %add3A_558, %iota3A : vector<16xi32>
      %ge3A_560 = vector.broadcast %get3A_89 : i32 to vector<16xi32>
      %ge3A_561 = arith.cmpi sge, %add3A_559, %ge3A_560 : vector<16xi32>
      %lt3A_562 = vector.broadcast %get3A_92 : i32 to vector<16xi32>
      %lt3A_563 = arith.cmpi slt, %add3A_559, %lt3A_562 : vector<16xi32>
      %and3A_564 = arith.andi %ge3A_561, %lt3A_563 : vector<16xi1>
      %jit3A_565 = arith.constant 0.000000e+00 : f32
      %broadcast_in_dim3A_566 = vector.broadcast %jit3A_565 : f32 to vector<16xf32>
      %select_n3A_567 = arith.select %and3A_564, %get3A_555, %broadcast_in_dim3A_566 : vector<16xi1>, vector<16xf32>
      %add3A_568 = arith.addf %add3A_548, %select_n3A_567 : vector<16xf32>
      %jit3A_569 = arith.constant 0xFF800000 : f32
      %broadcast_in_dim3A_570 = vector.broadcast %jit3A_569 : f32 to vector<16xf32>
      %select_n3A_571 = arith.select %and3A_564, %get3A_555, %broadcast_in_dim3A_570 : vector<16xi1>, vector<16xf32>
      %max3A_572 = arith.maximumf %max3A_552, %select_n3A_571 : vector<16xf32>
      %get3A_573 = arith.constant 368 : index
      %get3A_574 = tpu.vector_load %arg6[%get3A_573] {strides = array<i32>} : memref<2064xf32, #tpu.memory_space<vmem>>, vector<16xf32>,
      %get3A_575 = vector.shape_cast %get3A_574 : vector<16xf32> to vector<16xf32>
      %add3A_576 = arith.constant 368 : i32
      %add3A_577 = arith.addi %min3A_111, %add3A_576 : i32
      %add3A_578 = vector.broadcast %add3A_577 : i32 to vector<16xi32>
      %add3A_579 = arith.addi %add3A_578, %iota3A : vector<16xi32>
      %ge3A_580 = vector.broadcast %get3A_89 : i32 to vector<16xi32>
      %ge3A_581 = arith.cmpi sge, %add3A_579, %ge3A_580 : vector<16xi32>
      %lt3A_582 = vector.broadcast %get3A_92 : i32 to vector<16xi32>
      %lt3A_583 = arith.cmpi slt, %add3A_579, %lt3A_582 : vector<16xi32>
      %and3A_584 = arith.andi %ge3A_581, %lt3A_583 : vector<16xi1>
      %jit3A_585 = arith.constant 0.000000e+00 : f32
      %broadcast_in_dim3A_586 = vector.broadcast %jit3A_585 : f32 to vector<16xf32>
      %select_n3A_587 = arith.select %and3A_584, %get3A_575, %broadcast_in_dim3A_586 : vector<16xi1>, vector<16xf32>
      %add3A_588 = arith.addf %add3A_568, %select_n3A_587 : vector<16xf32>
      %jit3A_589 = arith.constant 0xFF800000 : f32
      %broadcast_in_dim3A_590 = vector.broadcast %jit3A_589 : f32 to vector<16xf32>
      %select_n3A_591 = arith.select %and3A_584, %get3A_575, %broadcast_in_dim3A_590 : vector<16xi1>, vector<16xf32>
      %max3A_592 = arith.maximumf %max3A_572, %select_n3A_591 : vector<16xf32>
      %get3A_593 = arith.constant 384 : index
      %get3A_594 = tpu.vector_load %arg6[%get3A_593] {strides = array<i32>} : memref<2064xf32, #tpu.memory_space<vmem>>, vector<16xf32>,
      %get3A_595 = vector.shape_cast %get3A_594 : vector<16xf32> to vector<16xf32>
      %add3A_596 = arith.constant 384 : i32
      %add3A_597 = arith.addi %min3A_111, %add3A_596 : i32
      %add3A_598 = vector.broadcast %add3A_597 : i32 to vector<16xi32>
      %add3A_599 = arith.addi %add3A_598, %iota3A : vector<16xi32>
      %ge3A_600 = vector.broadcast %get3A_89 : i32 to vector<16xi32>
      %ge3A_601 = arith.cmpi sge, %add3A_599, %ge3A_600 : vector<16xi32>
      %lt3A_602 = vector.broadcast %get3A_92 : i32 to vector<16xi32>
      %lt3A_603 = arith.cmpi slt, %add3A_599, %lt3A_602 : vector<16xi32>
      %and3A_604 = arith.andi %ge3A_601, %lt3A_603 : vector<16xi1>
      %jit3A_605 = arith.constant 0.000000e+00 : f32
      %broadcast_in_dim3A_606 = vector.broadcast %jit3A_605 : f32 to vector<16xf32>
      %select_n3A_607 = arith.select %and3A_604, %get3A_595, %broadcast_in_dim3A_606 : vector<16xi1>, vector<16xf32>
      %add3A_608 = arith.addf %add3A_588, %select_n3A_607 : vector<16xf32>
      %jit3A_609 = arith.constant 0xFF800000 : f32
      %broadcast_in_dim3A_610 = vector.broadcast %jit3A_609 : f32 to vector<16xf32>
      %select_n3A_611 = arith.select %and3A_604, %get3A_595, %broadcast_in_dim3A_610 : vector<16xi1>, vector<16xf32>
      %max3A_612 = arith.maximumf %max3A_592, %select_n3A_611 : vector<16xf32>
      %get3A_613 = arith.constant 400 : index
      %get3A_614 = tpu.vector_load %arg6[%get3A_613] {strides = array<i32>} : memref<2064xf32, #tpu.memory_space<vmem>>, vector<16xf32>,
      %get3A_615 = vector.shape_cast %get3A_614 : vector<16xf32> to vector<16xf32>
      %add3A_616 = arith.constant 400 : i32
      %add3A_617 = arith.addi %min3A_111, %add3A_616 : i32
      %add3A_618 = vector.broadcast %add3A_617 : i32 to vector<16xi32>
      %add3A_619 = arith.addi %add3A_618, %iota3A : vector<16xi32>
      %ge3A_620 = vector.broadcast %get3A_89 : i32 to vector<16xi32>
      %ge3A_621 = arith.cmpi sge, %add3A_619, %ge3A_620 : vector<16xi32>
      %lt3A_622 = vector.broadcast %get3A_92 : i32 to vector<16xi32>
      %lt3A_623 = arith.cmpi slt, %add3A_619, %lt3A_622 : vector<16xi32>
      %and3A_624 = arith.andi %ge3A_621, %lt3A_623 : vector<16xi1>
      %jit3A_625 = arith.constant 0.000000e+00 : f32
      %broadcast_in_dim3A_626 = vector.broadcast %jit3A_625 : f32 to vector<16xf32>
      %select_n3A_627 = arith.select %and3A_624, %get3A_615, %broadcast_in_dim3A_626 : vector<16xi1>, vector<16xf32>
      %add3A_628 = arith.addf %add3A_608, %select_n3A_627 : vector<16xf32>
      %jit3A_629 = arith.constant 0xFF800000 : f32
      %broadcast_in_dim3A_630 = vector.broadcast %jit3A_629 : f32 to vector<16xf32>
      %select_n3A_631 = arith.select %and3A_624, %get3A_615, %broadcast_in_dim3A_630 : vector<16xi1>, vector<16xf32>
      %max3A_632 = arith.maximumf %max3A_612, %select_n3A_631 : vector<16xf32>
      %get3A_633 = arith.constant 416 : index
      %get3A_634 = tpu.vector_load %arg6[%get3A_633] {strides = array<i32>} : memref<2064xf32, #tpu.memory_space<vmem>>, vector<16xf32>,
      %get3A_635 = vector.shape_cast %get3A_634 : vector<16xf32> to vector<16xf32>
      %add3A_636 = arith.constant 416 : i32
      %add3A_637 = arith.addi %min3A_111, %add3A_636 : i32
      %add3A_638 = vector.broadcast %add3A_637 : i32 to vector<16xi32>
      %add3A_639 = arith.addi %add3A_638, %iota3A : vector<16xi32>
      %ge3A_640 = vector.broadcast %get3A_89 : i32 to vector<16xi32>
      %ge3A_641 = arith.cmpi sge, %add3A_639, %ge3A_640 : vector<16xi32>
      %lt3A_642 = vector.broadcast %get3A_92 : i32 to vector<16xi32>
      %lt3A_643 = arith.cmpi slt, %add3A_639, %lt3A_642 : vector<16xi32>
      %and3A_644 = arith.andi %ge3A_641, %lt3A_643 : vector<16xi1>
      %jit3A_645 = arith.constant 0.000000e+00 : f32
      %broadcast_in_dim3A_646 = vector.broadcast %jit3A_645 : f32 to vector<16xf32>
      %select_n3A_647 = arith.select %and3A_644, %get3A_635, %broadcast_in_dim3A_646 : vector<16xi1>, vector<16xf32>
      %add3A_648 = arith.addf %add3A_628, %select_n3A_647 : vector<16xf32>
      %jit3A_649 = arith.constant 0xFF800000 : f32
      %broadcast_in_dim3A_650 = vector.broadcast %jit3A_649 : f32 to vector<16xf32>
      %select_n3A_651 = arith.select %and3A_644, %get3A_635, %broadcast_in_dim3A_650 : vector<16xi1>, vector<16xf32>
      %max3A_652 = arith.maximumf %max3A_632, %select_n3A_651 : vector<16xf32>
      %get3A_653 = arith.constant 432 : index
      %get3A_654 = tpu.vector_load %arg6[%get3A_653] {strides = array<i32>} : memref<2064xf32, #tpu.memory_space<vmem>>, vector<16xf32>,
      %get3A_655 = vector.shape_cast %get3A_654 : vector<16xf32> to vector<16xf32>
      %add3A_656 = arith.constant 432 : i32
      %add3A_657 = arith.addi %min3A_111, %add3A_656 : i32
      %add3A_658 = vector.broadcast %add3A_657 : i32 to vector<16xi32>
      %add3A_659 = arith.addi %add3A_658, %iota3A : vector<16xi32>
      %ge3A_660 = vector.broadcast %get3A_89 : i32 to vector<16xi32>
      %ge3A_661 = arith.cmpi sge, %add3A_659, %ge3A_660 : vector<16xi32>
      %lt3A_662 = vector.broadcast %get3A_92 : i32 to vector<16xi32>
      %lt3A_663 = arith.cmpi slt, %add3A_659, %lt3A_662 : vector<16xi32>
      %and3A_664 = arith.andi %ge3A_661, %lt3A_663 : vector<16xi1>
      %jit3A_665 = arith.constant 0.000000e+00 : f32
      %broadcast_in_dim3A_666 = vector.broadcast %jit3A_665 : f32 to vector<16xf32>
      %select_n3A_667 = arith.select %and3A_664, %get3A_655, %broadcast_in_dim3A_666 : vector<16xi1>, vector<16xf32>
      %add3A_668 = arith.addf %add3A_648, %select_n3A_667 : vector<16xf32>
      %jit3A_669 = arith.constant 0xFF800000 : f32
      %broadcast_in_dim3A_670 = vector.broadcast %jit3A_669 : f32 to vector<16xf32>
      %select_n3A_671 = arith.select %and3A_664, %get3A_655, %broadcast_in_dim3A_670 : vector<16xi1>, vector<16xf32>
      %max3A_672 = arith.maximumf %max3A_652, %select_n3A_671 : vector<16xf32>
      %get3A_673 = arith.constant 448 : index
      %get3A_674 = tpu.vector_load %arg6[%get3A_673] {strides = array<i32>} : memref<2064xf32, #tpu.memory_space<vmem>>, vector<16xf32>,
      %get3A_675 = vector.shape_cast %get3A_674 : vector<16xf32> to vector<16xf32>
      %add3A_676 = arith.constant 448 : i32
      %add3A_677 = arith.addi %min3A_111, %add3A_676 : i32
      %add3A_678 = vector.broadcast %add3A_677 : i32 to vector<16xi32>
      %add3A_679 = arith.addi %add3A_678, %iota3A : vector<16xi32>
      %ge3A_680 = vector.broadcast %get3A_89 : i32 to vector<16xi32>
      %ge3A_681 = arith.cmpi sge, %add3A_679, %ge3A_680 : vector<16xi32>
      %lt3A_682 = vector.broadcast %get3A_92 : i32 to vector<16xi32>
      %lt3A_683 = arith.cmpi slt, %add3A_679, %lt3A_682 : vector<16xi32>
      %and3A_684 = arith.andi %ge3A_681, %lt3A_683 : vector<16xi1>
      %jit3A_685 = arith.constant 0.000000e+00 : f32
      %broadcast_in_dim3A_686 = vector.broadcast %jit3A_685 : f32 to vector<16xf32>
      %select_n3A_687 = arith.select %and3A_684, %get3A_675, %broadcast_in_dim3A_686 : vector<16xi1>, vector<16xf32>
      %add3A_688 = arith.addf %add3A_668, %select_n3A_687 : vector<16xf32>
      %jit3A_689 = arith.constant 0xFF800000 : f32
      %broadcast_in_dim3A_690 = vector.broadcast %jit3A_689 : f32 to vector<16xf32>
      %select_n3A_691 = arith.select %and3A_684, %get3A_675, %broadcast_in_dim3A_690 : vector<16xi1>, vector<16xf32>
      %max3A_692 = arith.maximumf %max3A_672, %select_n3A_691 : vector<16xf32>
      %get3A_693 = arith.constant 464 : index
      %get3A_694 = tpu.vector_load %arg6[%get3A_693] {strides = array<i32>} : memref<2064xf32, #tpu.memory_space<vmem>>, vector<16xf32>,
      %get3A_695 = vector.shape_cast %get3A_694 : vector<16xf32> to vector<16xf32>
      %add3A_696 = arith.constant 464 : i32
      %add3A_697 = arith.addi %min3A_111, %add3A_696 : i32
      %add3A_698 = vector.broadcast %add3A_697 : i32 to vector<16xi32>
      %add3A_699 = arith.addi %add3A_698, %iota3A : vector<16xi32>
      %ge3A_700 = vector.broadcast %get3A_89 : i32 to vector<16xi32>
      %ge3A_701 = arith.cmpi sge, %add3A_699, %ge3A_700 : vector<16xi32>
      %lt3A_702 = vector.broadcast %get3A_92 : i32 to vector<16xi32>
      %lt3A_703 = arith.cmpi slt, %add3A_699, %lt3A_702 : vector<16xi32>
      %and3A_704 = arith.andi %ge3A_701, %lt3A_703 : vector<16xi1>
      %jit3A_705 = arith.constant 0.000000e+00 : f32
      %broadcast_in_dim3A_706 = vector.broadcast %jit3A_705 : f32 to vector<16xf32>
      %select_n3A_707 = arith.select %and3A_704, %get3A_695, %broadcast_in_dim3A_706 : vector<16xi1>, vector<16xf32>
      %add3A_708 = arith.addf %add3A_688, %select_n3A_707 : vector<16xf32>
      %jit3A_709 = arith.constant 0xFF800000 : f32
      %broadcast_in_dim3A_710 = vector.broadcast %jit3A_709 : f32 to vector<16xf32>
      %select_n3A_711 = arith.select %and3A_704, %get3A_695, %broadcast_in_dim3A_710 : vector<16xi1>, vector<16xf32>
      %max3A_712 = arith.maximumf %max3A_692, %select_n3A_711 : vector<16xf32>
      %get3A_713 = arith.constant 480 : index
      %get3A_714 = tpu.vector_load %arg6[%get3A_713] {strides = array<i32>} : memref<2064xf32, #tpu.memory_space<vmem>>, vector<16xf32>,
      %get3A_715 = vector.shape_cast %get3A_714 : vector<16xf32> to vector<16xf32>
      %add3A_716 = arith.constant 480 : i32
      %add3A_717 = arith.addi %min3A_111, %add3A_716 : i32
      %add3A_718 = vector.broadcast %add3A_717 : i32 to vector<16xi32>
      %add3A_719 = arith.addi %add3A_718, %iota3A : vector<16xi32>
      %ge3A_720 = vector.broadcast %get3A_89 : i32 to vector<16xi32>
      %ge3A_721 = arith.cmpi sge, %add3A_719, %ge3A_720 : vector<16xi32>
      %lt3A_722 = vector.broadcast %get3A_92 : i32 to vector<16xi32>
      %lt3A_723 = arith.cmpi slt, %add3A_719, %lt3A_722 : vector<16xi32>
      %and3A_724 = arith.andi %ge3A_721, %lt3A_723 : vector<16xi1>
      %jit3A_725 = arith.constant 0.000000e+00 : f32
      %broadcast_in_dim3A_726 = vector.broadcast %jit3A_725 : f32 to vector<16xf32>
      %select_n3A_727 = arith.select %and3A_724, %get3A_715, %broadcast_in_dim3A_726 : vector<16xi1>, vector<16xf32>
      %add3A_728 = arith.addf %add3A_708, %select_n3A_727 : vector<16xf32>
      %jit3A_729 = arith.constant 0xFF800000 : f32
      %broadcast_in_dim3A_730 = vector.broadcast %jit3A_729 : f32 to vector<16xf32>
      %select_n3A_731 = arith.select %and3A_724, %get3A_715, %broadcast_in_dim3A_730 : vector<16xi1>, vector<16xf32>
      %max3A_732 = arith.maximumf %max3A_712, %select_n3A_731 : vector<16xf32>
      %get3A_733 = arith.constant 496 : index
      %get3A_734 = tpu.vector_load %arg6[%get3A_733] {strides = array<i32>} : memref<2064xf32, #tpu.memory_space<vmem>>, vector<16xf32>,
      %get3A_735 = vector.shape_cast %get3A_734 : vector<16xf32> to vector<16xf32>
      %add3A_736 = arith.constant 496 : i32
      %add3A_737 = arith.addi %min3A_111, %add3A_736 : i32
      %add3A_738 = vector.broadcast %add3A_737 : i32 to vector<16xi32>
      %add3A_739 = arith.addi %add3A_738, %iota3A : vector<16xi32>
      %ge3A_740 = vector.broadcast %get3A_89 : i32 to vector<16xi32>
      %ge3A_741 = arith.cmpi sge, %add3A_739, %ge3A_740 : vector<16xi32>
      %lt3A_742 = vector.broadcast %get3A_92 : i32 to vector<16xi32>
      %lt3A_743 = arith.cmpi slt, %add3A_739, %lt3A_742 : vector<16xi32>
      %and3A_744 = arith.andi %ge3A_741, %lt3A_743 : vector<16xi1>
      %jit3A_745 = arith.constant 0.000000e+00 : f32
      %broadcast_in_dim3A_746 = vector.broadcast %jit3A_745 : f32 to vector<16xf32>
      %select_n3A_747 = arith.select %and3A_744, %get3A_735, %broadcast_in_dim3A_746 : vector<16xi1>, vector<16xf32>
      %add3A_748 = arith.addf %add3A_728, %select_n3A_747 : vector<16xf32>
      %jit3A_749 = arith.constant 0xFF800000 : f32
      %broadcast_in_dim3A_750 = vector.broadcast %jit3A_749 : f32 to vector<16xf32>
      %select_n3A_751 = arith.select %and3A_744, %get3A_735, %broadcast_in_dim3A_750 : vector<16xi1>, vector<16xf32>
      %max3A_752 = arith.maximumf %max3A_732, %select_n3A_751 : vector<16xf32>
      %get3A_753 = arith.constant 512 : index
      %get3A_754 = tpu.vector_load %arg6[%get3A_753] {strides = array<i32>} : memref<2064xf32, #tpu.memory_space<vmem>>, vector<16xf32>,
      %get3A_755 = vector.shape_cast %get3A_754 : vector<16xf32> to vector<16xf32>
      %add3A_756 = arith.constant 512 : i32
      %add3A_757 = arith.addi %min3A_111, %add3A_756 : i32
      %add3A_758 = vector.broadcast %add3A_757 : i32 to vector<16xi32>
      %add3A_759 = arith.addi %add3A_758, %iota3A : vector<16xi32>
      %ge3A_760 = vector.broadcast %get3A_89 : i32 to vector<16xi32>
      %ge3A_761 = arith.cmpi sge, %add3A_759, %ge3A_760 : vector<16xi32>
      %lt3A_762 = vector.broadcast %get3A_92 : i32 to vector<16xi32>
      %lt3A_763 = arith.cmpi slt, %add3A_759, %lt3A_762 : vector<16xi32>
      %and3A_764 = arith.andi %ge3A_761, %lt3A_763 : vector<16xi1>
      %jit3A_765 = arith.constant 0.000000e+00 : f32
      %broadcast_in_dim3A_766 = vector.broadcast %jit3A_765 : f32 to vector<16xf32>
      %select_n3A_767 = arith.select %and3A_764, %get3A_755, %broadcast_in_dim3A_766 : vector<16xi1>, vector<16xf32>
      %add3A_768 = arith.addf %add3A_748, %select_n3A_767 : vector<16xf32>
      %jit3A_769 = arith.constant 0xFF800000 : f32
      %broadcast_in_dim3A_770 = vector.broadcast %jit3A_769 : f32 to vector<16xf32>
      %select_n3A_771 = arith.select %and3A_764, %get3A_755, %broadcast_in_dim3A_770 : vector<16xi1>, vector<16xf32>
      %max3A_772 = arith.maximumf %max3A_752, %select_n3A_771 : vector<16xf32>
      %get3A_773 = arith.constant 528 : index
      %get3A_774 = tpu.vector_load %arg6[%get3A_773] {strides = array<i32>} : memref<2064xf32, #tpu.memory_space<vmem>>, vector<16xf32>,
      %get3A_775 = vector.shape_cast %get3A_774 : vector<16xf32> to vector<16xf32>
      %add3A_776 = arith.constant 528 : i32
      %add3A_777 = arith.addi %min3A_111, %add3A_776 : i32
      %add3A_778 = vector.broadcast %add3A_777 : i32 to vector<16xi32>
      %add3A_779 = arith.addi %add3A_778, %iota3A : vector<16xi32>
      %ge3A_780 = vector.broadcast %get3A_89 : i32 to vector<16xi32>
      %ge3A_781 = arith.cmpi sge, %add3A_779, %ge3A_780 : vector<16xi32>
      %lt3A_782 = vector.broadcast %get3A_92 : i32 to vector<16xi32>
      %lt3A_783 = arith.cmpi slt, %add3A_779, %lt3A_782 : vector<16xi32>
      %and3A_784 = arith.andi %ge3A_781, %lt3A_783 : vector<16xi1>
      %jit3A_785 = arith.constant 0.000000e+00 : f32
      %broadcast_in_dim3A_786 = vector.broadcast %jit3A_785 : f32 to vector<16xf32>
      %select_n3A_787 = arith.select %and3A_784, %get3A_775, %broadcast_in_dim3A_786 : vector<16xi1>, vector<16xf32>
      %add3A_788 = arith.addf %add3A_768, %select_n3A_787 : vector<16xf32>
      %jit3A_789 = arith.constant 0xFF800000 : f32
      %broadcast_in_dim3A_790 = vector.broadcast %jit3A_789 : f32 to vector<16xf32>
      %select_n3A_791 = arith.select %and3A_784, %get3A_775, %broadcast_in_dim3A_790 : vector<16xi1>, vector<16xf32>
      %max3A_792 = arith.maximumf %max3A_772, %select_n3A_791 : vector<16xf32>
      %get3A_793 = arith.constant 544 : index
      %get3A_794 = tpu.vector_load %arg6[%get3A_793] {strides = array<i32>} : memref<2064xf32, #tpu.memory_space<vmem>>, vector<16xf32>,
      %get3A_795 = vector.shape_cast %get3A_794 : vector<16xf32> to vector<16xf32>
      %add3A_796 = arith.constant 544 : i32
      %add3A_797 = arith.addi %min3A_111, %add3A_796 : i32
      %add3A_798 = vector.broadcast %add3A_797 : i32 to vector<16xi32>
      %add3A_799 = arith.addi %add3A_798, %iota3A : vector<16xi32>
      %ge3A_800 = vector.broadcast %get3A_89 : i32 to vector<16xi32>
      %ge3A_801 = arith.cmpi sge, %add3A_799, %ge3A_800 : vector<16xi32>
      %lt3A_802 = vector.broadcast %get3A_92 : i32 to vector<16xi32>
      %lt3A_803 = arith.cmpi slt, %add3A_799, %lt3A_802 : vector<16xi32>
      %and3A_804 = arith.andi %ge3A_801, %lt3A_803 : vector<16xi1>
      %jit3A_805 = arith.constant 0.000000e+00 : f32
      %broadcast_in_dim3A_806 = vector.broadcast %jit3A_805 : f32 to vector<16xf32>
      %select_n3A_807 = arith.select %and3A_804, %get3A_795, %broadcast_in_dim3A_806 : vector<16xi1>, vector<16xf32>
      %add3A_808 = arith.addf %add3A_788, %select_n3A_807 : vector<16xf32>
      %jit3A_809 = arith.constant 0xFF800000 : f32
      %broadcast_in_dim3A_810 = vector.broadcast %jit3A_809 : f32 to vector<16xf32>
      %select_n3A_811 = arith.select %and3A_804, %get3A_795, %broadcast_in_dim3A_810 : vector<16xi1>, vector<16xf32>
      %max3A_812 = arith.maximumf %max3A_792, %select_n3A_811 : vector<16xf32>
      %get3A_813 = arith.constant 560 : index
      %get3A_814 = tpu.vector_load %arg6[%get3A_813] {strides = array<i32>} : memref<2064xf32, #tpu.memory_space<vmem>>, vector<16xf32>,
      %get3A_815 = vector.shape_cast %get3A_814 : vector<16xf32> to vector<16xf32>
      %add3A_816 = arith.constant 560 : i32
      %add3A_817 = arith.addi %min3A_111, %add3A_816 : i32
      %add3A_818 = vector.broadcast %add3A_817 : i32 to vector<16xi32>
      %add3A_819 = arith.addi %add3A_818, %iota3A : vector<16xi32>
      %ge3A_820 = vector.broadcast %get3A_89 : i32 to vector<16xi32>
      %ge3A_821 = arith.cmpi sge, %add3A_819, %ge3A_820 : vector<16xi32>
      %lt3A_822 = vector.broadcast %get3A_92 : i32 to vector<16xi32>
      %lt3A_823 = arith.cmpi slt, %add3A_819, %lt3A_822 : vector<16xi32>
      %and3A_824 = arith.andi %ge3A_821, %lt3A_823 : vector<16xi1>
      %jit3A_825 = arith.constant 0.000000e+00 : f32
      %broadcast_in_dim3A_826 = vector.broadcast %jit3A_825 : f32 to vector<16xf32>
      %select_n3A_827 = arith.select %and3A_824, %get3A_815, %broadcast_in_dim3A_826 : vector<16xi1>, vector<16xf32>
      %add3A_828 = arith.addf %add3A_808, %select_n3A_827 : vector<16xf32>
      %jit3A_829 = arith.constant 0xFF800000 : f32
      %broadcast_in_dim3A_830 = vector.broadcast %jit3A_829 : f32 to vector<16xf32>
      %select_n3A_831 = arith.select %and3A_824, %get3A_815, %broadcast_in_dim3A_830 : vector<16xi1>, vector<16xf32>
      %max3A_832 = arith.maximumf %max3A_812, %select_n3A_831 : vector<16xf32>
      %get3A_833 = arith.constant 576 : index
      %get3A_834 = tpu.vector_load %arg6[%get3A_833] {strides = array<i32>} : memref<2064xf32, #tpu.memory_space<vmem>>, vector<16xf32>,
      %get3A_835 = vector.shape_cast %get3A_834 : vector<16xf32> to vector<16xf32>
      %add3A_836 = arith.constant 576 : i32
      %add3A_837 = arith.addi %min3A_111, %add3A_836 : i32
      %add3A_838 = vector.broadcast %add3A_837 : i32 to vector<16xi32>
      %add3A_839 = arith.addi %add3A_838, %iota3A : vector<16xi32>
      %ge3A_840 = vector.broadcast %get3A_89 : i32 to vector<16xi32>
      %ge3A_841 = arith.cmpi sge, %add3A_839, %ge3A_840 : vector<16xi32>
      %lt3A_842 = vector.broadcast %get3A_92 : i32 to vector<16xi32>
      %lt3A_843 = arith.cmpi slt, %add3A_839, %lt3A_842 : vector<16xi32>
      %and3A_844 = arith.andi %ge3A_841, %lt3A_843 : vector<16xi1>
      %jit3A_845 = arith.constant 0.000000e+00 : f32
      %broadcast_in_dim3A_846 = vector.broadcast %jit3A_845 : f32 to vector<16xf32>
      %select_n3A_847 = arith.select %and3A_844, %get3A_835, %broadcast_in_dim3A_846 : vector<16xi1>, vector<16xf32>
      %add3A_848 = arith.addf %add3A_828, %select_n3A_847 : vector<16xf32>
      %jit3A_849 = arith.constant 0xFF800000 : f32
      %broadcast_in_dim3A_850 = vector.broadcast %jit3A_849 : f32 to vector<16xf32>
      %select_n3A_851 = arith.select %and3A_844, %get3A_835, %broadcast_in_dim3A_850 : vector<16xi1>, vector<16xf32>
      %max3A_852 = arith.maximumf %max3A_832, %select_n3A_851 : vector<16xf32>
      %get3A_853 = arith.constant 592 : index
      %get3A_854 = tpu.vector_load %arg6[%get3A_853] {strides = array<i32>} : memref<2064xf32, #tpu.memory_space<vmem>>, vector<16xf32>,
      %get3A_855 = vector.shape_cast %get3A_854 : vector<16xf32> to vector<16xf32>
      %add3A_856 = arith.constant 592 : i32
      %add3A_857 = arith.addi %min3A_111, %add3A_856 : i32
      %add3A_858 = vector.broadcast %add3A_857 : i32 to vector<16xi32>
      %add3A_859 = arith.addi %add3A_858, %iota3A : vector<16xi32>
      %ge3A_860 = vector.broadcast %get3A_89 : i32 to vector<16xi32>
      %ge3A_861 = arith.cmpi sge, %add3A_859, %ge3A_860 : vector<16xi32>
      %lt3A_862 = vector.broadcast %get3A_92 : i32 to vector<16xi32>
      %lt3A_863 = arith.cmpi slt, %add3A_859, %lt3A_862 : vector<16xi32>
      %and3A_864 = arith.andi %ge3A_861, %lt3A_863 : vector<16xi1>
      %jit3A_865 = arith.constant 0.000000e+00 : f32
      %broadcast_in_dim3A_866 = vector.broadcast %jit3A_865 : f32 to vector<16xf32>
      %select_n3A_867 = arith.select %and3A_864, %get3A_855, %broadcast_in_dim3A_866 : vector<16xi1>, vector<16xf32>
      %add3A_868 = arith.addf %add3A_848, %select_n3A_867 : vector<16xf32>
      %jit3A_869 = arith.constant 0xFF800000 : f32
      %broadcast_in_dim3A_870 = vector.broadcast %jit3A_869 : f32 to vector<16xf32>
      %select_n3A_871 = arith.select %and3A_864, %get3A_855, %broadcast_in_dim3A_870 : vector<16xi1>, vector<16xf32>
      %max3A_872 = arith.maximumf %max3A_852, %select_n3A_871 : vector<16xf32>
      %get3A_873 = arith.constant 608 : index
      %get3A_874 = tpu.vector_load %arg6[%get3A_873] {strides = array<i32>} : memref<2064xf32, #tpu.memory_space<vmem>>, vector<16xf32>,
      %get3A_875 = vector.shape_cast %get3A_874 : vector<16xf32> to vector<16xf32>
      %add3A_876 = arith.constant 608 : i32
      %add3A_877 = arith.addi %min3A_111, %add3A_876 : i32
      %add3A_878 = vector.broadcast %add3A_877 : i32 to vector<16xi32>
      %add3A_879 = arith.addi %add3A_878, %iota3A : vector<16xi32>
      %ge3A_880 = vector.broadcast %get3A_89 : i32 to vector<16xi32>
      %ge3A_881 = arith.cmpi sge, %add3A_879, %ge3A_880 : vector<16xi32>
      %lt3A_882 = vector.broadcast %get3A_92 : i32 to vector<16xi32>
      %lt3A_883 = arith.cmpi slt, %add3A_879, %lt3A_882 : vector<16xi32>
      %and3A_884 = arith.andi %ge3A_881, %lt3A_883 : vector<16xi1>
      %jit3A_885 = arith.constant 0.000000e+00 : f32
      %broadcast_in_dim3A_886 = vector.broadcast %jit3A_885 : f32 to vector<16xf32>
      %select_n3A_887 = arith.select %and3A_884, %get3A_875, %broadcast_in_dim3A_886 : vector<16xi1>, vector<16xf32>
      %add3A_888 = arith.addf %add3A_868, %select_n3A_887 : vector<16xf32>
      %jit3A_889 = arith.constant 0xFF800000 : f32
      %broadcast_in_dim3A_890 = vector.broadcast %jit3A_889 : f32 to vector<16xf32>
      %select_n3A_891 = arith.select %and3A_884, %get3A_875, %broadcast_in_dim3A_890 : vector<16xi1>, vector<16xf32>
      %max3A_892 = arith.maximumf %max3A_872, %select_n3A_891 : vector<16xf32>
      %get3A_893 = arith.constant 624 : index
      %get3A_894 = tpu.vector_load %arg6[%get3A_893] {strides = array<i32>} : memref<2064xf32, #tpu.memory_space<vmem>>, vector<16xf32>,
      %get3A_895 = vector.shape_cast %get3A_894 : vector<16xf32> to vector<16xf32>
      %add3A_896 = arith.constant 624 : i32
      %add3A_897 = arith.addi %min3A_111, %add3A_896 : i32
      %add3A_898 = vector.broadcast %add3A_897 : i32 to vector<16xi32>
      %add3A_899 = arith.addi %add3A_898, %iota3A : vector<16xi32>
      %ge3A_900 = vector.broadcast %get3A_89 : i32 to vector<16xi32>
      %ge3A_901 = arith.cmpi sge, %add3A_899, %ge3A_900 : vector<16xi32>
      %lt3A_902 = vector.broadcast %get3A_92 : i32 to vector<16xi32>
      %lt3A_903 = arith.cmpi slt, %add3A_899, %lt3A_902 : vector<16xi32>
      %and3A_904 = arith.andi %ge3A_901, %lt3A_903 : vector<16xi1>
      %jit3A_905 = arith.constant 0.000000e+00 : f32
      %broadcast_in_dim3A_906 = vector.broadcast %jit3A_905 : f32 to vector<16xf32>
      %select_n3A_907 = arith.select %and3A_904, %get3A_895, %broadcast_in_dim3A_906 : vector<16xi1>, vector<16xf32>
      %add3A_908 = arith.addf %add3A_888, %select_n3A_907 : vector<16xf32>
      %jit3A_909 = arith.constant 0xFF800000 : f32
      %broadcast_in_dim3A_910 = vector.broadcast %jit3A_909 : f32 to vector<16xf32>
      %select_n3A_911 = arith.select %and3A_904, %get3A_895, %broadcast_in_dim3A_910 : vector<16xi1>, vector<16xf32>
      %max3A_912 = arith.maximumf %max3A_892, %select_n3A_911 : vector<16xf32>
      %get3A_913 = arith.constant 640 : index
      %get3A_914 = tpu.vector_load %arg6[%get3A_913] {strides = array<i32>} : memref<2064xf32, #tpu.memory_space<vmem>>, vector<16xf32>,
      %get3A_915 = vector.shape_cast %get3A_914 : vector<16xf32> to vector<16xf32>
      %add3A_916 = arith.constant 640 : i32
      %add3A_917 = arith.addi %min3A_111, %add3A_916 : i32
      %add3A_918 = vector.broadcast %add3A_917 : i32 to vector<16xi32>
      %add3A_919 = arith.addi %add3A_918, %iota3A : vector<16xi32>
      %ge3A_920 = vector.broadcast %get3A_89 : i32 to vector<16xi32>
      %ge3A_921 = arith.cmpi sge, %add3A_919, %ge3A_920 : vector<16xi32>
      %lt3A_922 = vector.broadcast %get3A_92 : i32 to vector<16xi32>
      %lt3A_923 = arith.cmpi slt, %add3A_919, %lt3A_922 : vector<16xi32>
      %and3A_924 = arith.andi %ge3A_921, %lt3A_923 : vector<16xi1>
      %jit3A_925 = arith.constant 0.000000e+00 : f32
      %broadcast_in_dim3A_926 = vector.broadcast %jit3A_925 : f32 to vector<16xf32>
      %select_n3A_927 = arith.select %and3A_924, %get3A_915, %broadcast_in_dim3A_926 : vector<16xi1>, vector<16xf32>
      %add3A_928 = arith.addf %add3A_908, %select_n3A_927 : vector<16xf32>
      %jit3A_929 = arith.constant 0xFF800000 : f32
      %broadcast_in_dim3A_930 = vector.broadcast %jit3A_929 : f32 to vector<16xf32>
      %select_n3A_931 = arith.select %and3A_924, %get3A_915, %broadcast_in_dim3A_930 : vector<16xi1>, vector<16xf32>
      %max3A_932 = arith.maximumf %max3A_912, %select_n3A_931 : vector<16xf32>
      %get3A_933 = arith.constant 656 : index
      %get3A_934 = tpu.vector_load %arg6[%get3A_933] {strides = array<i32>} : memref<2064xf32, #tpu.memory_space<vmem>>, vector<16xf32>,
      %get3A_935 = vector.shape_cast %get3A_934 : vector<16xf32> to vector<16xf32>
      %add3A_936 = arith.constant 656 : i32
      %add3A_937 = arith.addi %min3A_111, %add3A_936 : i32
      %add3A_938 = vector.broadcast %add3A_937 : i32 to vector<16xi32>
      %add3A_939 = arith.addi %add3A_938, %iota3A : vector<16xi32>
      %ge3A_940 = vector.broadcast %get3A_89 : i32 to vector<16xi32>
      %ge3A_941 = arith.cmpi sge, %add3A_939, %ge3A_940 : vector<16xi32>
      %lt3A_942 = vector.broadcast %get3A_92 : i32 to vector<16xi32>
      %lt3A_943 = arith.cmpi slt, %add3A_939, %lt3A_942 : vector<16xi32>
      %and3A_944 = arith.andi %ge3A_941, %lt3A_943 : vector<16xi1>
      %jit3A_945 = arith.constant 0.000000e+00 : f32
      %broadcast_in_dim3A_946 = vector.broadcast %jit3A_945 : f32 to vector<16xf32>
      %select_n3A_947 = arith.select %and3A_944, %get3A_935, %broadcast_in_dim3A_946 : vector<16xi1>, vector<16xf32>
      %add3A_948 = arith.addf %add3A_928, %select_n3A_947 : vector<16xf32>
      %jit3A_949 = arith.constant 0xFF800000 : f32
      %broadcast_in_dim3A_950 = vector.broadcast %jit3A_949 : f32 to vector<16xf32>
      %select_n3A_951 = arith.select %and3A_944, %get3A_935, %broadcast_in_dim3A_950 : vector<16xi1>, vector<16xf32>
      %max3A_952 = arith.maximumf %max3A_932, %select_n3A_951 : vector<16xf32>
      %get3A_953 = arith.constant 672 : index
      %get3A_954 = tpu.vector_load %arg6[%get3A_953] {strides = array<i32>} : memref<2064xf32, #tpu.memory_space<vmem>>, vector<16xf32>,
      %get3A_955 = vector.shape_cast %get3A_954 : vector<16xf32> to vector<16xf32>
      %add3A_956 = arith.constant 672 : i32
      %add3A_957 = arith.addi %min3A_111, %add3A_956 : i32
      %add3A_958 = vector.broadcast %add3A_957 : i32 to vector<16xi32>
      %add3A_959 = arith.addi %add3A_958, %iota3A : vector<16xi32>
      %ge3A_960 = vector.broadcast %get3A_89 : i32 to vector<16xi32>
      %ge3A_961 = arith.cmpi sge, %add3A_959, %ge3A_960 : vector<16xi32>
      %lt3A_962 = vector.broadcast %get3A_92 : i32 to vector<16xi32>
      %lt3A_963 = arith.cmpi slt, %add3A_959, %lt3A_962 : vector<16xi32>
      %and3A_964 = arith.andi %ge3A_961, %lt3A_963 : vector<16xi1>
      %jit3A_965 = arith.constant 0.000000e+00 : f32
      %broadcast_in_dim3A_966 = vector.broadcast %jit3A_965 : f32 to vector<16xf32>
      %select_n3A_967 = arith.select %and3A_964, %get3A_955, %broadcast_in_dim3A_966 : vector<16xi1>, vector<16xf32>
      %add3A_968 = arith.addf %add3A_948, %select_n3A_967 : vector<16xf32>
      %jit3A_969 = arith.constant 0xFF800000 : f32
      %broadcast_in_dim3A_970 = vector.broadcast %jit3A_969 : f32 to vector<16xf32>
      %select_n3A_971 = arith.select %and3A_964, %get3A_955, %broadcast_in_dim3A_970 : vector<16xi1>, vector<16xf32>
      %max3A_972 = arith.maximumf %max3A_952, %select_n3A_971 : vector<16xf32>
      %get3A_973 = arith.constant 688 : index
      %get3A_974 = tpu.vector_load %arg6[%get3A_973] {strides = array<i32>} : memref<2064xf32, #tpu.memory_space<vmem>>, vector<16xf32>,
      %get3A_975 = vector.shape_cast %get3A_974 : vector<16xf32> to vector<16xf32>
      %add3A_976 = arith.constant 688 : i32
      %add3A_977 = arith.addi %min3A_111, %add3A_976 : i32
      %add3A_978 = vector.broadcast %add3A_977 : i32 to vector<16xi32>
      %add3A_979 = arith.addi %add3A_978, %iota3A : vector<16xi32>
      %ge3A_980 = vector.broadcast %get3A_89 : i32 to vector<16xi32>
      %ge3A_981 = arith.cmpi sge, %add3A_979, %ge3A_980 : vector<16xi32>
      %lt3A_982 = vector.broadcast %get3A_92 : i32 to vector<16xi32>
      %lt3A_983 = arith.cmpi slt, %add3A_979, %lt3A_982 : vector<16xi32>
      %and3A_984 = arith.andi %ge3A_981, %lt3A_983 : vector<16xi1>
      %jit3A_985 = arith.constant 0.000000e+00 : f32
      %broadcast_in_dim3A_986 = vector.broadcast %jit3A_985 : f32 to vector<16xf32>
      %select_n3A_987 = arith.select %and3A_984, %get3A_975, %broadcast_in_dim3A_986 : vector<16xi1>, vector<16xf32>
      %add3A_988 = arith.addf %add3A_968, %select_n3A_987 : vector<16xf32>
      %jit3A_989 = arith.constant 0xFF800000 : f32
      %broadcast_in_dim3A_990 = vector.broadcast %jit3A_989 : f32 to vector<16xf32>
      %select_n3A_991 = arith.select %and3A_984, %get3A_975, %broadcast_in_dim3A_990 : vector<16xi1>, vector<16xf32>
      %max3A_992 = arith.maximumf %max3A_972, %select_n3A_991 : vector<16xf32>
      %get3A_993 = arith.constant 704 : index
      %get3A_994 = tpu.vector_load %arg6[%get3A_993] {strides = array<i32>} : memref<2064xf32, #tpu.memory_space<vmem>>, vector<16xf32>,
      %get3A_995 = vector.shape_cast %get3A_994 : vector<16xf32> to vector<16xf32>
      %add3A_996 = arith.constant 704 : i32
      %add3A_997 = arith.addi %min3A_111, %add3A_996 : i32
      %add3A_998 = vector.broadcast %add3A_997 : i32 to vector<16xi32>
      %add3A_999 = arith.addi %add3A_998, %iota3A : vector<16xi32>
      %ge3A_1000 = vector.broadcast %get3A_89 : i32 to vector<16xi32>
      %ge3A_1001 = arith.cmpi sge, %add3A_999, %ge3A_1000 : vector<16xi32>
      %lt3A_1002 = vector.broadcast %get3A_92 : i32 to vector<16xi32>
      %lt3A_1003 = arith.cmpi slt, %add3A_999, %lt3A_1002 : vector<16xi32>
      %and3A_1004 = arith.andi %ge3A_1001, %lt3A_1003 : vector<16xi1>
      %jit3A_1005 = arith.constant 0.000000e+00 : f32
      %broadcast_in_dim3A_1006 = vector.broadcast %jit3A_1005 : f32 to vector<16xf32>
      %select_n3A_1007 = arith.select %and3A_1004, %get3A_995, %broadcast_in_dim3A_1006 : vector<16xi1>, vector<16xf32>
      %add3A_1008 = arith.addf %add3A_988, %select_n3A_1007 : vector<16xf32>
      %jit3A_1009 = arith.constant 0xFF800000 : f32
      %broadcast_in_dim3A_1010 = vector.broadcast %jit3A_1009 : f32 to vector<16xf32>
      %select_n3A_1011 = arith.select %and3A_1004, %get3A_995, %broadcast_in_dim3A_1010 : vector<16xi1>, vector<16xf32>
      %max3A_1012 = arith.maximumf %max3A_992, %select_n3A_1011 : vector<16xf32>
      %get3A_1013 = arith.constant 720 : index
      %get3A_1014 = tpu.vector_load %arg6[%get3A_1013] {strides = array<i32>} : memref<2064xf32, #tpu.memory_space<vmem>>, vector<16xf32>,
      %get3A_1015 = vector.shape_cast %get3A_1014 : vector<16xf32> to vector<16xf32>
      %add3A_1016 = arith.constant 720 : i32
      %add3A_1017 = arith.addi %min3A_111, %add3A_1016 : i32
      %add3A_1018 = vector.broadcast %add3A_1017 : i32 to vector<16xi32>
      %add3A_1019 = arith.addi %add3A_1018, %iota3A : vector<16xi32>
      %ge3A_1020 = vector.broadcast %get3A_89 : i32 to vector<16xi32>
      %ge3A_1021 = arith.cmpi sge, %add3A_1019, %ge3A_1020 : vector<16xi32>
      %lt3A_1022 = vector.broadcast %get3A_92 : i32 to vector<16xi32>
      %lt3A_1023 = arith.cmpi slt, %add3A_1019, %lt3A_1022 : vector<16xi32>
      %and3A_1024 = arith.andi %ge3A_1021, %lt3A_1023 : vector<16xi1>
      %jit3A_1025 = arith.constant 0.000000e+00 : f32
      %broadcast_in_dim3A_1026 = vector.broadcast %jit3A_1025 : f32 to vector<16xf32>
      %select_n3A_1027 = arith.select %and3A_1024, %get3A_1015, %broadcast_in_dim3A_1026 : vector<16xi1>, vector<16xf32>
      %add3A_1028 = arith.addf %add3A_1008, %select_n3A_1027 : vector<16xf32>
      %jit3A_1029 = arith.constant 0xFF800000 : f32
      %broadcast_in_dim3A_1030 = vector.broadcast %jit3A_1029 : f32 to vector<16xf32>
      %select_n3A_1031 = arith.select %and3A_1024, %get3A_1015, %broadcast_in_dim3A_1030 : vector<16xi1>, vector<16xf32>
      %max3A_1032 = arith.maximumf %max3A_1012, %select_n3A_1031 : vector<16xf32>
      %get3A_1033 = arith.constant 736 : index
      %get3A_1034 = tpu.vector_load %arg6[%get3A_1033] {strides = array<i32>} : memref<2064xf32, #tpu.memory_space<vmem>>, vector<16xf32>,
      %get3A_1035 = vector.shape_cast %get3A_1034 : vector<16xf32> to vector<16xf32>
      %add3A_1036 = arith.constant 736 : i32
      %add3A_1037 = arith.addi %min3A_111, %add3A_1036 : i32
      %add3A_1038 = vector.broadcast %add3A_1037 : i32 to vector<16xi32>
      %add3A_1039 = arith.addi %add3A_1038, %iota3A : vector<16xi32>
      %ge3A_1040 = vector.broadcast %get3A_89 : i32 to vector<16xi32>
      %ge3A_1041 = arith.cmpi sge, %add3A_1039, %ge3A_1040 : vector<16xi32>
      %lt3A_1042 = vector.broadcast %get3A_92 : i32 to vector<16xi32>
      %lt3A_1043 = arith.cmpi slt, %add3A_1039, %lt3A_1042 : vector<16xi32>
      %and3A_1044 = arith.andi %ge3A_1041, %lt3A_1043 : vector<16xi1>
      %jit3A_1045 = arith.constant 0.000000e+00 : f32
      %broadcast_in_dim3A_1046 = vector.broadcast %jit3A_1045 : f32 to vector<16xf32>
      %select_n3A_1047 = arith.select %and3A_1044, %get3A_1035, %broadcast_in_dim3A_1046 : vector<16xi1>, vector<16xf32>
      %add3A_1048 = arith.addf %add3A_1028, %select_n3A_1047 : vector<16xf32>
      %jit3A_1049 = arith.constant 0xFF800000 : f32
      %broadcast_in_dim3A_1050 = vector.broadcast %jit3A_1049 : f32 to vector<16xf32>
      %select_n3A_1051 = arith.select %and3A_1044, %get3A_1035, %broadcast_in_dim3A_1050 : vector<16xi1>, vector<16xf32>
      %max3A_1052 = arith.maximumf %max3A_1032, %select_n3A_1051 : vector<16xf32>
      %get3A_1053 = arith.constant 752 : index
      %get3A_1054 = tpu.vector_load %arg6[%get3A_1053] {strides = array<i32>} : memref<2064xf32, #tpu.memory_space<vmem>>, vector<16xf32>,
      %get3A_1055 = vector.shape_cast %get3A_1054 : vector<16xf32> to vector<16xf32>
      %add3A_1056 = arith.constant 752 : i32
      %add3A_1057 = arith.addi %min3A_111, %add3A_1056 : i32
      %add3A_1058 = vector.broadcast %add3A_1057 : i32 to vector<16xi32>
      %add3A_1059 = arith.addi %add3A_1058, %iota3A : vector<16xi32>
      %ge3A_1060 = vector.broadcast %get3A_89 : i32 to vector<16xi32>
      %ge3A_1061 = arith.cmpi sge, %add3A_1059, %ge3A_1060 : vector<16xi32>
      %lt3A_1062 = vector.broadcast %get3A_92 : i32 to vector<16xi32>
      %lt3A_1063 = arith.cmpi slt, %add3A_1059, %lt3A_1062 : vector<16xi32>
      %and3A_1064 = arith.andi %ge3A_1061, %lt3A_1063 : vector<16xi1>
      %jit3A_1065 = arith.constant 0.000000e+00 : f32
      %broadcast_in_dim3A_1066 = vector.broadcast %jit3A_1065 : f32 to vector<16xf32>
      %select_n3A_1067 = arith.select %and3A_1064, %get3A_1055, %broadcast_in_dim3A_1066 : vector<16xi1>, vector<16xf32>
      %add3A_1068 = arith.addf %add3A_1048, %select_n3A_1067 : vector<16xf32>
      %jit3A_1069 = arith.constant 0xFF800000 : f32
      %broadcast_in_dim3A_1070 = vector.broadcast %jit3A_1069 : f32 to vector<16xf32>
      %select_n3A_1071 = arith.select %and3A_1064, %get3A_1055, %broadcast_in_dim3A_1070 : vector<16xi1>, vector<16xf32>
      %max3A_1072 = arith.maximumf %max3A_1052, %select_n3A_1071 : vector<16xf32>
      %get3A_1073 = arith.constant 768 : index
      %get3A_1074 = tpu.vector_load %arg6[%get3A_1073] {strides = array<i32>} : memref<2064xf32, #tpu.memory_space<vmem>>, vector<16xf32>,
      %get3A_1075 = vector.shape_cast %get3A_1074 : vector<16xf32> to vector<16xf32>
      %add3A_1076 = arith.constant 768 : i32
      %add3A_1077 = arith.addi %min3A_111, %add3A_1076 : i32
      %add3A_1078 = vector.broadcast %add3A_1077 : i32 to vector<16xi32>
      %add3A_1079 = arith.addi %add3A_1078, %iota3A : vector<16xi32>
      %ge3A_1080 = vector.broadcast %get3A_89 : i32 to vector<16xi32>
      %ge3A_1081 = arith.cmpi sge, %add3A_1079, %ge3A_1080 : vector<16xi32>
      %lt3A_1082 = vector.broadcast %get3A_92 : i32 to vector<16xi32>
      %lt3A_1083 = arith.cmpi slt, %add3A_1079, %lt3A_1082 : vector<16xi32>
      %and3A_1084 = arith.andi %ge3A_1081, %lt3A_1083 : vector<16xi1>
      %jit3A_1085 = arith.constant 0.000000e+00 : f32
      %broadcast_in_dim3A_1086 = vector.broadcast %jit3A_1085 : f32 to vector<16xf32>
      %select_n3A_1087 = arith.select %and3A_1084, %get3A_1075, %broadcast_in_dim3A_1086 : vector<16xi1>, vector<16xf32>
      %add3A_1088 = arith.addf %add3A_1068, %select_n3A_1087 : vector<16xf32>
      %jit3A_1089 = arith.constant 0xFF800000 : f32
      %broadcast_in_dim3A_1090 = vector.broadcast %jit3A_1089 : f32 to vector<16xf32>
      %select_n3A_1091 = arith.select %and3A_1084, %get3A_1075, %broadcast_in_dim3A_1090 : vector<16xi1>, vector<16xf32>
      %max3A_1092 = arith.maximumf %max3A_1072, %select_n3A_1091 : vector<16xf32>
      %get3A_1093 = arith.constant 784 : index
      %get3A_1094 = tpu.vector_load %arg6[%get3A_1093] {strides = array<i32>} : memref<2064xf32, #tpu.memory_space<vmem>>, vector<16xf32>,
      %get3A_1095 = vector.shape_cast %get3A_1094 : vector<16xf32> to vector<16xf32>
      %add3A_1096 = arith.constant 784 : i32
      %add3A_1097 = arith.addi %min3A_111, %add3A_1096 : i32
      %add3A_1098 = vector.broadcast %add3A_1097 : i32 to vector<16xi32>
      %add3A_1099 = arith.addi %add3A_1098, %iota3A : vector<16xi32>
      %ge3A_1100 = vector.broadcast %get3A_89 : i32 to vector<16xi32>
      %ge3A_1101 = arith.cmpi sge, %add3A_1099, %ge3A_1100 : vector<16xi32>
      %lt3A_1102 = vector.broadcast %get3A_92 : i32 to vector<16xi32>
      %lt3A_1103 = arith.cmpi slt, %add3A_1099, %lt3A_1102 : vector<16xi32>
      %and3A_1104 = arith.andi %ge3A_1101, %lt3A_1103 : vector<16xi1>
      %jit3A_1105 = arith.constant 0.000000e+00 : f32
      %broadcast_in_dim3A_1106 = vector.broadcast %jit3A_1105 : f32 to vector<16xf32>
      %select_n3A_1107 = arith.select %and3A_1104, %get3A_1095, %broadcast_in_dim3A_1106 : vector<16xi1>, vector<16xf32>
      %add3A_1108 = arith.addf %add3A_1088, %select_n3A_1107 : vector<16xf32>
      %jit3A_1109 = arith.constant 0xFF800000 : f32
      %broadcast_in_dim3A_1110 = vector.broadcast %jit3A_1109 : f32 to vector<16xf32>
      %select_n3A_1111 = arith.select %and3A_1104, %get3A_1095, %broadcast_in_dim3A_1110 : vector<16xi1>, vector<16xf32>
      %max3A_1112 = arith.maximumf %max3A_1092, %select_n3A_1111 : vector<16xf32>
      %get3A_1113 = arith.constant 800 : index
      %get3A_1114 = tpu.vector_load %arg6[%get3A_1113] {strides = array<i32>} : memref<2064xf32, #tpu.memory_space<vmem>>, vector<16xf32>,
      %get3A_1115 = vector.shape_cast %get3A_1114 : vector<16xf32> to vector<16xf32>
      %add3A_1116 = arith.constant 800 : i32
      %add3A_1117 = arith.addi %min3A_111, %add3A_1116 : i32
      %add3A_1118 = vector.broadcast %add3A_1117 : i32 to vector<16xi32>
      %add3A_1119 = arith.addi %add3A_1118, %iota3A : vector<16xi32>
      %ge3A_1120 = vector.broadcast %get3A_89 : i32 to vector<16xi32>
      %ge3A_1121 = arith.cmpi sge, %add3A_1119, %ge3A_1120 : vector<16xi32>
      %lt3A_1122 = vector.broadcast %get3A_92 : i32 to vector<16xi32>
      %lt3A_1123 = arith.cmpi slt, %add3A_1119, %lt3A_1122 : vector<16xi32>
      %and3A_1124 = arith.andi %ge3A_1121, %lt3A_1123 : vector<16xi1>
      %jit3A_1125 = arith.constant 0.000000e+00 : f32
      %broadcast_in_dim3A_1126 = vector.broadcast %jit3A_1125 : f32 to vector<16xf32>
      %select_n3A_1127 = arith.select %and3A_1124, %get3A_1115, %broadcast_in_dim3A_1126 : vector<16xi1>, vector<16xf32>
      %add3A_1128 = arith.addf %add3A_1108, %select_n3A_1127 : vector<16xf32>
      %jit3A_1129 = arith.constant 0xFF800000 : f32
      %broadcast_in_dim3A_1130 = vector.broadcast %jit3A_1129 : f32 to vector<16xf32>
      %select_n3A_1131 = arith.select %and3A_1124, %get3A_1115, %broadcast_in_dim3A_1130 : vector<16xi1>, vector<16xf32>
      %max3A_1132 = arith.maximumf %max3A_1112, %select_n3A_1131 : vector<16xf32>
      %get3A_1133 = arith.constant 816 : index
      %get3A_1134 = tpu.vector_load %arg6[%get3A_1133] {strides = array<i32>} : memref<2064xf32, #tpu.memory_space<vmem>>, vector<16xf32>,
      %get3A_1135 = vector.shape_cast %get3A_1134 : vector<16xf32> to vector<16xf32>
      %add3A_1136 = arith.constant 816 : i32
      %add3A_1137 = arith.addi %min3A_111, %add3A_1136 : i32
      %add3A_1138 = vector.broadcast %add3A_1137 : i32 to vector<16xi32>
      %add3A_1139 = arith.addi %add3A_1138, %iota3A : vector<16xi32>
      %ge3A_1140 = vector.broadcast %get3A_89 : i32 to vector<16xi32>
      %ge3A_1141 = arith.cmpi sge, %add3A_1139, %ge3A_1140 : vector<16xi32>
      %lt3A_1142 = vector.broadcast %get3A_92 : i32 to vector<16xi32>
      %lt3A_1143 = arith.cmpi slt, %add3A_1139, %lt3A_1142 : vector<16xi32>
      %and3A_1144 = arith.andi %ge3A_1141, %lt3A_1143 : vector<16xi1>
      %jit3A_1145 = arith.constant 0.000000e+00 : f32
      %broadcast_in_dim3A_1146 = vector.broadcast %jit3A_1145 : f32 to vector<16xf32>
      %select_n3A_1147 = arith.select %and3A_1144, %get3A_1135, %broadcast_in_dim3A_1146 : vector<16xi1>, vector<16xf32>
      %add3A_1148 = arith.addf %add3A_1128, %select_n3A_1147 : vector<16xf32>
      %jit3A_1149 = arith.constant 0xFF800000 : f32
      %broadcast_in_dim3A_1150 = vector.broadcast %jit3A_1149 : f32 to vector<16xf32>
      %select_n3A_1151 = arith.select %and3A_1144, %get3A_1135, %broadcast_in_dim3A_1150 : vector<16xi1>, vector<16xf32>
      %max3A_1152 = arith.maximumf %max3A_1132, %select_n3A_1151 : vector<16xf32>
      %get3A_1153 = arith.constant 832 : index
      %get3A_1154 = tpu.vector_load %arg6[%get3A_1153] {strides = array<i32>} : memref<2064xf32, #tpu.memory_space<vmem>>, vector<16xf32>,
      %get3A_1155 = vector.shape_cast %get3A_1154 : vector<16xf32> to vector<16xf32>
      %add3A_1156 = arith.constant 832 : i32
      %add3A_1157 = arith.addi %min3A_111, %add3A_1156 : i32
      %add3A_1158 = vector.broadcast %add3A_1157 : i32 to vector<16xi32>
      %add3A_1159 = arith.addi %add3A_1158, %iota3A : vector<16xi32>
      %ge3A_1160 = vector.broadcast %get3A_89 : i32 to vector<16xi32>
      %ge3A_1161 = arith.cmpi sge, %add3A_1159, %ge3A_1160 : vector<16xi32>
      %lt3A_1162 = vector.broadcast %get3A_92 : i32 to vector<16xi32>
      %lt3A_1163 = arith.cmpi slt, %add3A_1159, %lt3A_1162 : vector<16xi32>
      %and3A_1164 = arith.andi %ge3A_1161, %lt3A_1163 : vector<16xi1>
      %jit3A_1165 = arith.constant 0.000000e+00 : f32
      %broadcast_in_dim3A_1166 = vector.broadcast %jit3A_1165 : f32 to vector<16xf32>
      %select_n3A_1167 = arith.select %and3A_1164, %get3A_1155, %broadcast_in_dim3A_1166 : vector<16xi1>, vector<16xf32>
      %add3A_1168 = arith.addf %add3A_1148, %select_n3A_1167 : vector<16xf32>
      %jit3A_1169 = arith.constant 0xFF800000 : f32
      %broadcast_in_dim3A_1170 = vector.broadcast %jit3A_1169 : f32 to vector<16xf32>
      %select_n3A_1171 = arith.select %and3A_1164, %get3A_1155, %broadcast_in_dim3A_1170 : vector<16xi1>, vector<16xf32>
      %max3A_1172 = arith.maximumf %max3A_1152, %select_n3A_1171 : vector<16xf32>
      %get3A_1173 = arith.constant 848 : index
      %get3A_1174 = tpu.vector_load %arg6[%get3A_1173] {strides = array<i32>} : memref<2064xf32, #tpu.memory_space<vmem>>, vector<16xf32>,
      %get3A_1175 = vector.shape_cast %get3A_1174 : vector<16xf32> to vector<16xf32>
      %add3A_1176 = arith.constant 848 : i32
      %add3A_1177 = arith.addi %min3A_111, %add3A_1176 : i32
      %add3A_1178 = vector.broadcast %add3A_1177 : i32 to vector<16xi32>
      %add3A_1179 = arith.addi %add3A_1178, %iota3A : vector<16xi32>
      %ge3A_1180 = vector.broadcast %get3A_89 : i32 to vector<16xi32>
      %ge3A_1181 = arith.cmpi sge, %add3A_1179, %ge3A_1180 : vector<16xi32>
      %lt3A_1182 = vector.broadcast %get3A_92 : i32 to vector<16xi32>
      %lt3A_1183 = arith.cmpi slt, %add3A_1179, %lt3A_1182 : vector<16xi32>
      %and3A_1184 = arith.andi %ge3A_1181, %lt3A_1183 : vector<16xi1>
      %jit3A_1185 = arith.constant 0.000000e+00 : f32
      %broadcast_in_dim3A_1186 = vector.broadcast %jit3A_1185 : f32 to vector<16xf32>
      %select_n3A_1187 = arith.select %and3A_1184, %get3A_1175, %broadcast_in_dim3A_1186 : vector<16xi1>, vector<16xf32>
      %add3A_1188 = arith.addf %add3A_1168, %select_n3A_1187 : vector<16xf32>
      %jit3A_1189 = arith.constant 0xFF800000 : f32
      %broadcast_in_dim3A_1190 = vector.broadcast %jit3A_1189 : f32 to vector<16xf32>
      %select_n3A_1191 = arith.select %and3A_1184, %get3A_1175, %broadcast_in_dim3A_1190 : vector<16xi1>, vector<16xf32>
      %max3A_1192 = arith.maximumf %max3A_1172, %select_n3A_1191 : vector<16xf32>
      %get3A_1193 = arith.constant 864 : index
      %get3A_1194 = tpu.vector_load %arg6[%get3A_1193] {strides = array<i32>} : memref<2064xf32, #tpu.memory_space<vmem>>, vector<16xf32>,
      %get3A_1195 = vector.shape_cast %get3A_1194 : vector<16xf32> to vector<16xf32>
      %add3A_1196 = arith.constant 864 : i32
      %add3A_1197 = arith.addi %min3A_111, %add3A_1196 : i32
      %add3A_1198 = vector.broadcast %add3A_1197 : i32 to vector<16xi32>
      %add3A_1199 = arith.addi %add3A_1198, %iota3A : vector<16xi32>
      %ge3A_1200 = vector.broadcast %get3A_89 : i32 to vector<16xi32>
      %ge3A_1201 = arith.cmpi sge, %add3A_1199, %ge3A_1200 : vector<16xi32>
      %lt3A_1202 = vector.broadcast %get3A_92 : i32 to vector<16xi32>
      %lt3A_1203 = arith.cmpi slt, %add3A_1199, %lt3A_1202 : vector<16xi32>
      %and3A_1204 = arith.andi %ge3A_1201, %lt3A_1203 : vector<16xi1>
      %jit3A_1205 = arith.constant 0.000000e+00 : f32
      %broadcast_in_dim3A_1206 = vector.broadcast %jit3A_1205 : f32 to vector<16xf32>
      %select_n3A_1207 = arith.select %and3A_1204, %get3A_1195, %broadcast_in_dim3A_1206 : vector<16xi1>, vector<16xf32>
      %add3A_1208 = arith.addf %add3A_1188, %select_n3A_1207 : vector<16xf32>
      %jit3A_1209 = arith.constant 0xFF800000 : f32
      %broadcast_in_dim3A_1210 = vector.broadcast %jit3A_1209 : f32 to vector<16xf32>
      %select_n3A_1211 = arith.select %and3A_1204, %get3A_1195, %broadcast_in_dim3A_1210 : vector<16xi1>, vector<16xf32>
      %max3A_1212 = arith.maximumf %max3A_1192, %select_n3A_1211 : vector<16xf32>
      %get3A_1213 = arith.constant 880 : index
      %get3A_1214 = tpu.vector_load %arg6[%get3A_1213] {strides = array<i32>} : memref<2064xf32, #tpu.memory_space<vmem>>, vector<16xf32>,
      %get3A_1215 = vector.shape_cast %get3A_1214 : vector<16xf32> to vector<16xf32>
      %add3A_1216 = arith.constant 880 : i32
      %add3A_1217 = arith.addi %min3A_111, %add3A_1216 : i32
      %add3A_1218 = vector.broadcast %add3A_1217 : i32 to vector<16xi32>
      %add3A_1219 = arith.addi %add3A_1218, %iota3A : vector<16xi32>
      %ge3A_1220 = vector.broadcast %get3A_89 : i32 to vector<16xi32>
      %ge3A_1221 = arith.cmpi sge, %add3A_1219, %ge3A_1220 : vector<16xi32>
      %lt3A_1222 = vector.broadcast %get3A_92 : i32 to vector<16xi32>
      %lt3A_1223 = arith.cmpi slt, %add3A_1219, %lt3A_1222 : vector<16xi32>
      %and3A_1224 = arith.andi %ge3A_1221, %lt3A_1223 : vector<16xi1>
      %jit3A_1225 = arith.constant 0.000000e+00 : f32
      %broadcast_in_dim3A_1226 = vector.broadcast %jit3A_1225 : f32 to vector<16xf32>
      %select_n3A_1227 = arith.select %and3A_1224, %get3A_1215, %broadcast_in_dim3A_1226 : vector<16xi1>, vector<16xf32>
      %add3A_1228 = arith.addf %add3A_1208, %select_n3A_1227 : vector<16xf32>
      %jit3A_1229 = arith.constant 0xFF800000 : f32
      %broadcast_in_dim3A_1230 = vector.broadcast %jit3A_1229 : f32 to vector<16xf32>
      %select_n3A_1231 = arith.select %and3A_1224, %get3A_1215, %broadcast_in_dim3A_1230 : vector<16xi1>, vector<16xf32>
      %max3A_1232 = arith.maximumf %max3A_1212, %select_n3A_1231 : vector<16xf32>
      %get3A_1233 = arith.constant 896 : index
      %get3A_1234 = tpu.vector_load %arg6[%get3A_1233] {strides = array<i32>} : memref<2064xf32, #tpu.memory_space<vmem>>, vector<16xf32>,
      %get3A_1235 = vector.shape_cast %get3A_1234 : vector<16xf32> to vector<16xf32>
      %add3A_1236 = arith.constant 896 : i32
      %add3A_1237 = arith.addi %min3A_111, %add3A_1236 : i32
      %add3A_1238 = vector.broadcast %add3A_1237 : i32 to vector<16xi32>
      %add3A_1239 = arith.addi %add3A_1238, %iota3A : vector<16xi32>
      %ge3A_1240 = vector.broadcast %get3A_89 : i32 to vector<16xi32>
      %ge3A_1241 = arith.cmpi sge, %add3A_1239, %ge3A_1240 : vector<16xi32>
      %lt3A_1242 = vector.broadcast %get3A_92 : i32 to vector<16xi32>
      %lt3A_1243 = arith.cmpi slt, %add3A_1239, %lt3A_1242 : vector<16xi32>
      %and3A_1244 = arith.andi %ge3A_1241, %lt3A_1243 : vector<16xi1>
      %jit3A_1245 = arith.constant 0.000000e+00 : f32
      %broadcast_in_dim3A_1246 = vector.broadcast %jit3A_1245 : f32 to vector<16xf32>
      %select_n3A_1247 = arith.select %and3A_1244, %get3A_1235, %broadcast_in_dim3A_1246 : vector<16xi1>, vector<16xf32>
      %add3A_1248 = arith.addf %add3A_1228, %select_n3A_1247 : vector<16xf32>
      %jit3A_1249 = arith.constant 0xFF800000 : f32
      %broadcast_in_dim3A_1250 = vector.broadcast %jit3A_1249 : f32 to vector<16xf32>
      %select_n3A_1251 = arith.select %and3A_1244, %get3A_1235, %broadcast_in_dim3A_1250 : vector<16xi1>, vector<16xf32>
      %max3A_1252 = arith.maximumf %max3A_1232, %select_n3A_1251 : vector<16xf32>
      %get3A_1253 = arith.constant 912 : index
      %get3A_1254 = tpu.vector_load %arg6[%get3A_1253] {strides = array<i32>} : memref<2064xf32, #tpu.memory_space<vmem>>, vector<16xf32>,
      %get3A_1255 = vector.shape_cast %get3A_1254 : vector<16xf32> to vector<16xf32>
      %add3A_1256 = arith.constant 912 : i32
      %add3A_1257 = arith.addi %min3A_111, %add3A_1256 : i32
      %add3A_1258 = vector.broadcast %add3A_1257 : i32 to vector<16xi32>
      %add3A_1259 = arith.addi %add3A_1258, %iota3A : vector<16xi32>
      %ge3A_1260 = vector.broadcast %get3A_89 : i32 to vector<16xi32>
      %ge3A_1261 = arith.cmpi sge, %add3A_1259, %ge3A_1260 : vector<16xi32>
      %lt3A_1262 = vector.broadcast %get3A_92 : i32 to vector<16xi32>
      %lt3A_1263 = arith.cmpi slt, %add3A_1259, %lt3A_1262 : vector<16xi32>
      %and3A_1264 = arith.andi %ge3A_1261, %lt3A_1263 : vector<16xi1>
      %jit3A_1265 = arith.constant 0.000000e+00 : f32
      %broadcast_in_dim3A_1266 = vector.broadcast %jit3A_1265 : f32 to vector<16xf32>
      %select_n3A_1267 = arith.select %and3A_1264, %get3A_1255, %broadcast_in_dim3A_1266 : vector<16xi1>, vector<16xf32>
      %add3A_1268 = arith.addf %add3A_1248, %select_n3A_1267 : vector<16xf32>
      %jit3A_1269 = arith.constant 0xFF800000 : f32
      %broadcast_in_dim3A_1270 = vector.broadcast %jit3A_1269 : f32 to vector<16xf32>
      %select_n3A_1271 = arith.select %and3A_1264, %get3A_1255, %broadcast_in_dim3A_1270 : vector<16xi1>, vector<16xf32>
      %max3A_1272 = arith.maximumf %max3A_1252, %select_n3A_1271 : vector<16xf32>
      %get3A_1273 = arith.constant 928 : index
      %get3A_1274 = tpu.vector_load %arg6[%get3A_1273] {strides = array<i32>} : memref<2064xf32, #tpu.memory_space<vmem>>, vector<16xf32>,
      %get3A_1275 = vector.shape_cast %get3A_1274 : vector<16xf32> to vector<16xf32>
      %add3A_1276 = arith.constant 928 : i32
      %add3A_1277 = arith.addi %min3A_111, %add3A_1276 : i32
      %add3A_1278 = vector.broadcast %add3A_1277 : i32 to vector<16xi32>
      %add3A_1279 = arith.addi %add3A_1278, %iota3A : vector<16xi32>
      %ge3A_1280 = vector.broadcast %get3A_89 : i32 to vector<16xi32>
      %ge3A_1281 = arith.cmpi sge, %add3A_1279, %ge3A_1280 : vector<16xi32>
      %lt3A_1282 = vector.broadcast %get3A_92 : i32 to vector<16xi32>
      %lt3A_1283 = arith.cmpi slt, %add3A_1279, %lt3A_1282 : vector<16xi32>
      %and3A_1284 = arith.andi %ge3A_1281, %lt3A_1283 : vector<16xi1>
      %jit3A_1285 = arith.constant 0.000000e+00 : f32
      %broadcast_in_dim3A_1286 = vector.broadcast %jit3A_1285 : f32 to vector<16xf32>
      %select_n3A_1287 = arith.select %and3A_1284, %get3A_1275, %broadcast_in_dim3A_1286 : vector<16xi1>, vector<16xf32>
      %add3A_1288 = arith.addf %add3A_1268, %select_n3A_1287 : vector<16xf32>
      %jit3A_1289 = arith.constant 0xFF800000 : f32
      %broadcast_in_dim3A_1290 = vector.broadcast %jit3A_1289 : f32 to vector<16xf32>
      %select_n3A_1291 = arith.select %and3A_1284, %get3A_1275, %broadcast_in_dim3A_1290 : vector<16xi1>, vector<16xf32>
      %max3A_1292 = arith.maximumf %max3A_1272, %select_n3A_1291 : vector<16xf32>
      %get3A_1293 = arith.constant 944 : index
      %get3A_1294 = tpu.vector_load %arg6[%get3A_1293] {strides = array<i32>} : memref<2064xf32, #tpu.memory_space<vmem>>, vector<16xf32>,
      %get3A_1295 = vector.shape_cast %get3A_1294 : vector<16xf32> to vector<16xf32>
      %add3A_1296 = arith.constant 944 : i32
      %add3A_1297 = arith.addi %min3A_111, %add3A_1296 : i32
      %add3A_1298 = vector.broadcast %add3A_1297 : i32 to vector<16xi32>
      %add3A_1299 = arith.addi %add3A_1298, %iota3A : vector<16xi32>
      %ge3A_1300 = vector.broadcast %get3A_89 : i32 to vector<16xi32>
      %ge3A_1301 = arith.cmpi sge, %add3A_1299, %ge3A_1300 : vector<16xi32>
      %lt3A_1302 = vector.broadcast %get3A_92 : i32 to vector<16xi32>
      %lt3A_1303 = arith.cmpi slt, %add3A_1299, %lt3A_1302 : vector<16xi32>
      %and3A_1304 = arith.andi %ge3A_1301, %lt3A_1303 : vector<16xi1>
      %jit3A_1305 = arith.constant 0.000000e+00 : f32
      %broadcast_in_dim3A_1306 = vector.broadcast %jit3A_1305 : f32 to vector<16xf32>
      %select_n3A_1307 = arith.select %and3A_1304, %get3A_1295, %broadcast_in_dim3A_1306 : vector<16xi1>, vector<16xf32>
      %add3A_1308 = arith.addf %add3A_1288, %select_n3A_1307 : vector<16xf32>
      %jit3A_1309 = arith.constant 0xFF800000 : f32
      %broadcast_in_dim3A_1310 = vector.broadcast %jit3A_1309 : f32 to vector<16xf32>
      %select_n3A_1311 = arith.select %and3A_1304, %get3A_1295, %broadcast_in_dim3A_1310 : vector<16xi1>, vector<16xf32>
      %max3A_1312 = arith.maximumf %max3A_1292, %select_n3A_1311 : vector<16xf32>
      %get3A_1313 = arith.constant 960 : index
      %get3A_1314 = tpu.vector_load %arg6[%get3A_1313] {strides = array<i32>} : memref<2064xf32, #tpu.memory_space<vmem>>, vector<16xf32>,
      %get3A_1315 = vector.shape_cast %get3A_1314 : vector<16xf32> to vector<16xf32>
      %add3A_1316 = arith.constant 960 : i32
      %add3A_1317 = arith.addi %min3A_111, %add3A_1316 : i32
      %add3A_1318 = vector.broadcast %add3A_1317 : i32 to vector<16xi32>
      %add3A_1319 = arith.addi %add3A_1318, %iota3A : vector<16xi32>
      %ge3A_1320 = vector.broadcast %get3A_89 : i32 to vector<16xi32>
      %ge3A_1321 = arith.cmpi sge, %add3A_1319, %ge3A_1320 : vector<16xi32>
      %lt3A_1322 = vector.broadcast %get3A_92 : i32 to vector<16xi32>
      %lt3A_1323 = arith.cmpi slt, %add3A_1319, %lt3A_1322 : vector<16xi32>
      %and3A_1324 = arith.andi %ge3A_1321, %lt3A_1323 : vector<16xi1>
      %jit3A_1325 = arith.constant 0.000000e+00 : f32
      %broadcast_in_dim3A_1326 = vector.broadcast %jit3A_1325 : f32 to vector<16xf32>
      %select_n3A_1327 = arith.select %and3A_1324, %get3A_1315, %broadcast_in_dim3A_1326 : vector<16xi1>, vector<16xf32>
      %add3A_1328 = arith.addf %add3A_1308, %select_n3A_1327 : vector<16xf32>
      %jit3A_1329 = arith.constant 0xFF800000 : f32
      %broadcast_in_dim3A_1330 = vector.broadcast %jit3A_1329 : f32 to vector<16xf32>
      %select_n3A_1331 = arith.select %and3A_1324, %get3A_1315, %broadcast_in_dim3A_1330 : vector<16xi1>, vector<16xf32>
      %max3A_1332 = arith.maximumf %max3A_1312, %select_n3A_1331 : vector<16xf32>
      %get3A_1333 = arith.constant 976 : index
      %get3A_1334 = tpu.vector_load %arg6[%get3A_1333] {strides = array<i32>} : memref<2064xf32, #tpu.memory_space<vmem>>, vector<16xf32>,
      %get3A_1335 = vector.shape_cast %get3A_1334 : vector<16xf32> to vector<16xf32>
      %add3A_1336 = arith.constant 976 : i32
      %add3A_1337 = arith.addi %min3A_111, %add3A_1336 : i32
      %add3A_1338 = vector.broadcast %add3A_1337 : i32 to vector<16xi32>
      %add3A_1339 = arith.addi %add3A_1338, %iota3A : vector<16xi32>
      %ge3A_1340 = vector.broadcast %get3A_89 : i32 to vector<16xi32>
      %ge3A_1341 = arith.cmpi sge, %add3A_1339, %ge3A_1340 : vector<16xi32>
      %lt3A_1342 = vector.broadcast %get3A_92 : i32 to vector<16xi32>
      %lt3A_1343 = arith.cmpi slt, %add3A_1339, %lt3A_1342 : vector<16xi32>
      %and3A_1344 = arith.andi %ge3A_1341, %lt3A_1343 : vector<16xi1>
      %jit3A_1345 = arith.constant 0.000000e+00 : f32
      %broadcast_in_dim3A_1346 = vector.broadcast %jit3A_1345 : f32 to vector<16xf32>
      %select_n3A_1347 = arith.select %and3A_1344, %get3A_1335, %broadcast_in_dim3A_1346 : vector<16xi1>, vector<16xf32>
      %add3A_1348 = arith.addf %add3A_1328, %select_n3A_1347 : vector<16xf32>
      %jit3A_1349 = arith.constant 0xFF800000 : f32
      %broadcast_in_dim3A_1350 = vector.broadcast %jit3A_1349 : f32 to vector<16xf32>
      %select_n3A_1351 = arith.select %and3A_1344, %get3A_1335, %broadcast_in_dim3A_1350 : vector<16xi1>, vector<16xf32>
      %max3A_1352 = arith.maximumf %max3A_1332, %select_n3A_1351 : vector<16xf32>
      %get3A_1353 = arith.constant 992 : index
      %get3A_1354 = tpu.vector_load %arg6[%get3A_1353] {strides = array<i32>} : memref<2064xf32, #tpu.memory_space<vmem>>, vector<16xf32>,
      %get3A_1355 = vector.shape_cast %get3A_1354 : vector<16xf32> to vector<16xf32>
      %add3A_1356 = arith.constant 992 : i32
      %add3A_1357 = arith.addi %min3A_111, %add3A_1356 : i32
      %add3A_1358 = vector.broadcast %add3A_1357 : i32 to vector<16xi32>
      %add3A_1359 = arith.addi %add3A_1358, %iota3A : vector<16xi32>
      %ge3A_1360 = vector.broadcast %get3A_89 : i32 to vector<16xi32>
      %ge3A_1361 = arith.cmpi sge, %add3A_1359, %ge3A_1360 : vector<16xi32>
      %lt3A_1362 = vector.broadcast %get3A_92 : i32 to vector<16xi32>
      %lt3A_1363 = arith.cmpi slt, %add3A_1359, %lt3A_1362 : vector<16xi32>
      %and3A_1364 = arith.andi %ge3A_1361, %lt3A_1363 : vector<16xi1>
      %jit3A_1365 = arith.constant 0.000000e+00 : f32
      %broadcast_in_dim3A_1366 = vector.broadcast %jit3A_1365 : f32 to vector<16xf32>
      %select_n3A_1367 = arith.select %and3A_1364, %get3A_1355, %broadcast_in_dim3A_1366 : vector<16xi1>, vector<16xf32>
      %add3A_1368 = arith.addf %add3A_1348, %select_n3A_1367 : vector<16xf32>
      %jit3A_1369 = arith.constant 0xFF800000 : f32
      %broadcast_in_dim3A_1370 = vector.broadcast %jit3A_1369 : f32 to vector<16xf32>
      %select_n3A_1371 = arith.select %and3A_1364, %get3A_1355, %broadcast_in_dim3A_1370 : vector<16xi1>, vector<16xf32>
      %max3A_1372 = arith.maximumf %max3A_1352, %select_n3A_1371 : vector<16xf32>
      %get3A_1373 = arith.constant 1008 : index
      %get3A_1374 = tpu.vector_load %arg6[%get3A_1373] {strides = array<i32>} : memref<2064xf32, #tpu.memory_space<vmem>>, vector<16xf32>,
      %get3A_1375 = vector.shape_cast %get3A_1374 : vector<16xf32> to vector<16xf32>
      %add3A_1376 = arith.constant 1008 : i32
      %add3A_1377 = arith.addi %min3A_111, %add3A_1376 : i32
      %add3A_1378 = vector.broadcast %add3A_1377 : i32 to vector<16xi32>
      %add3A_1379 = arith.addi %add3A_1378, %iota3A : vector<16xi32>
      %ge3A_1380 = vector.broadcast %get3A_89 : i32 to vector<16xi32>
      %ge3A_1381 = arith.cmpi sge, %add3A_1379, %ge3A_1380 : vector<16xi32>
      %lt3A_1382 = vector.broadcast %get3A_92 : i32 to vector<16xi32>
      %lt3A_1383 = arith.cmpi slt, %add3A_1379, %lt3A_1382 : vector<16xi32>
      %and3A_1384 = arith.andi %ge3A_1381, %lt3A_1383 : vector<16xi1>
      %jit3A_1385 = arith.constant 0.000000e+00 : f32
      %broadcast_in_dim3A_1386 = vector.broadcast %jit3A_1385 : f32 to vector<16xf32>
      %select_n3A_1387 = arith.select %and3A_1384, %get3A_1375, %broadcast_in_dim3A_1386 : vector<16xi1>, vector<16xf32>
      %add3A_1388 = arith.addf %add3A_1368, %select_n3A_1387 : vector<16xf32>
      %jit3A_1389 = arith.constant 0xFF800000 : f32
      %broadcast_in_dim3A_1390 = vector.broadcast %jit3A_1389 : f32 to vector<16xf32>
      %select_n3A_1391 = arith.select %and3A_1384, %get3A_1375, %broadcast_in_dim3A_1390 : vector<16xi1>, vector<16xf32>
      %max3A_1392 = arith.maximumf %max3A_1372, %select_n3A_1391 : vector<16xf32>
      %get3A_1393 = arith.constant 1024 : index
      %get3A_1394 = tpu.vector_load %arg6[%get3A_1393] {strides = array<i32>} : memref<2064xf32, #tpu.memory_space<vmem>>, vector<16xf32>,
      %get3A_1395 = vector.shape_cast %get3A_1394 : vector<16xf32> to vector<16xf32>
      %add3A_1396 = arith.constant 1024 : i32
      %add3A_1397 = arith.addi %min3A_111, %add3A_1396 : i32
      %add3A_1398 = vector.broadcast %add3A_1397 : i32 to vector<16xi32>
      %add3A_1399 = arith.addi %add3A_1398, %iota3A : vector<16xi32>
      %ge3A_1400 = vector.broadcast %get3A_89 : i32 to vector<16xi32>
      %ge3A_1401 = arith.cmpi sge, %add3A_1399, %ge3A_1400 : vector<16xi32>
      %lt3A_1402 = vector.broadcast %get3A_92 : i32 to vector<16xi32>
      %lt3A_1403 = arith.cmpi slt, %add3A_1399, %lt3A_1402 : vector<16xi32>
      %and3A_1404 = arith.andi %ge3A_1401, %lt3A_1403 : vector<16xi1>
      %jit3A_1405 = arith.constant 0.000000e+00 : f32
      %broadcast_in_dim3A_1406 = vector.broadcast %jit3A_1405 : f32 to vector<16xf32>
      %select_n3A_1407 = arith.select %and3A_1404, %get3A_1395, %broadcast_in_dim3A_1406 : vector<16xi1>, vector<16xf32>
      %add3A_1408 = arith.addf %add3A_1388, %select_n3A_1407 : vector<16xf32>
      %jit3A_1409 = arith.constant 0xFF800000 : f32
      %broadcast_in_dim3A_1410 = vector.broadcast %jit3A_1409 : f32 to vector<16xf32>
      %select_n3A_1411 = arith.select %and3A_1404, %get3A_1395, %broadcast_in_dim3A_1410 : vector<16xi1>, vector<16xf32>
      %max3A_1412 = arith.maximumf %max3A_1392, %select_n3A_1411 : vector<16xf32>
      %get3A_1413 = arith.constant 1040 : index
      %get3A_1414 = tpu.vector_load %arg6[%get3A_1413] {strides = array<i32>} : memref<2064xf32, #tpu.memory_space<vmem>>, vector<16xf32>,
      %get3A_1415 = vector.shape_cast %get3A_1414 : vector<16xf32> to vector<16xf32>
      %add3A_1416 = arith.constant 1040 : i32
      %add3A_1417 = arith.addi %min3A_111, %add3A_1416 : i32
      %add3A_1418 = vector.broadcast %add3A_1417 : i32 to vector<16xi32>
      %add3A_1419 = arith.addi %add3A_1418, %iota3A : vector<16xi32>
      %ge3A_1420 = vector.broadcast %get3A_89 : i32 to vector<16xi32>
      %ge3A_1421 = arith.cmpi sge, %add3A_1419, %ge3A_1420 : vector<16xi32>
      %lt3A_1422 = vector.broadcast %get3A_92 : i32 to vector<16xi32>
      %lt3A_1423 = arith.cmpi slt, %add3A_1419, %lt3A_1422 : vector<16xi32>
      %and3A_1424 = arith.andi %ge3A_1421, %lt3A_1423 : vector<16xi1>
      %jit3A_1425 = arith.constant 0.000000e+00 : f32
      %broadcast_in_dim3A_1426 = vector.broadcast %jit3A_1425 : f32 to vector<16xf32>
      %select_n3A_1427 = arith.select %and3A_1424, %get3A_1415, %broadcast_in_dim3A_1426 : vector<16xi1>, vector<16xf32>
      %add3A_1428 = arith.addf %add3A_1408, %select_n3A_1427 : vector<16xf32>
      %jit3A_1429 = arith.constant 0xFF800000 : f32
      %broadcast_in_dim3A_1430 = vector.broadcast %jit3A_1429 : f32 to vector<16xf32>
      %select_n3A_1431 = arith.select %and3A_1424, %get3A_1415, %broadcast_in_dim3A_1430 : vector<16xi1>, vector<16xf32>
      %max3A_1432 = arith.maximumf %max3A_1412, %select_n3A_1431 : vector<16xf32>
      %get3A_1433 = arith.constant 1056 : index
      %get3A_1434 = tpu.vector_load %arg6[%get3A_1433] {strides = array<i32>} : memref<2064xf32, #tpu.memory_space<vmem>>, vector<16xf32>,
      %get3A_1435 = vector.shape_cast %get3A_1434 : vector<16xf32> to vector<16xf32>
      %add3A_1436 = arith.constant 1056 : i32
      %add3A_1437 = arith.addi %min3A_111, %add3A_1436 : i32
      %add3A_1438 = vector.broadcast %add3A_1437 : i32 to vector<16xi32>
      %add3A_1439 = arith.addi %add3A_1438, %iota3A : vector<16xi32>
      %ge3A_1440 = vector.broadcast %get3A_89 : i32 to vector<16xi32>
      %ge3A_1441 = arith.cmpi sge, %add3A_1439, %ge3A_1440 : vector<16xi32>
      %lt3A_1442 = vector.broadcast %get3A_92 : i32 to vector<16xi32>
      %lt3A_1443 = arith.cmpi slt, %add3A_1439, %lt3A_1442 : vector<16xi32>
      %and3A_1444 = arith.andi %ge3A_1441, %lt3A_1443 : vector<16xi1>
      %jit3A_1445 = arith.constant 0.000000e+00 : f32
      %broadcast_in_dim3A_1446 = vector.broadcast %jit3A_1445 : f32 to vector<16xf32>
      %select_n3A_1447 = arith.select %and3A_1444, %get3A_1435, %broadcast_in_dim3A_1446 : vector<16xi1>, vector<16xf32>
      %add3A_1448 = arith.addf %add3A_1428, %select_n3A_1447 : vector<16xf32>
      %jit3A_1449 = arith.constant 0xFF800000 : f32
      %broadcast_in_dim3A_1450 = vector.broadcast %jit3A_1449 : f32 to vector<16xf32>
      %select_n3A_1451 = arith.select %and3A_1444, %get3A_1435, %broadcast_in_dim3A_1450 : vector<16xi1>, vector<16xf32>
      %max3A_1452 = arith.maximumf %max3A_1432, %select_n3A_1451 : vector<16xf32>
      %get3A_1453 = arith.constant 1072 : index
      %get3A_1454 = tpu.vector_load %arg6[%get3A_1453] {strides = array<i32>} : memref<2064xf32, #tpu.memory_space<vmem>>, vector<16xf32>,
      %get3A_1455 = vector.shape_cast %get3A_1454 : vector<16xf32> to vector<16xf32>
      %add3A_1456 = arith.constant 1072 : i32
      %add3A_1457 = arith.addi %min3A_111, %add3A_1456 : i32
      %add3A_1458 = vector.broadcast %add3A_1457 : i32 to vector<16xi32>
      %add3A_1459 = arith.addi %add3A_1458, %iota3A : vector<16xi32>
      %ge3A_1460 = vector.broadcast %get3A_89 : i32 to vector<16xi32>
      %ge3A_1461 = arith.cmpi sge, %add3A_1459, %ge3A_1460 : vector<16xi32>
      %lt3A_1462 = vector.broadcast %get3A_92 : i32 to vector<16xi32>
      %lt3A_1463 = arith.cmpi slt, %add3A_1459, %lt3A_1462 : vector<16xi32>
      %and3A_1464 = arith.andi %ge3A_1461, %lt3A_1463 : vector<16xi1>
      %jit3A_1465 = arith.constant 0.000000e+00 : f32
      %broadcast_in_dim3A_1466 = vector.broadcast %jit3A_1465 : f32 to vector<16xf32>
      %select_n3A_1467 = arith.select %and3A_1464, %get3A_1455, %broadcast_in_dim3A_1466 : vector<16xi1>, vector<16xf32>
      %add3A_1468 = arith.addf %add3A_1448, %select_n3A_1467 : vector<16xf32>
      %jit3A_1469 = arith.constant 0xFF800000 : f32
      %broadcast_in_dim3A_1470 = vector.broadcast %jit3A_1469 : f32 to vector<16xf32>
      %select_n3A_1471 = arith.select %and3A_1464, %get3A_1455, %broadcast_in_dim3A_1470 : vector<16xi1>, vector<16xf32>
      %max3A_1472 = arith.maximumf %max3A_1452, %select_n3A_1471 : vector<16xf32>
      %get3A_1473 = arith.constant 1088 : index
      %get3A_1474 = tpu.vector_load %arg6[%get3A_1473] {strides = array<i32>} : memref<2064xf32, #tpu.memory_space<vmem>>, vector<16xf32>,
      %get3A_1475 = vector.shape_cast %get3A_1474 : vector<16xf32> to vector<16xf32>
      %add3A_1476 = arith.constant 1088 : i32
      %add3A_1477 = arith.addi %min3A_111, %add3A_1476 : i32
      %add3A_1478 = vector.broadcast %add3A_1477 : i32 to vector<16xi32>
      %add3A_1479 = arith.addi %add3A_1478, %iota3A : vector<16xi32>
      %ge3A_1480 = vector.broadcast %get3A_89 : i32 to vector<16xi32>
      %ge3A_1481 = arith.cmpi sge, %add3A_1479, %ge3A_1480 : vector<16xi32>
      %lt3A_1482 = vector.broadcast %get3A_92 : i32 to vector<16xi32>
      %lt3A_1483 = arith.cmpi slt, %add3A_1479, %lt3A_1482 : vector<16xi32>
      %and3A_1484 = arith.andi %ge3A_1481, %lt3A_1483 : vector<16xi1>
      %jit3A_1485 = arith.constant 0.000000e+00 : f32
      %broadcast_in_dim3A_1486 = vector.broadcast %jit3A_1485 : f32 to vector<16xf32>
      %select_n3A_1487 = arith.select %and3A_1484, %get3A_1475, %broadcast_in_dim3A_1486 : vector<16xi1>, vector<16xf32>
      %add3A_1488 = arith.addf %add3A_1468, %select_n3A_1487 : vector<16xf32>
      %jit3A_1489 = arith.constant 0xFF800000 : f32
      %broadcast_in_dim3A_1490 = vector.broadcast %jit3A_1489 : f32 to vector<16xf32>
      %select_n3A_1491 = arith.select %and3A_1484, %get3A_1475, %broadcast_in_dim3A_1490 : vector<16xi1>, vector<16xf32>
      %max3A_1492 = arith.maximumf %max3A_1472, %select_n3A_1491 : vector<16xf32>
      %get3A_1493 = arith.constant 1104 : index
      %get3A_1494 = tpu.vector_load %arg6[%get3A_1493] {strides = array<i32>} : memref<2064xf32, #tpu.memory_space<vmem>>, vector<16xf32>,
      %get3A_1495 = vector.shape_cast %get3A_1494 : vector<16xf32> to vector<16xf32>
      %add3A_1496 = arith.constant 1104 : i32
      %add3A_1497 = arith.addi %min3A_111, %add3A_1496 : i32
      %add3A_1498 = vector.broadcast %add3A_1497 : i32 to vector<16xi32>
      %add3A_1499 = arith.addi %add3A_1498, %iota3A : vector<16xi32>
      %ge3A_1500 = vector.broadcast %get3A_89 : i32 to vector<16xi32>
      %ge3A_1501 = arith.cmpi sge, %add3A_1499, %ge3A_1500 : vector<16xi32>
      %lt3A_1502 = vector.broadcast %get3A_92 : i32 to vector<16xi32>
      %lt3A_1503 = arith.cmpi slt, %add3A_1499, %lt3A_1502 : vector<16xi32>
      %and3A_1504 = arith.andi %ge3A_1501, %lt3A_1503 : vector<16xi1>
      %jit3A_1505 = arith.constant 0.000000e+00 : f32
      %broadcast_in_dim3A_1506 = vector.broadcast %jit3A_1505 : f32 to vector<16xf32>
      %select_n3A_1507 = arith.select %and3A_1504, %get3A_1495, %broadcast_in_dim3A_1506 : vector<16xi1>, vector<16xf32>
      %add3A_1508 = arith.addf %add3A_1488, %select_n3A_1507 : vector<16xf32>
      %jit3A_1509 = arith.constant 0xFF800000 : f32
      %broadcast_in_dim3A_1510 = vector.broadcast %jit3A_1509 : f32 to vector<16xf32>
      %select_n3A_1511 = arith.select %and3A_1504, %get3A_1495, %broadcast_in_dim3A_1510 : vector<16xi1>, vector<16xf32>
      %max3A_1512 = arith.maximumf %max3A_1492, %select_n3A_1511 : vector<16xf32>
      %get3A_1513 = arith.constant 1120 : index
      %get3A_1514 = tpu.vector_load %arg6[%get3A_1513] {strides = array<i32>} : memref<2064xf32, #tpu.memory_space<vmem>>, vector<16xf32>,
      %get3A_1515 = vector.shape_cast %get3A_1514 : vector<16xf32> to vector<16xf32>
      %add3A_1516 = arith.constant 1120 : i32
      %add3A_1517 = arith.addi %min3A_111, %add3A_1516 : i32
      %add3A_1518 = vector.broadcast %add3A_1517 : i32 to vector<16xi32>
      %add3A_1519 = arith.addi %add3A_1518, %iota3A : vector<16xi32>
      %ge3A_1520 = vector.broadcast %get3A_89 : i32 to vector<16xi32>
      %ge3A_1521 = arith.cmpi sge, %add3A_1519, %ge3A_1520 : vector<16xi32>
      %lt3A_1522 = vector.broadcast %get3A_92 : i32 to vector<16xi32>
      %lt3A_1523 = arith.cmpi slt, %add3A_1519, %lt3A_1522 : vector<16xi32>
      %and3A_1524 = arith.andi %ge3A_1521, %lt3A_1523 : vector<16xi1>
      %jit3A_1525 = arith.constant 0.000000e+00 : f32
      %broadcast_in_dim3A_1526 = vector.broadcast %jit3A_1525 : f32 to vector<16xf32>
      %select_n3A_1527 = arith.select %and3A_1524, %get3A_1515, %broadcast_in_dim3A_1526 : vector<16xi1>, vector<16xf32>
      %add3A_1528 = arith.addf %add3A_1508, %select_n3A_1527 : vector<16xf32>
      %jit3A_1529 = arith.constant 0xFF800000 : f32
      %broadcast_in_dim3A_1530 = vector.broadcast %jit3A_1529 : f32 to vector<16xf32>
      %select_n3A_1531 = arith.select %and3A_1524, %get3A_1515, %broadcast_in_dim3A_1530 : vector<16xi1>, vector<16xf32>
      %max3A_1532 = arith.maximumf %max3A_1512, %select_n3A_1531 : vector<16xf32>
      %get3A_1533 = arith.constant 1136 : index
      %get3A_1534 = tpu.vector_load %arg6[%get3A_1533] {strides = array<i32>} : memref<2064xf32, #tpu.memory_space<vmem>>, vector<16xf32>,
      %get3A_1535 = vector.shape_cast %get3A_1534 : vector<16xf32> to vector<16xf32>
      %add3A_1536 = arith.constant 1136 : i32
      %add3A_1537 = arith.addi %min3A_111, %add3A_1536 : i32
      %add3A_1538 = vector.broadcast %add3A_1537 : i32 to vector<16xi32>
      %add3A_1539 = arith.addi %add3A_1538, %iota3A : vector<16xi32>
      %ge3A_1540 = vector.broadcast %get3A_89 : i32 to vector<16xi32>
      %ge3A_1541 = arith.cmpi sge, %add3A_1539, %ge3A_1540 : vector<16xi32>
      %lt3A_1542 = vector.broadcast %get3A_92 : i32 to vector<16xi32>
      %lt3A_1543 = arith.cmpi slt, %add3A_1539, %lt3A_1542 : vector<16xi32>
      %and3A_1544 = arith.andi %ge3A_1541, %lt3A_1543 : vector<16xi1>
      %jit3A_1545 = arith.constant 0.000000e+00 : f32
      %broadcast_in_dim3A_1546 = vector.broadcast %jit3A_1545 : f32 to vector<16xf32>
      %select_n3A_1547 = arith.select %and3A_1544, %get3A_1535, %broadcast_in_dim3A_1546 : vector<16xi1>, vector<16xf32>
      %add3A_1548 = arith.addf %add3A_1528, %select_n3A_1547 : vector<16xf32>
      %jit3A_1549 = arith.constant 0xFF800000 : f32
      %broadcast_in_dim3A_1550 = vector.broadcast %jit3A_1549 : f32 to vector<16xf32>
      %select_n3A_1551 = arith.select %and3A_1544, %get3A_1535, %broadcast_in_dim3A_1550 : vector<16xi1>, vector<16xf32>
      %max3A_1552 = arith.maximumf %max3A_1532, %select_n3A_1551 : vector<16xf32>
      %get3A_1553 = arith.constant 1152 : index
      %get3A_1554 = tpu.vector_load %arg6[%get3A_1553] {strides = array<i32>} : memref<2064xf32, #tpu.memory_space<vmem>>, vector<16xf32>,
      %get3A_1555 = vector.shape_cast %get3A_1554 : vector<16xf32> to vector<16xf32>
      %add3A_1556 = arith.constant 1152 : i32
      %add3A_1557 = arith.addi %min3A_111, %add3A_1556 : i32
      %add3A_1558 = vector.broadcast %add3A_1557 : i32 to vector<16xi32>
      %add3A_1559 = arith.addi %add3A_1558, %iota3A : vector<16xi32>
      %ge3A_1560 = vector.broadcast %get3A_89 : i32 to vector<16xi32>
      %ge3A_1561 = arith.cmpi sge, %add3A_1559, %ge3A_1560 : vector<16xi32>
      %lt3A_1562 = vector.broadcast %get3A_92 : i32 to vector<16xi32>
      %lt3A_1563 = arith.cmpi slt, %add3A_1559, %lt3A_1562 : vector<16xi32>
      %and3A_1564 = arith.andi %ge3A_1561, %lt3A_1563 : vector<16xi1>
      %jit3A_1565 = arith.constant 0.000000e+00 : f32
      %broadcast_in_dim3A_1566 = vector.broadcast %jit3A_1565 : f32 to vector<16xf32>
      %select_n3A_1567 = arith.select %and3A_1564, %get3A_1555, %broadcast_in_dim3A_1566 : vector<16xi1>, vector<16xf32>
      %add3A_1568 = arith.addf %add3A_1548, %select_n3A_1567 : vector<16xf32>
      %jit3A_1569 = arith.constant 0xFF800000 : f32
      %broadcast_in_dim3A_1570 = vector.broadcast %jit3A_1569 : f32 to vector<16xf32>
      %select_n3A_1571 = arith.select %and3A_1564, %get3A_1555, %broadcast_in_dim3A_1570 : vector<16xi1>, vector<16xf32>
      %max3A_1572 = arith.maximumf %max3A_1552, %select_n3A_1571 : vector<16xf32>
      %get3A_1573 = arith.constant 1168 : index
      %get3A_1574 = tpu.vector_load %arg6[%get3A_1573] {strides = array<i32>} : memref<2064xf32, #tpu.memory_space<vmem>>, vector<16xf32>,
      %get3A_1575 = vector.shape_cast %get3A_1574 : vector<16xf32> to vector<16xf32>
      %add3A_1576 = arith.constant 1168 : i32
      %add3A_1577 = arith.addi %min3A_111, %add3A_1576 : i32
      %add3A_1578 = vector.broadcast %add3A_1577 : i32 to vector<16xi32>
      %add3A_1579 = arith.addi %add3A_1578, %iota3A : vector<16xi32>
      %ge3A_1580 = vector.broadcast %get3A_89 : i32 to vector<16xi32>
      %ge3A_1581 = arith.cmpi sge, %add3A_1579, %ge3A_1580 : vector<16xi32>
      %lt3A_1582 = vector.broadcast %get3A_92 : i32 to vector<16xi32>
      %lt3A_1583 = arith.cmpi slt, %add3A_1579, %lt3A_1582 : vector<16xi32>
      %and3A_1584 = arith.andi %ge3A_1581, %lt3A_1583 : vector<16xi1>
      %jit3A_1585 = arith.constant 0.000000e+00 : f32
      %broadcast_in_dim3A_1586 = vector.broadcast %jit3A_1585 : f32 to vector<16xf32>
      %select_n3A_1587 = arith.select %and3A_1584, %get3A_1575, %broadcast_in_dim3A_1586 : vector<16xi1>, vector<16xf32>
      %add3A_1588 = arith.addf %add3A_1568, %select_n3A_1587 : vector<16xf32>
      %jit3A_1589 = arith.constant 0xFF800000 : f32
      %broadcast_in_dim3A_1590 = vector.broadcast %jit3A_1589 : f32 to vector<16xf32>
      %select_n3A_1591 = arith.select %and3A_1584, %get3A_1575, %broadcast_in_dim3A_1590 : vector<16xi1>, vector<16xf32>
      %max3A_1592 = arith.maximumf %max3A_1572, %select_n3A_1591 : vector<16xf32>
      %get3A_1593 = arith.constant 1184 : index
      %get3A_1594 = tpu.vector_load %arg6[%get3A_1593] {strides = array<i32>} : memref<2064xf32, #tpu.memory_space<vmem>>, vector<16xf32>,
      %get3A_1595 = vector.shape_cast %get3A_1594 : vector<16xf32> to vector<16xf32>
      %add3A_1596 = arith.constant 1184 : i32
      %add3A_1597 = arith.addi %min3A_111, %add3A_1596 : i32
      %add3A_1598 = vector.broadcast %add3A_1597 : i32 to vector<16xi32>
      %add3A_1599 = arith.addi %add3A_1598, %iota3A : vector<16xi32>
      %ge3A_1600 = vector.broadcast %get3A_89 : i32 to vector<16xi32>
      %ge3A_1601 = arith.cmpi sge, %add3A_1599, %ge3A_1600 : vector<16xi32>
      %lt3A_1602 = vector.broadcast %get3A_92 : i32 to vector<16xi32>
      %lt3A_1603 = arith.cmpi slt, %add3A_1599, %lt3A_1602 : vector<16xi32>
      %and3A_1604 = arith.andi %ge3A_1601, %lt3A_1603 : vector<16xi1>
      %jit3A_1605 = arith.constant 0.000000e+00 : f32
      %broadcast_in_dim3A_1606 = vector.broadcast %jit3A_1605 : f32 to vector<16xf32>
      %select_n3A_1607 = arith.select %and3A_1604, %get3A_1595, %broadcast_in_dim3A_1606 : vector<16xi1>, vector<16xf32>
      %add3A_1608 = arith.addf %add3A_1588, %select_n3A_1607 : vector<16xf32>
      %jit3A_1609 = arith.constant 0xFF800000 : f32
      %broadcast_in_dim3A_1610 = vector.broadcast %jit3A_1609 : f32 to vector<16xf32>
      %select_n3A_1611 = arith.select %and3A_1604, %get3A_1595, %broadcast_in_dim3A_1610 : vector<16xi1>, vector<16xf32>
      %max3A_1612 = arith.maximumf %max3A_1592, %select_n3A_1611 : vector<16xf32>
      %get3A_1613 = arith.constant 1200 : index
      %get3A_1614 = tpu.vector_load %arg6[%get3A_1613] {strides = array<i32>} : memref<2064xf32, #tpu.memory_space<vmem>>, vector<16xf32>,
      %get3A_1615 = vector.shape_cast %get3A_1614 : vector<16xf32> to vector<16xf32>
      %add3A_1616 = arith.constant 1200 : i32
      %add3A_1617 = arith.addi %min3A_111, %add3A_1616 : i32
      %add3A_1618 = vector.broadcast %add3A_1617 : i32 to vector<16xi32>
      %add3A_1619 = arith.addi %add3A_1618, %iota3A : vector<16xi32>
      %ge3A_1620 = vector.broadcast %get3A_89 : i32 to vector<16xi32>
      %ge3A_1621 = arith.cmpi sge, %add3A_1619, %ge3A_1620 : vector<16xi32>
      %lt3A_1622 = vector.broadcast %get3A_92 : i32 to vector<16xi32>
      %lt3A_1623 = arith.cmpi slt, %add3A_1619, %lt3A_1622 : vector<16xi32>
      %and3A_1624 = arith.andi %ge3A_1621, %lt3A_1623 : vector<16xi1>
      %jit3A_1625 = arith.constant 0.000000e+00 : f32
      %broadcast_in_dim3A_1626 = vector.broadcast %jit3A_1625 : f32 to vector<16xf32>
      %select_n3A_1627 = arith.select %and3A_1624, %get3A_1615, %broadcast_in_dim3A_1626 : vector<16xi1>, vector<16xf32>
      %add3A_1628 = arith.addf %add3A_1608, %select_n3A_1627 : vector<16xf32>
      %jit3A_1629 = arith.constant 0xFF800000 : f32
      %broadcast_in_dim3A_1630 = vector.broadcast %jit3A_1629 : f32 to vector<16xf32>
      %select_n3A_1631 = arith.select %and3A_1624, %get3A_1615, %broadcast_in_dim3A_1630 : vector<16xi1>, vector<16xf32>
      %max3A_1632 = arith.maximumf %max3A_1612, %select_n3A_1631 : vector<16xf32>
      %get3A_1633 = arith.constant 1216 : index
      %get3A_1634 = tpu.vector_load %arg6[%get3A_1633] {strides = array<i32>} : memref<2064xf32, #tpu.memory_space<vmem>>, vector<16xf32>,
      %get3A_1635 = vector.shape_cast %get3A_1634 : vector<16xf32> to vector<16xf32>
      %add3A_1636 = arith.constant 1216 : i32
      %add3A_1637 = arith.addi %min3A_111, %add3A_1636 : i32
      %add3A_1638 = vector.broadcast %add3A_1637 : i32 to vector<16xi32>
      %add3A_1639 = arith.addi %add3A_1638, %iota3A : vector<16xi32>
      %ge3A_1640 = vector.broadcast %get3A_89 : i32 to vector<16xi32>
      %ge3A_1641 = arith.cmpi sge, %add3A_1639, %ge3A_1640 : vector<16xi32>
      %lt3A_1642 = vector.broadcast %get3A_92 : i32 to vector<16xi32>
      %lt3A_1643 = arith.cmpi slt, %add3A_1639, %lt3A_1642 : vector<16xi32>
      %and3A_1644 = arith.andi %ge3A_1641, %lt3A_1643 : vector<16xi1>
      %jit3A_1645 = arith.constant 0.000000e+00 : f32
      %broadcast_in_dim3A_1646 = vector.broadcast %jit3A_1645 : f32 to vector<16xf32>
      %select_n3A_1647 = arith.select %and3A_1644, %get3A_1635, %broadcast_in_dim3A_1646 : vector<16xi1>, vector<16xf32>
      %add3A_1648 = arith.addf %add3A_1628, %select_n3A_1647 : vector<16xf32>
      %jit3A_1649 = arith.constant 0xFF800000 : f32
      %broadcast_in_dim3A_1650 = vector.broadcast %jit3A_1649 : f32 to vector<16xf32>
      %select_n3A_1651 = arith.select %and3A_1644, %get3A_1635, %broadcast_in_dim3A_1650 : vector<16xi1>, vector<16xf32>
      %max3A_1652 = arith.maximumf %max3A_1632, %select_n3A_1651 : vector<16xf32>
      %get3A_1653 = arith.constant 1232 : index
      %get3A_1654 = tpu.vector_load %arg6[%get3A_1653] {strides = array<i32>} : memref<2064xf32, #tpu.memory_space<vmem>>, vector<16xf32>,
      %get3A_1655 = vector.shape_cast %get3A_1654 : vector<16xf32> to vector<16xf32>
      %add3A_1656 = arith.constant 1232 : i32
      %add3A_1657 = arith.addi %min3A_111, %add3A_1656 : i32
      %add3A_1658 = vector.broadcast %add3A_1657 : i32 to vector<16xi32>
      %add3A_1659 = arith.addi %add3A_1658, %iota3A : vector<16xi32>
      %ge3A_1660 = vector.broadcast %get3A_89 : i32 to vector<16xi32>
      %ge3A_1661 = arith.cmpi sge, %add3A_1659, %ge3A_1660 : vector<16xi32>
      %lt3A_1662 = vector.broadcast %get3A_92 : i32 to vector<16xi32>
      %lt3A_1663 = arith.cmpi slt, %add3A_1659, %lt3A_1662 : vector<16xi32>
      %and3A_1664 = arith.andi %ge3A_1661, %lt3A_1663 : vector<16xi1>
      %jit3A_1665 = arith.constant 0.000000e+00 : f32
      %broadcast_in_dim3A_1666 = vector.broadcast %jit3A_1665 : f32 to vector<16xf32>
      %select_n3A_1667 = arith.select %and3A_1664, %get3A_1655, %broadcast_in_dim3A_1666 : vector<16xi1>, vector<16xf32>
      %add3A_1668 = arith.addf %add3A_1648, %select_n3A_1667 : vector<16xf32>
      %jit3A_1669 = arith.constant 0xFF800000 : f32
      %broadcast_in_dim3A_1670 = vector.broadcast %jit3A_1669 : f32 to vector<16xf32>
      %select_n3A_1671 = arith.select %and3A_1664, %get3A_1655, %broadcast_in_dim3A_1670 : vector<16xi1>, vector<16xf32>
      %max3A_1672 = arith.maximumf %max3A_1652, %select_n3A_1671 : vector<16xf32>
      %get3A_1673 = arith.constant 1248 : index
      %get3A_1674 = tpu.vector_load %arg6[%get3A_1673] {strides = array<i32>} : memref<2064xf32, #tpu.memory_space<vmem>>, vector<16xf32>,
      %get3A_1675 = vector.shape_cast %get3A_1674 : vector<16xf32> to vector<16xf32>
      %add3A_1676 = arith.constant 1248 : i32
      %add3A_1677 = arith.addi %min3A_111, %add3A_1676 : i32
      %add3A_1678 = vector.broadcast %add3A_1677 : i32 to vector<16xi32>
      %add3A_1679 = arith.addi %add3A_1678, %iota3A : vector<16xi32>
      %ge3A_1680 = vector.broadcast %get3A_89 : i32 to vector<16xi32>
      %ge3A_1681 = arith.cmpi sge, %add3A_1679, %ge3A_1680 : vector<16xi32>
      %lt3A_1682 = vector.broadcast %get3A_92 : i32 to vector<16xi32>
      %lt3A_1683 = arith.cmpi slt, %add3A_1679, %lt3A_1682 : vector<16xi32>
      %and3A_1684 = arith.andi %ge3A_1681, %lt3A_1683 : vector<16xi1>
      %jit3A_1685 = arith.constant 0.000000e+00 : f32
      %broadcast_in_dim3A_1686 = vector.broadcast %jit3A_1685 : f32 to vector<16xf32>
      %select_n3A_1687 = arith.select %and3A_1684, %get3A_1675, %broadcast_in_dim3A_1686 : vector<16xi1>, vector<16xf32>
      %add3A_1688 = arith.addf %add3A_1668, %select_n3A_1687 : vector<16xf32>
      %jit3A_1689 = arith.constant 0xFF800000 : f32
      %broadcast_in_dim3A_1690 = vector.broadcast %jit3A_1689 : f32 to vector<16xf32>
      %select_n3A_1691 = arith.select %and3A_1684, %get3A_1675, %broadcast_in_dim3A_1690 : vector<16xi1>, vector<16xf32>
      %max3A_1692 = arith.maximumf %max3A_1672, %select_n3A_1691 : vector<16xf32>
      %get3A_1693 = arith.constant 1264 : index
      %get3A_1694 = tpu.vector_load %arg6[%get3A_1693] {strides = array<i32>} : memref<2064xf32, #tpu.memory_space<vmem>>, vector<16xf32>,
      %get3A_1695 = vector.shape_cast %get3A_1694 : vector<16xf32> to vector<16xf32>
      %add3A_1696 = arith.constant 1264 : i32
      %add3A_1697 = arith.addi %min3A_111, %add3A_1696 : i32
      %add3A_1698 = vector.broadcast %add3A_1697 : i32 to vector<16xi32>
      %add3A_1699 = arith.addi %add3A_1698, %iota3A : vector<16xi32>
      %ge3A_1700 = vector.broadcast %get3A_89 : i32 to vector<16xi32>
      %ge3A_1701 = arith.cmpi sge, %add3A_1699, %ge3A_1700 : vector<16xi32>
      %lt3A_1702 = vector.broadcast %get3A_92 : i32 to vector<16xi32>
      %lt3A_1703 = arith.cmpi slt, %add3A_1699, %lt3A_1702 : vector<16xi32>
      %and3A_1704 = arith.andi %ge3A_1701, %lt3A_1703 : vector<16xi1>
      %jit3A_1705 = arith.constant 0.000000e+00 : f32
      %broadcast_in_dim3A_1706 = vector.broadcast %jit3A_1705 : f32 to vector<16xf32>
      %select_n3A_1707 = arith.select %and3A_1704, %get3A_1695, %broadcast_in_dim3A_1706 : vector<16xi1>, vector<16xf32>
      %add3A_1708 = arith.addf %add3A_1688, %select_n3A_1707 : vector<16xf32>
      %jit3A_1709 = arith.constant 0xFF800000 : f32
      %broadcast_in_dim3A_1710 = vector.broadcast %jit3A_1709 : f32 to vector<16xf32>
      %select_n3A_1711 = arith.select %and3A_1704, %get3A_1695, %broadcast_in_dim3A_1710 : vector<16xi1>, vector<16xf32>
      %max3A_1712 = arith.maximumf %max3A_1692, %select_n3A_1711 : vector<16xf32>
      %get3A_1713 = arith.constant 1280 : index
      %get3A_1714 = tpu.vector_load %arg6[%get3A_1713] {strides = array<i32>} : memref<2064xf32, #tpu.memory_space<vmem>>, vector<16xf32>,
      %get3A_1715 = vector.shape_cast %get3A_1714 : vector<16xf32> to vector<16xf32>
      %add3A_1716 = arith.constant 1280 : i32
      %add3A_1717 = arith.addi %min3A_111, %add3A_1716 : i32
      %add3A_1718 = vector.broadcast %add3A_1717 : i32 to vector<16xi32>
      %add3A_1719 = arith.addi %add3A_1718, %iota3A : vector<16xi32>
      %ge3A_1720 = vector.broadcast %get3A_89 : i32 to vector<16xi32>
      %ge3A_1721 = arith.cmpi sge, %add3A_1719, %ge3A_1720 : vector<16xi32>
      %lt3A_1722 = vector.broadcast %get3A_92 : i32 to vector<16xi32>
      %lt3A_1723 = arith.cmpi slt, %add3A_1719, %lt3A_1722 : vector<16xi32>
      %and3A_1724 = arith.andi %ge3A_1721, %lt3A_1723 : vector<16xi1>
      %jit3A_1725 = arith.constant 0.000000e+00 : f32
      %broadcast_in_dim3A_1726 = vector.broadcast %jit3A_1725 : f32 to vector<16xf32>
      %select_n3A_1727 = arith.select %and3A_1724, %get3A_1715, %broadcast_in_dim3A_1726 : vector<16xi1>, vector<16xf32>
      %add3A_1728 = arith.addf %add3A_1708, %select_n3A_1727 : vector<16xf32>
      %jit3A_1729 = arith.constant 0xFF800000 : f32
      %broadcast_in_dim3A_1730 = vector.broadcast %jit3A_1729 : f32 to vector<16xf32>
      %select_n3A_1731 = arith.select %and3A_1724, %get3A_1715, %broadcast_in_dim3A_1730 : vector<16xi1>, vector<16xf32>
      %max3A_1732 = arith.maximumf %max3A_1712, %select_n3A_1731 : vector<16xf32>
      %get3A_1733 = arith.constant 1296 : index
      %get3A_1734 = tpu.vector_load %arg6[%get3A_1733] {strides = array<i32>} : memref<2064xf32, #tpu.memory_space<vmem>>, vector<16xf32>,
      %get3A_1735 = vector.shape_cast %get3A_1734 : vector<16xf32> to vector<16xf32>
      %add3A_1736 = arith.constant 1296 : i32
      %add3A_1737 = arith.addi %min3A_111, %add3A_1736 : i32
      %add3A_1738 = vector.broadcast %add3A_1737 : i32 to vector<16xi32>
      %add3A_1739 = arith.addi %add3A_1738, %iota3A : vector<16xi32>
      %ge3A_1740 = vector.broadcast %get3A_89 : i32 to vector<16xi32>
      %ge3A_1741 = arith.cmpi sge, %add3A_1739, %ge3A_1740 : vector<16xi32>
      %lt3A_1742 = vector.broadcast %get3A_92 : i32 to vector<16xi32>
      %lt3A_1743 = arith.cmpi slt, %add3A_1739, %lt3A_1742 : vector<16xi32>
      %and3A_1744 = arith.andi %ge3A_1741, %lt3A_1743 : vector<16xi1>
      %jit3A_1745 = arith.constant 0.000000e+00 : f32
      %broadcast_in_dim3A_1746 = vector.broadcast %jit3A_1745 : f32 to vector<16xf32>
      %select_n3A_1747 = arith.select %and3A_1744, %get3A_1735, %broadcast_in_dim3A_1746 : vector<16xi1>, vector<16xf32>
      %add3A_1748 = arith.addf %add3A_1728, %select_n3A_1747 : vector<16xf32>
      %jit3A_1749 = arith.constant 0xFF800000 : f32
      %broadcast_in_dim3A_1750 = vector.broadcast %jit3A_1749 : f32 to vector<16xf32>
      %select_n3A_1751 = arith.select %and3A_1744, %get3A_1735, %broadcast_in_dim3A_1750 : vector<16xi1>, vector<16xf32>
      %max3A_1752 = arith.maximumf %max3A_1732, %select_n3A_1751 : vector<16xf32>
      %get3A_1753 = arith.constant 1312 : index
      %get3A_1754 = tpu.vector_load %arg6[%get3A_1753] {strides = array<i32>} : memref<2064xf32, #tpu.memory_space<vmem>>, vector<16xf32>,
      %get3A_1755 = vector.shape_cast %get3A_1754 : vector<16xf32> to vector<16xf32>
      %add3A_1756 = arith.constant 1312 : i32
      %add3A_1757 = arith.addi %min3A_111, %add3A_1756 : i32
      %add3A_1758 = vector.broadcast %add3A_1757 : i32 to vector<16xi32>
      %add3A_1759 = arith.addi %add3A_1758, %iota3A : vector<16xi32>
      %ge3A_1760 = vector.broadcast %get3A_89 : i32 to vector<16xi32>
      %ge3A_1761 = arith.cmpi sge, %add3A_1759, %ge3A_1760 : vector<16xi32>
      %lt3A_1762 = vector.broadcast %get3A_92 : i32 to vector<16xi32>
      %lt3A_1763 = arith.cmpi slt, %add3A_1759, %lt3A_1762 : vector<16xi32>
      %and3A_1764 = arith.andi %ge3A_1761, %lt3A_1763 : vector<16xi1>
      %jit3A_1765 = arith.constant 0.000000e+00 : f32
      %broadcast_in_dim3A_1766 = vector.broadcast %jit3A_1765 : f32 to vector<16xf32>
      %select_n3A_1767 = arith.select %and3A_1764, %get3A_1755, %broadcast_in_dim3A_1766 : vector<16xi1>, vector<16xf32>
      %add3A_1768 = arith.addf %add3A_1748, %select_n3A_1767 : vector<16xf32>
      %jit3A_1769 = arith.constant 0xFF800000 : f32
      %broadcast_in_dim3A_1770 = vector.broadcast %jit3A_1769 : f32 to vector<16xf32>
      %select_n3A_1771 = arith.select %and3A_1764, %get3A_1755, %broadcast_in_dim3A_1770 : vector<16xi1>, vector<16xf32>
      %max3A_1772 = arith.maximumf %max3A_1752, %select_n3A_1771 : vector<16xf32>
      %get3A_1773 = arith.constant 1328 : index
      %get3A_1774 = tpu.vector_load %arg6[%get3A_1773] {strides = array<i32>} : memref<2064xf32, #tpu.memory_space<vmem>>, vector<16xf32>,
      %get3A_1775 = vector.shape_cast %get3A_1774 : vector<16xf32> to vector<16xf32>
      %add3A_1776 = arith.constant 1328 : i32
      %add3A_1777 = arith.addi %min3A_111, %add3A_1776 : i32
      %add3A_1778 = vector.broadcast %add3A_1777 : i32 to vector<16xi32>
      %add3A_1779 = arith.addi %add3A_1778, %iota3A : vector<16xi32>
      %ge3A_1780 = vector.broadcast %get3A_89 : i32 to vector<16xi32>
      %ge3A_1781 = arith.cmpi sge, %add3A_1779, %ge3A_1780 : vector<16xi32>
      %lt3A_1782 = vector.broadcast %get3A_92 : i32 to vector<16xi32>
      %lt3A_1783 = arith.cmpi slt, %add3A_1779, %lt3A_1782 : vector<16xi32>
      %and3A_1784 = arith.andi %ge3A_1781, %lt3A_1783 : vector<16xi1>
      %jit3A_1785 = arith.constant 0.000000e+00 : f32
      %broadcast_in_dim3A_1786 = vector.broadcast %jit3A_1785 : f32 to vector<16xf32>
      %select_n3A_1787 = arith.select %and3A_1784, %get3A_1775, %broadcast_in_dim3A_1786 : vector<16xi1>, vector<16xf32>
      %add3A_1788 = arith.addf %add3A_1768, %select_n3A_1787 : vector<16xf32>
      %jit3A_1789 = arith.constant 0xFF800000 : f32
      %broadcast_in_dim3A_1790 = vector.broadcast %jit3A_1789 : f32 to vector<16xf32>
      %select_n3A_1791 = arith.select %and3A_1784, %get3A_1775, %broadcast_in_dim3A_1790 : vector<16xi1>, vector<16xf32>
      %max3A_1792 = arith.maximumf %max3A_1772, %select_n3A_1791 : vector<16xf32>
      %get3A_1793 = arith.constant 1344 : index
      %get3A_1794 = tpu.vector_load %arg6[%get3A_1793] {strides = array<i32>} : memref<2064xf32, #tpu.memory_space<vmem>>, vector<16xf32>,
      %get3A_1795 = vector.shape_cast %get3A_1794 : vector<16xf32> to vector<16xf32>
      %add3A_1796 = arith.constant 1344 : i32
      %add3A_1797 = arith.addi %min3A_111, %add3A_1796 : i32
      %add3A_1798 = vector.broadcast %add3A_1797 : i32 to vector<16xi32>
      %add3A_1799 = arith.addi %add3A_1798, %iota3A : vector<16xi32>
      %ge3A_1800 = vector.broadcast %get3A_89 : i32 to vector<16xi32>
      %ge3A_1801 = arith.cmpi sge, %add3A_1799, %ge3A_1800 : vector<16xi32>
      %lt3A_1802 = vector.broadcast %get3A_92 : i32 to vector<16xi32>
      %lt3A_1803 = arith.cmpi slt, %add3A_1799, %lt3A_1802 : vector<16xi32>
      %and3A_1804 = arith.andi %ge3A_1801, %lt3A_1803 : vector<16xi1>
      %jit3A_1805 = arith.constant 0.000000e+00 : f32
      %broadcast_in_dim3A_1806 = vector.broadcast %jit3A_1805 : f32 to vector<16xf32>
      %select_n3A_1807 = arith.select %and3A_1804, %get3A_1795, %broadcast_in_dim3A_1806 : vector<16xi1>, vector<16xf32>
      %add3A_1808 = arith.addf %add3A_1788, %select_n3A_1807 : vector<16xf32>
      %jit3A_1809 = arith.constant 0xFF800000 : f32
      %broadcast_in_dim3A_1810 = vector.broadcast %jit3A_1809 : f32 to vector<16xf32>
      %select_n3A_1811 = arith.select %and3A_1804, %get3A_1795, %broadcast_in_dim3A_1810 : vector<16xi1>, vector<16xf32>
      %max3A_1812 = arith.maximumf %max3A_1792, %select_n3A_1811 : vector<16xf32>
      %get3A_1813 = arith.constant 1360 : index
      %get3A_1814 = tpu.vector_load %arg6[%get3A_1813] {strides = array<i32>} : memref<2064xf32, #tpu.memory_space<vmem>>, vector<16xf32>,
      %get3A_1815 = vector.shape_cast %get3A_1814 : vector<16xf32> to vector<16xf32>
      %add3A_1816 = arith.constant 1360 : i32
      %add3A_1817 = arith.addi %min3A_111, %add3A_1816 : i32
      %add3A_1818 = vector.broadcast %add3A_1817 : i32 to vector<16xi32>
      %add3A_1819 = arith.addi %add3A_1818, %iota3A : vector<16xi32>
      %ge3A_1820 = vector.broadcast %get3A_89 : i32 to vector<16xi32>
      %ge3A_1821 = arith.cmpi sge, %add3A_1819, %ge3A_1820 : vector<16xi32>
      %lt3A_1822 = vector.broadcast %get3A_92 : i32 to vector<16xi32>
      %lt3A_1823 = arith.cmpi slt, %add3A_1819, %lt3A_1822 : vector<16xi32>
      %and3A_1824 = arith.andi %ge3A_1821, %lt3A_1823 : vector<16xi1>
      %jit3A_1825 = arith.constant 0.000000e+00 : f32
      %broadcast_in_dim3A_1826 = vector.broadcast %jit3A_1825 : f32 to vector<16xf32>
      %select_n3A_1827 = arith.select %and3A_1824, %get3A_1815, %broadcast_in_dim3A_1826 : vector<16xi1>, vector<16xf32>
      %add3A_1828 = arith.addf %add3A_1808, %select_n3A_1827 : vector<16xf32>
      %jit3A_1829 = arith.constant 0xFF800000 : f32
      %broadcast_in_dim3A_1830 = vector.broadcast %jit3A_1829 : f32 to vector<16xf32>
      %select_n3A_1831 = arith.select %and3A_1824, %get3A_1815, %broadcast_in_dim3A_1830 : vector<16xi1>, vector<16xf32>
      %max3A_1832 = arith.maximumf %max3A_1812, %select_n3A_1831 : vector<16xf32>
      %get3A_1833 = arith.constant 1376 : index
      %get3A_1834 = tpu.vector_load %arg6[%get3A_1833] {strides = array<i32>} : memref<2064xf32, #tpu.memory_space<vmem>>, vector<16xf32>,
      %get3A_1835 = vector.shape_cast %get3A_1834 : vector<16xf32> to vector<16xf32>
      %add3A_1836 = arith.constant 1376 : i32
      %add3A_1837 = arith.addi %min3A_111, %add3A_1836 : i32
      %add3A_1838 = vector.broadcast %add3A_1837 : i32 to vector<16xi32>
      %add3A_1839 = arith.addi %add3A_1838, %iota3A : vector<16xi32>
      %ge3A_1840 = vector.broadcast %get3A_89 : i32 to vector<16xi32>
      %ge3A_1841 = arith.cmpi sge, %add3A_1839, %ge3A_1840 : vector<16xi32>
      %lt3A_1842 = vector.broadcast %get3A_92 : i32 to vector<16xi32>
      %lt3A_1843 = arith.cmpi slt, %add3A_1839, %lt3A_1842 : vector<16xi32>
      %and3A_1844 = arith.andi %ge3A_1841, %lt3A_1843 : vector<16xi1>
      %jit3A_1845 = arith.constant 0.000000e+00 : f32
      %broadcast_in_dim3A_1846 = vector.broadcast %jit3A_1845 : f32 to vector<16xf32>
      %select_n3A_1847 = arith.select %and3A_1844, %get3A_1835, %broadcast_in_dim3A_1846 : vector<16xi1>, vector<16xf32>
      %add3A_1848 = arith.addf %add3A_1828, %select_n3A_1847 : vector<16xf32>
      %jit3A_1849 = arith.constant 0xFF800000 : f32
      %broadcast_in_dim3A_1850 = vector.broadcast %jit3A_1849 : f32 to vector<16xf32>
      %select_n3A_1851 = arith.select %and3A_1844, %get3A_1835, %broadcast_in_dim3A_1850 : vector<16xi1>, vector<16xf32>
      %max3A_1852 = arith.maximumf %max3A_1832, %select_n3A_1851 : vector<16xf32>
      %get3A_1853 = arith.constant 1392 : index
      %get3A_1854 = tpu.vector_load %arg6[%get3A_1853] {strides = array<i32>} : memref<2064xf32, #tpu.memory_space<vmem>>, vector<16xf32>,
      %get3A_1855 = vector.shape_cast %get3A_1854 : vector<16xf32> to vector<16xf32>
      %add3A_1856 = arith.constant 1392 : i32
      %add3A_1857 = arith.addi %min3A_111, %add3A_1856 : i32
      %add3A_1858 = vector.broadcast %add3A_1857 : i32 to vector<16xi32>
      %add3A_1859 = arith.addi %add3A_1858, %iota3A : vector<16xi32>
      %ge3A_1860 = vector.broadcast %get3A_89 : i32 to vector<16xi32>
      %ge3A_1861 = arith.cmpi sge, %add3A_1859, %ge3A_1860 : vector<16xi32>
      %lt3A_1862 = vector.broadcast %get3A_92 : i32 to vector<16xi32>
      %lt3A_1863 = arith.cmpi slt, %add3A_1859, %lt3A_1862 : vector<16xi32>
      %and3A_1864 = arith.andi %ge3A_1861, %lt3A_1863 : vector<16xi1>
      %jit3A_1865 = arith.constant 0.000000e+00 : f32
      %broadcast_in_dim3A_1866 = vector.broadcast %jit3A_1865 : f32 to vector<16xf32>
      %select_n3A_1867 = arith.select %and3A_1864, %get3A_1855, %broadcast_in_dim3A_1866 : vector<16xi1>, vector<16xf32>
      %add3A_1868 = arith.addf %add3A_1848, %select_n3A_1867 : vector<16xf32>
      %jit3A_1869 = arith.constant 0xFF800000 : f32
      %broadcast_in_dim3A_1870 = vector.broadcast %jit3A_1869 : f32 to vector<16xf32>
      %select_n3A_1871 = arith.select %and3A_1864, %get3A_1855, %broadcast_in_dim3A_1870 : vector<16xi1>, vector<16xf32>
      %max3A_1872 = arith.maximumf %max3A_1852, %select_n3A_1871 : vector<16xf32>
      %get3A_1873 = arith.constant 1408 : index
      %get3A_1874 = tpu.vector_load %arg6[%get3A_1873] {strides = array<i32>} : memref<2064xf32, #tpu.memory_space<vmem>>, vector<16xf32>,
      %get3A_1875 = vector.shape_cast %get3A_1874 : vector<16xf32> to vector<16xf32>
      %add3A_1876 = arith.constant 1408 : i32
      %add3A_1877 = arith.addi %min3A_111, %add3A_1876 : i32
      %add3A_1878 = vector.broadcast %add3A_1877 : i32 to vector<16xi32>
      %add3A_1879 = arith.addi %add3A_1878, %iota3A : vector<16xi32>
      %ge3A_1880 = vector.broadcast %get3A_89 : i32 to vector<16xi32>
      %ge3A_1881 = arith.cmpi sge, %add3A_1879, %ge3A_1880 : vector<16xi32>
      %lt3A_1882 = vector.broadcast %get3A_92 : i32 to vector<16xi32>
      %lt3A_1883 = arith.cmpi slt, %add3A_1879, %lt3A_1882 : vector<16xi32>
      %and3A_1884 = arith.andi %ge3A_1881, %lt3A_1883 : vector<16xi1>
      %jit3A_1885 = arith.constant 0.000000e+00 : f32
      %broadcast_in_dim3A_1886 = vector.broadcast %jit3A_1885 : f32 to vector<16xf32>
      %select_n3A_1887 = arith.select %and3A_1884, %get3A_1875, %broadcast_in_dim3A_1886 : vector<16xi1>, vector<16xf32>
      %add3A_1888 = arith.addf %add3A_1868, %select_n3A_1887 : vector<16xf32>
      %jit3A_1889 = arith.constant 0xFF800000 : f32
      %broadcast_in_dim3A_1890 = vector.broadcast %jit3A_1889 : f32 to vector<16xf32>
      %select_n3A_1891 = arith.select %and3A_1884, %get3A_1875, %broadcast_in_dim3A_1890 : vector<16xi1>, vector<16xf32>
      %max3A_1892 = arith.maximumf %max3A_1872, %select_n3A_1891 : vector<16xf32>
      %get3A_1893 = arith.constant 1424 : index
      %get3A_1894 = tpu.vector_load %arg6[%get3A_1893] {strides = array<i32>} : memref<2064xf32, #tpu.memory_space<vmem>>, vector<16xf32>,
      %get3A_1895 = vector.shape_cast %get3A_1894 : vector<16xf32> to vector<16xf32>
      %add3A_1896 = arith.constant 1424 : i32
      %add3A_1897 = arith.addi %min3A_111, %add3A_1896 : i32
      %add3A_1898 = vector.broadcast %add3A_1897 : i32 to vector<16xi32>
      %add3A_1899 = arith.addi %add3A_1898, %iota3A : vector<16xi32>
      %ge3A_1900 = vector.broadcast %get3A_89 : i32 to vector<16xi32>
      %ge3A_1901 = arith.cmpi sge, %add3A_1899, %ge3A_1900 : vector<16xi32>
      %lt3A_1902 = vector.broadcast %get3A_92 : i32 to vector<16xi32>
      %lt3A_1903 = arith.cmpi slt, %add3A_1899, %lt3A_1902 : vector<16xi32>
      %and3A_1904 = arith.andi %ge3A_1901, %lt3A_1903 : vector<16xi1>
      %jit3A_1905 = arith.constant 0.000000e+00 : f32
      %broadcast_in_dim3A_1906 = vector.broadcast %jit3A_1905 : f32 to vector<16xf32>
      %select_n3A_1907 = arith.select %and3A_1904, %get3A_1895, %broadcast_in_dim3A_1906 : vector<16xi1>, vector<16xf32>
      %add3A_1908 = arith.addf %add3A_1888, %select_n3A_1907 : vector<16xf32>
      %jit3A_1909 = arith.constant 0xFF800000 : f32
      %broadcast_in_dim3A_1910 = vector.broadcast %jit3A_1909 : f32 to vector<16xf32>
      %select_n3A_1911 = arith.select %and3A_1904, %get3A_1895, %broadcast_in_dim3A_1910 : vector<16xi1>, vector<16xf32>
      %max3A_1912 = arith.maximumf %max3A_1892, %select_n3A_1911 : vector<16xf32>
      %get3A_1913 = arith.constant 1440 : index
      %get3A_1914 = tpu.vector_load %arg6[%get3A_1913] {strides = array<i32>} : memref<2064xf32, #tpu.memory_space<vmem>>, vector<16xf32>,
      %get3A_1915 = vector.shape_cast %get3A_1914 : vector<16xf32> to vector<16xf32>
      %add3A_1916 = arith.constant 1440 : i32
      %add3A_1917 = arith.addi %min3A_111, %add3A_1916 : i32
      %add3A_1918 = vector.broadcast %add3A_1917 : i32 to vector<16xi32>
      %add3A_1919 = arith.addi %add3A_1918, %iota3A : vector<16xi32>
      %ge3A_1920 = vector.broadcast %get3A_89 : i32 to vector<16xi32>
      %ge3A_1921 = arith.cmpi sge, %add3A_1919, %ge3A_1920 : vector<16xi32>
      %lt3A_1922 = vector.broadcast %get3A_92 : i32 to vector<16xi32>
      %lt3A_1923 = arith.cmpi slt, %add3A_1919, %lt3A_1922 : vector<16xi32>
      %and3A_1924 = arith.andi %ge3A_1921, %lt3A_1923 : vector<16xi1>
      %jit3A_1925 = arith.constant 0.000000e+00 : f32
      %broadcast_in_dim3A_1926 = vector.broadcast %jit3A_1925 : f32 to vector<16xf32>
      %select_n3A_1927 = arith.select %and3A_1924, %get3A_1915, %broadcast_in_dim3A_1926 : vector<16xi1>, vector<16xf32>
      %add3A_1928 = arith.addf %add3A_1908, %select_n3A_1927 : vector<16xf32>
      %jit3A_1929 = arith.constant 0xFF800000 : f32
      %broadcast_in_dim3A_1930 = vector.broadcast %jit3A_1929 : f32 to vector<16xf32>
      %select_n3A_1931 = arith.select %and3A_1924, %get3A_1915, %broadcast_in_dim3A_1930 : vector<16xi1>, vector<16xf32>
      %max3A_1932 = arith.maximumf %max3A_1912, %select_n3A_1931 : vector<16xf32>
      %get3A_1933 = arith.constant 1456 : index
      %get3A_1934 = tpu.vector_load %arg6[%get3A_1933] {strides = array<i32>} : memref<2064xf32, #tpu.memory_space<vmem>>, vector<16xf32>,
      %get3A_1935 = vector.shape_cast %get3A_1934 : vector<16xf32> to vector<16xf32>
      %add3A_1936 = arith.constant 1456 : i32
      %add3A_1937 = arith.addi %min3A_111, %add3A_1936 : i32
      %add3A_1938 = vector.broadcast %add3A_1937 : i32 to vector<16xi32>
      %add3A_1939 = arith.addi %add3A_1938, %iota3A : vector<16xi32>
      %ge3A_1940 = vector.broadcast %get3A_89 : i32 to vector<16xi32>
      %ge3A_1941 = arith.cmpi sge, %add3A_1939, %ge3A_1940 : vector<16xi32>
      %lt3A_1942 = vector.broadcast %get3A_92 : i32 to vector<16xi32>
      %lt3A_1943 = arith.cmpi slt, %add3A_1939, %lt3A_1942 : vector<16xi32>
      %and3A_1944 = arith.andi %ge3A_1941, %lt3A_1943 : vector<16xi1>
      %jit3A_1945 = arith.constant 0.000000e+00 : f32
      %broadcast_in_dim3A_1946 = vector.broadcast %jit3A_1945 : f32 to vector<16xf32>
      %select_n3A_1947 = arith.select %and3A_1944, %get3A_1935, %broadcast_in_dim3A_1946 : vector<16xi1>, vector<16xf32>
      %add3A_1948 = arith.addf %add3A_1928, %select_n3A_1947 : vector<16xf32>
      %jit3A_1949 = arith.constant 0xFF800000 : f32
      %broadcast_in_dim3A_1950 = vector.broadcast %jit3A_1949 : f32 to vector<16xf32>
      %select_n3A_1951 = arith.select %and3A_1944, %get3A_1935, %broadcast_in_dim3A_1950 : vector<16xi1>, vector<16xf32>
      %max3A_1952 = arith.maximumf %max3A_1932, %select_n3A_1951 : vector<16xf32>
      %get3A_1953 = arith.constant 1472 : index
      %get3A_1954 = tpu.vector_load %arg6[%get3A_1953] {strides = array<i32>} : memref<2064xf32, #tpu.memory_space<vmem>>, vector<16xf32>,
      %get3A_1955 = vector.shape_cast %get3A_1954 : vector<16xf32> to vector<16xf32>
      %add3A_1956 = arith.constant 1472 : i32
      %add3A_1957 = arith.addi %min3A_111, %add3A_1956 : i32
      %add3A_1958 = vector.broadcast %add3A_1957 : i32 to vector<16xi32>
      %add3A_1959 = arith.addi %add3A_1958, %iota3A : vector<16xi32>
      %ge3A_1960 = vector.broadcast %get3A_89 : i32 to vector<16xi32>
      %ge3A_1961 = arith.cmpi sge, %add3A_1959, %ge3A_1960 : vector<16xi32>
      %lt3A_1962 = vector.broadcast %get3A_92 : i32 to vector<16xi32>
      %lt3A_1963 = arith.cmpi slt, %add3A_1959, %lt3A_1962 : vector<16xi32>
      %and3A_1964 = arith.andi %ge3A_1961, %lt3A_1963 : vector<16xi1>
      %jit3A_1965 = arith.constant 0.000000e+00 : f32
      %broadcast_in_dim3A_1966 = vector.broadcast %jit3A_1965 : f32 to vector<16xf32>
      %select_n3A_1967 = arith.select %and3A_1964, %get3A_1955, %broadcast_in_dim3A_1966 : vector<16xi1>, vector<16xf32>
      %add3A_1968 = arith.addf %add3A_1948, %select_n3A_1967 : vector<16xf32>
      %jit3A_1969 = arith.constant 0xFF800000 : f32
      %broadcast_in_dim3A_1970 = vector.broadcast %jit3A_1969 : f32 to vector<16xf32>
      %select_n3A_1971 = arith.select %and3A_1964, %get3A_1955, %broadcast_in_dim3A_1970 : vector<16xi1>, vector<16xf32>
      %max3A_1972 = arith.maximumf %max3A_1952, %select_n3A_1971 : vector<16xf32>
      %get3A_1973 = arith.constant 1488 : index
      %get3A_1974 = tpu.vector_load %arg6[%get3A_1973] {strides = array<i32>} : memref<2064xf32, #tpu.memory_space<vmem>>, vector<16xf32>,
      %get3A_1975 = vector.shape_cast %get3A_1974 : vector<16xf32> to vector<16xf32>
      %add3A_1976 = arith.constant 1488 : i32
      %add3A_1977 = arith.addi %min3A_111, %add3A_1976 : i32
      %add3A_1978 = vector.broadcast %add3A_1977 : i32 to vector<16xi32>
      %add3A_1979 = arith.addi %add3A_1978, %iota3A : vector<16xi32>
      %ge3A_1980 = vector.broadcast %get3A_89 : i32 to vector<16xi32>
      %ge3A_1981 = arith.cmpi sge, %add3A_1979, %ge3A_1980 : vector<16xi32>
      %lt3A_1982 = vector.broadcast %get3A_92 : i32 to vector<16xi32>
      %lt3A_1983 = arith.cmpi slt, %add3A_1979, %lt3A_1982 : vector<16xi32>
      %and3A_1984 = arith.andi %ge3A_1981, %lt3A_1983 : vector<16xi1>
      %jit3A_1985 = arith.constant 0.000000e+00 : f32
      %broadcast_in_dim3A_1986 = vector.broadcast %jit3A_1985 : f32 to vector<16xf32>
      %select_n3A_1987 = arith.select %and3A_1984, %get3A_1975, %broadcast_in_dim3A_1986 : vector<16xi1>, vector<16xf32>
      %add3A_1988 = arith.addf %add3A_1968, %select_n3A_1987 : vector<16xf32>
      %jit3A_1989 = arith.constant 0xFF800000 : f32
      %broadcast_in_dim3A_1990 = vector.broadcast %jit3A_1989 : f32 to vector<16xf32>
      %select_n3A_1991 = arith.select %and3A_1984, %get3A_1975, %broadcast_in_dim3A_1990 : vector<16xi1>, vector<16xf32>
      %max3A_1992 = arith.maximumf %max3A_1972, %select_n3A_1991 : vector<16xf32>
      %get3A_1993 = arith.constant 1504 : index
      %get3A_1994 = tpu.vector_load %arg6[%get3A_1993] {strides = array<i32>} : memref<2064xf32, #tpu.memory_space<vmem>>, vector<16xf32>,
      %get3A_1995 = vector.shape_cast %get3A_1994 : vector<16xf32> to vector<16xf32>
      %add3A_1996 = arith.constant 1504 : i32
      %add3A_1997 = arith.addi %min3A_111, %add3A_1996 : i32
      %add3A_1998 = vector.broadcast %add3A_1997 : i32 to vector<16xi32>
      %add3A_1999 = arith.addi %add3A_1998, %iota3A : vector<16xi32>
      %ge3A_2000 = vector.broadcast %get3A_89 : i32 to vector<16xi32>
      %ge3A_2001 = arith.cmpi sge, %add3A_1999, %ge3A_2000 : vector<16xi32>
      %lt3A_2002 = vector.broadcast %get3A_92 : i32 to vector<16xi32>
      %lt3A_2003 = arith.cmpi slt, %add3A_1999, %lt3A_2002 : vector<16xi32>
      %and3A_2004 = arith.andi %ge3A_2001, %lt3A_2003 : vector<16xi1>
      %jit3A_2005 = arith.constant 0.000000e+00 : f32
      %broadcast_in_dim3A_2006 = vector.broadcast %jit3A_2005 : f32 to vector<16xf32>
      %select_n3A_2007 = arith.select %and3A_2004, %get3A_1995, %broadcast_in_dim3A_2006 : vector<16xi1>, vector<16xf32>
      %add3A_2008 = arith.addf %add3A_1988, %select_n3A_2007 : vector<16xf32>
      %jit3A_2009 = arith.constant 0xFF800000 : f32
      %broadcast_in_dim3A_2010 = vector.broadcast %jit3A_2009 : f32 to vector<16xf32>
      %select_n3A_2011 = arith.select %and3A_2004, %get3A_1995, %broadcast_in_dim3A_2010 : vector<16xi1>, vector<16xf32>
      %max3A_2012 = arith.maximumf %max3A_1992, %select_n3A_2011 : vector<16xf32>
      %get3A_2013 = arith.constant 1520 : index
      %get3A_2014 = tpu.vector_load %arg6[%get3A_2013] {strides = array<i32>} : memref<2064xf32, #tpu.memory_space<vmem>>, vector<16xf32>,
      %get3A_2015 = vector.shape_cast %get3A_2014 : vector<16xf32> to vector<16xf32>
      %add3A_2016 = arith.constant 1520 : i32
      %add3A_2017 = arith.addi %min3A_111, %add3A_2016 : i32
      %add3A_2018 = vector.broadcast %add3A_2017 : i32 to vector<16xi32>
      %add3A_2019 = arith.addi %add3A_2018, %iota3A : vector<16xi32>
      %ge3A_2020 = vector.broadcast %get3A_89 : i32 to vector<16xi32>
      %ge3A_2021 = arith.cmpi sge, %add3A_2019, %ge3A_2020 : vector<16xi32>
      %lt3A_2022 = vector.broadcast %get3A_92 : i32 to vector<16xi32>
      %lt3A_2023 = arith.cmpi slt, %add3A_2019, %lt3A_2022 : vector<16xi32>
      %and3A_2024 = arith.andi %ge3A_2021, %lt3A_2023 : vector<16xi1>
      %jit3A_2025 = arith.constant 0.000000e+00 : f32
      %broadcast_in_dim3A_2026 = vector.broadcast %jit3A_2025 : f32 to vector<16xf32>
      %select_n3A_2027 = arith.select %and3A_2024, %get3A_2015, %broadcast_in_dim3A_2026 : vector<16xi1>, vector<16xf32>
      %add3A_2028 = arith.addf %add3A_2008, %select_n3A_2027 : vector<16xf32>
      %jit3A_2029 = arith.constant 0xFF800000 : f32
      %broadcast_in_dim3A_2030 = vector.broadcast %jit3A_2029 : f32 to vector<16xf32>
      %select_n3A_2031 = arith.select %and3A_2024, %get3A_2015, %broadcast_in_dim3A_2030 : vector<16xi1>, vector<16xf32>
      %max3A_2032 = arith.maximumf %max3A_2012, %select_n3A_2031 : vector<16xf32>
      %get3A_2033 = arith.constant 1536 : index
      %get3A_2034 = tpu.vector_load %arg6[%get3A_2033] {strides = array<i32>} : memref<2064xf32, #tpu.memory_space<vmem>>, vector<16xf32>,
      %get3A_2035 = vector.shape_cast %get3A_2034 : vector<16xf32> to vector<16xf32>
      %add3A_2036 = arith.constant 1536 : i32
      %add3A_2037 = arith.addi %min3A_111, %add3A_2036 : i32
      %add3A_2038 = vector.broadcast %add3A_2037 : i32 to vector<16xi32>
      %add3A_2039 = arith.addi %add3A_2038, %iota3A : vector<16xi32>
      %ge3A_2040 = vector.broadcast %get3A_89 : i32 to vector<16xi32>
      %ge3A_2041 = arith.cmpi sge, %add3A_2039, %ge3A_2040 : vector<16xi32>
      %lt3A_2042 = vector.broadcast %get3A_92 : i32 to vector<16xi32>
      %lt3A_2043 = arith.cmpi slt, %add3A_2039, %lt3A_2042 : vector<16xi32>
      %and3A_2044 = arith.andi %ge3A_2041, %lt3A_2043 : vector<16xi1>
      %jit3A_2045 = arith.constant 0.000000e+00 : f32
      %broadcast_in_dim3A_2046 = vector.broadcast %jit3A_2045 : f32 to vector<16xf32>
      %select_n3A_2047 = arith.select %and3A_2044, %get3A_2035, %broadcast_in_dim3A_2046 : vector<16xi1>, vector<16xf32>
      %add3A_2048 = arith.addf %add3A_2028, %select_n3A_2047 : vector<16xf32>
      %jit3A_2049 = arith.constant 0xFF800000 : f32
      %broadcast_in_dim3A_2050 = vector.broadcast %jit3A_2049 : f32 to vector<16xf32>
      %select_n3A_2051 = arith.select %and3A_2044, %get3A_2035, %broadcast_in_dim3A_2050 : vector<16xi1>, vector<16xf32>
      %max3A_2052 = arith.maximumf %max3A_2032, %select_n3A_2051 : vector<16xf32>
      %get3A_2053 = arith.constant 1552 : index
      %get3A_2054 = tpu.vector_load %arg6[%get3A_2053] {strides = array<i32>} : memref<2064xf32, #tpu.memory_space<vmem>>, vector<16xf32>,
      %get3A_2055 = vector.shape_cast %get3A_2054 : vector<16xf32> to vector<16xf32>
      %add3A_2056 = arith.constant 1552 : i32
      %add3A_2057 = arith.addi %min3A_111, %add3A_2056 : i32
      %add3A_2058 = vector.broadcast %add3A_2057 : i32 to vector<16xi32>
      %add3A_2059 = arith.addi %add3A_2058, %iota3A : vector<16xi32>
      %ge3A_2060 = vector.broadcast %get3A_89 : i32 to vector<16xi32>
      %ge3A_2061 = arith.cmpi sge, %add3A_2059, %ge3A_2060 : vector<16xi32>
      %lt3A_2062 = vector.broadcast %get3A_92 : i32 to vector<16xi32>
      %lt3A_2063 = arith.cmpi slt, %add3A_2059, %lt3A_2062 : vector<16xi32>
      %and3A_2064 = arith.andi %ge3A_2061, %lt3A_2063 : vector<16xi1>
      %jit3A_2065 = arith.constant 0.000000e+00 : f32
      %broadcast_in_dim3A_2066 = vector.broadcast %jit3A_2065 : f32 to vector<16xf32>
      %select_n3A_2067 = arith.select %and3A_2064, %get3A_2055, %broadcast_in_dim3A_2066 : vector<16xi1>, vector<16xf32>
      %add3A_2068 = arith.addf %add3A_2048, %select_n3A_2067 : vector<16xf32>
      %jit3A_2069 = arith.constant 0xFF800000 : f32
      %broadcast_in_dim3A_2070 = vector.broadcast %jit3A_2069 : f32 to vector<16xf32>
      %select_n3A_2071 = arith.select %and3A_2064, %get3A_2055, %broadcast_in_dim3A_2070 : vector<16xi1>, vector<16xf32>
      %max3A_2072 = arith.maximumf %max3A_2052, %select_n3A_2071 : vector<16xf32>
      %get3A_2073 = arith.constant 1568 : index
      %get3A_2074 = tpu.vector_load %arg6[%get3A_2073] {strides = array<i32>} : memref<2064xf32, #tpu.memory_space<vmem>>, vector<16xf32>,
      %get3A_2075 = vector.shape_cast %get3A_2074 : vector<16xf32> to vector<16xf32>
      %add3A_2076 = arith.constant 1568 : i32
      %add3A_2077 = arith.addi %min3A_111, %add3A_2076 : i32
      %add3A_2078 = vector.broadcast %add3A_2077 : i32 to vector<16xi32>
      %add3A_2079 = arith.addi %add3A_2078, %iota3A : vector<16xi32>
      %ge3A_2080 = vector.broadcast %get3A_89 : i32 to vector<16xi32>
      %ge3A_2081 = arith.cmpi sge, %add3A_2079, %ge3A_2080 : vector<16xi32>
      %lt3A_2082 = vector.broadcast %get3A_92 : i32 to vector<16xi32>
      %lt3A_2083 = arith.cmpi slt, %add3A_2079, %lt3A_2082 : vector<16xi32>
      %and3A_2084 = arith.andi %ge3A_2081, %lt3A_2083 : vector<16xi1>
      %jit3A_2085 = arith.constant 0.000000e+00 : f32
      %broadcast_in_dim3A_2086 = vector.broadcast %jit3A_2085 : f32 to vector<16xf32>
      %select_n3A_2087 = arith.select %and3A_2084, %get3A_2075, %broadcast_in_dim3A_2086 : vector<16xi1>, vector<16xf32>
      %add3A_2088 = arith.addf %add3A_2068, %select_n3A_2087 : vector<16xf32>
      %jit3A_2089 = arith.constant 0xFF800000 : f32
      %broadcast_in_dim3A_2090 = vector.broadcast %jit3A_2089 : f32 to vector<16xf32>
      %select_n3A_2091 = arith.select %and3A_2084, %get3A_2075, %broadcast_in_dim3A_2090 : vector<16xi1>, vector<16xf32>
      %max3A_2092 = arith.maximumf %max3A_2072, %select_n3A_2091 : vector<16xf32>
      %get3A_2093 = arith.constant 1584 : index
      %get3A_2094 = tpu.vector_load %arg6[%get3A_2093] {strides = array<i32>} : memref<2064xf32, #tpu.memory_space<vmem>>, vector<16xf32>,
      %get3A_2095 = vector.shape_cast %get3A_2094 : vector<16xf32> to vector<16xf32>
      %add3A_2096 = arith.constant 1584 : i32
      %add3A_2097 = arith.addi %min3A_111, %add3A_2096 : i32
      %add3A_2098 = vector.broadcast %add3A_2097 : i32 to vector<16xi32>
      %add3A_2099 = arith.addi %add3A_2098, %iota3A : vector<16xi32>
      %ge3A_2100 = vector.broadcast %get3A_89 : i32 to vector<16xi32>
      %ge3A_2101 = arith.cmpi sge, %add3A_2099, %ge3A_2100 : vector<16xi32>
      %lt3A_2102 = vector.broadcast %get3A_92 : i32 to vector<16xi32>
      %lt3A_2103 = arith.cmpi slt, %add3A_2099, %lt3A_2102 : vector<16xi32>
      %and3A_2104 = arith.andi %ge3A_2101, %lt3A_2103 : vector<16xi1>
      %jit3A_2105 = arith.constant 0.000000e+00 : f32
      %broadcast_in_dim3A_2106 = vector.broadcast %jit3A_2105 : f32 to vector<16xf32>
      %select_n3A_2107 = arith.select %and3A_2104, %get3A_2095, %broadcast_in_dim3A_2106 : vector<16xi1>, vector<16xf32>
      %add3A_2108 = arith.addf %add3A_2088, %select_n3A_2107 : vector<16xf32>
      %jit3A_2109 = arith.constant 0xFF800000 : f32
      %broadcast_in_dim3A_2110 = vector.broadcast %jit3A_2109 : f32 to vector<16xf32>
      %select_n3A_2111 = arith.select %and3A_2104, %get3A_2095, %broadcast_in_dim3A_2110 : vector<16xi1>, vector<16xf32>
      %max3A_2112 = arith.maximumf %max3A_2092, %select_n3A_2111 : vector<16xf32>
      %get3A_2113 = arith.constant 1600 : index
      %get3A_2114 = tpu.vector_load %arg6[%get3A_2113] {strides = array<i32>} : memref<2064xf32, #tpu.memory_space<vmem>>, vector<16xf32>,
      %get3A_2115 = vector.shape_cast %get3A_2114 : vector<16xf32> to vector<16xf32>
      %add3A_2116 = arith.constant 1600 : i32
      %add3A_2117 = arith.addi %min3A_111, %add3A_2116 : i32
      %add3A_2118 = vector.broadcast %add3A_2117 : i32 to vector<16xi32>
      %add3A_2119 = arith.addi %add3A_2118, %iota3A : vector<16xi32>
      %ge3A_2120 = vector.broadcast %get3A_89 : i32 to vector<16xi32>
      %ge3A_2121 = arith.cmpi sge, %add3A_2119, %ge3A_2120 : vector<16xi32>
      %lt3A_2122 = vector.broadcast %get3A_92 : i32 to vector<16xi32>
      %lt3A_2123 = arith.cmpi slt, %add3A_2119, %lt3A_2122 : vector<16xi32>
      %and3A_2124 = arith.andi %ge3A_2121, %lt3A_2123 : vector<16xi1>
      %jit3A_2125 = arith.constant 0.000000e+00 : f32
      %broadcast_in_dim3A_2126 = vector.broadcast %jit3A_2125 : f32 to vector<16xf32>
      %select_n3A_2127 = arith.select %and3A_2124, %get3A_2115, %broadcast_in_dim3A_2126 : vector<16xi1>, vector<16xf32>
      %add3A_2128 = arith.addf %add3A_2108, %select_n3A_2127 : vector<16xf32>
      %jit3A_2129 = arith.constant 0xFF800000 : f32
      %broadcast_in_dim3A_2130 = vector.broadcast %jit3A_2129 : f32 to vector<16xf32>
      %select_n3A_2131 = arith.select %and3A_2124, %get3A_2115, %broadcast_in_dim3A_2130 : vector<16xi1>, vector<16xf32>
      %max3A_2132 = arith.maximumf %max3A_2112, %select_n3A_2131 : vector<16xf32>
      %get3A_2133 = arith.constant 1616 : index
      %get3A_2134 = tpu.vector_load %arg6[%get3A_2133] {strides = array<i32>} : memref<2064xf32, #tpu.memory_space<vmem>>, vector<16xf32>,
      %get3A_2135 = vector.shape_cast %get3A_2134 : vector<16xf32> to vector<16xf32>
      %add3A_2136 = arith.constant 1616 : i32
      %add3A_2137 = arith.addi %min3A_111, %add3A_2136 : i32
      %add3A_2138 = vector.broadcast %add3A_2137 : i32 to vector<16xi32>
      %add3A_2139 = arith.addi %add3A_2138, %iota3A : vector<16xi32>
      %ge3A_2140 = vector.broadcast %get3A_89 : i32 to vector<16xi32>
      %ge3A_2141 = arith.cmpi sge, %add3A_2139, %ge3A_2140 : vector<16xi32>
      %lt3A_2142 = vector.broadcast %get3A_92 : i32 to vector<16xi32>
      %lt3A_2143 = arith.cmpi slt, %add3A_2139, %lt3A_2142 : vector<16xi32>
      %and3A_2144 = arith.andi %ge3A_2141, %lt3A_2143 : vector<16xi1>
      %jit3A_2145 = arith.constant 0.000000e+00 : f32
      %broadcast_in_dim3A_2146 = vector.broadcast %jit3A_2145 : f32 to vector<16xf32>
      %select_n3A_2147 = arith.select %and3A_2144, %get3A_2135, %broadcast_in_dim3A_2146 : vector<16xi1>, vector<16xf32>
      %add3A_2148 = arith.addf %add3A_2128, %select_n3A_2147 : vector<16xf32>
      %jit3A_2149 = arith.constant 0xFF800000 : f32
      %broadcast_in_dim3A_2150 = vector.broadcast %jit3A_2149 : f32 to vector<16xf32>
      %select_n3A_2151 = arith.select %and3A_2144, %get3A_2135, %broadcast_in_dim3A_2150 : vector<16xi1>, vector<16xf32>
      %max3A_2152 = arith.maximumf %max3A_2132, %select_n3A_2151 : vector<16xf32>
      %get3A_2153 = arith.constant 1632 : index
      %get3A_2154 = tpu.vector_load %arg6[%get3A_2153] {strides = array<i32>} : memref<2064xf32, #tpu.memory_space<vmem>>, vector<16xf32>,
      %get3A_2155 = vector.shape_cast %get3A_2154 : vector<16xf32> to vector<16xf32>
      %add3A_2156 = arith.constant 1632 : i32
      %add3A_2157 = arith.addi %min3A_111, %add3A_2156 : i32
      %add3A_2158 = vector.broadcast %add3A_2157 : i32 to vector<16xi32>
      %add3A_2159 = arith.addi %add3A_2158, %iota3A : vector<16xi32>
      %ge3A_2160 = vector.broadcast %get3A_89 : i32 to vector<16xi32>
      %ge3A_2161 = arith.cmpi sge, %add3A_2159, %ge3A_2160 : vector<16xi32>
      %lt3A_2162 = vector.broadcast %get3A_92 : i32 to vector<16xi32>
      %lt3A_2163 = arith.cmpi slt, %add3A_2159, %lt3A_2162 : vector<16xi32>
      %and3A_2164 = arith.andi %ge3A_2161, %lt3A_2163 : vector<16xi1>
      %jit3A_2165 = arith.constant 0.000000e+00 : f32
      %broadcast_in_dim3A_2166 = vector.broadcast %jit3A_2165 : f32 to vector<16xf32>
      %select_n3A_2167 = arith.select %and3A_2164, %get3A_2155, %broadcast_in_dim3A_2166 : vector<16xi1>, vector<16xf32>
      %add3A_2168 = arith.addf %add3A_2148, %select_n3A_2167 : vector<16xf32>
      %jit3A_2169 = arith.constant 0xFF800000 : f32
      %broadcast_in_dim3A_2170 = vector.broadcast %jit3A_2169 : f32 to vector<16xf32>
      %select_n3A_2171 = arith.select %and3A_2164, %get3A_2155, %broadcast_in_dim3A_2170 : vector<16xi1>, vector<16xf32>
      %max3A_2172 = arith.maximumf %max3A_2152, %select_n3A_2171 : vector<16xf32>
      %get3A_2173 = arith.constant 1648 : index
      %get3A_2174 = tpu.vector_load %arg6[%get3A_2173] {strides = array<i32>} : memref<2064xf32, #tpu.memory_space<vmem>>, vector<16xf32>,
      %get3A_2175 = vector.shape_cast %get3A_2174 : vector<16xf32> to vector<16xf32>
      %add3A_2176 = arith.constant 1648 : i32
      %add3A_2177 = arith.addi %min3A_111, %add3A_2176 : i32
      %add3A_2178 = vector.broadcast %add3A_2177 : i32 to vector<16xi32>
      %add3A_2179 = arith.addi %add3A_2178, %iota3A : vector<16xi32>
      %ge3A_2180 = vector.broadcast %get3A_89 : i32 to vector<16xi32>
      %ge3A_2181 = arith.cmpi sge, %add3A_2179, %ge3A_2180 : vector<16xi32>
      %lt3A_2182 = vector.broadcast %get3A_92 : i32 to vector<16xi32>
      %lt3A_2183 = arith.cmpi slt, %add3A_2179, %lt3A_2182 : vector<16xi32>
      %and3A_2184 = arith.andi %ge3A_2181, %lt3A_2183 : vector<16xi1>
      %jit3A_2185 = arith.constant 0.000000e+00 : f32
      %broadcast_in_dim3A_2186 = vector.broadcast %jit3A_2185 : f32 to vector<16xf32>
      %select_n3A_2187 = arith.select %and3A_2184, %get3A_2175, %broadcast_in_dim3A_2186 : vector<16xi1>, vector<16xf32>
      %add3A_2188 = arith.addf %add3A_2168, %select_n3A_2187 : vector<16xf32>
      %jit3A_2189 = arith.constant 0xFF800000 : f32
      %broadcast_in_dim3A_2190 = vector.broadcast %jit3A_2189 : f32 to vector<16xf32>
      %select_n3A_2191 = arith.select %and3A_2184, %get3A_2175, %broadcast_in_dim3A_2190 : vector<16xi1>, vector<16xf32>
      %max3A_2192 = arith.maximumf %max3A_2172, %select_n3A_2191 : vector<16xf32>
      %get3A_2193 = arith.constant 1664 : index
      %get3A_2194 = tpu.vector_load %arg6[%get3A_2193] {strides = array<i32>} : memref<2064xf32, #tpu.memory_space<vmem>>, vector<16xf32>,
      %get3A_2195 = vector.shape_cast %get3A_2194 : vector<16xf32> to vector<16xf32>
      %add3A_2196 = arith.constant 1664 : i32
      %add3A_2197 = arith.addi %min3A_111, %add3A_2196 : i32
      %add3A_2198 = vector.broadcast %add3A_2197 : i32 to vector<16xi32>
      %add3A_2199 = arith.addi %add3A_2198, %iota3A : vector<16xi32>
      %ge3A_2200 = vector.broadcast %get3A_89 : i32 to vector<16xi32>
      %ge3A_2201 = arith.cmpi sge, %add3A_2199, %ge3A_2200 : vector<16xi32>
      %lt3A_2202 = vector.broadcast %get3A_92 : i32 to vector<16xi32>
      %lt3A_2203 = arith.cmpi slt, %add3A_2199, %lt3A_2202 : vector<16xi32>
      %and3A_2204 = arith.andi %ge3A_2201, %lt3A_2203 : vector<16xi1>
      %jit3A_2205 = arith.constant 0.000000e+00 : f32
      %broadcast_in_dim3A_2206 = vector.broadcast %jit3A_2205 : f32 to vector<16xf32>
      %select_n3A_2207 = arith.select %and3A_2204, %get3A_2195, %broadcast_in_dim3A_2206 : vector<16xi1>, vector<16xf32>
      %add3A_2208 = arith.addf %add3A_2188, %select_n3A_2207 : vector<16xf32>
      %jit3A_2209 = arith.constant 0xFF800000 : f32
      %broadcast_in_dim3A_2210 = vector.broadcast %jit3A_2209 : f32 to vector<16xf32>
      %select_n3A_2211 = arith.select %and3A_2204, %get3A_2195, %broadcast_in_dim3A_2210 : vector<16xi1>, vector<16xf32>
      %max3A_2212 = arith.maximumf %max3A_2192, %select_n3A_2211 : vector<16xf32>
      %get3A_2213 = arith.constant 1680 : index
      %get3A_2214 = tpu.vector_load %arg6[%get3A_2213] {strides = array<i32>} : memref<2064xf32, #tpu.memory_space<vmem>>, vector<16xf32>,
      %get3A_2215 = vector.shape_cast %get3A_2214 : vector<16xf32> to vector<16xf32>
      %add3A_2216 = arith.constant 1680 : i32
      %add3A_2217 = arith.addi %min3A_111, %add3A_2216 : i32
      %add3A_2218 = vector.broadcast %add3A_2217 : i32 to vector<16xi32>
      %add3A_2219 = arith.addi %add3A_2218, %iota3A : vector<16xi32>
      %ge3A_2220 = vector.broadcast %get3A_89 : i32 to vector<16xi32>
      %ge3A_2221 = arith.cmpi sge, %add3A_2219, %ge3A_2220 : vector<16xi32>
      %lt3A_2222 = vector.broadcast %get3A_92 : i32 to vector<16xi32>
      %lt3A_2223 = arith.cmpi slt, %add3A_2219, %lt3A_2222 : vector<16xi32>
      %and3A_2224 = arith.andi %ge3A_2221, %lt3A_2223 : vector<16xi1>
      %jit3A_2225 = arith.constant 0.000000e+00 : f32
      %broadcast_in_dim3A_2226 = vector.broadcast %jit3A_2225 : f32 to vector<16xf32>
      %select_n3A_2227 = arith.select %and3A_2224, %get3A_2215, %broadcast_in_dim3A_2226 : vector<16xi1>, vector<16xf32>
      %add3A_2228 = arith.addf %add3A_2208, %select_n3A_2227 : vector<16xf32>
      %jit3A_2229 = arith.constant 0xFF800000 : f32
      %broadcast_in_dim3A_2230 = vector.broadcast %jit3A_2229 : f32 to vector<16xf32>
      %select_n3A_2231 = arith.select %and3A_2224, %get3A_2215, %broadcast_in_dim3A_2230 : vector<16xi1>, vector<16xf32>
      %max3A_2232 = arith.maximumf %max3A_2212, %select_n3A_2231 : vector<16xf32>
      %get3A_2233 = arith.constant 1696 : index
      %get3A_2234 = tpu.vector_load %arg6[%get3A_2233] {strides = array<i32>} : memref<2064xf32, #tpu.memory_space<vmem>>, vector<16xf32>,
      %get3A_2235 = vector.shape_cast %get3A_2234 : vector<16xf32> to vector<16xf32>
      %add3A_2236 = arith.constant 1696 : i32
      %add3A_2237 = arith.addi %min3A_111, %add3A_2236 : i32
      %add3A_2238 = vector.broadcast %add3A_2237 : i32 to vector<16xi32>
      %add3A_2239 = arith.addi %add3A_2238, %iota3A : vector<16xi32>
      %ge3A_2240 = vector.broadcast %get3A_89 : i32 to vector<16xi32>
      %ge3A_2241 = arith.cmpi sge, %add3A_2239, %ge3A_2240 : vector<16xi32>
      %lt3A_2242 = vector.broadcast %get3A_92 : i32 to vector<16xi32>
      %lt3A_2243 = arith.cmpi slt, %add3A_2239, %lt3A_2242 : vector<16xi32>
      %and3A_2244 = arith.andi %ge3A_2241, %lt3A_2243 : vector<16xi1>
      %jit3A_2245 = arith.constant 0.000000e+00 : f32
      %broadcast_in_dim3A_2246 = vector.broadcast %jit3A_2245 : f32 to vector<16xf32>
      %select_n3A_2247 = arith.select %and3A_2244, %get3A_2235, %broadcast_in_dim3A_2246 : vector<16xi1>, vector<16xf32>
      %add3A_2248 = arith.addf %add3A_2228, %select_n3A_2247 : vector<16xf32>
      %jit3A_2249 = arith.constant 0xFF800000 : f32
      %broadcast_in_dim3A_2250 = vector.broadcast %jit3A_2249 : f32 to vector<16xf32>
      %select_n3A_2251 = arith.select %and3A_2244, %get3A_2235, %broadcast_in_dim3A_2250 : vector<16xi1>, vector<16xf32>
      %max3A_2252 = arith.maximumf %max3A_2232, %select_n3A_2251 : vector<16xf32>
      %get3A_2253 = arith.constant 1712 : index
      %get3A_2254 = tpu.vector_load %arg6[%get3A_2253] {strides = array<i32>} : memref<2064xf32, #tpu.memory_space<vmem>>, vector<16xf32>,
      %get3A_2255 = vector.shape_cast %get3A_2254 : vector<16xf32> to vector<16xf32>
      %add3A_2256 = arith.constant 1712 : i32
      %add3A_2257 = arith.addi %min3A_111, %add3A_2256 : i32
      %add3A_2258 = vector.broadcast %add3A_2257 : i32 to vector<16xi32>
      %add3A_2259 = arith.addi %add3A_2258, %iota3A : vector<16xi32>
      %ge3A_2260 = vector.broadcast %get3A_89 : i32 to vector<16xi32>
      %ge3A_2261 = arith.cmpi sge, %add3A_2259, %ge3A_2260 : vector<16xi32>
      %lt3A_2262 = vector.broadcast %get3A_92 : i32 to vector<16xi32>
      %lt3A_2263 = arith.cmpi slt, %add3A_2259, %lt3A_2262 : vector<16xi32>
      %and3A_2264 = arith.andi %ge3A_2261, %lt3A_2263 : vector<16xi1>
      %jit3A_2265 = arith.constant 0.000000e+00 : f32
      %broadcast_in_dim3A_2266 = vector.broadcast %jit3A_2265 : f32 to vector<16xf32>
      %select_n3A_2267 = arith.select %and3A_2264, %get3A_2255, %broadcast_in_dim3A_2266 : vector<16xi1>, vector<16xf32>
      %add3A_2268 = arith.addf %add3A_2248, %select_n3A_2267 : vector<16xf32>
      %jit3A_2269 = arith.constant 0xFF800000 : f32
      %broadcast_in_dim3A_2270 = vector.broadcast %jit3A_2269 : f32 to vector<16xf32>
      %select_n3A_2271 = arith.select %and3A_2264, %get3A_2255, %broadcast_in_dim3A_2270 : vector<16xi1>, vector<16xf32>
      %max3A_2272 = arith.maximumf %max3A_2252, %select_n3A_2271 : vector<16xf32>
      %get3A_2273 = arith.constant 1728 : index
      %get3A_2274 = tpu.vector_load %arg6[%get3A_2273] {strides = array<i32>} : memref<2064xf32, #tpu.memory_space<vmem>>, vector<16xf32>,
      %get3A_2275 = vector.shape_cast %get3A_2274 : vector<16xf32> to vector<16xf32>
      %add3A_2276 = arith.constant 1728 : i32
      %add3A_2277 = arith.addi %min3A_111, %add3A_2276 : i32
      %add3A_2278 = vector.broadcast %add3A_2277 : i32 to vector<16xi32>
      %add3A_2279 = arith.addi %add3A_2278, %iota3A : vector<16xi32>
      %ge3A_2280 = vector.broadcast %get3A_89 : i32 to vector<16xi32>
      %ge3A_2281 = arith.cmpi sge, %add3A_2279, %ge3A_2280 : vector<16xi32>
      %lt3A_2282 = vector.broadcast %get3A_92 : i32 to vector<16xi32>
      %lt3A_2283 = arith.cmpi slt, %add3A_2279, %lt3A_2282 : vector<16xi32>
      %and3A_2284 = arith.andi %ge3A_2281, %lt3A_2283 : vector<16xi1>
      %jit3A_2285 = arith.constant 0.000000e+00 : f32
      %broadcast_in_dim3A_2286 = vector.broadcast %jit3A_2285 : f32 to vector<16xf32>
      %select_n3A_2287 = arith.select %and3A_2284, %get3A_2275, %broadcast_in_dim3A_2286 : vector<16xi1>, vector<16xf32>
      %add3A_2288 = arith.addf %add3A_2268, %select_n3A_2287 : vector<16xf32>
      %jit3A_2289 = arith.constant 0xFF800000 : f32
      %broadcast_in_dim3A_2290 = vector.broadcast %jit3A_2289 : f32 to vector<16xf32>
      %select_n3A_2291 = arith.select %and3A_2284, %get3A_2275, %broadcast_in_dim3A_2290 : vector<16xi1>, vector<16xf32>
      %max3A_2292 = arith.maximumf %max3A_2272, %select_n3A_2291 : vector<16xf32>
      %get3A_2293 = arith.constant 1744 : index
      %get3A_2294 = tpu.vector_load %arg6[%get3A_2293] {strides = array<i32>} : memref<2064xf32, #tpu.memory_space<vmem>>, vector<16xf32>,
      %get3A_2295 = vector.shape_cast %get3A_2294 : vector<16xf32> to vector<16xf32>
      %add3A_2296 = arith.constant 1744 : i32
      %add3A_2297 = arith.addi %min3A_111, %add3A_2296 : i32
      %add3A_2298 = vector.broadcast %add3A_2297 : i32 to vector<16xi32>
      %add3A_2299 = arith.addi %add3A_2298, %iota3A : vector<16xi32>
      %ge3A_2300 = vector.broadcast %get3A_89 : i32 to vector<16xi32>
      %ge3A_2301 = arith.cmpi sge, %add3A_2299, %ge3A_2300 : vector<16xi32>
      %lt3A_2302 = vector.broadcast %get3A_92 : i32 to vector<16xi32>
      %lt3A_2303 = arith.cmpi slt, %add3A_2299, %lt3A_2302 : vector<16xi32>
      %and3A_2304 = arith.andi %ge3A_2301, %lt3A_2303 : vector<16xi1>
      %jit3A_2305 = arith.constant 0.000000e+00 : f32
      %broadcast_in_dim3A_2306 = vector.broadcast %jit3A_2305 : f32 to vector<16xf32>
      %select_n3A_2307 = arith.select %and3A_2304, %get3A_2295, %broadcast_in_dim3A_2306 : vector<16xi1>, vector<16xf32>
      %add3A_2308 = arith.addf %add3A_2288, %select_n3A_2307 : vector<16xf32>
      %jit3A_2309 = arith.constant 0xFF800000 : f32
      %broadcast_in_dim3A_2310 = vector.broadcast %jit3A_2309 : f32 to vector<16xf32>
      %select_n3A_2311 = arith.select %and3A_2304, %get3A_2295, %broadcast_in_dim3A_2310 : vector<16xi1>, vector<16xf32>
      %max3A_2312 = arith.maximumf %max3A_2292, %select_n3A_2311 : vector<16xf32>
      %get3A_2313 = arith.constant 1760 : index
      %get3A_2314 = tpu.vector_load %arg6[%get3A_2313] {strides = array<i32>} : memref<2064xf32, #tpu.memory_space<vmem>>, vector<16xf32>,
      %get3A_2315 = vector.shape_cast %get3A_2314 : vector<16xf32> to vector<16xf32>
      %add3A_2316 = arith.constant 1760 : i32
      %add3A_2317 = arith.addi %min3A_111, %add3A_2316 : i32
      %add3A_2318 = vector.broadcast %add3A_2317 : i32 to vector<16xi32>
      %add3A_2319 = arith.addi %add3A_2318, %iota3A : vector<16xi32>
      %ge3A_2320 = vector.broadcast %get3A_89 : i32 to vector<16xi32>
      %ge3A_2321 = arith.cmpi sge, %add3A_2319, %ge3A_2320 : vector<16xi32>
      %lt3A_2322 = vector.broadcast %get3A_92 : i32 to vector<16xi32>
      %lt3A_2323 = arith.cmpi slt, %add3A_2319, %lt3A_2322 : vector<16xi32>
      %and3A_2324 = arith.andi %ge3A_2321, %lt3A_2323 : vector<16xi1>
      %jit3A_2325 = arith.constant 0.000000e+00 : f32
      %broadcast_in_dim3A_2326 = vector.broadcast %jit3A_2325 : f32 to vector<16xf32>
      %select_n3A_2327 = arith.select %and3A_2324, %get3A_2315, %broadcast_in_dim3A_2326 : vector<16xi1>, vector<16xf32>
      %add3A_2328 = arith.addf %add3A_2308, %select_n3A_2327 : vector<16xf32>
      %jit3A_2329 = arith.constant 0xFF800000 : f32
      %broadcast_in_dim3A_2330 = vector.broadcast %jit3A_2329 : f32 to vector<16xf32>
      %select_n3A_2331 = arith.select %and3A_2324, %get3A_2315, %broadcast_in_dim3A_2330 : vector<16xi1>, vector<16xf32>
      %max3A_2332 = arith.maximumf %max3A_2312, %select_n3A_2331 : vector<16xf32>
      %get3A_2333 = arith.constant 1776 : index
      %get3A_2334 = tpu.vector_load %arg6[%get3A_2333] {strides = array<i32>} : memref<2064xf32, #tpu.memory_space<vmem>>, vector<16xf32>,
      %get3A_2335 = vector.shape_cast %get3A_2334 : vector<16xf32> to vector<16xf32>
      %add3A_2336 = arith.constant 1776 : i32
      %add3A_2337 = arith.addi %min3A_111, %add3A_2336 : i32
      %add3A_2338 = vector.broadcast %add3A_2337 : i32 to vector<16xi32>
      %add3A_2339 = arith.addi %add3A_2338, %iota3A : vector<16xi32>
      %ge3A_2340 = vector.broadcast %get3A_89 : i32 to vector<16xi32>
      %ge3A_2341 = arith.cmpi sge, %add3A_2339, %ge3A_2340 : vector<16xi32>
      %lt3A_2342 = vector.broadcast %get3A_92 : i32 to vector<16xi32>
      %lt3A_2343 = arith.cmpi slt, %add3A_2339, %lt3A_2342 : vector<16xi32>
      %and3A_2344 = arith.andi %ge3A_2341, %lt3A_2343 : vector<16xi1>
      %jit3A_2345 = arith.constant 0.000000e+00 : f32
      %broadcast_in_dim3A_2346 = vector.broadcast %jit3A_2345 : f32 to vector<16xf32>
      %select_n3A_2347 = arith.select %and3A_2344, %get3A_2335, %broadcast_in_dim3A_2346 : vector<16xi1>, vector<16xf32>
      %add3A_2348 = arith.addf %add3A_2328, %select_n3A_2347 : vector<16xf32>
      %jit3A_2349 = arith.constant 0xFF800000 : f32
      %broadcast_in_dim3A_2350 = vector.broadcast %jit3A_2349 : f32 to vector<16xf32>
      %select_n3A_2351 = arith.select %and3A_2344, %get3A_2335, %broadcast_in_dim3A_2350 : vector<16xi1>, vector<16xf32>
      %max3A_2352 = arith.maximumf %max3A_2332, %select_n3A_2351 : vector<16xf32>
      %get3A_2353 = arith.constant 1792 : index
      %get3A_2354 = tpu.vector_load %arg6[%get3A_2353] {strides = array<i32>} : memref<2064xf32, #tpu.memory_space<vmem>>, vector<16xf32>,
      %get3A_2355 = vector.shape_cast %get3A_2354 : vector<16xf32> to vector<16xf32>
      %add3A_2356 = arith.constant 1792 : i32
      %add3A_2357 = arith.addi %min3A_111, %add3A_2356 : i32
      %add3A_2358 = vector.broadcast %add3A_2357 : i32 to vector<16xi32>
      %add3A_2359 = arith.addi %add3A_2358, %iota3A : vector<16xi32>
      %ge3A_2360 = vector.broadcast %get3A_89 : i32 to vector<16xi32>
      %ge3A_2361 = arith.cmpi sge, %add3A_2359, %ge3A_2360 : vector<16xi32>
      %lt3A_2362 = vector.broadcast %get3A_92 : i32 to vector<16xi32>
      %lt3A_2363 = arith.cmpi slt, %add3A_2359, %lt3A_2362 : vector<16xi32>
      %and3A_2364 = arith.andi %ge3A_2361, %lt3A_2363 : vector<16xi1>
      %jit3A_2365 = arith.constant 0.000000e+00 : f32
      %broadcast_in_dim3A_2366 = vector.broadcast %jit3A_2365 : f32 to vector<16xf32>
      %select_n3A_2367 = arith.select %and3A_2364, %get3A_2355, %broadcast_in_dim3A_2366 : vector<16xi1>, vector<16xf32>
      %add3A_2368 = arith.addf %add3A_2348, %select_n3A_2367 : vector<16xf32>
      %jit3A_2369 = arith.constant 0xFF800000 : f32
      %broadcast_in_dim3A_2370 = vector.broadcast %jit3A_2369 : f32 to vector<16xf32>
      %select_n3A_2371 = arith.select %and3A_2364, %get3A_2355, %broadcast_in_dim3A_2370 : vector<16xi1>, vector<16xf32>
      %max3A_2372 = arith.maximumf %max3A_2352, %select_n3A_2371 : vector<16xf32>
      %get3A_2373 = arith.constant 1808 : index
      %get3A_2374 = tpu.vector_load %arg6[%get3A_2373] {strides = array<i32>} : memref<2064xf32, #tpu.memory_space<vmem>>, vector<16xf32>,
      %get3A_2375 = vector.shape_cast %get3A_2374 : vector<16xf32> to vector<16xf32>
      %add3A_2376 = arith.constant 1808 : i32
      %add3A_2377 = arith.addi %min3A_111, %add3A_2376 : i32
      %add3A_2378 = vector.broadcast %add3A_2377 : i32 to vector<16xi32>
      %add3A_2379 = arith.addi %add3A_2378, %iota3A : vector<16xi32>
      %ge3A_2380 = vector.broadcast %get3A_89 : i32 to vector<16xi32>
      %ge3A_2381 = arith.cmpi sge, %add3A_2379, %ge3A_2380 : vector<16xi32>
      %lt3A_2382 = vector.broadcast %get3A_92 : i32 to vector<16xi32>
      %lt3A_2383 = arith.cmpi slt, %add3A_2379, %lt3A_2382 : vector<16xi32>
      %and3A_2384 = arith.andi %ge3A_2381, %lt3A_2383 : vector<16xi1>
      %jit3A_2385 = arith.constant 0.000000e+00 : f32
      %broadcast_in_dim3A_2386 = vector.broadcast %jit3A_2385 : f32 to vector<16xf32>
      %select_n3A_2387 = arith.select %and3A_2384, %get3A_2375, %broadcast_in_dim3A_2386 : vector<16xi1>, vector<16xf32>
      %add3A_2388 = arith.addf %add3A_2368, %select_n3A_2387 : vector<16xf32>
      %jit3A_2389 = arith.constant 0xFF800000 : f32
      %broadcast_in_dim3A_2390 = vector.broadcast %jit3A_2389 : f32 to vector<16xf32>
      %select_n3A_2391 = arith.select %and3A_2384, %get3A_2375, %broadcast_in_dim3A_2390 : vector<16xi1>, vector<16xf32>
      %max3A_2392 = arith.maximumf %max3A_2372, %select_n3A_2391 : vector<16xf32>
      %get3A_2393 = arith.constant 1824 : index
      %get3A_2394 = tpu.vector_load %arg6[%get3A_2393] {strides = array<i32>} : memref<2064xf32, #tpu.memory_space<vmem>>, vector<16xf32>,
      %get3A_2395 = vector.shape_cast %get3A_2394 : vector<16xf32> to vector<16xf32>
      %add3A_2396 = arith.constant 1824 : i32
      %add3A_2397 = arith.addi %min3A_111, %add3A_2396 : i32
      %add3A_2398 = vector.broadcast %add3A_2397 : i32 to vector<16xi32>
      %add3A_2399 = arith.addi %add3A_2398, %iota3A : vector<16xi32>
      %ge3A_2400 = vector.broadcast %get3A_89 : i32 to vector<16xi32>
      %ge3A_2401 = arith.cmpi sge, %add3A_2399, %ge3A_2400 : vector<16xi32>
      %lt3A_2402 = vector.broadcast %get3A_92 : i32 to vector<16xi32>
      %lt3A_2403 = arith.cmpi slt, %add3A_2399, %lt3A_2402 : vector<16xi32>
      %and3A_2404 = arith.andi %ge3A_2401, %lt3A_2403 : vector<16xi1>
      %jit3A_2405 = arith.constant 0.000000e+00 : f32
      %broadcast_in_dim3A_2406 = vector.broadcast %jit3A_2405 : f32 to vector<16xf32>
      %select_n3A_2407 = arith.select %and3A_2404, %get3A_2395, %broadcast_in_dim3A_2406 : vector<16xi1>, vector<16xf32>
      %add3A_2408 = arith.addf %add3A_2388, %select_n3A_2407 : vector<16xf32>
      %jit3A_2409 = arith.constant 0xFF800000 : f32
      %broadcast_in_dim3A_2410 = vector.broadcast %jit3A_2409 : f32 to vector<16xf32>
      %select_n3A_2411 = arith.select %and3A_2404, %get3A_2395, %broadcast_in_dim3A_2410 : vector<16xi1>, vector<16xf32>
      %max3A_2412 = arith.maximumf %max3A_2392, %select_n3A_2411 : vector<16xf32>
      %get3A_2413 = arith.constant 1840 : index
      %get3A_2414 = tpu.vector_load %arg6[%get3A_2413] {strides = array<i32>} : memref<2064xf32, #tpu.memory_space<vmem>>, vector<16xf32>,
      %get3A_2415 = vector.shape_cast %get3A_2414 : vector<16xf32> to vector<16xf32>
      %add3A_2416 = arith.constant 1840 : i32
      %add3A_2417 = arith.addi %min3A_111, %add3A_2416 : i32
      %add3A_2418 = vector.broadcast %add3A_2417 : i32 to vector<16xi32>
      %add3A_2419 = arith.addi %add3A_2418, %iota3A : vector<16xi32>
      %ge3A_2420 = vector.broadcast %get3A_89 : i32 to vector<16xi32>
      %ge3A_2421 = arith.cmpi sge, %add3A_2419, %ge3A_2420 : vector<16xi32>
      %lt3A_2422 = vector.broadcast %get3A_92 : i32 to vector<16xi32>
      %lt3A_2423 = arith.cmpi slt, %add3A_2419, %lt3A_2422 : vector<16xi32>
      %and3A_2424 = arith.andi %ge3A_2421, %lt3A_2423 : vector<16xi1>
      %jit3A_2425 = arith.constant 0.000000e+00 : f32
      %broadcast_in_dim3A_2426 = vector.broadcast %jit3A_2425 : f32 to vector<16xf32>
      %select_n3A_2427 = arith.select %and3A_2424, %get3A_2415, %broadcast_in_dim3A_2426 : vector<16xi1>, vector<16xf32>
      %add3A_2428 = arith.addf %add3A_2408, %select_n3A_2427 : vector<16xf32>
      %jit3A_2429 = arith.constant 0xFF800000 : f32
      %broadcast_in_dim3A_2430 = vector.broadcast %jit3A_2429 : f32 to vector<16xf32>
      %select_n3A_2431 = arith.select %and3A_2424, %get3A_2415, %broadcast_in_dim3A_2430 : vector<16xi1>, vector<16xf32>
      %max3A_2432 = arith.maximumf %max3A_2412, %select_n3A_2431 : vector<16xf32>
      %get3A_2433 = arith.constant 1856 : index
      %get3A_2434 = tpu.vector_load %arg6[%get3A_2433] {strides = array<i32>} : memref<2064xf32, #tpu.memory_space<vmem>>, vector<16xf32>,
      %get3A_2435 = vector.shape_cast %get3A_2434 : vector<16xf32> to vector<16xf32>
      %add3A_2436 = arith.constant 1856 : i32
      %add3A_2437 = arith.addi %min3A_111, %add3A_2436 : i32
      %add3A_2438 = vector.broadcast %add3A_2437 : i32 to vector<16xi32>
      %add3A_2439 = arith.addi %add3A_2438, %iota3A : vector<16xi32>
      %ge3A_2440 = vector.broadcast %get3A_89 : i32 to vector<16xi32>
      %ge3A_2441 = arith.cmpi sge, %add3A_2439, %ge3A_2440 : vector<16xi32>
      %lt3A_2442 = vector.broadcast %get3A_92 : i32 to vector<16xi32>
      %lt3A_2443 = arith.cmpi slt, %add3A_2439, %lt3A_2442 : vector<16xi32>
      %and3A_2444 = arith.andi %ge3A_2441, %lt3A_2443 : vector<16xi1>
      %jit3A_2445 = arith.constant 0.000000e+00 : f32
      %broadcast_in_dim3A_2446 = vector.broadcast %jit3A_2445 : f32 to vector<16xf32>
      %select_n3A_2447 = arith.select %and3A_2444, %get3A_2435, %broadcast_in_dim3A_2446 : vector<16xi1>, vector<16xf32>
      %add3A_2448 = arith.addf %add3A_2428, %select_n3A_2447 : vector<16xf32>
      %jit3A_2449 = arith.constant 0xFF800000 : f32
      %broadcast_in_dim3A_2450 = vector.broadcast %jit3A_2449 : f32 to vector<16xf32>
      %select_n3A_2451 = arith.select %and3A_2444, %get3A_2435, %broadcast_in_dim3A_2450 : vector<16xi1>, vector<16xf32>
      %max3A_2452 = arith.maximumf %max3A_2432, %select_n3A_2451 : vector<16xf32>
      %get3A_2453 = arith.constant 1872 : index
      %get3A_2454 = tpu.vector_load %arg6[%get3A_2453] {strides = array<i32>} : memref<2064xf32, #tpu.memory_space<vmem>>, vector<16xf32>,
      %get3A_2455 = vector.shape_cast %get3A_2454 : vector<16xf32> to vector<16xf32>
      %add3A_2456 = arith.constant 1872 : i32
      %add3A_2457 = arith.addi %min3A_111, %add3A_2456 : i32
      %add3A_2458 = vector.broadcast %add3A_2457 : i32 to vector<16xi32>
      %add3A_2459 = arith.addi %add3A_2458, %iota3A : vector<16xi32>
      %ge3A_2460 = vector.broadcast %get3A_89 : i32 to vector<16xi32>
      %ge3A_2461 = arith.cmpi sge, %add3A_2459, %ge3A_2460 : vector<16xi32>
      %lt3A_2462 = vector.broadcast %get3A_92 : i32 to vector<16xi32>
      %lt3A_2463 = arith.cmpi slt, %add3A_2459, %lt3A_2462 : vector<16xi32>
      %and3A_2464 = arith.andi %ge3A_2461, %lt3A_2463 : vector<16xi1>
      %jit3A_2465 = arith.constant 0.000000e+00 : f32
      %broadcast_in_dim3A_2466 = vector.broadcast %jit3A_2465 : f32 to vector<16xf32>
      %select_n3A_2467 = arith.select %and3A_2464, %get3A_2455, %broadcast_in_dim3A_2466 : vector<16xi1>, vector<16xf32>
      %add3A_2468 = arith.addf %add3A_2448, %select_n3A_2467 : vector<16xf32>
      %jit3A_2469 = arith.constant 0xFF800000 : f32
      %broadcast_in_dim3A_2470 = vector.broadcast %jit3A_2469 : f32 to vector<16xf32>
      %select_n3A_2471 = arith.select %and3A_2464, %get3A_2455, %broadcast_in_dim3A_2470 : vector<16xi1>, vector<16xf32>
      %max3A_2472 = arith.maximumf %max3A_2452, %select_n3A_2471 : vector<16xf32>
      %get3A_2473 = arith.constant 1888 : index
      %get3A_2474 = tpu.vector_load %arg6[%get3A_2473] {strides = array<i32>} : memref<2064xf32, #tpu.memory_space<vmem>>, vector<16xf32>,
      %get3A_2475 = vector.shape_cast %get3A_2474 : vector<16xf32> to vector<16xf32>
      %add3A_2476 = arith.constant 1888 : i32
      %add3A_2477 = arith.addi %min3A_111, %add3A_2476 : i32
      %add3A_2478 = vector.broadcast %add3A_2477 : i32 to vector<16xi32>
      %add3A_2479 = arith.addi %add3A_2478, %iota3A : vector<16xi32>
      %ge3A_2480 = vector.broadcast %get3A_89 : i32 to vector<16xi32>
      %ge3A_2481 = arith.cmpi sge, %add3A_2479, %ge3A_2480 : vector<16xi32>
      %lt3A_2482 = vector.broadcast %get3A_92 : i32 to vector<16xi32>
      %lt3A_2483 = arith.cmpi slt, %add3A_2479, %lt3A_2482 : vector<16xi32>
      %and3A_2484 = arith.andi %ge3A_2481, %lt3A_2483 : vector<16xi1>
      %jit3A_2485 = arith.constant 0.000000e+00 : f32
      %broadcast_in_dim3A_2486 = vector.broadcast %jit3A_2485 : f32 to vector<16xf32>
      %select_n3A_2487 = arith.select %and3A_2484, %get3A_2475, %broadcast_in_dim3A_2486 : vector<16xi1>, vector<16xf32>
      %add3A_2488 = arith.addf %add3A_2468, %select_n3A_2487 : vector<16xf32>
      %jit3A_2489 = arith.constant 0xFF800000 : f32
      %broadcast_in_dim3A_2490 = vector.broadcast %jit3A_2489 : f32 to vector<16xf32>
      %select_n3A_2491 = arith.select %and3A_2484, %get3A_2475, %broadcast_in_dim3A_2490 : vector<16xi1>, vector<16xf32>
      %max3A_2492 = arith.maximumf %max3A_2472, %select_n3A_2491 : vector<16xf32>
      %get3A_2493 = arith.constant 1904 : index
      %get3A_2494 = tpu.vector_load %arg6[%get3A_2493] {strides = array<i32>} : memref<2064xf32, #tpu.memory_space<vmem>>, vector<16xf32>,
      %get3A_2495 = vector.shape_cast %get3A_2494 : vector<16xf32> to vector<16xf32>
      %add3A_2496 = arith.constant 1904 : i32
      %add3A_2497 = arith.addi %min3A_111, %add3A_2496 : i32
      %add3A_2498 = vector.broadcast %add3A_2497 : i32 to vector<16xi32>
      %add3A_2499 = arith.addi %add3A_2498, %iota3A : vector<16xi32>
      %ge3A_2500 = vector.broadcast %get3A_89 : i32 to vector<16xi32>
      %ge3A_2501 = arith.cmpi sge, %add3A_2499, %ge3A_2500 : vector<16xi32>
      %lt3A_2502 = vector.broadcast %get3A_92 : i32 to vector<16xi32>
      %lt3A_2503 = arith.cmpi slt, %add3A_2499, %lt3A_2502 : vector<16xi32>
      %and3A_2504 = arith.andi %ge3A_2501, %lt3A_2503 : vector<16xi1>
      %jit3A_2505 = arith.constant 0.000000e+00 : f32
      %broadcast_in_dim3A_2506 = vector.broadcast %jit3A_2505 : f32 to vector<16xf32>
      %select_n3A_2507 = arith.select %and3A_2504, %get3A_2495, %broadcast_in_dim3A_2506 : vector<16xi1>, vector<16xf32>
      %add3A_2508 = arith.addf %add3A_2488, %select_n3A_2507 : vector<16xf32>
      %jit3A_2509 = arith.constant 0xFF800000 : f32
      %broadcast_in_dim3A_2510 = vector.broadcast %jit3A_2509 : f32 to vector<16xf32>
      %select_n3A_2511 = arith.select %and3A_2504, %get3A_2495, %broadcast_in_dim3A_2510 : vector<16xi1>, vector<16xf32>
      %max3A_2512 = arith.maximumf %max3A_2492, %select_n3A_2511 : vector<16xf32>
      %get3A_2513 = arith.constant 1920 : index
      %get3A_2514 = tpu.vector_load %arg6[%get3A_2513] {strides = array<i32>} : memref<2064xf32, #tpu.memory_space<vmem>>, vector<16xf32>,
      %get3A_2515 = vector.shape_cast %get3A_2514 : vector<16xf32> to vector<16xf32>
      %add3A_2516 = arith.constant 1920 : i32
      %add3A_2517 = arith.addi %min3A_111, %add3A_2516 : i32
      %add3A_2518 = vector.broadcast %add3A_2517 : i32 to vector<16xi32>
      %add3A_2519 = arith.addi %add3A_2518, %iota3A : vector<16xi32>
      %ge3A_2520 = vector.broadcast %get3A_89 : i32 to vector<16xi32>
      %ge3A_2521 = arith.cmpi sge, %add3A_2519, %ge3A_2520 : vector<16xi32>
      %lt3A_2522 = vector.broadcast %get3A_92 : i32 to vector<16xi32>
      %lt3A_2523 = arith.cmpi slt, %add3A_2519, %lt3A_2522 : vector<16xi32>
      %and3A_2524 = arith.andi %ge3A_2521, %lt3A_2523 : vector<16xi1>
      %jit3A_2525 = arith.constant 0.000000e+00 : f32
      %broadcast_in_dim3A_2526 = vector.broadcast %jit3A_2525 : f32 to vector<16xf32>
      %select_n3A_2527 = arith.select %and3A_2524, %get3A_2515, %broadcast_in_dim3A_2526 : vector<16xi1>, vector<16xf32>
      %add3A_2528 = arith.addf %add3A_2508, %select_n3A_2527 : vector<16xf32>
      %jit3A_2529 = arith.constant 0xFF800000 : f32
      %broadcast_in_dim3A_2530 = vector.broadcast %jit3A_2529 : f32 to vector<16xf32>
      %select_n3A_2531 = arith.select %and3A_2524, %get3A_2515, %broadcast_in_dim3A_2530 : vector<16xi1>, vector<16xf32>
      %max3A_2532 = arith.maximumf %max3A_2512, %select_n3A_2531 : vector<16xf32>
      %get3A_2533 = arith.constant 1936 : index
      %get3A_2534 = tpu.vector_load %arg6[%get3A_2533] {strides = array<i32>} : memref<2064xf32, #tpu.memory_space<vmem>>, vector<16xf32>,
      %get3A_2535 = vector.shape_cast %get3A_2534 : vector<16xf32> to vector<16xf32>
      %add3A_2536 = arith.constant 1936 : i32
      %add3A_2537 = arith.addi %min3A_111, %add3A_2536 : i32
      %add3A_2538 = vector.broadcast %add3A_2537 : i32 to vector<16xi32>
      %add3A_2539 = arith.addi %add3A_2538, %iota3A : vector<16xi32>
      %ge3A_2540 = vector.broadcast %get3A_89 : i32 to vector<16xi32>
      %ge3A_2541 = arith.cmpi sge, %add3A_2539, %ge3A_2540 : vector<16xi32>
      %lt3A_2542 = vector.broadcast %get3A_92 : i32 to vector<16xi32>
      %lt3A_2543 = arith.cmpi slt, %add3A_2539, %lt3A_2542 : vector<16xi32>
      %and3A_2544 = arith.andi %ge3A_2541, %lt3A_2543 : vector<16xi1>
      %jit3A_2545 = arith.constant 0.000000e+00 : f32
      %broadcast_in_dim3A_2546 = vector.broadcast %jit3A_2545 : f32 to vector<16xf32>
      %select_n3A_2547 = arith.select %and3A_2544, %get3A_2535, %broadcast_in_dim3A_2546 : vector<16xi1>, vector<16xf32>
      %add3A_2548 = arith.addf %add3A_2528, %select_n3A_2547 : vector<16xf32>
      %jit3A_2549 = arith.constant 0xFF800000 : f32
      %broadcast_in_dim3A_2550 = vector.broadcast %jit3A_2549 : f32 to vector<16xf32>
      %select_n3A_2551 = arith.select %and3A_2544, %get3A_2535, %broadcast_in_dim3A_2550 : vector<16xi1>, vector<16xf32>
      %max3A_2552 = arith.maximumf %max3A_2532, %select_n3A_2551 : vector<16xf32>
      %get3A_2553 = arith.constant 1952 : index
      %get3A_2554 = tpu.vector_load %arg6[%get3A_2553] {strides = array<i32>} : memref<2064xf32, #tpu.memory_space<vmem>>, vector<16xf32>,
      %get3A_2555 = vector.shape_cast %get3A_2554 : vector<16xf32> to vector<16xf32>
      %add3A_2556 = arith.constant 1952 : i32
      %add3A_2557 = arith.addi %min3A_111, %add3A_2556 : i32
      %add3A_2558 = vector.broadcast %add3A_2557 : i32 to vector<16xi32>
      %add3A_2559 = arith.addi %add3A_2558, %iota3A : vector<16xi32>
      %ge3A_2560 = vector.broadcast %get3A_89 : i32 to vector<16xi32>
      %ge3A_2561 = arith.cmpi sge, %add3A_2559, %ge3A_2560 : vector<16xi32>
      %lt3A_2562 = vector.broadcast %get3A_92 : i32 to vector<16xi32>
      %lt3A_2563 = arith.cmpi slt, %add3A_2559, %lt3A_2562 : vector<16xi32>
      %and3A_2564 = arith.andi %ge3A_2561, %lt3A_2563 : vector<16xi1>
      %jit3A_2565 = arith.constant 0.000000e+00 : f32
      %broadcast_in_dim3A_2566 = vector.broadcast %jit3A_2565 : f32 to vector<16xf32>
      %select_n3A_2567 = arith.select %and3A_2564, %get3A_2555, %broadcast_in_dim3A_2566 : vector<16xi1>, vector<16xf32>
      %add3A_2568 = arith.addf %add3A_2548, %select_n3A_2567 : vector<16xf32>
      %jit3A_2569 = arith.constant 0xFF800000 : f32
      %broadcast_in_dim3A_2570 = vector.broadcast %jit3A_2569 : f32 to vector<16xf32>
      %select_n3A_2571 = arith.select %and3A_2564, %get3A_2555, %broadcast_in_dim3A_2570 : vector<16xi1>, vector<16xf32>
      %max3A_2572 = arith.maximumf %max3A_2552, %select_n3A_2571 : vector<16xf32>
      %get3A_2573 = arith.constant 1968 : index
      %get3A_2574 = tpu.vector_load %arg6[%get3A_2573] {strides = array<i32>} : memref<2064xf32, #tpu.memory_space<vmem>>, vector<16xf32>,
      %get3A_2575 = vector.shape_cast %get3A_2574 : vector<16xf32> to vector<16xf32>
      %add3A_2576 = arith.constant 1968 : i32
      %add3A_2577 = arith.addi %min3A_111, %add3A_2576 : i32
      %add3A_2578 = vector.broadcast %add3A_2577 : i32 to vector<16xi32>
      %add3A_2579 = arith.addi %add3A_2578, %iota3A : vector<16xi32>
      %ge3A_2580 = vector.broadcast %get3A_89 : i32 to vector<16xi32>
      %ge3A_2581 = arith.cmpi sge, %add3A_2579, %ge3A_2580 : vector<16xi32>
      %lt3A_2582 = vector.broadcast %get3A_92 : i32 to vector<16xi32>
      %lt3A_2583 = arith.cmpi slt, %add3A_2579, %lt3A_2582 : vector<16xi32>
      %and3A_2584 = arith.andi %ge3A_2581, %lt3A_2583 : vector<16xi1>
      %jit3A_2585 = arith.constant 0.000000e+00 : f32
      %broadcast_in_dim3A_2586 = vector.broadcast %jit3A_2585 : f32 to vector<16xf32>
      %select_n3A_2587 = arith.select %and3A_2584, %get3A_2575, %broadcast_in_dim3A_2586 : vector<16xi1>, vector<16xf32>
      %add3A_2588 = arith.addf %add3A_2568, %select_n3A_2587 : vector<16xf32>
      %jit3A_2589 = arith.constant 0xFF800000 : f32
      %broadcast_in_dim3A_2590 = vector.broadcast %jit3A_2589 : f32 to vector<16xf32>
      %select_n3A_2591 = arith.select %and3A_2584, %get3A_2575, %broadcast_in_dim3A_2590 : vector<16xi1>, vector<16xf32>
      %max3A_2592 = arith.maximumf %max3A_2572, %select_n3A_2591 : vector<16xf32>
      %get3A_2593 = arith.constant 1984 : index
      %get3A_2594 = tpu.vector_load %arg6[%get3A_2593] {strides = array<i32>} : memref<2064xf32, #tpu.memory_space<vmem>>, vector<16xf32>,
      %get3A_2595 = vector.shape_cast %get3A_2594 : vector<16xf32> to vector<16xf32>
      %add3A_2596 = arith.constant 1984 : i32
      %add3A_2597 = arith.addi %min3A_111, %add3A_2596 : i32
      %add3A_2598 = vector.broadcast %add3A_2597 : i32 to vector<16xi32>
      %add3A_2599 = arith.addi %add3A_2598, %iota3A : vector<16xi32>
      %ge3A_2600 = vector.broadcast %get3A_89 : i32 to vector<16xi32>
      %ge3A_2601 = arith.cmpi sge, %add3A_2599, %ge3A_2600 : vector<16xi32>
      %lt3A_2602 = vector.broadcast %get3A_92 : i32 to vector<16xi32>
      %lt3A_2603 = arith.cmpi slt, %add3A_2599, %lt3A_2602 : vector<16xi32>
      %and3A_2604 = arith.andi %ge3A_2601, %lt3A_2603 : vector<16xi1>
      %jit3A_2605 = arith.constant 0.000000e+00 : f32
      %broadcast_in_dim3A_2606 = vector.broadcast %jit3A_2605 : f32 to vector<16xf32>
      %select_n3A_2607 = arith.select %and3A_2604, %get3A_2595, %broadcast_in_dim3A_2606 : vector<16xi1>, vector<16xf32>
      %add3A_2608 = arith.addf %add3A_2588, %select_n3A_2607 : vector<16xf32>
      %jit3A_2609 = arith.constant 0xFF800000 : f32
      %broadcast_in_dim3A_2610 = vector.broadcast %jit3A_2609 : f32 to vector<16xf32>
      %select_n3A_2611 = arith.select %and3A_2604, %get3A_2595, %broadcast_in_dim3A_2610 : vector<16xi1>, vector<16xf32>
      %max3A_2612 = arith.maximumf %max3A_2592, %select_n3A_2611 : vector<16xf32>
      %get3A_2613 = arith.constant 2000 : index
      %get3A_2614 = tpu.vector_load %arg6[%get3A_2613] {strides = array<i32>} : memref<2064xf32, #tpu.memory_space<vmem>>, vector<16xf32>,
      %get3A_2615 = vector.shape_cast %get3A_2614 : vector<16xf32> to vector<16xf32>
      %add3A_2616 = arith.constant 2000 : i32
      %add3A_2617 = arith.addi %min3A_111, %add3A_2616 : i32
      %add3A_2618 = vector.broadcast %add3A_2617 : i32 to vector<16xi32>
      %add3A_2619 = arith.addi %add3A_2618, %iota3A : vector<16xi32>
      %ge3A_2620 = vector.broadcast %get3A_89 : i32 to vector<16xi32>
      %ge3A_2621 = arith.cmpi sge, %add3A_2619, %ge3A_2620 : vector<16xi32>
      %lt3A_2622 = vector.broadcast %get3A_92 : i32 to vector<16xi32>
      %lt3A_2623 = arith.cmpi slt, %add3A_2619, %lt3A_2622 : vector<16xi32>
      %and3A_2624 = arith.andi %ge3A_2621, %lt3A_2623 : vector<16xi1>
      %jit3A_2625 = arith.constant 0.000000e+00 : f32
      %broadcast_in_dim3A_2626 = vector.broadcast %jit3A_2625 : f32 to vector<16xf32>
      %select_n3A_2627 = arith.select %and3A_2624, %get3A_2615, %broadcast_in_dim3A_2626 : vector<16xi1>, vector<16xf32>
      %add3A_2628 = arith.addf %add3A_2608, %select_n3A_2627 : vector<16xf32>
      %jit3A_2629 = arith.constant 0xFF800000 : f32
      %broadcast_in_dim3A_2630 = vector.broadcast %jit3A_2629 : f32 to vector<16xf32>
      %select_n3A_2631 = arith.select %and3A_2624, %get3A_2615, %broadcast_in_dim3A_2630 : vector<16xi1>, vector<16xf32>
      %max3A_2632 = arith.maximumf %max3A_2612, %select_n3A_2631 : vector<16xf32>
      %get3A_2633 = arith.constant 2016 : index
      %get3A_2634 = tpu.vector_load %arg6[%get3A_2633] {strides = array<i32>} : memref<2064xf32, #tpu.memory_space<vmem>>, vector<16xf32>,
      %get3A_2635 = vector.shape_cast %get3A_2634 : vector<16xf32> to vector<16xf32>
      %add3A_2636 = arith.constant 2016 : i32
      %add3A_2637 = arith.addi %min3A_111, %add3A_2636 : i32
      %add3A_2638 = vector.broadcast %add3A_2637 : i32 to vector<16xi32>
      %add3A_2639 = arith.addi %add3A_2638, %iota3A : vector<16xi32>
      %ge3A_2640 = vector.broadcast %get3A_89 : i32 to vector<16xi32>
      %ge3A_2641 = arith.cmpi sge, %add3A_2639, %ge3A_2640 : vector<16xi32>
      %lt3A_2642 = vector.broadcast %get3A_92 : i32 to vector<16xi32>
      %lt3A_2643 = arith.cmpi slt, %add3A_2639, %lt3A_2642 : vector<16xi32>
      %and3A_2644 = arith.andi %ge3A_2641, %lt3A_2643 : vector<16xi1>
      %jit3A_2645 = arith.constant 0.000000e+00 : f32
      %broadcast_in_dim3A_2646 = vector.broadcast %jit3A_2645 : f32 to vector<16xf32>
      %select_n3A_2647 = arith.select %and3A_2644, %get3A_2635, %broadcast_in_dim3A_2646 : vector<16xi1>, vector<16xf32>
      %add3A_2648 = arith.addf %add3A_2628, %select_n3A_2647 : vector<16xf32>
      %jit3A_2649 = arith.constant 0xFF800000 : f32
      %broadcast_in_dim3A_2650 = vector.broadcast %jit3A_2649 : f32 to vector<16xf32>
      %select_n3A_2651 = arith.select %and3A_2644, %get3A_2635, %broadcast_in_dim3A_2650 : vector<16xi1>, vector<16xf32>
      %max3A_2652 = arith.maximumf %max3A_2632, %select_n3A_2651 : vector<16xf32>
      %get3A_2653 = arith.constant 2032 : index
      %get3A_2654 = tpu.vector_load %arg6[%get3A_2653] {strides = array<i32>} : memref<2064xf32, #tpu.memory_space<vmem>>, vector<16xf32>,
      %get3A_2655 = vector.shape_cast %get3A_2654 : vector<16xf32> to vector<16xf32>
      %add3A_2656 = arith.constant 2032 : i32
      %add3A_2657 = arith.addi %min3A_111, %add3A_2656 : i32
      %add3A_2658 = vector.broadcast %add3A_2657 : i32 to vector<16xi32>
      %add3A_2659 = arith.addi %add3A_2658, %iota3A : vector<16xi32>
      %ge3A_2660 = vector.broadcast %get3A_89 : i32 to vector<16xi32>
      %ge3A_2661 = arith.cmpi sge, %add3A_2659, %ge3A_2660 : vector<16xi32>
      %lt3A_2662 = vector.broadcast %get3A_92 : i32 to vector<16xi32>
      %lt3A_2663 = arith.cmpi slt, %add3A_2659, %lt3A_2662 : vector<16xi32>
      %and3A_2664 = arith.andi %ge3A_2661, %lt3A_2663 : vector<16xi1>
      %jit3A_2665 = arith.constant 0.000000e+00 : f32
      %broadcast_in_dim3A_2666 = vector.broadcast %jit3A_2665 : f32 to vector<16xf32>
      %select_n3A_2667 = arith.select %and3A_2664, %get3A_2655, %broadcast_in_dim3A_2666 : vector<16xi1>, vector<16xf32>
      %add3A_2668 = arith.addf %add3A_2648, %select_n3A_2667 : vector<16xf32>
      %jit3A_2669 = arith.constant 0xFF800000 : f32
      %broadcast_in_dim3A_2670 = vector.broadcast %jit3A_2669 : f32 to vector<16xf32>
      %select_n3A_2671 = arith.select %and3A_2664, %get3A_2655, %broadcast_in_dim3A_2670 : vector<16xi1>, vector<16xf32>
      %max3A_2672 = arith.maximumf %max3A_2652, %select_n3A_2671 : vector<16xf32>
      %get3A_2673 = arith.constant 2048 : index
      %get3A_2674 = tpu.vector_load %arg6[%get3A_2673] {strides = array<i32>} : memref<2064xf32, #tpu.memory_space<vmem>>, vector<16xf32>,
      %get3A_2675 = vector.shape_cast %get3A_2674 : vector<16xf32> to vector<16xf32>
      %add3A_2676 = arith.constant 2048 : i32
      %add3A_2677 = arith.addi %min3A_111, %add3A_2676 : i32
      %add3A_2678 = vector.broadcast %add3A_2677 : i32 to vector<16xi32>
      %add3A_2679 = arith.addi %add3A_2678, %iota3A : vector<16xi32>
      %ge3A_2680 = vector.broadcast %get3A_89 : i32 to vector<16xi32>
      %ge3A_2681 = arith.cmpi sge, %add3A_2679, %ge3A_2680 : vector<16xi32>
      %lt3A_2682 = vector.broadcast %get3A_92 : i32 to vector<16xi32>
      %lt3A_2683 = arith.cmpi slt, %add3A_2679, %lt3A_2682 : vector<16xi32>
      %and3A_2684 = arith.andi %ge3A_2681, %lt3A_2683 : vector<16xi1>
      %jit3A_2685 = arith.constant 0.000000e+00 : f32
      %broadcast_in_dim3A_2686 = vector.broadcast %jit3A_2685 : f32 to vector<16xf32>
      %select_n3A_2687 = arith.select %and3A_2684, %get3A_2675, %broadcast_in_dim3A_2686 : vector<16xi1>, vector<16xf32>
      %add3A_2688 = arith.addf %add3A_2668, %select_n3A_2687 : vector<16xf32>
      %jit3A_2689 = arith.constant 0xFF800000 : f32
      %broadcast_in_dim3A_2690 = vector.broadcast %jit3A_2689 : f32 to vector<16xf32>
      %select_n3A_2691 = arith.select %and3A_2684, %get3A_2675, %broadcast_in_dim3A_2690 : vector<16xi1>, vector<16xf32>
      %max3A_2692 = arith.maximumf %max3A_2672, %select_n3A_2691 : vector<16xf32>
      %swap3A = arith.constant 0 : index
      %swap3A_2693 = tpu.vector_load %arg10[%swap3A] {strides = array<i32>} : memref<16xf32, #tpu.memory_space<vmem>>, vector<16xf32>,
      %swap3A_2694 = vector.shape_cast %swap3A_2693 : vector<16xf32> to vector<16xf32>
      %swap3A_2695 = vector.shape_cast %add3A_2688 : vector<16xf32> to vector<16xf32>
      tpu.vector_store %arg10[%swap3A], %swap3A_2695 {strides = array<i32>} : memref<16xf32, #tpu.memory_space<vmem>>, vector<16xf32>,
      %swap3A_2696 = arith.constant 0 : index
      %swap3A_2697 = tpu.vector_load %arg11[%swap3A_2696] {strides = array<i32>} : memref<16xf32, #tpu.memory_space<vmem>>, vector<16xf32>,
      %swap3A_2698 = vector.shape_cast %swap3A_2697 : vector<16xf32> to vector<16xf32>
      %swap3A_2699 = vector.shape_cast %max3A_2692 : vector<16xf32> to vector<16xf32>
      tpu.vector_store %arg11[%swap3A_2696], %swap3A_2699 {strides = array<i32>} : memref<16xf32, #tpu.memory_space<vmem>>, vector<16xf32>,
      %get3A_2700 = arith.constant 0 : index
      %get3A_2701 = tpu.vector_load %arg10[%get3A_2700] {strides = array<i32>} : memref<16xf32, #tpu.memory_space<vmem>>, vector<16xf32>,
      %get3A_2702 = vector.shape_cast %get3A_2701 : vector<16xf32> to vector<16xf32>
      %xor3A = arith.constant 1 : i32
      %xor3A_2703 = vector.broadcast %xor3A : i32 to vector<16xi32>
      %xor3A_2704 = arith.xori %iota3A, %xor3A_2703 : vector<16xi32>
      %reshape3A = vector.shape_cast %xor3A_2704 : vector<16xi32> to vector<16x1xi32>
      %gather3A = vector.shape_cast %reshape3A : vector<16x1xi32> to vector<16xi32>
      %gather3A_2705 = tpu.dynamic_gather %get3A_2702[%gather3A] in [0] : vector<16xf32>, vector<16xi32> -> vector<16xf32>
      %add3A_2706 = arith.addf %get3A_2702, %gather3A_2705 : vector<16xf32>
      %xor3A_2707 = arith.constant 2 : i32
      %xor3A_2708 = vector.broadcast %xor3A_2707 : i32 to vector<16xi32>
      %xor3A_2709 = arith.xori %iota3A, %xor3A_2708 : vector<16xi32>
      %reshape3A_2710 = vector.shape_cast %xor3A_2709 : vector<16xi32> to vector<16x1xi32>
      %gather3A_2711 = vector.shape_cast %reshape3A_2710 : vector<16x1xi32> to vector<16xi32>
      %gather3A_2712 = tpu.dynamic_gather %add3A_2706[%gather3A_2711] in [0] : vector<16xf32>, vector<16xi32> -> vector<16xf32>
      %add3A_2713 = arith.addf %add3A_2706, %gather3A_2712 : vector<16xf32>
      %xor3A_2714 = arith.constant 4 : i32
      %xor3A_2715 = vector.broadcast %xor3A_2714 : i32 to vector<16xi32>
      %xor3A_2716 = arith.xori %iota3A, %xor3A_2715 : vector<16xi32>
      %reshape3A_2717 = vector.shape_cast %xor3A_2716 : vector<16xi32> to vector<16x1xi32>
      %gather3A_2718 = vector.shape_cast %reshape3A_2717 : vector<16x1xi32> to vector<16xi32>
      %gather3A_2719 = tpu.dynamic_gather %add3A_2713[%gather3A_2718] in [0] : vector<16xf32>, vector<16xi32> -> vector<16xf32>
      %add3A_2720 = arith.addf %add3A_2713, %gather3A_2719 : vector<16xf32>
      %xor3A_2721 = arith.constant 8 : i32
      %xor3A_2722 = vector.broadcast %xor3A_2721 : i32 to vector<16xi32>
      %xor3A_2723 = arith.xori %iota3A, %xor3A_2722 : vector<16xi32>
      %reshape3A_2724 = vector.shape_cast %xor3A_2723 : vector<16xi32> to vector<16x1xi32>
      %gather3A_2725 = vector.shape_cast %reshape3A_2724 : vector<16x1xi32> to vector<16xi32>
      %gather3A_2726 = tpu.dynamic_gather %add3A_2720[%gather3A_2725] in [0] : vector<16xf32>, vector<16xi32> -> vector<16xf32>
      %add3A_2727 = arith.addf %add3A_2720, %gather3A_2726 : vector<16xf32>
      %get3A_2728 = arith.constant 0 : index
      %get3A_2729 = tpu.vector_load %arg11[%get3A_2728] {strides = array<i32>} : memref<16xf32, #tpu.memory_space<vmem>>, vector<16xf32>,
      %get3A_2730 = vector.shape_cast %get3A_2729 : vector<16xf32> to vector<16xf32>
      %xor3A_2731 = arith.constant 1 : i32
      %xor3A_2732 = vector.broadcast %xor3A_2731 : i32 to vector<16xi32>
      %xor3A_2733 = arith.xori %iota3A, %xor3A_2732 : vector<16xi32>
      %reshape3A_2734 = vector.shape_cast %xor3A_2733 : vector<16xi32> to vector<16x1xi32>
      %gather3A_2735 = vector.shape_cast %reshape3A_2734 : vector<16x1xi32> to vector<16xi32>
      %gather3A_2736 = tpu.dynamic_gather %get3A_2730[%gather3A_2735] in [0] : vector<16xf32>, vector<16xi32> -> vector<16xf32>
      %max3A_2737 = arith.maximumf %get3A_2730, %gather3A_2736 : vector<16xf32>
      %xor3A_2738 = arith.constant 2 : i32
      %xor3A_2739 = vector.broadcast %xor3A_2738 : i32 to vector<16xi32>
      %xor3A_2740 = arith.xori %iota3A, %xor3A_2739 : vector<16xi32>
      %reshape3A_2741 = vector.shape_cast %xor3A_2740 : vector<16xi32> to vector<16x1xi32>
      %gather3A_2742 = vector.shape_cast %reshape3A_2741 : vector<16x1xi32> to vector<16xi32>
      %gather3A_2743 = tpu.dynamic_gather %max3A_2737[%gather3A_2742] in [0] : vector<16xf32>, vector<16xi32> -> vector<16xf32>
      %max3A_2744 = arith.maximumf %max3A_2737, %gather3A_2743 : vector<16xf32>
      %xor3A_2745 = arith.constant 4 : i32
      %xor3A_2746 = vector.broadcast %xor3A_2745 : i32 to vector<16xi32>
      %xor3A_2747 = arith.xori %iota3A, %xor3A_2746 : vector<16xi32>
      %reshape3A_2748 = vector.shape_cast %xor3A_2747 : vector<16xi32> to vector<16x1xi32>
      %gather3A_2749 = vector.shape_cast %reshape3A_2748 : vector<16x1xi32> to vector<16xi32>
      %gather3A_2750 = tpu.dynamic_gather %max3A_2744[%gather3A_2749] in [0] : vector<16xf32>, vector<16xi32> -> vector<16xf32>
      %max3A_2751 = arith.maximumf %max3A_2744, %gather3A_2750 : vector<16xf32>
      %xor3A_2752 = arith.constant 8 : i32
      %xor3A_2753 = vector.broadcast %xor3A_2752 : i32 to vector<16xi32>
      %xor3A_2754 = arith.xori %iota3A, %xor3A_2753 : vector<16xi32>
      %reshape3A_2755 = vector.shape_cast %xor3A_2754 : vector<16xi32> to vector<16x1xi32>
      %gather3A_2756 = vector.shape_cast %reshape3A_2755 : vector<16x1xi32> to vector<16xi32>
      %gather3A_2757 = tpu.dynamic_gather %max3A_2751[%gather3A_2756] in [0] : vector<16xf32>, vector<16xi32> -> vector<16xf32>
      %max3A_2758 = arith.maximumf %max3A_2751, %gather3A_2757 : vector<16xf32>
      %sub3A_2759 = arith.subi %get3A_92, %get3A_89 : i32
      %convert_element_type3A_2760 = arith.sitofp %sub3A_2759 : i32 to f32
      %mul3A_2761 = arith.constant 0.699999988 : f32
      %mul3A_2762 = vector.broadcast %mul3A_2761 : f32 to vector<16xf32>
      %mul3A_2763 = arith.mulf %mul3A_2762, %max3A_2758 : vector<16xf32>
      %div3A_2764 = vector.broadcast %convert_element_type3A_2760 : f32 to vector<16xf32>
      %div3A_2765 = arith.divf %add3A_2727, %div3A_2764 : vector<16xf32>
      %mul3A_2766 = arith.constant 3.000000e-01 : f32
      %mul3A_2767 = vector.broadcast %mul3A_2766 : f32 to vector<16xf32>
      %mul3A_2768 = arith.mulf %mul3A_2767, %div3A_2765 : vector<16xf32>
      %add3A_2769 = arith.addf %mul3A_2763, %mul3A_2768 : vector<16xf32>
      %swap3A_2770 = arith.constant 0 : index
      %swap3A_2771 = tpu.vector_load %arg9[%swap3A_2770] {strides = array<i32>} : memref<16xf32, #tpu.memory_space<vmem>>, vector<16xf32>,
      %swap3A_2772 = vector.shape_cast %swap3A_2771 : vector<16xf32> to vector<16xf32>
      %swap3A_2773 = vector.shape_cast %add3A_2769 : vector<16xf32> to vector<16xf32>
      tpu.vector_store %arg9[%swap3A_2770], %swap3A_2773 {strides = array<i32>} : memref<16xf32, #tpu.memory_space<vmem>>, vector<16xf32>,
      "tpu.region"() ({
        %run_scoped3A = tpu.sem_alloc : memref<!tpu.dma_semaphore, #tpu.memory_space<semaphore_mem>>
        %dma_start3A = arith.constant 0 : i32
        %dma_start3A_2774 = tpu.memref_slice %arg5[%add3A, %dma_start3A] : memref<16x16xf32, #tpu.memory_space<hbm>> -> memref<1x16xf32, #tpu.memory_space<hbm>>
        %dma_start3A_2775 = tpu.memref_squeeze %dma_start3A_2774 : memref<1x16xf32, #tpu.memory_space<hbm>> -> memref<16xf32, #tpu.memory_space<hbm>>
        %dma_start3A_2776 = arith.constant 0 : i32
        %dma_start3A_2777 = tpu.memref_slice %arg5[%add3A, %dma_start3A_2776] : memref<16x16xf32, #tpu.memory_space<hbm>> -> memref<1x16xf32, #tpu.memory_space<hbm>>
        %dma_start3A_2778 = tpu.memref_squeeze %dma_start3A_2777 : memref<1x16xf32, #tpu.memory_space<hbm>> -> memref<16xf32, #tpu.memory_space<hbm>>
        tpu.enqueue_dma source(%arg9 : memref<16xf32, #tpu.memory_space<vmem>>) target(%dma_start3A_2778 : memref<16xf32, #tpu.memory_space<hbm>>) target_semaphore(%run_scoped3A : memref<!tpu.dma_semaphore, #tpu.memory_space<semaphore_mem>>)
        %dma_wait3A = arith.constant 0 : i32
        %dma_wait3A_2779 = tpu.memref_slice %arg5[%add3A, %dma_wait3A] : memref<16x16xf32, #tpu.memory_space<hbm>> -> memref<1x16xf32, #tpu.memory_space<hbm>>
        %dma_wait3A_2780 = tpu.memref_squeeze %dma_wait3A_2779 : memref<1x16xf32, #tpu.memory_space<hbm>> -> memref<16xf32, #tpu.memory_space<hbm>>
        %dma_wait3A_2781 = arith.constant 0 : i32
        %dma_wait3A_2782 = tpu.memref_slice %arg5[%add3A, %dma_wait3A_2781] : memref<16x16xf32, #tpu.memory_space<hbm>> -> memref<1x16xf32, #tpu.memory_space<hbm>>
        %dma_wait3A_2783 = tpu.memref_squeeze %dma_wait3A_2782 : memref<1x16xf32, #tpu.memory_space<hbm>> -> memref<16xf32, #tpu.memory_space<hbm>>
        tpu.wait_dma2 semaphore(%run_scoped3A : memref<!tpu.dma_semaphore, #tpu.memory_space<semaphore_mem>>) src(%arg9 : memref<16xf32, #tpu.memory_space<vmem>>) dst(%dma_wait3A_2783 : memref<16xf32, #tpu.memory_space<hbm>>)
        tpu.yield
      }) : () -> ()
    } else {
    }
    return
  }
}

module attributes {stable_mosaic.version = 14 : i64} {
  func.func @_tc_body(%arg0: i32, %arg1: memref<512x16xf32, #tpu.memory_space<vmem>>, %arg2: memref<128x16xf32, #tpu.memory_space<vmem>>, %arg3: memref<1x16xf32, #tpu.memory_space<vmem>>, %arg4: memref<1x16xf32, #tpu.memory_space<vmem>>, %arg5: memref<1x1xf32, #tpu.memory_space<vmem>>, %arg6: memref<32768x512xf32, #tpu.memory_space<any>>, %arg7: memref<32768x128xf32, #tpu.memory_space<any>>, %arg8: memref<256x128xf32, #tpu.memory_space<vmem>>, %arg9: memref<8x1024x512xf32, #tpu.memory_space<vmem>>, %arg10: memref<8x1024x128xf32, #tpu.memory_space<vmem>>, %arg11: memref<256x128xf32, #tpu.memory_space<vmem>>, %arg12: memref<8x2x!tpu.dma_semaphore, #tpu.memory_space<semaphore_mem>>) attributes {dimension_semantics = [#tpu.dimension_semantics<arbitrary>], iteration_bounds = array<i64: 1>, scalar_prefetch = 0 : i64, scratch_operands = 4 : i64, tpu.core_type = #tpu.core_type<tc>, window_params = [{pipeline_mode = #tpu.pipeline_mode<synchronous>, transform_indices = @transform_0, window_bounds = array<i64: 512, 16>}, {pipeline_mode = #tpu.pipeline_mode<synchronous>, transform_indices = @transform_1, window_bounds = array<i64: 128, 16>}, {pipeline_mode = #tpu.pipeline_mode<synchronous>, transform_indices = @transform_2, window_bounds = array<i64: 1, 16>}, {pipeline_mode = #tpu.pipeline_mode<synchronous>, transform_indices = @transform_3, window_bounds = array<i64: 1, 16>}, {pipeline_mode = #tpu.pipeline_mode<synchronous>, transform_indices = @transform_4, window_bounds = array<i64: 1, 1>}, {}, {}, {pipeline_mode = #tpu.pipeline_mode<synchronous>, transform_indices = @transform_7, window_bounds = array<i64: 256, 128>}]} {
    %dma_start3A = arith.constant 0 : i32
    %dma_start3A_0 = arith.constant 0 : i32
    %dma_start3A_1 = arith.constant 0 : i32
    %dma_start3A_2 = tpu.memref_slice %arg12[%dma_start3A_0, %dma_start3A_1] : memref<8x2x!tpu.dma_semaphore, #tpu.memory_space<semaphore_mem>> -> memref<1x1x!tpu.dma_semaphore, #tpu.memory_space<semaphore_mem>>
    %dma_start3A_3 = tpu.memref_squeeze %dma_start3A_2 : memref<1x1x!tpu.dma_semaphore, #tpu.memory_space<semaphore_mem>> -> memref<!tpu.dma_semaphore, #tpu.memory_space<semaphore_mem>>
    %dma_start3A_4 = arith.constant 0 : i32
    %dma_start3A_5 = arith.constant 0 : i32
    %dma_start3A_6 = tpu.memref_slice %arg9[%dma_start3A, %dma_start3A_4, %dma_start3A_5] : memref<8x1024x512xf32, #tpu.memory_space<vmem>> -> memref<1x1024x512xf32, #tpu.memory_space<vmem>>
    %dma_start3A_7 = tpu.memref_squeeze %dma_start3A_6 : memref<1x1024x512xf32, #tpu.memory_space<vmem>> -> memref<1024x512xf32, #tpu.memory_space<vmem>>
    %dma_start3A_8 = arith.constant 0 : i32
    %dma_start3A_9 = arith.constant 0 : i32
    %dma_start3A_10 = tpu.memref_slice %arg6[%dma_start3A_8, %dma_start3A_9] : memref<32768x512xf32, #tpu.memory_space<any>> -> memref<1024x512xf32, #tpu.memory_space<any>>
    tpu.enqueue_dma source(%dma_start3A_10 : memref<1024x512xf32, #tpu.memory_space<any>>) target(%dma_start3A_7 : memref<1024x512xf32, #tpu.memory_space<vmem>>) target_semaphore(%dma_start3A_3 : memref<!tpu.dma_semaphore, #tpu.memory_space<semaphore_mem>>)
    %dma_start3A_11 = arith.constant 0 : i32
    %dma_start3A_12 = arith.constant 0 : i32
    %dma_start3A_13 = arith.constant 1 : i32
    %dma_start3A_14 = tpu.memref_slice %arg12[%dma_start3A_12, %dma_start3A_13] : memref<8x2x!tpu.dma_semaphore, #tpu.memory_space<semaphore_mem>> -> memref<1x1x!tpu.dma_semaphore, #tpu.memory_space<semaphore_mem>>
    %dma_start3A_15 = tpu.memref_squeeze %dma_start3A_14 : memref<1x1x!tpu.dma_semaphore, #tpu.memory_space<semaphore_mem>> -> memref<!tpu.dma_semaphore, #tpu.memory_space<semaphore_mem>>
    %dma_start3A_16 = arith.constant 0 : i32
    %dma_start3A_17 = arith.constant 0 : i32
    %dma_start3A_18 = tpu.memref_slice %arg10[%dma_start3A_11, %dma_start3A_16, %dma_start3A_17] : memref<8x1024x128xf32, #tpu.memory_space<vmem>> -> memref<1x1024x128xf32, #tpu.memory_space<vmem>>
    %dma_start3A_19 = tpu.memref_squeeze %dma_start3A_18 : memref<1x1024x128xf32, #tpu.memory_space<vmem>> -> memref<1024x128xf32, #tpu.memory_space<vmem>>
    %dma_start3A_20 = arith.constant 0 : i32
    %dma_start3A_21 = arith.constant 0 : i32
    %dma_start3A_22 = tpu.memref_slice %arg7[%dma_start3A_20, %dma_start3A_21] : memref<32768x128xf32, #tpu.memory_space<any>> -> memref<1024x128xf32, #tpu.memory_space<any>>
    tpu.enqueue_dma source(%dma_start3A_22 : memref<1024x128xf32, #tpu.memory_space<any>>) target(%dma_start3A_19 : memref<1024x128xf32, #tpu.memory_space<vmem>>) target_semaphore(%dma_start3A_15 : memref<!tpu.dma_semaphore, #tpu.memory_space<semaphore_mem>>)
    %dma_start3A_23 = arith.constant 1 : i32
    %dma_start3A_24 = arith.constant 1 : i32
    %dma_start3A_25 = arith.constant 0 : i32
    %dma_start3A_26 = tpu.memref_slice %arg12[%dma_start3A_24, %dma_start3A_25] : memref<8x2x!tpu.dma_semaphore, #tpu.memory_space<semaphore_mem>> -> memref<1x1x!tpu.dma_semaphore, #tpu.memory_space<semaphore_mem>>
    %dma_start3A_27 = tpu.memref_squeeze %dma_start3A_26 : memref<1x1x!tpu.dma_semaphore, #tpu.memory_space<semaphore_mem>> -> memref<!tpu.dma_semaphore, #tpu.memory_space<semaphore_mem>>
    %dma_start3A_28 = arith.constant 0 : i32
    %dma_start3A_29 = arith.constant 0 : i32
    %dma_start3A_30 = tpu.memref_slice %arg9[%dma_start3A_23, %dma_start3A_28, %dma_start3A_29] : memref<8x1024x512xf32, #tpu.memory_space<vmem>> -> memref<1x1024x512xf32, #tpu.memory_space<vmem>>
    %dma_start3A_31 = tpu.memref_squeeze %dma_start3A_30 : memref<1x1024x512xf32, #tpu.memory_space<vmem>> -> memref<1024x512xf32, #tpu.memory_space<vmem>>
    %dma_start3A_32 = arith.constant 1024 : i32
    %dma_start3A_33 = arith.constant 0 : i32
    %dma_start3A_34 = tpu.memref_slice %arg6[%dma_start3A_32, %dma_start3A_33] : memref<32768x512xf32, #tpu.memory_space<any>> -> memref<1024x512xf32, #tpu.memory_space<any>>
    tpu.enqueue_dma source(%dma_start3A_34 : memref<1024x512xf32, #tpu.memory_space<any>>) target(%dma_start3A_31 : memref<1024x512xf32, #tpu.memory_space<vmem>>) target_semaphore(%dma_start3A_27 : memref<!tpu.dma_semaphore, #tpu.memory_space<semaphore_mem>>)
    %dma_start3A_35 = arith.constant 1 : i32
    %dma_start3A_36 = arith.constant 1 : i32
    %dma_start3A_37 = arith.constant 1 : i32
    %dma_start3A_38 = tpu.memref_slice %arg12[%dma_start3A_36, %dma_start3A_37] : memref<8x2x!tpu.dma_semaphore, #tpu.memory_space<semaphore_mem>> -> memref<1x1x!tpu.dma_semaphore, #tpu.memory_space<semaphore_mem>>
    %dma_start3A_39 = tpu.memref_squeeze %dma_start3A_38 : memref<1x1x!tpu.dma_semaphore, #tpu.memory_space<semaphore_mem>> -> memref<!tpu.dma_semaphore, #tpu.memory_space<semaphore_mem>>
    %dma_start3A_40 = arith.constant 0 : i32
    %dma_start3A_41 = arith.constant 0 : i32
    %dma_start3A_42 = tpu.memref_slice %arg10[%dma_start3A_35, %dma_start3A_40, %dma_start3A_41] : memref<8x1024x128xf32, #tpu.memory_space<vmem>> -> memref<1x1024x128xf32, #tpu.memory_space<vmem>>
    %dma_start3A_43 = tpu.memref_squeeze %dma_start3A_42 : memref<1x1024x128xf32, #tpu.memory_space<vmem>> -> memref<1024x128xf32, #tpu.memory_space<vmem>>
    %dma_start3A_44 = arith.constant 1024 : i32
    %dma_start3A_45 = arith.constant 0 : i32
    %dma_start3A_46 = tpu.memref_slice %arg7[%dma_start3A_44, %dma_start3A_45] : memref<32768x128xf32, #tpu.memory_space<any>> -> memref<1024x128xf32, #tpu.memory_space<any>>
    tpu.enqueue_dma source(%dma_start3A_46 : memref<1024x128xf32, #tpu.memory_space<any>>) target(%dma_start3A_43 : memref<1024x128xf32, #tpu.memory_space<vmem>>) target_semaphore(%dma_start3A_39 : memref<!tpu.dma_semaphore, #tpu.memory_space<semaphore_mem>>)
    %dma_start3A_47 = arith.constant 2 : i32
    %dma_start3A_48 = arith.constant 2 : i32
    %dma_start3A_49 = arith.constant 0 : i32
    %dma_start3A_50 = tpu.memref_slice %arg12[%dma_start3A_48, %dma_start3A_49] : memref<8x2x!tpu.dma_semaphore, #tpu.memory_space<semaphore_mem>> -> memref<1x1x!tpu.dma_semaphore, #tpu.memory_space<semaphore_mem>>
    %dma_start3A_51 = tpu.memref_squeeze %dma_start3A_50 : memref<1x1x!tpu.dma_semaphore, #tpu.memory_space<semaphore_mem>> -> memref<!tpu.dma_semaphore, #tpu.memory_space<semaphore_mem>>
    %dma_start3A_52 = arith.constant 0 : i32
    %dma_start3A_53 = arith.constant 0 : i32
    %dma_start3A_54 = tpu.memref_slice %arg9[%dma_start3A_47, %dma_start3A_52, %dma_start3A_53] : memref<8x1024x512xf32, #tpu.memory_space<vmem>> -> memref<1x1024x512xf32, #tpu.memory_space<vmem>>
    %dma_start3A_55 = tpu.memref_squeeze %dma_start3A_54 : memref<1x1024x512xf32, #tpu.memory_space<vmem>> -> memref<1024x512xf32, #tpu.memory_space<vmem>>
    %dma_start3A_56 = arith.constant 2048 : i32
    %dma_start3A_57 = arith.constant 0 : i32
    %dma_start3A_58 = tpu.memref_slice %arg6[%dma_start3A_56, %dma_start3A_57] : memref<32768x512xf32, #tpu.memory_space<any>> -> memref<1024x512xf32, #tpu.memory_space<any>>
    tpu.enqueue_dma source(%dma_start3A_58 : memref<1024x512xf32, #tpu.memory_space<any>>) target(%dma_start3A_55 : memref<1024x512xf32, #tpu.memory_space<vmem>>) target_semaphore(%dma_start3A_51 : memref<!tpu.dma_semaphore, #tpu.memory_space<semaphore_mem>>)
    %dma_start3A_59 = arith.constant 2 : i32
    %dma_start3A_60 = arith.constant 2 : i32
    %dma_start3A_61 = arith.constant 1 : i32
    %dma_start3A_62 = tpu.memref_slice %arg12[%dma_start3A_60, %dma_start3A_61] : memref<8x2x!tpu.dma_semaphore, #tpu.memory_space<semaphore_mem>> -> memref<1x1x!tpu.dma_semaphore, #tpu.memory_space<semaphore_mem>>
    %dma_start3A_63 = tpu.memref_squeeze %dma_start3A_62 : memref<1x1x!tpu.dma_semaphore, #tpu.memory_space<semaphore_mem>> -> memref<!tpu.dma_semaphore, #tpu.memory_space<semaphore_mem>>
    %dma_start3A_64 = arith.constant 0 : i32
    %dma_start3A_65 = arith.constant 0 : i32
    %dma_start3A_66 = tpu.memref_slice %arg10[%dma_start3A_59, %dma_start3A_64, %dma_start3A_65] : memref<8x1024x128xf32, #tpu.memory_space<vmem>> -> memref<1x1024x128xf32, #tpu.memory_space<vmem>>
    %dma_start3A_67 = tpu.memref_squeeze %dma_start3A_66 : memref<1x1024x128xf32, #tpu.memory_space<vmem>> -> memref<1024x128xf32, #tpu.memory_space<vmem>>
    %dma_start3A_68 = arith.constant 2048 : i32
    %dma_start3A_69 = arith.constant 0 : i32
    %dma_start3A_70 = tpu.memref_slice %arg7[%dma_start3A_68, %dma_start3A_69] : memref<32768x128xf32, #tpu.memory_space<any>> -> memref<1024x128xf32, #tpu.memory_space<any>>
    tpu.enqueue_dma source(%dma_start3A_70 : memref<1024x128xf32, #tpu.memory_space<any>>) target(%dma_start3A_67 : memref<1024x128xf32, #tpu.memory_space<vmem>>) target_semaphore(%dma_start3A_63 : memref<!tpu.dma_semaphore, #tpu.memory_space<semaphore_mem>>)
    %dma_start3A_71 = arith.constant 3 : i32
    %dma_start3A_72 = arith.constant 3 : i32
    %dma_start3A_73 = arith.constant 0 : i32
    %dma_start3A_74 = tpu.memref_slice %arg12[%dma_start3A_72, %dma_start3A_73] : memref<8x2x!tpu.dma_semaphore, #tpu.memory_space<semaphore_mem>> -> memref<1x1x!tpu.dma_semaphore, #tpu.memory_space<semaphore_mem>>
    %dma_start3A_75 = tpu.memref_squeeze %dma_start3A_74 : memref<1x1x!tpu.dma_semaphore, #tpu.memory_space<semaphore_mem>> -> memref<!tpu.dma_semaphore, #tpu.memory_space<semaphore_mem>>
    %dma_start3A_76 = arith.constant 0 : i32
    %dma_start3A_77 = arith.constant 0 : i32
    %dma_start3A_78 = tpu.memref_slice %arg9[%dma_start3A_71, %dma_start3A_76, %dma_start3A_77] : memref<8x1024x512xf32, #tpu.memory_space<vmem>> -> memref<1x1024x512xf32, #tpu.memory_space<vmem>>
    %dma_start3A_79 = tpu.memref_squeeze %dma_start3A_78 : memref<1x1024x512xf32, #tpu.memory_space<vmem>> -> memref<1024x512xf32, #tpu.memory_space<vmem>>
    %dma_start3A_80 = arith.constant 3072 : i32
    %dma_start3A_81 = arith.constant 0 : i32
    %dma_start3A_82 = tpu.memref_slice %arg6[%dma_start3A_80, %dma_start3A_81] : memref<32768x512xf32, #tpu.memory_space<any>> -> memref<1024x512xf32, #tpu.memory_space<any>>
    tpu.enqueue_dma source(%dma_start3A_82 : memref<1024x512xf32, #tpu.memory_space<any>>) target(%dma_start3A_79 : memref<1024x512xf32, #tpu.memory_space<vmem>>) target_semaphore(%dma_start3A_75 : memref<!tpu.dma_semaphore, #tpu.memory_space<semaphore_mem>>)
    %dma_start3A_83 = arith.constant 3 : i32
    %dma_start3A_84 = arith.constant 3 : i32
    %dma_start3A_85 = arith.constant 1 : i32
    %dma_start3A_86 = tpu.memref_slice %arg12[%dma_start3A_84, %dma_start3A_85] : memref<8x2x!tpu.dma_semaphore, #tpu.memory_space<semaphore_mem>> -> memref<1x1x!tpu.dma_semaphore, #tpu.memory_space<semaphore_mem>>
    %dma_start3A_87 = tpu.memref_squeeze %dma_start3A_86 : memref<1x1x!tpu.dma_semaphore, #tpu.memory_space<semaphore_mem>> -> memref<!tpu.dma_semaphore, #tpu.memory_space<semaphore_mem>>
    %dma_start3A_88 = arith.constant 0 : i32
    %dma_start3A_89 = arith.constant 0 : i32
    %dma_start3A_90 = tpu.memref_slice %arg10[%dma_start3A_83, %dma_start3A_88, %dma_start3A_89] : memref<8x1024x128xf32, #tpu.memory_space<vmem>> -> memref<1x1024x128xf32, #tpu.memory_space<vmem>>
    %dma_start3A_91 = tpu.memref_squeeze %dma_start3A_90 : memref<1x1024x128xf32, #tpu.memory_space<vmem>> -> memref<1024x128xf32, #tpu.memory_space<vmem>>
    %dma_start3A_92 = arith.constant 3072 : i32
    %dma_start3A_93 = arith.constant 0 : i32
    %dma_start3A_94 = tpu.memref_slice %arg7[%dma_start3A_92, %dma_start3A_93] : memref<32768x128xf32, #tpu.memory_space<any>> -> memref<1024x128xf32, #tpu.memory_space<any>>
    tpu.enqueue_dma source(%dma_start3A_94 : memref<1024x128xf32, #tpu.memory_space<any>>) target(%dma_start3A_91 : memref<1024x128xf32, #tpu.memory_space<vmem>>) target_semaphore(%dma_start3A_87 : memref<!tpu.dma_semaphore, #tpu.memory_space<semaphore_mem>>)
    %dma_start3A_95 = arith.constant 4 : i32
    %dma_start3A_96 = arith.constant 4 : i32
    %dma_start3A_97 = arith.constant 0 : i32
    %dma_start3A_98 = tpu.memref_slice %arg12[%dma_start3A_96, %dma_start3A_97] : memref<8x2x!tpu.dma_semaphore, #tpu.memory_space<semaphore_mem>> -> memref<1x1x!tpu.dma_semaphore, #tpu.memory_space<semaphore_mem>>
    %dma_start3A_99 = tpu.memref_squeeze %dma_start3A_98 : memref<1x1x!tpu.dma_semaphore, #tpu.memory_space<semaphore_mem>> -> memref<!tpu.dma_semaphore, #tpu.memory_space<semaphore_mem>>
    %dma_start3A_100 = arith.constant 0 : i32
    %dma_start3A_101 = arith.constant 0 : i32
    %dma_start3A_102 = tpu.memref_slice %arg9[%dma_start3A_95, %dma_start3A_100, %dma_start3A_101] : memref<8x1024x512xf32, #tpu.memory_space<vmem>> -> memref<1x1024x512xf32, #tpu.memory_space<vmem>>
    %dma_start3A_103 = tpu.memref_squeeze %dma_start3A_102 : memref<1x1024x512xf32, #tpu.memory_space<vmem>> -> memref<1024x512xf32, #tpu.memory_space<vmem>>
    %dma_start3A_104 = arith.constant 4096 : i32
    %dma_start3A_105 = arith.constant 0 : i32
    %dma_start3A_106 = tpu.memref_slice %arg6[%dma_start3A_104, %dma_start3A_105] : memref<32768x512xf32, #tpu.memory_space<any>> -> memref<1024x512xf32, #tpu.memory_space<any>>
    tpu.enqueue_dma source(%dma_start3A_106 : memref<1024x512xf32, #tpu.memory_space<any>>) target(%dma_start3A_103 : memref<1024x512xf32, #tpu.memory_space<vmem>>) target_semaphore(%dma_start3A_99 : memref<!tpu.dma_semaphore, #tpu.memory_space<semaphore_mem>>)
    %dma_start3A_107 = arith.constant 4 : i32
    %dma_start3A_108 = arith.constant 4 : i32
    %dma_start3A_109 = arith.constant 1 : i32
    %dma_start3A_110 = tpu.memref_slice %arg12[%dma_start3A_108, %dma_start3A_109] : memref<8x2x!tpu.dma_semaphore, #tpu.memory_space<semaphore_mem>> -> memref<1x1x!tpu.dma_semaphore, #tpu.memory_space<semaphore_mem>>
    %dma_start3A_111 = tpu.memref_squeeze %dma_start3A_110 : memref<1x1x!tpu.dma_semaphore, #tpu.memory_space<semaphore_mem>> -> memref<!tpu.dma_semaphore, #tpu.memory_space<semaphore_mem>>
    %dma_start3A_112 = arith.constant 0 : i32
    %dma_start3A_113 = arith.constant 0 : i32
    %dma_start3A_114 = tpu.memref_slice %arg10[%dma_start3A_107, %dma_start3A_112, %dma_start3A_113] : memref<8x1024x128xf32, #tpu.memory_space<vmem>> -> memref<1x1024x128xf32, #tpu.memory_space<vmem>>
    %dma_start3A_115 = tpu.memref_squeeze %dma_start3A_114 : memref<1x1024x128xf32, #tpu.memory_space<vmem>> -> memref<1024x128xf32, #tpu.memory_space<vmem>>
    %dma_start3A_116 = arith.constant 4096 : i32
    %dma_start3A_117 = arith.constant 0 : i32
    %dma_start3A_118 = tpu.memref_slice %arg7[%dma_start3A_116, %dma_start3A_117] : memref<32768x128xf32, #tpu.memory_space<any>> -> memref<1024x128xf32, #tpu.memory_space<any>>
    tpu.enqueue_dma source(%dma_start3A_118 : memref<1024x128xf32, #tpu.memory_space<any>>) target(%dma_start3A_115 : memref<1024x128xf32, #tpu.memory_space<vmem>>) target_semaphore(%dma_start3A_111 : memref<!tpu.dma_semaphore, #tpu.memory_space<semaphore_mem>>)
    %dma_start3A_119 = arith.constant 5 : i32
    %dma_start3A_120 = arith.constant 5 : i32
    %dma_start3A_121 = arith.constant 0 : i32
    %dma_start3A_122 = tpu.memref_slice %arg12[%dma_start3A_120, %dma_start3A_121] : memref<8x2x!tpu.dma_semaphore, #tpu.memory_space<semaphore_mem>> -> memref<1x1x!tpu.dma_semaphore, #tpu.memory_space<semaphore_mem>>
    %dma_start3A_123 = tpu.memref_squeeze %dma_start3A_122 : memref<1x1x!tpu.dma_semaphore, #tpu.memory_space<semaphore_mem>> -> memref<!tpu.dma_semaphore, #tpu.memory_space<semaphore_mem>>
    %dma_start3A_124 = arith.constant 0 : i32
    %dma_start3A_125 = arith.constant 0 : i32
    %dma_start3A_126 = tpu.memref_slice %arg9[%dma_start3A_119, %dma_start3A_124, %dma_start3A_125] : memref<8x1024x512xf32, #tpu.memory_space<vmem>> -> memref<1x1024x512xf32, #tpu.memory_space<vmem>>
    %dma_start3A_127 = tpu.memref_squeeze %dma_start3A_126 : memref<1x1024x512xf32, #tpu.memory_space<vmem>> -> memref<1024x512xf32, #tpu.memory_space<vmem>>
    %dma_start3A_128 = arith.constant 5120 : i32
    %dma_start3A_129 = arith.constant 0 : i32
    %dma_start3A_130 = tpu.memref_slice %arg6[%dma_start3A_128, %dma_start3A_129] : memref<32768x512xf32, #tpu.memory_space<any>> -> memref<1024x512xf32, #tpu.memory_space<any>>
    tpu.enqueue_dma source(%dma_start3A_130 : memref<1024x512xf32, #tpu.memory_space<any>>) target(%dma_start3A_127 : memref<1024x512xf32, #tpu.memory_space<vmem>>) target_semaphore(%dma_start3A_123 : memref<!tpu.dma_semaphore, #tpu.memory_space<semaphore_mem>>)
    %dma_start3A_131 = arith.constant 5 : i32
    %dma_start3A_132 = arith.constant 5 : i32
    %dma_start3A_133 = arith.constant 1 : i32
    %dma_start3A_134 = tpu.memref_slice %arg12[%dma_start3A_132, %dma_start3A_133] : memref<8x2x!tpu.dma_semaphore, #tpu.memory_space<semaphore_mem>> -> memref<1x1x!tpu.dma_semaphore, #tpu.memory_space<semaphore_mem>>
    %dma_start3A_135 = tpu.memref_squeeze %dma_start3A_134 : memref<1x1x!tpu.dma_semaphore, #tpu.memory_space<semaphore_mem>> -> memref<!tpu.dma_semaphore, #tpu.memory_space<semaphore_mem>>
    %dma_start3A_136 = arith.constant 0 : i32
    %dma_start3A_137 = arith.constant 0 : i32
    %dma_start3A_138 = tpu.memref_slice %arg10[%dma_start3A_131, %dma_start3A_136, %dma_start3A_137] : memref<8x1024x128xf32, #tpu.memory_space<vmem>> -> memref<1x1024x128xf32, #tpu.memory_space<vmem>>
    %dma_start3A_139 = tpu.memref_squeeze %dma_start3A_138 : memref<1x1024x128xf32, #tpu.memory_space<vmem>> -> memref<1024x128xf32, #tpu.memory_space<vmem>>
    %dma_start3A_140 = arith.constant 5120 : i32
    %dma_start3A_141 = arith.constant 0 : i32
    %dma_start3A_142 = tpu.memref_slice %arg7[%dma_start3A_140, %dma_start3A_141] : memref<32768x128xf32, #tpu.memory_space<any>> -> memref<1024x128xf32, #tpu.memory_space<any>>
    tpu.enqueue_dma source(%dma_start3A_142 : memref<1024x128xf32, #tpu.memory_space<any>>) target(%dma_start3A_139 : memref<1024x128xf32, #tpu.memory_space<vmem>>) target_semaphore(%dma_start3A_135 : memref<!tpu.dma_semaphore, #tpu.memory_space<semaphore_mem>>)
    %dma_start3A_143 = arith.constant 6 : i32
    %dma_start3A_144 = arith.constant 6 : i32
    %dma_start3A_145 = arith.constant 0 : i32
    %dma_start3A_146 = tpu.memref_slice %arg12[%dma_start3A_144, %dma_start3A_145] : memref<8x2x!tpu.dma_semaphore, #tpu.memory_space<semaphore_mem>> -> memref<1x1x!tpu.dma_semaphore, #tpu.memory_space<semaphore_mem>>
    %dma_start3A_147 = tpu.memref_squeeze %dma_start3A_146 : memref<1x1x!tpu.dma_semaphore, #tpu.memory_space<semaphore_mem>> -> memref<!tpu.dma_semaphore, #tpu.memory_space<semaphore_mem>>
    %dma_start3A_148 = arith.constant 0 : i32
    %dma_start3A_149 = arith.constant 0 : i32
    %dma_start3A_150 = tpu.memref_slice %arg9[%dma_start3A_143, %dma_start3A_148, %dma_start3A_149] : memref<8x1024x512xf32, #tpu.memory_space<vmem>> -> memref<1x1024x512xf32, #tpu.memory_space<vmem>>
    %dma_start3A_151 = tpu.memref_squeeze %dma_start3A_150 : memref<1x1024x512xf32, #tpu.memory_space<vmem>> -> memref<1024x512xf32, #tpu.memory_space<vmem>>
    %dma_start3A_152 = arith.constant 6144 : i32
    %dma_start3A_153 = arith.constant 0 : i32
    %dma_start3A_154 = tpu.memref_slice %arg6[%dma_start3A_152, %dma_start3A_153] : memref<32768x512xf32, #tpu.memory_space<any>> -> memref<1024x512xf32, #tpu.memory_space<any>>
    tpu.enqueue_dma source(%dma_start3A_154 : memref<1024x512xf32, #tpu.memory_space<any>>) target(%dma_start3A_151 : memref<1024x512xf32, #tpu.memory_space<vmem>>) target_semaphore(%dma_start3A_147 : memref<!tpu.dma_semaphore, #tpu.memory_space<semaphore_mem>>)
    %dma_start3A_155 = arith.constant 6 : i32
    %dma_start3A_156 = arith.constant 6 : i32
    %dma_start3A_157 = arith.constant 1 : i32
    %dma_start3A_158 = tpu.memref_slice %arg12[%dma_start3A_156, %dma_start3A_157] : memref<8x2x!tpu.dma_semaphore, #tpu.memory_space<semaphore_mem>> -> memref<1x1x!tpu.dma_semaphore, #tpu.memory_space<semaphore_mem>>
    %dma_start3A_159 = tpu.memref_squeeze %dma_start3A_158 : memref<1x1x!tpu.dma_semaphore, #tpu.memory_space<semaphore_mem>> -> memref<!tpu.dma_semaphore, #tpu.memory_space<semaphore_mem>>
    %dma_start3A_160 = arith.constant 0 : i32
    %dma_start3A_161 = arith.constant 0 : i32
    %dma_start3A_162 = tpu.memref_slice %arg10[%dma_start3A_155, %dma_start3A_160, %dma_start3A_161] : memref<8x1024x128xf32, #tpu.memory_space<vmem>> -> memref<1x1024x128xf32, #tpu.memory_space<vmem>>
    %dma_start3A_163 = tpu.memref_squeeze %dma_start3A_162 : memref<1x1024x128xf32, #tpu.memory_space<vmem>> -> memref<1024x128xf32, #tpu.memory_space<vmem>>
    %dma_start3A_164 = arith.constant 6144 : i32
    %dma_start3A_165 = arith.constant 0 : i32
    %dma_start3A_166 = tpu.memref_slice %arg7[%dma_start3A_164, %dma_start3A_165] : memref<32768x128xf32, #tpu.memory_space<any>> -> memref<1024x128xf32, #tpu.memory_space<any>>
    tpu.enqueue_dma source(%dma_start3A_166 : memref<1024x128xf32, #tpu.memory_space<any>>) target(%dma_start3A_163 : memref<1024x128xf32, #tpu.memory_space<vmem>>) target_semaphore(%dma_start3A_159 : memref<!tpu.dma_semaphore, #tpu.memory_space<semaphore_mem>>)
    %dma_start3A_167 = arith.constant 7 : i32
    %dma_start3A_168 = arith.constant 7 : i32
    %dma_start3A_169 = arith.constant 0 : i32
    %dma_start3A_170 = tpu.memref_slice %arg12[%dma_start3A_168, %dma_start3A_169] : memref<8x2x!tpu.dma_semaphore, #tpu.memory_space<semaphore_mem>> -> memref<1x1x!tpu.dma_semaphore, #tpu.memory_space<semaphore_mem>>
    %dma_start3A_171 = tpu.memref_squeeze %dma_start3A_170 : memref<1x1x!tpu.dma_semaphore, #tpu.memory_space<semaphore_mem>> -> memref<!tpu.dma_semaphore, #tpu.memory_space<semaphore_mem>>
    %dma_start3A_172 = arith.constant 0 : i32
    %dma_start3A_173 = arith.constant 0 : i32
    %dma_start3A_174 = tpu.memref_slice %arg9[%dma_start3A_167, %dma_start3A_172, %dma_start3A_173] : memref<8x1024x512xf32, #tpu.memory_space<vmem>> -> memref<1x1024x512xf32, #tpu.memory_space<vmem>>
    %dma_start3A_175 = tpu.memref_squeeze %dma_start3A_174 : memref<1x1024x512xf32, #tpu.memory_space<vmem>> -> memref<1024x512xf32, #tpu.memory_space<vmem>>
    %dma_start3A_176 = arith.constant 7168 : i32
    %dma_start3A_177 = arith.constant 0 : i32
    %dma_start3A_178 = tpu.memref_slice %arg6[%dma_start3A_176, %dma_start3A_177] : memref<32768x512xf32, #tpu.memory_space<any>> -> memref<1024x512xf32, #tpu.memory_space<any>>
    tpu.enqueue_dma source(%dma_start3A_178 : memref<1024x512xf32, #tpu.memory_space<any>>) target(%dma_start3A_175 : memref<1024x512xf32, #tpu.memory_space<vmem>>) target_semaphore(%dma_start3A_171 : memref<!tpu.dma_semaphore, #tpu.memory_space<semaphore_mem>>)
    %dma_start3A_179 = arith.constant 7 : i32
    %dma_start3A_180 = arith.constant 7 : i32
    %dma_start3A_181 = arith.constant 1 : i32
    %dma_start3A_182 = tpu.memref_slice %arg12[%dma_start3A_180, %dma_start3A_181] : memref<8x2x!tpu.dma_semaphore, #tpu.memory_space<semaphore_mem>> -> memref<1x1x!tpu.dma_semaphore, #tpu.memory_space<semaphore_mem>>
    %dma_start3A_183 = tpu.memref_squeeze %dma_start3A_182 : memref<1x1x!tpu.dma_semaphore, #tpu.memory_space<semaphore_mem>> -> memref<!tpu.dma_semaphore, #tpu.memory_space<semaphore_mem>>
    %dma_start3A_184 = arith.constant 0 : i32
    %dma_start3A_185 = arith.constant 0 : i32
    %dma_start3A_186 = tpu.memref_slice %arg10[%dma_start3A_179, %dma_start3A_184, %dma_start3A_185] : memref<8x1024x128xf32, #tpu.memory_space<vmem>> -> memref<1x1024x128xf32, #tpu.memory_space<vmem>>
    %dma_start3A_187 = tpu.memref_squeeze %dma_start3A_186 : memref<1x1024x128xf32, #tpu.memory_space<vmem>> -> memref<1024x128xf32, #tpu.memory_space<vmem>>
    %dma_start3A_188 = arith.constant 7168 : i32
    %dma_start3A_189 = arith.constant 0 : i32
    %dma_start3A_190 = tpu.memref_slice %arg7[%dma_start3A_188, %dma_start3A_189] : memref<32768x128xf32, #tpu.memory_space<any>> -> memref<1024x128xf32, #tpu.memory_space<any>>
    tpu.enqueue_dma source(%dma_start3A_190 : memref<1024x128xf32, #tpu.memory_space<any>>) target(%dma_start3A_187 : memref<1024x128xf32, #tpu.memory_space<vmem>>) target_semaphore(%dma_start3A_183 : memref<!tpu.dma_semaphore, #tpu.memory_space<semaphore_mem>>)
    %scan3A = arith.constant 0 : i32
    %scan3A_191 = arith.constant 4 : i32
    %scan3A_192 = arith.addi %scan3A, %scan3A_191 : i32
    %scan3A_193 = arith.constant 1 : i32
    scf.for %scan3A_199 = %scan3A to %scan3A_192 step %scan3A_193  : i32 {
      %mul3A = arith.constant 8 : i32
      %mul3A_200 = arith.muli %scan3A_199, %mul3A : i32
      %add3A = arith.constant 0 : i32
      %add3A_201 = arith.addi %mul3A_200, %add3A : i32
      %mul3A_202 = arith.constant 1024 : i32
      %mul3A_203 = arith.muli %add3A_201, %mul3A_202 : i32
      %dma_wait3A = arith.constant 0 : i32
      %dma_wait3A_204 = arith.constant 0 : i32
      %dma_wait3A_205 = arith.constant 0 : i32
      %dma_wait3A_206 = tpu.memref_slice %arg12[%dma_wait3A_204, %dma_wait3A_205] : memref<8x2x!tpu.dma_semaphore, #tpu.memory_space<semaphore_mem>> -> memref<1x1x!tpu.dma_semaphore, #tpu.memory_space<semaphore_mem>>
      %dma_wait3A_207 = tpu.memref_squeeze %dma_wait3A_206 : memref<1x1x!tpu.dma_semaphore, #tpu.memory_space<semaphore_mem>> -> memref<!tpu.dma_semaphore, #tpu.memory_space<semaphore_mem>>
      %dma_wait3A_208 = arith.constant 0 : i32
      %dma_wait3A_209 = arith.constant 0 : i32
      %dma_wait3A_210 = tpu.memref_slice %arg9[%dma_wait3A, %dma_wait3A_208, %dma_wait3A_209] : memref<8x1024x512xf32, #tpu.memory_space<vmem>> -> memref<1x1024x512xf32, #tpu.memory_space<vmem>>
      %dma_wait3A_211 = tpu.memref_squeeze %dma_wait3A_210 : memref<1x1024x512xf32, #tpu.memory_space<vmem>> -> memref<1024x512xf32, #tpu.memory_space<vmem>>
      %dma_wait3A_212 = arith.constant 0 : i32
      %dma_wait3A_213 = tpu.memref_slice %arg6[%mul3A_203, %dma_wait3A_212] : memref<32768x512xf32, #tpu.memory_space<any>> -> memref<1024x512xf32, #tpu.memory_space<any>>
      tpu.wait_dma2 semaphore(%dma_wait3A_207 : memref<!tpu.dma_semaphore, #tpu.memory_space<semaphore_mem>>) src(%dma_wait3A_213 : memref<1024x512xf32, #tpu.memory_space<any>>) dst(%dma_wait3A_211 : memref<1024x512xf32, #tpu.memory_space<vmem>>)
      %mul3A_214 = arith.constant 1024 : i32
      %mul3A_215 = arith.muli %add3A_201, %mul3A_214 : i32
      %dma_wait3A_216 = arith.constant 0 : i32
      %dma_wait3A_217 = arith.constant 0 : i32
      %dma_wait3A_218 = arith.constant 1 : i32
      %dma_wait3A_219 = tpu.memref_slice %arg12[%dma_wait3A_217, %dma_wait3A_218] : memref<8x2x!tpu.dma_semaphore, #tpu.memory_space<semaphore_mem>> -> memref<1x1x!tpu.dma_semaphore, #tpu.memory_space<semaphore_mem>>
      %dma_wait3A_220 = tpu.memref_squeeze %dma_wait3A_219 : memref<1x1x!tpu.dma_semaphore, #tpu.memory_space<semaphore_mem>> -> memref<!tpu.dma_semaphore, #tpu.memory_space<semaphore_mem>>
      %dma_wait3A_221 = arith.constant 0 : i32
      %dma_wait3A_222 = arith.constant 0 : i32
      %dma_wait3A_223 = tpu.memref_slice %arg10[%dma_wait3A_216, %dma_wait3A_221, %dma_wait3A_222] : memref<8x1024x128xf32, #tpu.memory_space<vmem>> -> memref<1x1024x128xf32, #tpu.memory_space<vmem>>
      %dma_wait3A_224 = tpu.memref_squeeze %dma_wait3A_223 : memref<1x1024x128xf32, #tpu.memory_space<vmem>> -> memref<1024x128xf32, #tpu.memory_space<vmem>>
      %dma_wait3A_225 = arith.constant 0 : i32
      %dma_wait3A_226 = tpu.memref_slice %arg7[%mul3A_215, %dma_wait3A_225] : memref<32768x128xf32, #tpu.memory_space<any>> -> memref<1024x128xf32, #tpu.memory_space<any>>
      tpu.wait_dma2 semaphore(%dma_wait3A_220 : memref<!tpu.dma_semaphore, #tpu.memory_space<semaphore_mem>>) src(%dma_wait3A_226 : memref<1024x128xf32, #tpu.memory_space<any>>) dst(%dma_wait3A_224 : memref<1024x128xf32, #tpu.memory_space<vmem>>)
      %get3A_227 = arith.constant 0 : index
      %get3A_228 = arith.constant 0 : index
      %get3A_229 = arith.constant 0 : index
      %get3A_230 = vector.load %arg9[%get3A_227, %get3A_228, %get3A_229] : memref<8x1024x512xf32, #tpu.memory_space<vmem>>, vector<1x1024x512xf32>
      %get3A_231 = vector.shape_cast %get3A_230 : vector<1x1024x512xf32> to vector<1024x512xf32>
      %get3A_232 = arith.constant 0 : index
      %get3A_233 = arith.constant 0 : index
      %get3A_234 = vector.load %arg1[%get3A_232, %get3A_233] : memref<512x16xf32, #tpu.memory_space<vmem>>, vector<512x16xf32>
      %dot_general3A = arith.constant dense<0.000000e+00> : vector<1024x16xf32>
      %dot_general3A_235 = tpu.matmul %get3A_231, %get3A_234, %dot_general3A {dimension_numbers = #tpu.dot_dimension_numbers<[1], [0], [0], [1], [0, 0, 1, 1], [], []>, transpose_lhs_hint = false} : vector<1024x512xf32>, vector<512x16xf32>, vector<1024x16xf32> -> vector<1024x16xf32>
      %get3A_236 = arith.constant 0 : index
      %get3A_237 = arith.constant 0 : index
      %get3A_238 = arith.constant 0 : index
      %get3A_239 = vector.load %arg10[%get3A_236, %get3A_237, %get3A_238] : memref<8x1024x128xf32, #tpu.memory_space<vmem>>, vector<1x1024x128xf32>
      %get3A_240 = vector.shape_cast %get3A_239 : vector<1x1024x128xf32> to vector<1024x128xf32>
      %get3A_241 = arith.constant 0 : index
      %get3A_242 = arith.constant 0 : index
      %get3A_243 = vector.load %arg2[%get3A_241, %get3A_242] : memref<128x16xf32, #tpu.memory_space<vmem>>, vector<128x16xf32>
      %dot_general3A_244 = arith.constant dense<0.000000e+00> : vector<1024x16xf32>
      %dot_general3A_245 = tpu.matmul %get3A_240, %get3A_243, %dot_general3A_244 {dimension_numbers = #tpu.dot_dimension_numbers<[1], [0], [0], [1], [0, 0, 1, 1], [], []>, transpose_lhs_hint = false} : vector<1024x128xf32>, vector<128x16xf32>, vector<1024x16xf32> -> vector<1024x16xf32>
      %add3A_246 = arith.addf %dot_general3A_235, %dot_general3A_245 : vector<1024x16xf32>
      %get3A_247 = arith.constant 0 : index
      %get3A_248 = arith.constant 0 : index
      %get3A_249 = vector.load %arg3[%get3A_247, %get3A_248] : memref<1x16xf32, #tpu.memory_space<vmem>>, vector<1x16xf32>
      %add3A_250 = vector.broadcast %get3A_249 : vector<1x16xf32> to vector<1024x16xf32>
      %add3A_251 = arith.addf %add3A_246, %add3A_250 : vector<1024x16xf32>
      %max3A = arith.constant 0.000000e+00 : f32
      %max3A_252 = vector.broadcast %max3A : f32 to vector<1024x16xf32>
      %max3A_253 = arith.maximumf %add3A_251, %max3A_252 : vector<1024x16xf32>
      %get3A_254 = arith.constant 0 : index
      %get3A_255 = arith.constant 0 : index
      %get3A_256 = vector.load %arg4[%get3A_254, %get3A_255] : memref<1x16xf32, #tpu.memory_space<vmem>>, vector<1x16xf32>
      %mul3A_257 = vector.broadcast %get3A_256 : vector<1x16xf32> to vector<1024x16xf32>
      %mul3A_258 = arith.mulf %max3A_253, %mul3A_257 : vector<1024x16xf32>
      %reduce_sum3A = arith.constant dense<0.000000e+00> : vector<1024xf32>
      %reduce_sum3A_259 = vector.multi_reduction <add>, %mul3A_258, %reduce_sum3A [1] : vector<1024x16xf32> to vector<1024xf32>
      %broadcast_in_dim3A = vector.shape_cast %reduce_sum3A_259 : vector<1024xf32> to vector<1024x1xf32>
      %get3A_260 = arith.constant 0 : index
      %get3A_261 = arith.constant 0 : index
      %get3A_262 = vector.load %arg5[%get3A_260, %get3A_261] : memref<1x1xf32, #tpu.memory_space<vmem>>, vector<1x1xf32>
      %add3A_263 = vector.broadcast %get3A_262 : vector<1x1xf32> to vector<1024x1xf32>
      %add3A_264 = arith.addf %broadcast_in_dim3A, %add3A_263 : vector<1024x1xf32>
      %reshape3A = vector.shape_cast %add3A_264 : vector<1024x1xf32> to vector<8x128xf32>
      %mul3A_265 = arith.constant 8 : i32
      %mul3A_266 = arith.muli %add3A_201, %mul3A_265 : i32
      %swap3A_267 = arith.index_cast %mul3A_266 : i32 to index
      %swap3A_268 = arith.constant 0 : index
      %swap3A_269 = vector.load %arg11[%swap3A_267, %swap3A_268] : memref<256x128xf32, #tpu.memory_space<vmem>>, vector<8x128xf32>
      tpu.vector_store %arg11[%swap3A_267, %swap3A_268], %reshape3A {strides = array<i32>} : memref<256x128xf32, #tpu.memory_space<vmem>>, vector<8x128xf32>,
      %lt3A = arith.constant 3 : i32
      %lt3A_270 = arith.cmpi slt, %scan3A_199, %lt3A : i32
      %convert_element_type3A = arith.extui %lt3A_270 : i1 to i32
      %cond3A = arith.constant 0 : i32
      %cond3A_271 = arith.cmpi ne, %convert_element_type3A, %cond3A : i32
      scf.if %cond3A_271 {
        %add3A_853 = arith.constant 8 : i32
        %add3A_854 = arith.addi %add3A_201, %add3A_853 : i32
        %mul3A_855 = arith.constant 1024 : i32
        %mul3A_856 = arith.muli %add3A_854, %mul3A_855 : i32
        %dma_start3A_857 = arith.constant 0 : i32
        %dma_start3A_858 = arith.constant 0 : i32
        %dma_start3A_859 = arith.constant 0 : i32
        %dma_start3A_860 = tpu.memref_slice %arg12[%dma_start3A_858, %dma_start3A_859] : memref<8x2x!tpu.dma_semaphore, #tpu.memory_space<semaphore_mem>> -> memref<1x1x!tpu.dma_semaphore, #tpu.memory_space<semaphore_mem>>
        %dma_start3A_861 = tpu.memref_squeeze %dma_start3A_860 : memref<1x1x!tpu.dma_semaphore, #tpu.memory_space<semaphore_mem>> -> memref<!tpu.dma_semaphore, #tpu.memory_space<semaphore_mem>>
        %dma_start3A_862 = arith.constant 0 : i32
        %dma_start3A_863 = arith.constant 0 : i32
        %dma_start3A_864 = tpu.memref_slice %arg9[%dma_start3A_857, %dma_start3A_862, %dma_start3A_863] : memref<8x1024x512xf32, #tpu.memory_space<vmem>> -> memref<1x1024x512xf32, #tpu.memory_space<vmem>>
        %dma_start3A_865 = tpu.memref_squeeze %dma_start3A_864 : memref<1x1024x512xf32, #tpu.memory_space<vmem>> -> memref<1024x512xf32, #tpu.memory_space<vmem>>
        %dma_start3A_866 = arith.constant 0 : i32
        %dma_start3A_867 = tpu.memref_slice %arg6[%mul3A_856, %dma_start3A_866] : memref<32768x512xf32, #tpu.memory_space<any>> -> memref<1024x512xf32, #tpu.memory_space<any>>
        tpu.enqueue_dma source(%dma_start3A_867 : memref<1024x512xf32, #tpu.memory_space<any>>) target(%dma_start3A_865 : memref<1024x512xf32, #tpu.memory_space<vmem>>) target_semaphore(%dma_start3A_861 : memref<!tpu.dma_semaphore, #tpu.memory_space<semaphore_mem>>)
        %add3A_868 = arith.constant 8 : i32
        %add3A_869 = arith.addi %add3A_201, %add3A_868 : i32
        %mul3A_870 = arith.constant 1024 : i32
        %mul3A_871 = arith.muli %add3A_869, %mul3A_870 : i32
        %dma_start3A_872 = arith.constant 0 : i32
        %dma_start3A_873 = arith.constant 0 : i32
        %dma_start3A_874 = arith.constant 1 : i32
        %dma_start3A_875 = tpu.memref_slice %arg12[%dma_start3A_873, %dma_start3A_874] : memref<8x2x!tpu.dma_semaphore, #tpu.memory_space<semaphore_mem>> -> memref<1x1x!tpu.dma_semaphore, #tpu.memory_space<semaphore_mem>>
        %dma_start3A_876 = tpu.memref_squeeze %dma_start3A_875 : memref<1x1x!tpu.dma_semaphore, #tpu.memory_space<semaphore_mem>> -> memref<!tpu.dma_semaphore, #tpu.memory_space<semaphore_mem>>
        %dma_start3A_877 = arith.constant 0 : i32
        %dma_start3A_878 = arith.constant 0 : i32
        %dma_start3A_879 = tpu.memref_slice %arg10[%dma_start3A_872, %dma_start3A_877, %dma_start3A_878] : memref<8x1024x128xf32, #tpu.memory_space<vmem>> -> memref<1x1024x128xf32, #tpu.memory_space<vmem>>
        %dma_start3A_880 = tpu.memref_squeeze %dma_start3A_879 : memref<1x1024x128xf32, #tpu.memory_space<vmem>> -> memref<1024x128xf32, #tpu.memory_space<vmem>>
        %dma_start3A_881 = arith.constant 0 : i32
        %dma_start3A_882 = tpu.memref_slice %arg7[%mul3A_871, %dma_start3A_881] : memref<32768x128xf32, #tpu.memory_space<any>> -> memref<1024x128xf32, #tpu.memory_space<any>>
        tpu.enqueue_dma source(%dma_start3A_882 : memref<1024x128xf32, #tpu.memory_space<any>>) target(%dma_start3A_880 : memref<1024x128xf32, #tpu.memory_space<vmem>>) target_semaphore(%dma_start3A_876 : memref<!tpu.dma_semaphore, #tpu.memory_space<semaphore_mem>>)
      } else {
      }
      %mul3A_272 = arith.constant 8 : i32
      %mul3A_273 = arith.muli %scan3A_199, %mul3A_272 : i32
      %add3A_274 = arith.constant 1 : i32
      %add3A_275 = arith.addi %mul3A_273, %add3A_274 : i32
      %mul3A_276 = arith.constant 1024 : i32
      %mul3A_277 = arith.muli %add3A_275, %mul3A_276 : i32
      %dma_wait3A_278 = arith.constant 1 : i32
      %dma_wait3A_279 = arith.constant 1 : i32
      %dma_wait3A_280 = arith.constant 0 : i32
      %dma_wait3A_281 = tpu.memref_slice %arg12[%dma_wait3A_279, %dma_wait3A_280] : memref<8x2x!tpu.dma_semaphore, #tpu.memory_space<semaphore_mem>> -> memref<1x1x!tpu.dma_semaphore, #tpu.memory_space<semaphore_mem>>
      %dma_wait3A_282 = tpu.memref_squeeze %dma_wait3A_281 : memref<1x1x!tpu.dma_semaphore, #tpu.memory_space<semaphore_mem>> -> memref<!tpu.dma_semaphore, #tpu.memory_space<semaphore_mem>>
      %dma_wait3A_283 = arith.constant 0 : i32
      %dma_wait3A_284 = arith.constant 0 : i32
      %dma_wait3A_285 = tpu.memref_slice %arg9[%dma_wait3A_278, %dma_wait3A_283, %dma_wait3A_284] : memref<8x1024x512xf32, #tpu.memory_space<vmem>> -> memref<1x1024x512xf32, #tpu.memory_space<vmem>>
      %dma_wait3A_286 = tpu.memref_squeeze %dma_wait3A_285 : memref<1x1024x512xf32, #tpu.memory_space<vmem>> -> memref<1024x512xf32, #tpu.memory_space<vmem>>
      %dma_wait3A_287 = arith.constant 0 : i32
      %dma_wait3A_288 = tpu.memref_slice %arg6[%mul3A_277, %dma_wait3A_287] : memref<32768x512xf32, #tpu.memory_space<any>> -> memref<1024x512xf32, #tpu.memory_space<any>>
      tpu.wait_dma2 semaphore(%dma_wait3A_282 : memref<!tpu.dma_semaphore, #tpu.memory_space<semaphore_mem>>) src(%dma_wait3A_288 : memref<1024x512xf32, #tpu.memory_space<any>>) dst(%dma_wait3A_286 : memref<1024x512xf32, #tpu.memory_space<vmem>>)
      %mul3A_289 = arith.constant 1024 : i32
      %mul3A_290 = arith.muli %add3A_275, %mul3A_289 : i32
      %dma_wait3A_291 = arith.constant 1 : i32
      %dma_wait3A_292 = arith.constant 1 : i32
      %dma_wait3A_293 = arith.constant 1 : i32
      %dma_wait3A_294 = tpu.memref_slice %arg12[%dma_wait3A_292, %dma_wait3A_293] : memref<8x2x!tpu.dma_semaphore, #tpu.memory_space<semaphore_mem>> -> memref<1x1x!tpu.dma_semaphore, #tpu.memory_space<semaphore_mem>>
      %dma_wait3A_295 = tpu.memref_squeeze %dma_wait3A_294 : memref<1x1x!tpu.dma_semaphore, #tpu.memory_space<semaphore_mem>> -> memref<!tpu.dma_semaphore, #tpu.memory_space<semaphore_mem>>
      %dma_wait3A_296 = arith.constant 0 : i32
      %dma_wait3A_297 = arith.constant 0 : i32
      %dma_wait3A_298 = tpu.memref_slice %arg10[%dma_wait3A_291, %dma_wait3A_296, %dma_wait3A_297] : memref<8x1024x128xf32, #tpu.memory_space<vmem>> -> memref<1x1024x128xf32, #tpu.memory_space<vmem>>
      %dma_wait3A_299 = tpu.memref_squeeze %dma_wait3A_298 : memref<1x1024x128xf32, #tpu.memory_space<vmem>> -> memref<1024x128xf32, #tpu.memory_space<vmem>>
      %dma_wait3A_300 = arith.constant 0 : i32
      %dma_wait3A_301 = tpu.memref_slice %arg7[%mul3A_290, %dma_wait3A_300] : memref<32768x128xf32, #tpu.memory_space<any>> -> memref<1024x128xf32, #tpu.memory_space<any>>
      tpu.wait_dma2 semaphore(%dma_wait3A_295 : memref<!tpu.dma_semaphore, #tpu.memory_space<semaphore_mem>>) src(%dma_wait3A_301 : memref<1024x128xf32, #tpu.memory_space<any>>) dst(%dma_wait3A_299 : memref<1024x128xf32, #tpu.memory_space<vmem>>)
      %get3A_302 = arith.constant 1 : index
      %get3A_303 = arith.constant 0 : index
      %get3A_304 = arith.constant 0 : index
      %get3A_305 = vector.load %arg9[%get3A_302, %get3A_303, %get3A_304] : memref<8x1024x512xf32, #tpu.memory_space<vmem>>, vector<1x1024x512xf32>
      %get3A_306 = vector.shape_cast %get3A_305 : vector<1x1024x512xf32> to vector<1024x512xf32>
      %get3A_307 = arith.constant 0 : index
      %get3A_308 = arith.constant 0 : index
      %get3A_309 = vector.load %arg1[%get3A_307, %get3A_308] : memref<512x16xf32, #tpu.memory_space<vmem>>, vector<512x16xf32>
      %dot_general3A_310 = arith.constant dense<0.000000e+00> : vector<1024x16xf32>
      %dot_general3A_311 = tpu.matmul %get3A_306, %get3A_309, %dot_general3A_310 {dimension_numbers = #tpu.dot_dimension_numbers<[1], [0], [0], [1], [0, 0, 1, 1], [], []>, transpose_lhs_hint = false} : vector<1024x512xf32>, vector<512x16xf32>, vector<1024x16xf32> -> vector<1024x16xf32>
      %get3A_312 = arith.constant 1 : index
      %get3A_313 = arith.constant 0 : index
      %get3A_314 = arith.constant 0 : index
      %get3A_315 = vector.load %arg10[%get3A_312, %get3A_313, %get3A_314] : memref<8x1024x128xf32, #tpu.memory_space<vmem>>, vector<1x1024x128xf32>
      %get3A_316 = vector.shape_cast %get3A_315 : vector<1x1024x128xf32> to vector<1024x128xf32>
      %get3A_317 = arith.constant 0 : index
      %get3A_318 = arith.constant 0 : index
      %get3A_319 = vector.load %arg2[%get3A_317, %get3A_318] : memref<128x16xf32, #tpu.memory_space<vmem>>, vector<128x16xf32>
      %dot_general3A_320 = arith.constant dense<0.000000e+00> : vector<1024x16xf32>
      %dot_general3A_321 = tpu.matmul %get3A_316, %get3A_319, %dot_general3A_320 {dimension_numbers = #tpu.dot_dimension_numbers<[1], [0], [0], [1], [0, 0, 1, 1], [], []>, transpose_lhs_hint = false} : vector<1024x128xf32>, vector<128x16xf32>, vector<1024x16xf32> -> vector<1024x16xf32>
      %add3A_322 = arith.addf %dot_general3A_311, %dot_general3A_321 : vector<1024x16xf32>
      %get3A_323 = arith.constant 0 : index
      %get3A_324 = arith.constant 0 : index
      %get3A_325 = vector.load %arg3[%get3A_323, %get3A_324] : memref<1x16xf32, #tpu.memory_space<vmem>>, vector<1x16xf32>
      %add3A_326 = vector.broadcast %get3A_325 : vector<1x16xf32> to vector<1024x16xf32>
      %add3A_327 = arith.addf %add3A_322, %add3A_326 : vector<1024x16xf32>
      %max3A_328 = arith.constant 0.000000e+00 : f32
      %max3A_329 = vector.broadcast %max3A_328 : f32 to vector<1024x16xf32>
      %max3A_330 = arith.maximumf %add3A_327, %max3A_329 : vector<1024x16xf32>
      %get3A_331 = arith.constant 0 : index
      %get3A_332 = arith.constant 0 : index
      %get3A_333 = vector.load %arg4[%get3A_331, %get3A_332] : memref<1x16xf32, #tpu.memory_space<vmem>>, vector<1x16xf32>
      %mul3A_334 = vector.broadcast %get3A_333 : vector<1x16xf32> to vector<1024x16xf32>
      %mul3A_335 = arith.mulf %max3A_330, %mul3A_334 : vector<1024x16xf32>
      %reduce_sum3A_336 = arith.constant dense<0.000000e+00> : vector<1024xf32>
      %reduce_sum3A_337 = vector.multi_reduction <add>, %mul3A_335, %reduce_sum3A_336 [1] : vector<1024x16xf32> to vector<1024xf32>
      %broadcast_in_dim3A_338 = vector.shape_cast %reduce_sum3A_337 : vector<1024xf32> to vector<1024x1xf32>
      %get3A_339 = arith.constant 0 : index
      %get3A_340 = arith.constant 0 : index
      %get3A_341 = vector.load %arg5[%get3A_339, %get3A_340] : memref<1x1xf32, #tpu.memory_space<vmem>>, vector<1x1xf32>
      %add3A_342 = vector.broadcast %get3A_341 : vector<1x1xf32> to vector<1024x1xf32>
      %add3A_343 = arith.addf %broadcast_in_dim3A_338, %add3A_342 : vector<1024x1xf32>
      %reshape3A_344 = vector.shape_cast %add3A_343 : vector<1024x1xf32> to vector<8x128xf32>
      %mul3A_345 = arith.constant 8 : i32
      %mul3A_346 = arith.muli %add3A_275, %mul3A_345 : i32
      %swap3A_347 = arith.index_cast %mul3A_346 : i32 to index
      %swap3A_348 = arith.constant 0 : index
      %swap3A_349 = vector.load %arg11[%swap3A_347, %swap3A_348] : memref<256x128xf32, #tpu.memory_space<vmem>>, vector<8x128xf32>
      tpu.vector_store %arg11[%swap3A_347, %swap3A_348], %reshape3A_344 {strides = array<i32>} : memref<256x128xf32, #tpu.memory_space<vmem>>, vector<8x128xf32>,
      %lt3A_350 = arith.constant 3 : i32
      %lt3A_351 = arith.cmpi slt, %scan3A_199, %lt3A_350 : i32
      %convert_element_type3A_352 = arith.extui %lt3A_351 : i1 to i32
      %cond3A_353 = arith.constant 0 : i32
      %cond3A_354 = arith.cmpi ne, %convert_element_type3A_352, %cond3A_353 : i32
      scf.if %cond3A_354 {
        %add3A_853 = arith.constant 8 : i32
        %add3A_854 = arith.addi %add3A_275, %add3A_853 : i32
        %mul3A_855 = arith.constant 1024 : i32
        %mul3A_856 = arith.muli %add3A_854, %mul3A_855 : i32
        %dma_start3A_857 = arith.constant 1 : i32
        %dma_start3A_858 = arith.constant 1 : i32
        %dma_start3A_859 = arith.constant 0 : i32
        %dma_start3A_860 = tpu.memref_slice %arg12[%dma_start3A_858, %dma_start3A_859] : memref<8x2x!tpu.dma_semaphore, #tpu.memory_space<semaphore_mem>> -> memref<1x1x!tpu.dma_semaphore, #tpu.memory_space<semaphore_mem>>
        %dma_start3A_861 = tpu.memref_squeeze %dma_start3A_860 : memref<1x1x!tpu.dma_semaphore, #tpu.memory_space<semaphore_mem>> -> memref<!tpu.dma_semaphore, #tpu.memory_space<semaphore_mem>>
        %dma_start3A_862 = arith.constant 0 : i32
        %dma_start3A_863 = arith.constant 0 : i32
        %dma_start3A_864 = tpu.memref_slice %arg9[%dma_start3A_857, %dma_start3A_862, %dma_start3A_863] : memref<8x1024x512xf32, #tpu.memory_space<vmem>> -> memref<1x1024x512xf32, #tpu.memory_space<vmem>>
        %dma_start3A_865 = tpu.memref_squeeze %dma_start3A_864 : memref<1x1024x512xf32, #tpu.memory_space<vmem>> -> memref<1024x512xf32, #tpu.memory_space<vmem>>
        %dma_start3A_866 = arith.constant 0 : i32
        %dma_start3A_867 = tpu.memref_slice %arg6[%mul3A_856, %dma_start3A_866] : memref<32768x512xf32, #tpu.memory_space<any>> -> memref<1024x512xf32, #tpu.memory_space<any>>
        tpu.enqueue_dma source(%dma_start3A_867 : memref<1024x512xf32, #tpu.memory_space<any>>) target(%dma_start3A_865 : memref<1024x512xf32, #tpu.memory_space<vmem>>) target_semaphore(%dma_start3A_861 : memref<!tpu.dma_semaphore, #tpu.memory_space<semaphore_mem>>)
        %add3A_868 = arith.constant 8 : i32
        %add3A_869 = arith.addi %add3A_275, %add3A_868 : i32
        %mul3A_870 = arith.constant 1024 : i32
        %mul3A_871 = arith.muli %add3A_869, %mul3A_870 : i32
        %dma_start3A_872 = arith.constant 1 : i32
        %dma_start3A_873 = arith.constant 1 : i32
        %dma_start3A_874 = arith.constant 1 : i32
        %dma_start3A_875 = tpu.memref_slice %arg12[%dma_start3A_873, %dma_start3A_874] : memref<8x2x!tpu.dma_semaphore, #tpu.memory_space<semaphore_mem>> -> memref<1x1x!tpu.dma_semaphore, #tpu.memory_space<semaphore_mem>>
        %dma_start3A_876 = tpu.memref_squeeze %dma_start3A_875 : memref<1x1x!tpu.dma_semaphore, #tpu.memory_space<semaphore_mem>> -> memref<!tpu.dma_semaphore, #tpu.memory_space<semaphore_mem>>
        %dma_start3A_877 = arith.constant 0 : i32
        %dma_start3A_878 = arith.constant 0 : i32
        %dma_start3A_879 = tpu.memref_slice %arg10[%dma_start3A_872, %dma_start3A_877, %dma_start3A_878] : memref<8x1024x128xf32, #tpu.memory_space<vmem>> -> memref<1x1024x128xf32, #tpu.memory_space<vmem>>
        %dma_start3A_880 = tpu.memref_squeeze %dma_start3A_879 : memref<1x1024x128xf32, #tpu.memory_space<vmem>> -> memref<1024x128xf32, #tpu.memory_space<vmem>>
        %dma_start3A_881 = arith.constant 0 : i32
        %dma_start3A_882 = tpu.memref_slice %arg7[%mul3A_871, %dma_start3A_881] : memref<32768x128xf32, #tpu.memory_space<any>> -> memref<1024x128xf32, #tpu.memory_space<any>>
        tpu.enqueue_dma source(%dma_start3A_882 : memref<1024x128xf32, #tpu.memory_space<any>>) target(%dma_start3A_880 : memref<1024x128xf32, #tpu.memory_space<vmem>>) target_semaphore(%dma_start3A_876 : memref<!tpu.dma_semaphore, #tpu.memory_space<semaphore_mem>>)
      } else {
      }
      %mul3A_355 = arith.constant 8 : i32
      %mul3A_356 = arith.muli %scan3A_199, %mul3A_355 : i32
      %add3A_357 = arith.constant 2 : i32
      %add3A_358 = arith.addi %mul3A_356, %add3A_357 : i32
      %mul3A_359 = arith.constant 1024 : i32
      %mul3A_360 = arith.muli %add3A_358, %mul3A_359 : i32
      %dma_wait3A_361 = arith.constant 2 : i32
      %dma_wait3A_362 = arith.constant 2 : i32
      %dma_wait3A_363 = arith.constant 0 : i32
      %dma_wait3A_364 = tpu.memref_slice %arg12[%dma_wait3A_362, %dma_wait3A_363] : memref<8x2x!tpu.dma_semaphore, #tpu.memory_space<semaphore_mem>> -> memref<1x1x!tpu.dma_semaphore, #tpu.memory_space<semaphore_mem>>
      %dma_wait3A_365 = tpu.memref_squeeze %dma_wait3A_364 : memref<1x1x!tpu.dma_semaphore, #tpu.memory_space<semaphore_mem>> -> memref<!tpu.dma_semaphore, #tpu.memory_space<semaphore_mem>>
      %dma_wait3A_366 = arith.constant 0 : i32
      %dma_wait3A_367 = arith.constant 0 : i32
      %dma_wait3A_368 = tpu.memref_slice %arg9[%dma_wait3A_361, %dma_wait3A_366, %dma_wait3A_367] : memref<8x1024x512xf32, #tpu.memory_space<vmem>> -> memref<1x1024x512xf32, #tpu.memory_space<vmem>>
      %dma_wait3A_369 = tpu.memref_squeeze %dma_wait3A_368 : memref<1x1024x512xf32, #tpu.memory_space<vmem>> -> memref<1024x512xf32, #tpu.memory_space<vmem>>
      %dma_wait3A_370 = arith.constant 0 : i32
      %dma_wait3A_371 = tpu.memref_slice %arg6[%mul3A_360, %dma_wait3A_370] : memref<32768x512xf32, #tpu.memory_space<any>> -> memref<1024x512xf32, #tpu.memory_space<any>>
      tpu.wait_dma2 semaphore(%dma_wait3A_365 : memref<!tpu.dma_semaphore, #tpu.memory_space<semaphore_mem>>) src(%dma_wait3A_371 : memref<1024x512xf32, #tpu.memory_space<any>>) dst(%dma_wait3A_369 : memref<1024x512xf32, #tpu.memory_space<vmem>>)
      %mul3A_372 = arith.constant 1024 : i32
      %mul3A_373 = arith.muli %add3A_358, %mul3A_372 : i32
      %dma_wait3A_374 = arith.constant 2 : i32
      %dma_wait3A_375 = arith.constant 2 : i32
      %dma_wait3A_376 = arith.constant 1 : i32
      %dma_wait3A_377 = tpu.memref_slice %arg12[%dma_wait3A_375, %dma_wait3A_376] : memref<8x2x!tpu.dma_semaphore, #tpu.memory_space<semaphore_mem>> -> memref<1x1x!tpu.dma_semaphore, #tpu.memory_space<semaphore_mem>>
      %dma_wait3A_378 = tpu.memref_squeeze %dma_wait3A_377 : memref<1x1x!tpu.dma_semaphore, #tpu.memory_space<semaphore_mem>> -> memref<!tpu.dma_semaphore, #tpu.memory_space<semaphore_mem>>
      %dma_wait3A_379 = arith.constant 0 : i32
      %dma_wait3A_380 = arith.constant 0 : i32
      %dma_wait3A_381 = tpu.memref_slice %arg10[%dma_wait3A_374, %dma_wait3A_379, %dma_wait3A_380] : memref<8x1024x128xf32, #tpu.memory_space<vmem>> -> memref<1x1024x128xf32, #tpu.memory_space<vmem>>
      %dma_wait3A_382 = tpu.memref_squeeze %dma_wait3A_381 : memref<1x1024x128xf32, #tpu.memory_space<vmem>> -> memref<1024x128xf32, #tpu.memory_space<vmem>>
      %dma_wait3A_383 = arith.constant 0 : i32
      %dma_wait3A_384 = tpu.memref_slice %arg7[%mul3A_373, %dma_wait3A_383] : memref<32768x128xf32, #tpu.memory_space<any>> -> memref<1024x128xf32, #tpu.memory_space<any>>
      tpu.wait_dma2 semaphore(%dma_wait3A_378 : memref<!tpu.dma_semaphore, #tpu.memory_space<semaphore_mem>>) src(%dma_wait3A_384 : memref<1024x128xf32, #tpu.memory_space<any>>) dst(%dma_wait3A_382 : memref<1024x128xf32, #tpu.memory_space<vmem>>)
      %get3A_385 = arith.constant 2 : index
      %get3A_386 = arith.constant 0 : index
      %get3A_387 = arith.constant 0 : index
      %get3A_388 = vector.load %arg9[%get3A_385, %get3A_386, %get3A_387] : memref<8x1024x512xf32, #tpu.memory_space<vmem>>, vector<1x1024x512xf32>
      %get3A_389 = vector.shape_cast %get3A_388 : vector<1x1024x512xf32> to vector<1024x512xf32>
      %get3A_390 = arith.constant 0 : index
      %get3A_391 = arith.constant 0 : index
      %get3A_392 = vector.load %arg1[%get3A_390, %get3A_391] : memref<512x16xf32, #tpu.memory_space<vmem>>, vector<512x16xf32>
      %dot_general3A_393 = arith.constant dense<0.000000e+00> : vector<1024x16xf32>
      %dot_general3A_394 = tpu.matmul %get3A_389, %get3A_392, %dot_general3A_393 {dimension_numbers = #tpu.dot_dimension_numbers<[1], [0], [0], [1], [0, 0, 1, 1], [], []>, transpose_lhs_hint = false} : vector<1024x512xf32>, vector<512x16xf32>, vector<1024x16xf32> -> vector<1024x16xf32>
      %get3A_395 = arith.constant 2 : index
      %get3A_396 = arith.constant 0 : index
      %get3A_397 = arith.constant 0 : index
      %get3A_398 = vector.load %arg10[%get3A_395, %get3A_396, %get3A_397] : memref<8x1024x128xf32, #tpu.memory_space<vmem>>, vector<1x1024x128xf32>
      %get3A_399 = vector.shape_cast %get3A_398 : vector<1x1024x128xf32> to vector<1024x128xf32>
      %get3A_400 = arith.constant 0 : index
      %get3A_401 = arith.constant 0 : index
      %get3A_402 = vector.load %arg2[%get3A_400, %get3A_401] : memref<128x16xf32, #tpu.memory_space<vmem>>, vector<128x16xf32>
      %dot_general3A_403 = arith.constant dense<0.000000e+00> : vector<1024x16xf32>
      %dot_general3A_404 = tpu.matmul %get3A_399, %get3A_402, %dot_general3A_403 {dimension_numbers = #tpu.dot_dimension_numbers<[1], [0], [0], [1], [0, 0, 1, 1], [], []>, transpose_lhs_hint = false} : vector<1024x128xf32>, vector<128x16xf32>, vector<1024x16xf32> -> vector<1024x16xf32>
      %add3A_405 = arith.addf %dot_general3A_394, %dot_general3A_404 : vector<1024x16xf32>
      %get3A_406 = arith.constant 0 : index
      %get3A_407 = arith.constant 0 : index
      %get3A_408 = vector.load %arg3[%get3A_406, %get3A_407] : memref<1x16xf32, #tpu.memory_space<vmem>>, vector<1x16xf32>
      %add3A_409 = vector.broadcast %get3A_408 : vector<1x16xf32> to vector<1024x16xf32>
      %add3A_410 = arith.addf %add3A_405, %add3A_409 : vector<1024x16xf32>
      %max3A_411 = arith.constant 0.000000e+00 : f32
      %max3A_412 = vector.broadcast %max3A_411 : f32 to vector<1024x16xf32>
      %max3A_413 = arith.maximumf %add3A_410, %max3A_412 : vector<1024x16xf32>
      %get3A_414 = arith.constant 0 : index
      %get3A_415 = arith.constant 0 : index
      %get3A_416 = vector.load %arg4[%get3A_414, %get3A_415] : memref<1x16xf32, #tpu.memory_space<vmem>>, vector<1x16xf32>
      %mul3A_417 = vector.broadcast %get3A_416 : vector<1x16xf32> to vector<1024x16xf32>
      %mul3A_418 = arith.mulf %max3A_413, %mul3A_417 : vector<1024x16xf32>
      %reduce_sum3A_419 = arith.constant dense<0.000000e+00> : vector<1024xf32>
      %reduce_sum3A_420 = vector.multi_reduction <add>, %mul3A_418, %reduce_sum3A_419 [1] : vector<1024x16xf32> to vector<1024xf32>
      %broadcast_in_dim3A_421 = vector.shape_cast %reduce_sum3A_420 : vector<1024xf32> to vector<1024x1xf32>
      %get3A_422 = arith.constant 0 : index
      %get3A_423 = arith.constant 0 : index
      %get3A_424 = vector.load %arg5[%get3A_422, %get3A_423] : memref<1x1xf32, #tpu.memory_space<vmem>>, vector<1x1xf32>
      %add3A_425 = vector.broadcast %get3A_424 : vector<1x1xf32> to vector<1024x1xf32>
      %add3A_426 = arith.addf %broadcast_in_dim3A_421, %add3A_425 : vector<1024x1xf32>
      %reshape3A_427 = vector.shape_cast %add3A_426 : vector<1024x1xf32> to vector<8x128xf32>
      %mul3A_428 = arith.constant 8 : i32
      %mul3A_429 = arith.muli %add3A_358, %mul3A_428 : i32
      %swap3A_430 = arith.index_cast %mul3A_429 : i32 to index
      %swap3A_431 = arith.constant 0 : index
      %swap3A_432 = vector.load %arg11[%swap3A_430, %swap3A_431] : memref<256x128xf32, #tpu.memory_space<vmem>>, vector<8x128xf32>
      tpu.vector_store %arg11[%swap3A_430, %swap3A_431], %reshape3A_427 {strides = array<i32>} : memref<256x128xf32, #tpu.memory_space<vmem>>, vector<8x128xf32>,
      %lt3A_433 = arith.constant 3 : i32
      %lt3A_434 = arith.cmpi slt, %scan3A_199, %lt3A_433 : i32
      %convert_element_type3A_435 = arith.extui %lt3A_434 : i1 to i32
      %cond3A_436 = arith.constant 0 : i32
      %cond3A_437 = arith.cmpi ne, %convert_element_type3A_435, %cond3A_436 : i32
      scf.if %cond3A_437 {
        %add3A_853 = arith.constant 8 : i32
        %add3A_854 = arith.addi %add3A_358, %add3A_853 : i32
        %mul3A_855 = arith.constant 1024 : i32
        %mul3A_856 = arith.muli %add3A_854, %mul3A_855 : i32
        %dma_start3A_857 = arith.constant 2 : i32
        %dma_start3A_858 = arith.constant 2 : i32
        %dma_start3A_859 = arith.constant 0 : i32
        %dma_start3A_860 = tpu.memref_slice %arg12[%dma_start3A_858, %dma_start3A_859] : memref<8x2x!tpu.dma_semaphore, #tpu.memory_space<semaphore_mem>> -> memref<1x1x!tpu.dma_semaphore, #tpu.memory_space<semaphore_mem>>
        %dma_start3A_861 = tpu.memref_squeeze %dma_start3A_860 : memref<1x1x!tpu.dma_semaphore, #tpu.memory_space<semaphore_mem>> -> memref<!tpu.dma_semaphore, #tpu.memory_space<semaphore_mem>>
        %dma_start3A_862 = arith.constant 0 : i32
        %dma_start3A_863 = arith.constant 0 : i32
        %dma_start3A_864 = tpu.memref_slice %arg9[%dma_start3A_857, %dma_start3A_862, %dma_start3A_863] : memref<8x1024x512xf32, #tpu.memory_space<vmem>> -> memref<1x1024x512xf32, #tpu.memory_space<vmem>>
        %dma_start3A_865 = tpu.memref_squeeze %dma_start3A_864 : memref<1x1024x512xf32, #tpu.memory_space<vmem>> -> memref<1024x512xf32, #tpu.memory_space<vmem>>
        %dma_start3A_866 = arith.constant 0 : i32
        %dma_start3A_867 = tpu.memref_slice %arg6[%mul3A_856, %dma_start3A_866] : memref<32768x512xf32, #tpu.memory_space<any>> -> memref<1024x512xf32, #tpu.memory_space<any>>
        tpu.enqueue_dma source(%dma_start3A_867 : memref<1024x512xf32, #tpu.memory_space<any>>) target(%dma_start3A_865 : memref<1024x512xf32, #tpu.memory_space<vmem>>) target_semaphore(%dma_start3A_861 : memref<!tpu.dma_semaphore, #tpu.memory_space<semaphore_mem>>)
        %add3A_868 = arith.constant 8 : i32
        %add3A_869 = arith.addi %add3A_358, %add3A_868 : i32
        %mul3A_870 = arith.constant 1024 : i32
        %mul3A_871 = arith.muli %add3A_869, %mul3A_870 : i32
        %dma_start3A_872 = arith.constant 2 : i32
        %dma_start3A_873 = arith.constant 2 : i32
        %dma_start3A_874 = arith.constant 1 : i32
        %dma_start3A_875 = tpu.memref_slice %arg12[%dma_start3A_873, %dma_start3A_874] : memref<8x2x!tpu.dma_semaphore, #tpu.memory_space<semaphore_mem>> -> memref<1x1x!tpu.dma_semaphore, #tpu.memory_space<semaphore_mem>>
        %dma_start3A_876 = tpu.memref_squeeze %dma_start3A_875 : memref<1x1x!tpu.dma_semaphore, #tpu.memory_space<semaphore_mem>> -> memref<!tpu.dma_semaphore, #tpu.memory_space<semaphore_mem>>
        %dma_start3A_877 = arith.constant 0 : i32
        %dma_start3A_878 = arith.constant 0 : i32
        %dma_start3A_879 = tpu.memref_slice %arg10[%dma_start3A_872, %dma_start3A_877, %dma_start3A_878] : memref<8x1024x128xf32, #tpu.memory_space<vmem>> -> memref<1x1024x128xf32, #tpu.memory_space<vmem>>
        %dma_start3A_880 = tpu.memref_squeeze %dma_start3A_879 : memref<1x1024x128xf32, #tpu.memory_space<vmem>> -> memref<1024x128xf32, #tpu.memory_space<vmem>>
        %dma_start3A_881 = arith.constant 0 : i32
        %dma_start3A_882 = tpu.memref_slice %arg7[%mul3A_871, %dma_start3A_881] : memref<32768x128xf32, #tpu.memory_space<any>> -> memref<1024x128xf32, #tpu.memory_space<any>>
        tpu.enqueue_dma source(%dma_start3A_882 : memref<1024x128xf32, #tpu.memory_space<any>>) target(%dma_start3A_880 : memref<1024x128xf32, #tpu.memory_space<vmem>>) target_semaphore(%dma_start3A_876 : memref<!tpu.dma_semaphore, #tpu.memory_space<semaphore_mem>>)
      } else {
      }
      %mul3A_438 = arith.constant 8 : i32
      %mul3A_439 = arith.muli %scan3A_199, %mul3A_438 : i32
      %add3A_440 = arith.constant 3 : i32
      %add3A_441 = arith.addi %mul3A_439, %add3A_440 : i32
      %mul3A_442 = arith.constant 1024 : i32
      %mul3A_443 = arith.muli %add3A_441, %mul3A_442 : i32
      %dma_wait3A_444 = arith.constant 3 : i32
      %dma_wait3A_445 = arith.constant 3 : i32
      %dma_wait3A_446 = arith.constant 0 : i32
      %dma_wait3A_447 = tpu.memref_slice %arg12[%dma_wait3A_445, %dma_wait3A_446] : memref<8x2x!tpu.dma_semaphore, #tpu.memory_space<semaphore_mem>> -> memref<1x1x!tpu.dma_semaphore, #tpu.memory_space<semaphore_mem>>
      %dma_wait3A_448 = tpu.memref_squeeze %dma_wait3A_447 : memref<1x1x!tpu.dma_semaphore, #tpu.memory_space<semaphore_mem>> -> memref<!tpu.dma_semaphore, #tpu.memory_space<semaphore_mem>>
      %dma_wait3A_449 = arith.constant 0 : i32
      %dma_wait3A_450 = arith.constant 0 : i32
      %dma_wait3A_451 = tpu.memref_slice %arg9[%dma_wait3A_444, %dma_wait3A_449, %dma_wait3A_450] : memref<8x1024x512xf32, #tpu.memory_space<vmem>> -> memref<1x1024x512xf32, #tpu.memory_space<vmem>>
      %dma_wait3A_452 = tpu.memref_squeeze %dma_wait3A_451 : memref<1x1024x512xf32, #tpu.memory_space<vmem>> -> memref<1024x512xf32, #tpu.memory_space<vmem>>
      %dma_wait3A_453 = arith.constant 0 : i32
      %dma_wait3A_454 = tpu.memref_slice %arg6[%mul3A_443, %dma_wait3A_453] : memref<32768x512xf32, #tpu.memory_space<any>> -> memref<1024x512xf32, #tpu.memory_space<any>>
      tpu.wait_dma2 semaphore(%dma_wait3A_448 : memref<!tpu.dma_semaphore, #tpu.memory_space<semaphore_mem>>) src(%dma_wait3A_454 : memref<1024x512xf32, #tpu.memory_space<any>>) dst(%dma_wait3A_452 : memref<1024x512xf32, #tpu.memory_space<vmem>>)
      %mul3A_455 = arith.constant 1024 : i32
      %mul3A_456 = arith.muli %add3A_441, %mul3A_455 : i32
      %dma_wait3A_457 = arith.constant 3 : i32
      %dma_wait3A_458 = arith.constant 3 : i32
      %dma_wait3A_459 = arith.constant 1 : i32
      %dma_wait3A_460 = tpu.memref_slice %arg12[%dma_wait3A_458, %dma_wait3A_459] : memref<8x2x!tpu.dma_semaphore, #tpu.memory_space<semaphore_mem>> -> memref<1x1x!tpu.dma_semaphore, #tpu.memory_space<semaphore_mem>>
      %dma_wait3A_461 = tpu.memref_squeeze %dma_wait3A_460 : memref<1x1x!tpu.dma_semaphore, #tpu.memory_space<semaphore_mem>> -> memref<!tpu.dma_semaphore, #tpu.memory_space<semaphore_mem>>
      %dma_wait3A_462 = arith.constant 0 : i32
      %dma_wait3A_463 = arith.constant 0 : i32
      %dma_wait3A_464 = tpu.memref_slice %arg10[%dma_wait3A_457, %dma_wait3A_462, %dma_wait3A_463] : memref<8x1024x128xf32, #tpu.memory_space<vmem>> -> memref<1x1024x128xf32, #tpu.memory_space<vmem>>
      %dma_wait3A_465 = tpu.memref_squeeze %dma_wait3A_464 : memref<1x1024x128xf32, #tpu.memory_space<vmem>> -> memref<1024x128xf32, #tpu.memory_space<vmem>>
      %dma_wait3A_466 = arith.constant 0 : i32
      %dma_wait3A_467 = tpu.memref_slice %arg7[%mul3A_456, %dma_wait3A_466] : memref<32768x128xf32, #tpu.memory_space<any>> -> memref<1024x128xf32, #tpu.memory_space<any>>
      tpu.wait_dma2 semaphore(%dma_wait3A_461 : memref<!tpu.dma_semaphore, #tpu.memory_space<semaphore_mem>>) src(%dma_wait3A_467 : memref<1024x128xf32, #tpu.memory_space<any>>) dst(%dma_wait3A_465 : memref<1024x128xf32, #tpu.memory_space<vmem>>)
      %get3A_468 = arith.constant 3 : index
      %get3A_469 = arith.constant 0 : index
      %get3A_470 = arith.constant 0 : index
      %get3A_471 = vector.load %arg9[%get3A_468, %get3A_469, %get3A_470] : memref<8x1024x512xf32, #tpu.memory_space<vmem>>, vector<1x1024x512xf32>
      %get3A_472 = vector.shape_cast %get3A_471 : vector<1x1024x512xf32> to vector<1024x512xf32>
      %get3A_473 = arith.constant 0 : index
      %get3A_474 = arith.constant 0 : index
      %get3A_475 = vector.load %arg1[%get3A_473, %get3A_474] : memref<512x16xf32, #tpu.memory_space<vmem>>, vector<512x16xf32>
      %dot_general3A_476 = arith.constant dense<0.000000e+00> : vector<1024x16xf32>
      %dot_general3A_477 = tpu.matmul %get3A_472, %get3A_475, %dot_general3A_476 {dimension_numbers = #tpu.dot_dimension_numbers<[1], [0], [0], [1], [0, 0, 1, 1], [], []>, transpose_lhs_hint = false} : vector<1024x512xf32>, vector<512x16xf32>, vector<1024x16xf32> -> vector<1024x16xf32>
      %get3A_478 = arith.constant 3 : index
      %get3A_479 = arith.constant 0 : index
      %get3A_480 = arith.constant 0 : index
      %get3A_481 = vector.load %arg10[%get3A_478, %get3A_479, %get3A_480] : memref<8x1024x128xf32, #tpu.memory_space<vmem>>, vector<1x1024x128xf32>
      %get3A_482 = vector.shape_cast %get3A_481 : vector<1x1024x128xf32> to vector<1024x128xf32>
      %get3A_483 = arith.constant 0 : index
      %get3A_484 = arith.constant 0 : index
      %get3A_485 = vector.load %arg2[%get3A_483, %get3A_484] : memref<128x16xf32, #tpu.memory_space<vmem>>, vector<128x16xf32>
      %dot_general3A_486 = arith.constant dense<0.000000e+00> : vector<1024x16xf32>
      %dot_general3A_487 = tpu.matmul %get3A_482, %get3A_485, %dot_general3A_486 {dimension_numbers = #tpu.dot_dimension_numbers<[1], [0], [0], [1], [0, 0, 1, 1], [], []>, transpose_lhs_hint = false} : vector<1024x128xf32>, vector<128x16xf32>, vector<1024x16xf32> -> vector<1024x16xf32>
      %add3A_488 = arith.addf %dot_general3A_477, %dot_general3A_487 : vector<1024x16xf32>
      %get3A_489 = arith.constant 0 : index
      %get3A_490 = arith.constant 0 : index
      %get3A_491 = vector.load %arg3[%get3A_489, %get3A_490] : memref<1x16xf32, #tpu.memory_space<vmem>>, vector<1x16xf32>
      %add3A_492 = vector.broadcast %get3A_491 : vector<1x16xf32> to vector<1024x16xf32>
      %add3A_493 = arith.addf %add3A_488, %add3A_492 : vector<1024x16xf32>
      %max3A_494 = arith.constant 0.000000e+00 : f32
      %max3A_495 = vector.broadcast %max3A_494 : f32 to vector<1024x16xf32>
      %max3A_496 = arith.maximumf %add3A_493, %max3A_495 : vector<1024x16xf32>
      %get3A_497 = arith.constant 0 : index
      %get3A_498 = arith.constant 0 : index
      %get3A_499 = vector.load %arg4[%get3A_497, %get3A_498] : memref<1x16xf32, #tpu.memory_space<vmem>>, vector<1x16xf32>
      %mul3A_500 = vector.broadcast %get3A_499 : vector<1x16xf32> to vector<1024x16xf32>
      %mul3A_501 = arith.mulf %max3A_496, %mul3A_500 : vector<1024x16xf32>
      %reduce_sum3A_502 = arith.constant dense<0.000000e+00> : vector<1024xf32>
      %reduce_sum3A_503 = vector.multi_reduction <add>, %mul3A_501, %reduce_sum3A_502 [1] : vector<1024x16xf32> to vector<1024xf32>
      %broadcast_in_dim3A_504 = vector.shape_cast %reduce_sum3A_503 : vector<1024xf32> to vector<1024x1xf32>
      %get3A_505 = arith.constant 0 : index
      %get3A_506 = arith.constant 0 : index
      %get3A_507 = vector.load %arg5[%get3A_505, %get3A_506] : memref<1x1xf32, #tpu.memory_space<vmem>>, vector<1x1xf32>
      %add3A_508 = vector.broadcast %get3A_507 : vector<1x1xf32> to vector<1024x1xf32>
      %add3A_509 = arith.addf %broadcast_in_dim3A_504, %add3A_508 : vector<1024x1xf32>
      %reshape3A_510 = vector.shape_cast %add3A_509 : vector<1024x1xf32> to vector<8x128xf32>
      %mul3A_511 = arith.constant 8 : i32
      %mul3A_512 = arith.muli %add3A_441, %mul3A_511 : i32
      %swap3A_513 = arith.index_cast %mul3A_512 : i32 to index
      %swap3A_514 = arith.constant 0 : index
      %swap3A_515 = vector.load %arg11[%swap3A_513, %swap3A_514] : memref<256x128xf32, #tpu.memory_space<vmem>>, vector<8x128xf32>
      tpu.vector_store %arg11[%swap3A_513, %swap3A_514], %reshape3A_510 {strides = array<i32>} : memref<256x128xf32, #tpu.memory_space<vmem>>, vector<8x128xf32>,
      %lt3A_516 = arith.constant 3 : i32
      %lt3A_517 = arith.cmpi slt, %scan3A_199, %lt3A_516 : i32
      %convert_element_type3A_518 = arith.extui %lt3A_517 : i1 to i32
      %cond3A_519 = arith.constant 0 : i32
      %cond3A_520 = arith.cmpi ne, %convert_element_type3A_518, %cond3A_519 : i32
      scf.if %cond3A_520 {
        %add3A_853 = arith.constant 8 : i32
        %add3A_854 = arith.addi %add3A_441, %add3A_853 : i32
        %mul3A_855 = arith.constant 1024 : i32
        %mul3A_856 = arith.muli %add3A_854, %mul3A_855 : i32
        %dma_start3A_857 = arith.constant 3 : i32
        %dma_start3A_858 = arith.constant 3 : i32
        %dma_start3A_859 = arith.constant 0 : i32
        %dma_start3A_860 = tpu.memref_slice %arg12[%dma_start3A_858, %dma_start3A_859] : memref<8x2x!tpu.dma_semaphore, #tpu.memory_space<semaphore_mem>> -> memref<1x1x!tpu.dma_semaphore, #tpu.memory_space<semaphore_mem>>
        %dma_start3A_861 = tpu.memref_squeeze %dma_start3A_860 : memref<1x1x!tpu.dma_semaphore, #tpu.memory_space<semaphore_mem>> -> memref<!tpu.dma_semaphore, #tpu.memory_space<semaphore_mem>>
        %dma_start3A_862 = arith.constant 0 : i32
        %dma_start3A_863 = arith.constant 0 : i32
        %dma_start3A_864 = tpu.memref_slice %arg9[%dma_start3A_857, %dma_start3A_862, %dma_start3A_863] : memref<8x1024x512xf32, #tpu.memory_space<vmem>> -> memref<1x1024x512xf32, #tpu.memory_space<vmem>>
        %dma_start3A_865 = tpu.memref_squeeze %dma_start3A_864 : memref<1x1024x512xf32, #tpu.memory_space<vmem>> -> memref<1024x512xf32, #tpu.memory_space<vmem>>
        %dma_start3A_866 = arith.constant 0 : i32
        %dma_start3A_867 = tpu.memref_slice %arg6[%mul3A_856, %dma_start3A_866] : memref<32768x512xf32, #tpu.memory_space<any>> -> memref<1024x512xf32, #tpu.memory_space<any>>
        tpu.enqueue_dma source(%dma_start3A_867 : memref<1024x512xf32, #tpu.memory_space<any>>) target(%dma_start3A_865 : memref<1024x512xf32, #tpu.memory_space<vmem>>) target_semaphore(%dma_start3A_861 : memref<!tpu.dma_semaphore, #tpu.memory_space<semaphore_mem>>)
        %add3A_868 = arith.constant 8 : i32
        %add3A_869 = arith.addi %add3A_441, %add3A_868 : i32
        %mul3A_870 = arith.constant 1024 : i32
        %mul3A_871 = arith.muli %add3A_869, %mul3A_870 : i32
        %dma_start3A_872 = arith.constant 3 : i32
        %dma_start3A_873 = arith.constant 3 : i32
        %dma_start3A_874 = arith.constant 1 : i32
        %dma_start3A_875 = tpu.memref_slice %arg12[%dma_start3A_873, %dma_start3A_874] : memref<8x2x!tpu.dma_semaphore, #tpu.memory_space<semaphore_mem>> -> memref<1x1x!tpu.dma_semaphore, #tpu.memory_space<semaphore_mem>>
        %dma_start3A_876 = tpu.memref_squeeze %dma_start3A_875 : memref<1x1x!tpu.dma_semaphore, #tpu.memory_space<semaphore_mem>> -> memref<!tpu.dma_semaphore, #tpu.memory_space<semaphore_mem>>
        %dma_start3A_877 = arith.constant 0 : i32
        %dma_start3A_878 = arith.constant 0 : i32
        %dma_start3A_879 = tpu.memref_slice %arg10[%dma_start3A_872, %dma_start3A_877, %dma_start3A_878] : memref<8x1024x128xf32, #tpu.memory_space<vmem>> -> memref<1x1024x128xf32, #tpu.memory_space<vmem>>
        %dma_start3A_880 = tpu.memref_squeeze %dma_start3A_879 : memref<1x1024x128xf32, #tpu.memory_space<vmem>> -> memref<1024x128xf32, #tpu.memory_space<vmem>>
        %dma_start3A_881 = arith.constant 0 : i32
        %dma_start3A_882 = tpu.memref_slice %arg7[%mul3A_871, %dma_start3A_881] : memref<32768x128xf32, #tpu.memory_space<any>> -> memref<1024x128xf32, #tpu.memory_space<any>>
        tpu.enqueue_dma source(%dma_start3A_882 : memref<1024x128xf32, #tpu.memory_space<any>>) target(%dma_start3A_880 : memref<1024x128xf32, #tpu.memory_space<vmem>>) target_semaphore(%dma_start3A_876 : memref<!tpu.dma_semaphore, #tpu.memory_space<semaphore_mem>>)
      } else {
      }
      %mul3A_521 = arith.constant 8 : i32
      %mul3A_522 = arith.muli %scan3A_199, %mul3A_521 : i32
      %add3A_523 = arith.constant 4 : i32
      %add3A_524 = arith.addi %mul3A_522, %add3A_523 : i32
      %mul3A_525 = arith.constant 1024 : i32
      %mul3A_526 = arith.muli %add3A_524, %mul3A_525 : i32
      %dma_wait3A_527 = arith.constant 4 : i32
      %dma_wait3A_528 = arith.constant 4 : i32
      %dma_wait3A_529 = arith.constant 0 : i32
      %dma_wait3A_530 = tpu.memref_slice %arg12[%dma_wait3A_528, %dma_wait3A_529] : memref<8x2x!tpu.dma_semaphore, #tpu.memory_space<semaphore_mem>> -> memref<1x1x!tpu.dma_semaphore, #tpu.memory_space<semaphore_mem>>
      %dma_wait3A_531 = tpu.memref_squeeze %dma_wait3A_530 : memref<1x1x!tpu.dma_semaphore, #tpu.memory_space<semaphore_mem>> -> memref<!tpu.dma_semaphore, #tpu.memory_space<semaphore_mem>>
      %dma_wait3A_532 = arith.constant 0 : i32
      %dma_wait3A_533 = arith.constant 0 : i32
      %dma_wait3A_534 = tpu.memref_slice %arg9[%dma_wait3A_527, %dma_wait3A_532, %dma_wait3A_533] : memref<8x1024x512xf32, #tpu.memory_space<vmem>> -> memref<1x1024x512xf32, #tpu.memory_space<vmem>>
      %dma_wait3A_535 = tpu.memref_squeeze %dma_wait3A_534 : memref<1x1024x512xf32, #tpu.memory_space<vmem>> -> memref<1024x512xf32, #tpu.memory_space<vmem>>
      %dma_wait3A_536 = arith.constant 0 : i32
      %dma_wait3A_537 = tpu.memref_slice %arg6[%mul3A_526, %dma_wait3A_536] : memref<32768x512xf32, #tpu.memory_space<any>> -> memref<1024x512xf32, #tpu.memory_space<any>>
      tpu.wait_dma2 semaphore(%dma_wait3A_531 : memref<!tpu.dma_semaphore, #tpu.memory_space<semaphore_mem>>) src(%dma_wait3A_537 : memref<1024x512xf32, #tpu.memory_space<any>>) dst(%dma_wait3A_535 : memref<1024x512xf32, #tpu.memory_space<vmem>>)
      %mul3A_538 = arith.constant 1024 : i32
      %mul3A_539 = arith.muli %add3A_524, %mul3A_538 : i32
      %dma_wait3A_540 = arith.constant 4 : i32
      %dma_wait3A_541 = arith.constant 4 : i32
      %dma_wait3A_542 = arith.constant 1 : i32
      %dma_wait3A_543 = tpu.memref_slice %arg12[%dma_wait3A_541, %dma_wait3A_542] : memref<8x2x!tpu.dma_semaphore, #tpu.memory_space<semaphore_mem>> -> memref<1x1x!tpu.dma_semaphore, #tpu.memory_space<semaphore_mem>>
      %dma_wait3A_544 = tpu.memref_squeeze %dma_wait3A_543 : memref<1x1x!tpu.dma_semaphore, #tpu.memory_space<semaphore_mem>> -> memref<!tpu.dma_semaphore, #tpu.memory_space<semaphore_mem>>
      %dma_wait3A_545 = arith.constant 0 : i32
      %dma_wait3A_546 = arith.constant 0 : i32
      %dma_wait3A_547 = tpu.memref_slice %arg10[%dma_wait3A_540, %dma_wait3A_545, %dma_wait3A_546] : memref<8x1024x128xf32, #tpu.memory_space<vmem>> -> memref<1x1024x128xf32, #tpu.memory_space<vmem>>
      %dma_wait3A_548 = tpu.memref_squeeze %dma_wait3A_547 : memref<1x1024x128xf32, #tpu.memory_space<vmem>> -> memref<1024x128xf32, #tpu.memory_space<vmem>>
      %dma_wait3A_549 = arith.constant 0 : i32
      %dma_wait3A_550 = tpu.memref_slice %arg7[%mul3A_539, %dma_wait3A_549] : memref<32768x128xf32, #tpu.memory_space<any>> -> memref<1024x128xf32, #tpu.memory_space<any>>
      tpu.wait_dma2 semaphore(%dma_wait3A_544 : memref<!tpu.dma_semaphore, #tpu.memory_space<semaphore_mem>>) src(%dma_wait3A_550 : memref<1024x128xf32, #tpu.memory_space<any>>) dst(%dma_wait3A_548 : memref<1024x128xf32, #tpu.memory_space<vmem>>)
      %get3A_551 = arith.constant 4 : index
      %get3A_552 = arith.constant 0 : index
      %get3A_553 = arith.constant 0 : index
      %get3A_554 = vector.load %arg9[%get3A_551, %get3A_552, %get3A_553] : memref<8x1024x512xf32, #tpu.memory_space<vmem>>, vector<1x1024x512xf32>
      %get3A_555 = vector.shape_cast %get3A_554 : vector<1x1024x512xf32> to vector<1024x512xf32>
      %get3A_556 = arith.constant 0 : index
      %get3A_557 = arith.constant 0 : index
      %get3A_558 = vector.load %arg1[%get3A_556, %get3A_557] : memref<512x16xf32, #tpu.memory_space<vmem>>, vector<512x16xf32>
      %dot_general3A_559 = arith.constant dense<0.000000e+00> : vector<1024x16xf32>
      %dot_general3A_560 = tpu.matmul %get3A_555, %get3A_558, %dot_general3A_559 {dimension_numbers = #tpu.dot_dimension_numbers<[1], [0], [0], [1], [0, 0, 1, 1], [], []>, transpose_lhs_hint = false} : vector<1024x512xf32>, vector<512x16xf32>, vector<1024x16xf32> -> vector<1024x16xf32>
      %get3A_561 = arith.constant 4 : index
      %get3A_562 = arith.constant 0 : index
      %get3A_563 = arith.constant 0 : index
      %get3A_564 = vector.load %arg10[%get3A_561, %get3A_562, %get3A_563] : memref<8x1024x128xf32, #tpu.memory_space<vmem>>, vector<1x1024x128xf32>
      %get3A_565 = vector.shape_cast %get3A_564 : vector<1x1024x128xf32> to vector<1024x128xf32>
      %get3A_566 = arith.constant 0 : index
      %get3A_567 = arith.constant 0 : index
      %get3A_568 = vector.load %arg2[%get3A_566, %get3A_567] : memref<128x16xf32, #tpu.memory_space<vmem>>, vector<128x16xf32>
      %dot_general3A_569 = arith.constant dense<0.000000e+00> : vector<1024x16xf32>
      %dot_general3A_570 = tpu.matmul %get3A_565, %get3A_568, %dot_general3A_569 {dimension_numbers = #tpu.dot_dimension_numbers<[1], [0], [0], [1], [0, 0, 1, 1], [], []>, transpose_lhs_hint = false} : vector<1024x128xf32>, vector<128x16xf32>, vector<1024x16xf32> -> vector<1024x16xf32>
      %add3A_571 = arith.addf %dot_general3A_560, %dot_general3A_570 : vector<1024x16xf32>
      %get3A_572 = arith.constant 0 : index
      %get3A_573 = arith.constant 0 : index
      %get3A_574 = vector.load %arg3[%get3A_572, %get3A_573] : memref<1x16xf32, #tpu.memory_space<vmem>>, vector<1x16xf32>
      %add3A_575 = vector.broadcast %get3A_574 : vector<1x16xf32> to vector<1024x16xf32>
      %add3A_576 = arith.addf %add3A_571, %add3A_575 : vector<1024x16xf32>
      %max3A_577 = arith.constant 0.000000e+00 : f32
      %max3A_578 = vector.broadcast %max3A_577 : f32 to vector<1024x16xf32>
      %max3A_579 = arith.maximumf %add3A_576, %max3A_578 : vector<1024x16xf32>
      %get3A_580 = arith.constant 0 : index
      %get3A_581 = arith.constant 0 : index
      %get3A_582 = vector.load %arg4[%get3A_580, %get3A_581] : memref<1x16xf32, #tpu.memory_space<vmem>>, vector<1x16xf32>
      %mul3A_583 = vector.broadcast %get3A_582 : vector<1x16xf32> to vector<1024x16xf32>
      %mul3A_584 = arith.mulf %max3A_579, %mul3A_583 : vector<1024x16xf32>
      %reduce_sum3A_585 = arith.constant dense<0.000000e+00> : vector<1024xf32>
      %reduce_sum3A_586 = vector.multi_reduction <add>, %mul3A_584, %reduce_sum3A_585 [1] : vector<1024x16xf32> to vector<1024xf32>
      %broadcast_in_dim3A_587 = vector.shape_cast %reduce_sum3A_586 : vector<1024xf32> to vector<1024x1xf32>
      %get3A_588 = arith.constant 0 : index
      %get3A_589 = arith.constant 0 : index
      %get3A_590 = vector.load %arg5[%get3A_588, %get3A_589] : memref<1x1xf32, #tpu.memory_space<vmem>>, vector<1x1xf32>
      %add3A_591 = vector.broadcast %get3A_590 : vector<1x1xf32> to vector<1024x1xf32>
      %add3A_592 = arith.addf %broadcast_in_dim3A_587, %add3A_591 : vector<1024x1xf32>
      %reshape3A_593 = vector.shape_cast %add3A_592 : vector<1024x1xf32> to vector<8x128xf32>
      %mul3A_594 = arith.constant 8 : i32
      %mul3A_595 = arith.muli %add3A_524, %mul3A_594 : i32
      %swap3A_596 = arith.index_cast %mul3A_595 : i32 to index
      %swap3A_597 = arith.constant 0 : index
      %swap3A_598 = vector.load %arg11[%swap3A_596, %swap3A_597] : memref<256x128xf32, #tpu.memory_space<vmem>>, vector<8x128xf32>
      tpu.vector_store %arg11[%swap3A_596, %swap3A_597], %reshape3A_593 {strides = array<i32>} : memref<256x128xf32, #tpu.memory_space<vmem>>, vector<8x128xf32>,
      %lt3A_599 = arith.constant 3 : i32
      %lt3A_600 = arith.cmpi slt, %scan3A_199, %lt3A_599 : i32
      %convert_element_type3A_601 = arith.extui %lt3A_600 : i1 to i32
      %cond3A_602 = arith.constant 0 : i32
      %cond3A_603 = arith.cmpi ne, %convert_element_type3A_601, %cond3A_602 : i32
      scf.if %cond3A_603 {
        %add3A_853 = arith.constant 8 : i32
        %add3A_854 = arith.addi %add3A_524, %add3A_853 : i32
        %mul3A_855 = arith.constant 1024 : i32
        %mul3A_856 = arith.muli %add3A_854, %mul3A_855 : i32
        %dma_start3A_857 = arith.constant 4 : i32
        %dma_start3A_858 = arith.constant 4 : i32
        %dma_start3A_859 = arith.constant 0 : i32
        %dma_start3A_860 = tpu.memref_slice %arg12[%dma_start3A_858, %dma_start3A_859] : memref<8x2x!tpu.dma_semaphore, #tpu.memory_space<semaphore_mem>> -> memref<1x1x!tpu.dma_semaphore, #tpu.memory_space<semaphore_mem>>
        %dma_start3A_861 = tpu.memref_squeeze %dma_start3A_860 : memref<1x1x!tpu.dma_semaphore, #tpu.memory_space<semaphore_mem>> -> memref<!tpu.dma_semaphore, #tpu.memory_space<semaphore_mem>>
        %dma_start3A_862 = arith.constant 0 : i32
        %dma_start3A_863 = arith.constant 0 : i32
        %dma_start3A_864 = tpu.memref_slice %arg9[%dma_start3A_857, %dma_start3A_862, %dma_start3A_863] : memref<8x1024x512xf32, #tpu.memory_space<vmem>> -> memref<1x1024x512xf32, #tpu.memory_space<vmem>>
        %dma_start3A_865 = tpu.memref_squeeze %dma_start3A_864 : memref<1x1024x512xf32, #tpu.memory_space<vmem>> -> memref<1024x512xf32, #tpu.memory_space<vmem>>
        %dma_start3A_866 = arith.constant 0 : i32
        %dma_start3A_867 = tpu.memref_slice %arg6[%mul3A_856, %dma_start3A_866] : memref<32768x512xf32, #tpu.memory_space<any>> -> memref<1024x512xf32, #tpu.memory_space<any>>
        tpu.enqueue_dma source(%dma_start3A_867 : memref<1024x512xf32, #tpu.memory_space<any>>) target(%dma_start3A_865 : memref<1024x512xf32, #tpu.memory_space<vmem>>) target_semaphore(%dma_start3A_861 : memref<!tpu.dma_semaphore, #tpu.memory_space<semaphore_mem>>)
        %add3A_868 = arith.constant 8 : i32
        %add3A_869 = arith.addi %add3A_524, %add3A_868 : i32
        %mul3A_870 = arith.constant 1024 : i32
        %mul3A_871 = arith.muli %add3A_869, %mul3A_870 : i32
        %dma_start3A_872 = arith.constant 4 : i32
        %dma_start3A_873 = arith.constant 4 : i32
        %dma_start3A_874 = arith.constant 1 : i32
        %dma_start3A_875 = tpu.memref_slice %arg12[%dma_start3A_873, %dma_start3A_874] : memref<8x2x!tpu.dma_semaphore, #tpu.memory_space<semaphore_mem>> -> memref<1x1x!tpu.dma_semaphore, #tpu.memory_space<semaphore_mem>>
        %dma_start3A_876 = tpu.memref_squeeze %dma_start3A_875 : memref<1x1x!tpu.dma_semaphore, #tpu.memory_space<semaphore_mem>> -> memref<!tpu.dma_semaphore, #tpu.memory_space<semaphore_mem>>
        %dma_start3A_877 = arith.constant 0 : i32
        %dma_start3A_878 = arith.constant 0 : i32
        %dma_start3A_879 = tpu.memref_slice %arg10[%dma_start3A_872, %dma_start3A_877, %dma_start3A_878] : memref<8x1024x128xf32, #tpu.memory_space<vmem>> -> memref<1x1024x128xf32, #tpu.memory_space<vmem>>
        %dma_start3A_880 = tpu.memref_squeeze %dma_start3A_879 : memref<1x1024x128xf32, #tpu.memory_space<vmem>> -> memref<1024x128xf32, #tpu.memory_space<vmem>>
        %dma_start3A_881 = arith.constant 0 : i32
        %dma_start3A_882 = tpu.memref_slice %arg7[%mul3A_871, %dma_start3A_881] : memref<32768x128xf32, #tpu.memory_space<any>> -> memref<1024x128xf32, #tpu.memory_space<any>>
        tpu.enqueue_dma source(%dma_start3A_882 : memref<1024x128xf32, #tpu.memory_space<any>>) target(%dma_start3A_880 : memref<1024x128xf32, #tpu.memory_space<vmem>>) target_semaphore(%dma_start3A_876 : memref<!tpu.dma_semaphore, #tpu.memory_space<semaphore_mem>>)
      } else {
      }
      %mul3A_604 = arith.constant 8 : i32
      %mul3A_605 = arith.muli %scan3A_199, %mul3A_604 : i32
      %add3A_606 = arith.constant 5 : i32
      %add3A_607 = arith.addi %mul3A_605, %add3A_606 : i32
      %mul3A_608 = arith.constant 1024 : i32
      %mul3A_609 = arith.muli %add3A_607, %mul3A_608 : i32
      %dma_wait3A_610 = arith.constant 5 : i32
      %dma_wait3A_611 = arith.constant 5 : i32
      %dma_wait3A_612 = arith.constant 0 : i32
      %dma_wait3A_613 = tpu.memref_slice %arg12[%dma_wait3A_611, %dma_wait3A_612] : memref<8x2x!tpu.dma_semaphore, #tpu.memory_space<semaphore_mem>> -> memref<1x1x!tpu.dma_semaphore, #tpu.memory_space<semaphore_mem>>
      %dma_wait3A_614 = tpu.memref_squeeze %dma_wait3A_613 : memref<1x1x!tpu.dma_semaphore, #tpu.memory_space<semaphore_mem>> -> memref<!tpu.dma_semaphore, #tpu.memory_space<semaphore_mem>>
      %dma_wait3A_615 = arith.constant 0 : i32
      %dma_wait3A_616 = arith.constant 0 : i32
      %dma_wait3A_617 = tpu.memref_slice %arg9[%dma_wait3A_610, %dma_wait3A_615, %dma_wait3A_616] : memref<8x1024x512xf32, #tpu.memory_space<vmem>> -> memref<1x1024x512xf32, #tpu.memory_space<vmem>>
      %dma_wait3A_618 = tpu.memref_squeeze %dma_wait3A_617 : memref<1x1024x512xf32, #tpu.memory_space<vmem>> -> memref<1024x512xf32, #tpu.memory_space<vmem>>
      %dma_wait3A_619 = arith.constant 0 : i32
      %dma_wait3A_620 = tpu.memref_slice %arg6[%mul3A_609, %dma_wait3A_619] : memref<32768x512xf32, #tpu.memory_space<any>> -> memref<1024x512xf32, #tpu.memory_space<any>>
      tpu.wait_dma2 semaphore(%dma_wait3A_614 : memref<!tpu.dma_semaphore, #tpu.memory_space<semaphore_mem>>) src(%dma_wait3A_620 : memref<1024x512xf32, #tpu.memory_space<any>>) dst(%dma_wait3A_618 : memref<1024x512xf32, #tpu.memory_space<vmem>>)
      %mul3A_621 = arith.constant 1024 : i32
      %mul3A_622 = arith.muli %add3A_607, %mul3A_621 : i32
      %dma_wait3A_623 = arith.constant 5 : i32
      %dma_wait3A_624 = arith.constant 5 : i32
      %dma_wait3A_625 = arith.constant 1 : i32
      %dma_wait3A_626 = tpu.memref_slice %arg12[%dma_wait3A_624, %dma_wait3A_625] : memref<8x2x!tpu.dma_semaphore, #tpu.memory_space<semaphore_mem>> -> memref<1x1x!tpu.dma_semaphore, #tpu.memory_space<semaphore_mem>>
      %dma_wait3A_627 = tpu.memref_squeeze %dma_wait3A_626 : memref<1x1x!tpu.dma_semaphore, #tpu.memory_space<semaphore_mem>> -> memref<!tpu.dma_semaphore, #tpu.memory_space<semaphore_mem>>
      %dma_wait3A_628 = arith.constant 0 : i32
      %dma_wait3A_629 = arith.constant 0 : i32
      %dma_wait3A_630 = tpu.memref_slice %arg10[%dma_wait3A_623, %dma_wait3A_628, %dma_wait3A_629] : memref<8x1024x128xf32, #tpu.memory_space<vmem>> -> memref<1x1024x128xf32, #tpu.memory_space<vmem>>
      %dma_wait3A_631 = tpu.memref_squeeze %dma_wait3A_630 : memref<1x1024x128xf32, #tpu.memory_space<vmem>> -> memref<1024x128xf32, #tpu.memory_space<vmem>>
      %dma_wait3A_632 = arith.constant 0 : i32
      %dma_wait3A_633 = tpu.memref_slice %arg7[%mul3A_622, %dma_wait3A_632] : memref<32768x128xf32, #tpu.memory_space<any>> -> memref<1024x128xf32, #tpu.memory_space<any>>
      tpu.wait_dma2 semaphore(%dma_wait3A_627 : memref<!tpu.dma_semaphore, #tpu.memory_space<semaphore_mem>>) src(%dma_wait3A_633 : memref<1024x128xf32, #tpu.memory_space<any>>) dst(%dma_wait3A_631 : memref<1024x128xf32, #tpu.memory_space<vmem>>)
      %get3A_634 = arith.constant 5 : index
      %get3A_635 = arith.constant 0 : index
      %get3A_636 = arith.constant 0 : index
      %get3A_637 = vector.load %arg9[%get3A_634, %get3A_635, %get3A_636] : memref<8x1024x512xf32, #tpu.memory_space<vmem>>, vector<1x1024x512xf32>
      %get3A_638 = vector.shape_cast %get3A_637 : vector<1x1024x512xf32> to vector<1024x512xf32>
      %get3A_639 = arith.constant 0 : index
      %get3A_640 = arith.constant 0 : index
      %get3A_641 = vector.load %arg1[%get3A_639, %get3A_640] : memref<512x16xf32, #tpu.memory_space<vmem>>, vector<512x16xf32>
      %dot_general3A_642 = arith.constant dense<0.000000e+00> : vector<1024x16xf32>
      %dot_general3A_643 = tpu.matmul %get3A_638, %get3A_641, %dot_general3A_642 {dimension_numbers = #tpu.dot_dimension_numbers<[1], [0], [0], [1], [0, 0, 1, 1], [], []>, transpose_lhs_hint = false} : vector<1024x512xf32>, vector<512x16xf32>, vector<1024x16xf32> -> vector<1024x16xf32>
      %get3A_644 = arith.constant 5 : index
      %get3A_645 = arith.constant 0 : index
      %get3A_646 = arith.constant 0 : index
      %get3A_647 = vector.load %arg10[%get3A_644, %get3A_645, %get3A_646] : memref<8x1024x128xf32, #tpu.memory_space<vmem>>, vector<1x1024x128xf32>
      %get3A_648 = vector.shape_cast %get3A_647 : vector<1x1024x128xf32> to vector<1024x128xf32>
      %get3A_649 = arith.constant 0 : index
      %get3A_650 = arith.constant 0 : index
      %get3A_651 = vector.load %arg2[%get3A_649, %get3A_650] : memref<128x16xf32, #tpu.memory_space<vmem>>, vector<128x16xf32>
      %dot_general3A_652 = arith.constant dense<0.000000e+00> : vector<1024x16xf32>
      %dot_general3A_653 = tpu.matmul %get3A_648, %get3A_651, %dot_general3A_652 {dimension_numbers = #tpu.dot_dimension_numbers<[1], [0], [0], [1], [0, 0, 1, 1], [], []>, transpose_lhs_hint = false} : vector<1024x128xf32>, vector<128x16xf32>, vector<1024x16xf32> -> vector<1024x16xf32>
      %add3A_654 = arith.addf %dot_general3A_643, %dot_general3A_653 : vector<1024x16xf32>
      %get3A_655 = arith.constant 0 : index
      %get3A_656 = arith.constant 0 : index
      %get3A_657 = vector.load %arg3[%get3A_655, %get3A_656] : memref<1x16xf32, #tpu.memory_space<vmem>>, vector<1x16xf32>
      %add3A_658 = vector.broadcast %get3A_657 : vector<1x16xf32> to vector<1024x16xf32>
      %add3A_659 = arith.addf %add3A_654, %add3A_658 : vector<1024x16xf32>
      %max3A_660 = arith.constant 0.000000e+00 : f32
      %max3A_661 = vector.broadcast %max3A_660 : f32 to vector<1024x16xf32>
      %max3A_662 = arith.maximumf %add3A_659, %max3A_661 : vector<1024x16xf32>
      %get3A_663 = arith.constant 0 : index
      %get3A_664 = arith.constant 0 : index
      %get3A_665 = vector.load %arg4[%get3A_663, %get3A_664] : memref<1x16xf32, #tpu.memory_space<vmem>>, vector<1x16xf32>
      %mul3A_666 = vector.broadcast %get3A_665 : vector<1x16xf32> to vector<1024x16xf32>
      %mul3A_667 = arith.mulf %max3A_662, %mul3A_666 : vector<1024x16xf32>
      %reduce_sum3A_668 = arith.constant dense<0.000000e+00> : vector<1024xf32>
      %reduce_sum3A_669 = vector.multi_reduction <add>, %mul3A_667, %reduce_sum3A_668 [1] : vector<1024x16xf32> to vector<1024xf32>
      %broadcast_in_dim3A_670 = vector.shape_cast %reduce_sum3A_669 : vector<1024xf32> to vector<1024x1xf32>
      %get3A_671 = arith.constant 0 : index
      %get3A_672 = arith.constant 0 : index
      %get3A_673 = vector.load %arg5[%get3A_671, %get3A_672] : memref<1x1xf32, #tpu.memory_space<vmem>>, vector<1x1xf32>
      %add3A_674 = vector.broadcast %get3A_673 : vector<1x1xf32> to vector<1024x1xf32>
      %add3A_675 = arith.addf %broadcast_in_dim3A_670, %add3A_674 : vector<1024x1xf32>
      %reshape3A_676 = vector.shape_cast %add3A_675 : vector<1024x1xf32> to vector<8x128xf32>
      %mul3A_677 = arith.constant 8 : i32
      %mul3A_678 = arith.muli %add3A_607, %mul3A_677 : i32
      %swap3A_679 = arith.index_cast %mul3A_678 : i32 to index
      %swap3A_680 = arith.constant 0 : index
      %swap3A_681 = vector.load %arg11[%swap3A_679, %swap3A_680] : memref<256x128xf32, #tpu.memory_space<vmem>>, vector<8x128xf32>
      tpu.vector_store %arg11[%swap3A_679, %swap3A_680], %reshape3A_676 {strides = array<i32>} : memref<256x128xf32, #tpu.memory_space<vmem>>, vector<8x128xf32>,
      %lt3A_682 = arith.constant 3 : i32
      %lt3A_683 = arith.cmpi slt, %scan3A_199, %lt3A_682 : i32
      %convert_element_type3A_684 = arith.extui %lt3A_683 : i1 to i32
      %cond3A_685 = arith.constant 0 : i32
      %cond3A_686 = arith.cmpi ne, %convert_element_type3A_684, %cond3A_685 : i32
      scf.if %cond3A_686 {
        %add3A_853 = arith.constant 8 : i32
        %add3A_854 = arith.addi %add3A_607, %add3A_853 : i32
        %mul3A_855 = arith.constant 1024 : i32
        %mul3A_856 = arith.muli %add3A_854, %mul3A_855 : i32
        %dma_start3A_857 = arith.constant 5 : i32
        %dma_start3A_858 = arith.constant 5 : i32
        %dma_start3A_859 = arith.constant 0 : i32
        %dma_start3A_860 = tpu.memref_slice %arg12[%dma_start3A_858, %dma_start3A_859] : memref<8x2x!tpu.dma_semaphore, #tpu.memory_space<semaphore_mem>> -> memref<1x1x!tpu.dma_semaphore, #tpu.memory_space<semaphore_mem>>
        %dma_start3A_861 = tpu.memref_squeeze %dma_start3A_860 : memref<1x1x!tpu.dma_semaphore, #tpu.memory_space<semaphore_mem>> -> memref<!tpu.dma_semaphore, #tpu.memory_space<semaphore_mem>>
        %dma_start3A_862 = arith.constant 0 : i32
        %dma_start3A_863 = arith.constant 0 : i32
        %dma_start3A_864 = tpu.memref_slice %arg9[%dma_start3A_857, %dma_start3A_862, %dma_start3A_863] : memref<8x1024x512xf32, #tpu.memory_space<vmem>> -> memref<1x1024x512xf32, #tpu.memory_space<vmem>>
        %dma_start3A_865 = tpu.memref_squeeze %dma_start3A_864 : memref<1x1024x512xf32, #tpu.memory_space<vmem>> -> memref<1024x512xf32, #tpu.memory_space<vmem>>
        %dma_start3A_866 = arith.constant 0 : i32
        %dma_start3A_867 = tpu.memref_slice %arg6[%mul3A_856, %dma_start3A_866] : memref<32768x512xf32, #tpu.memory_space<any>> -> memref<1024x512xf32, #tpu.memory_space<any>>
        tpu.enqueue_dma source(%dma_start3A_867 : memref<1024x512xf32, #tpu.memory_space<any>>) target(%dma_start3A_865 : memref<1024x512xf32, #tpu.memory_space<vmem>>) target_semaphore(%dma_start3A_861 : memref<!tpu.dma_semaphore, #tpu.memory_space<semaphore_mem>>)
        %add3A_868 = arith.constant 8 : i32
        %add3A_869 = arith.addi %add3A_607, %add3A_868 : i32
        %mul3A_870 = arith.constant 1024 : i32
        %mul3A_871 = arith.muli %add3A_869, %mul3A_870 : i32
        %dma_start3A_872 = arith.constant 5 : i32
        %dma_start3A_873 = arith.constant 5 : i32
        %dma_start3A_874 = arith.constant 1 : i32
        %dma_start3A_875 = tpu.memref_slice %arg12[%dma_start3A_873, %dma_start3A_874] : memref<8x2x!tpu.dma_semaphore, #tpu.memory_space<semaphore_mem>> -> memref<1x1x!tpu.dma_semaphore, #tpu.memory_space<semaphore_mem>>
        %dma_start3A_876 = tpu.memref_squeeze %dma_start3A_875 : memref<1x1x!tpu.dma_semaphore, #tpu.memory_space<semaphore_mem>> -> memref<!tpu.dma_semaphore, #tpu.memory_space<semaphore_mem>>
        %dma_start3A_877 = arith.constant 0 : i32
        %dma_start3A_878 = arith.constant 0 : i32
        %dma_start3A_879 = tpu.memref_slice %arg10[%dma_start3A_872, %dma_start3A_877, %dma_start3A_878] : memref<8x1024x128xf32, #tpu.memory_space<vmem>> -> memref<1x1024x128xf32, #tpu.memory_space<vmem>>
        %dma_start3A_880 = tpu.memref_squeeze %dma_start3A_879 : memref<1x1024x128xf32, #tpu.memory_space<vmem>> -> memref<1024x128xf32, #tpu.memory_space<vmem>>
        %dma_start3A_881 = arith.constant 0 : i32
        %dma_start3A_882 = tpu.memref_slice %arg7[%mul3A_871, %dma_start3A_881] : memref<32768x128xf32, #tpu.memory_space<any>> -> memref<1024x128xf32, #tpu.memory_space<any>>
        tpu.enqueue_dma source(%dma_start3A_882 : memref<1024x128xf32, #tpu.memory_space<any>>) target(%dma_start3A_880 : memref<1024x128xf32, #tpu.memory_space<vmem>>) target_semaphore(%dma_start3A_876 : memref<!tpu.dma_semaphore, #tpu.memory_space<semaphore_mem>>)
      } else {
      }
      %mul3A_687 = arith.constant 8 : i32
      %mul3A_688 = arith.muli %scan3A_199, %mul3A_687 : i32
      %add3A_689 = arith.constant 6 : i32
      %add3A_690 = arith.addi %mul3A_688, %add3A_689 : i32
      %mul3A_691 = arith.constant 1024 : i32
      %mul3A_692 = arith.muli %add3A_690, %mul3A_691 : i32
      %dma_wait3A_693 = arith.constant 6 : i32
      %dma_wait3A_694 = arith.constant 6 : i32
      %dma_wait3A_695 = arith.constant 0 : i32
      %dma_wait3A_696 = tpu.memref_slice %arg12[%dma_wait3A_694, %dma_wait3A_695] : memref<8x2x!tpu.dma_semaphore, #tpu.memory_space<semaphore_mem>> -> memref<1x1x!tpu.dma_semaphore, #tpu.memory_space<semaphore_mem>>
      %dma_wait3A_697 = tpu.memref_squeeze %dma_wait3A_696 : memref<1x1x!tpu.dma_semaphore, #tpu.memory_space<semaphore_mem>> -> memref<!tpu.dma_semaphore, #tpu.memory_space<semaphore_mem>>
      %dma_wait3A_698 = arith.constant 0 : i32
      %dma_wait3A_699 = arith.constant 0 : i32
      %dma_wait3A_700 = tpu.memref_slice %arg9[%dma_wait3A_693, %dma_wait3A_698, %dma_wait3A_699] : memref<8x1024x512xf32, #tpu.memory_space<vmem>> -> memref<1x1024x512xf32, #tpu.memory_space<vmem>>
      %dma_wait3A_701 = tpu.memref_squeeze %dma_wait3A_700 : memref<1x1024x512xf32, #tpu.memory_space<vmem>> -> memref<1024x512xf32, #tpu.memory_space<vmem>>
      %dma_wait3A_702 = arith.constant 0 : i32
      %dma_wait3A_703 = tpu.memref_slice %arg6[%mul3A_692, %dma_wait3A_702] : memref<32768x512xf32, #tpu.memory_space<any>> -> memref<1024x512xf32, #tpu.memory_space<any>>
      tpu.wait_dma2 semaphore(%dma_wait3A_697 : memref<!tpu.dma_semaphore, #tpu.memory_space<semaphore_mem>>) src(%dma_wait3A_703 : memref<1024x512xf32, #tpu.memory_space<any>>) dst(%dma_wait3A_701 : memref<1024x512xf32, #tpu.memory_space<vmem>>)
      %mul3A_704 = arith.constant 1024 : i32
      %mul3A_705 = arith.muli %add3A_690, %mul3A_704 : i32
      %dma_wait3A_706 = arith.constant 6 : i32
      %dma_wait3A_707 = arith.constant 6 : i32
      %dma_wait3A_708 = arith.constant 1 : i32
      %dma_wait3A_709 = tpu.memref_slice %arg12[%dma_wait3A_707, %dma_wait3A_708] : memref<8x2x!tpu.dma_semaphore, #tpu.memory_space<semaphore_mem>> -> memref<1x1x!tpu.dma_semaphore, #tpu.memory_space<semaphore_mem>>
      %dma_wait3A_710 = tpu.memref_squeeze %dma_wait3A_709 : memref<1x1x!tpu.dma_semaphore, #tpu.memory_space<semaphore_mem>> -> memref<!tpu.dma_semaphore, #tpu.memory_space<semaphore_mem>>
      %dma_wait3A_711 = arith.constant 0 : i32
      %dma_wait3A_712 = arith.constant 0 : i32
      %dma_wait3A_713 = tpu.memref_slice %arg10[%dma_wait3A_706, %dma_wait3A_711, %dma_wait3A_712] : memref<8x1024x128xf32, #tpu.memory_space<vmem>> -> memref<1x1024x128xf32, #tpu.memory_space<vmem>>
      %dma_wait3A_714 = tpu.memref_squeeze %dma_wait3A_713 : memref<1x1024x128xf32, #tpu.memory_space<vmem>> -> memref<1024x128xf32, #tpu.memory_space<vmem>>
      %dma_wait3A_715 = arith.constant 0 : i32
      %dma_wait3A_716 = tpu.memref_slice %arg7[%mul3A_705, %dma_wait3A_715] : memref<32768x128xf32, #tpu.memory_space<any>> -> memref<1024x128xf32, #tpu.memory_space<any>>
      tpu.wait_dma2 semaphore(%dma_wait3A_710 : memref<!tpu.dma_semaphore, #tpu.memory_space<semaphore_mem>>) src(%dma_wait3A_716 : memref<1024x128xf32, #tpu.memory_space<any>>) dst(%dma_wait3A_714 : memref<1024x128xf32, #tpu.memory_space<vmem>>)
      %get3A_717 = arith.constant 6 : index
      %get3A_718 = arith.constant 0 : index
      %get3A_719 = arith.constant 0 : index
      %get3A_720 = vector.load %arg9[%get3A_717, %get3A_718, %get3A_719] : memref<8x1024x512xf32, #tpu.memory_space<vmem>>, vector<1x1024x512xf32>
      %get3A_721 = vector.shape_cast %get3A_720 : vector<1x1024x512xf32> to vector<1024x512xf32>
      %get3A_722 = arith.constant 0 : index
      %get3A_723 = arith.constant 0 : index
      %get3A_724 = vector.load %arg1[%get3A_722, %get3A_723] : memref<512x16xf32, #tpu.memory_space<vmem>>, vector<512x16xf32>
      %dot_general3A_725 = arith.constant dense<0.000000e+00> : vector<1024x16xf32>
      %dot_general3A_726 = tpu.matmul %get3A_721, %get3A_724, %dot_general3A_725 {dimension_numbers = #tpu.dot_dimension_numbers<[1], [0], [0], [1], [0, 0, 1, 1], [], []>, transpose_lhs_hint = false} : vector<1024x512xf32>, vector<512x16xf32>, vector<1024x16xf32> -> vector<1024x16xf32>
      %get3A_727 = arith.constant 6 : index
      %get3A_728 = arith.constant 0 : index
      %get3A_729 = arith.constant 0 : index
      %get3A_730 = vector.load %arg10[%get3A_727, %get3A_728, %get3A_729] : memref<8x1024x128xf32, #tpu.memory_space<vmem>>, vector<1x1024x128xf32>
      %get3A_731 = vector.shape_cast %get3A_730 : vector<1x1024x128xf32> to vector<1024x128xf32>
      %get3A_732 = arith.constant 0 : index
      %get3A_733 = arith.constant 0 : index
      %get3A_734 = vector.load %arg2[%get3A_732, %get3A_733] : memref<128x16xf32, #tpu.memory_space<vmem>>, vector<128x16xf32>
      %dot_general3A_735 = arith.constant dense<0.000000e+00> : vector<1024x16xf32>
      %dot_general3A_736 = tpu.matmul %get3A_731, %get3A_734, %dot_general3A_735 {dimension_numbers = #tpu.dot_dimension_numbers<[1], [0], [0], [1], [0, 0, 1, 1], [], []>, transpose_lhs_hint = false} : vector<1024x128xf32>, vector<128x16xf32>, vector<1024x16xf32> -> vector<1024x16xf32>
      %add3A_737 = arith.addf %dot_general3A_726, %dot_general3A_736 : vector<1024x16xf32>
      %get3A_738 = arith.constant 0 : index
      %get3A_739 = arith.constant 0 : index
      %get3A_740 = vector.load %arg3[%get3A_738, %get3A_739] : memref<1x16xf32, #tpu.memory_space<vmem>>, vector<1x16xf32>
      %add3A_741 = vector.broadcast %get3A_740 : vector<1x16xf32> to vector<1024x16xf32>
      %add3A_742 = arith.addf %add3A_737, %add3A_741 : vector<1024x16xf32>
      %max3A_743 = arith.constant 0.000000e+00 : f32
      %max3A_744 = vector.broadcast %max3A_743 : f32 to vector<1024x16xf32>
      %max3A_745 = arith.maximumf %add3A_742, %max3A_744 : vector<1024x16xf32>
      %get3A_746 = arith.constant 0 : index
      %get3A_747 = arith.constant 0 : index
      %get3A_748 = vector.load %arg4[%get3A_746, %get3A_747] : memref<1x16xf32, #tpu.memory_space<vmem>>, vector<1x16xf32>
      %mul3A_749 = vector.broadcast %get3A_748 : vector<1x16xf32> to vector<1024x16xf32>
      %mul3A_750 = arith.mulf %max3A_745, %mul3A_749 : vector<1024x16xf32>
      %reduce_sum3A_751 = arith.constant dense<0.000000e+00> : vector<1024xf32>
      %reduce_sum3A_752 = vector.multi_reduction <add>, %mul3A_750, %reduce_sum3A_751 [1] : vector<1024x16xf32> to vector<1024xf32>
      %broadcast_in_dim3A_753 = vector.shape_cast %reduce_sum3A_752 : vector<1024xf32> to vector<1024x1xf32>
      %get3A_754 = arith.constant 0 : index
      %get3A_755 = arith.constant 0 : index
      %get3A_756 = vector.load %arg5[%get3A_754, %get3A_755] : memref<1x1xf32, #tpu.memory_space<vmem>>, vector<1x1xf32>
      %add3A_757 = vector.broadcast %get3A_756 : vector<1x1xf32> to vector<1024x1xf32>
      %add3A_758 = arith.addf %broadcast_in_dim3A_753, %add3A_757 : vector<1024x1xf32>
      %reshape3A_759 = vector.shape_cast %add3A_758 : vector<1024x1xf32> to vector<8x128xf32>
      %mul3A_760 = arith.constant 8 : i32
      %mul3A_761 = arith.muli %add3A_690, %mul3A_760 : i32
      %swap3A_762 = arith.index_cast %mul3A_761 : i32 to index
      %swap3A_763 = arith.constant 0 : index
      %swap3A_764 = vector.load %arg11[%swap3A_762, %swap3A_763] : memref<256x128xf32, #tpu.memory_space<vmem>>, vector<8x128xf32>
      tpu.vector_store %arg11[%swap3A_762, %swap3A_763], %reshape3A_759 {strides = array<i32>} : memref<256x128xf32, #tpu.memory_space<vmem>>, vector<8x128xf32>,
      %lt3A_765 = arith.constant 3 : i32
      %lt3A_766 = arith.cmpi slt, %scan3A_199, %lt3A_765 : i32
      %convert_element_type3A_767 = arith.extui %lt3A_766 : i1 to i32
      %cond3A_768 = arith.constant 0 : i32
      %cond3A_769 = arith.cmpi ne, %convert_element_type3A_767, %cond3A_768 : i32
      scf.if %cond3A_769 {
        %add3A_853 = arith.constant 8 : i32
        %add3A_854 = arith.addi %add3A_690, %add3A_853 : i32
        %mul3A_855 = arith.constant 1024 : i32
        %mul3A_856 = arith.muli %add3A_854, %mul3A_855 : i32
        %dma_start3A_857 = arith.constant 6 : i32
        %dma_start3A_858 = arith.constant 6 : i32
        %dma_start3A_859 = arith.constant 0 : i32
        %dma_start3A_860 = tpu.memref_slice %arg12[%dma_start3A_858, %dma_start3A_859] : memref<8x2x!tpu.dma_semaphore, #tpu.memory_space<semaphore_mem>> -> memref<1x1x!tpu.dma_semaphore, #tpu.memory_space<semaphore_mem>>
        %dma_start3A_861 = tpu.memref_squeeze %dma_start3A_860 : memref<1x1x!tpu.dma_semaphore, #tpu.memory_space<semaphore_mem>> -> memref<!tpu.dma_semaphore, #tpu.memory_space<semaphore_mem>>
        %dma_start3A_862 = arith.constant 0 : i32
        %dma_start3A_863 = arith.constant 0 : i32
        %dma_start3A_864 = tpu.memref_slice %arg9[%dma_start3A_857, %dma_start3A_862, %dma_start3A_863] : memref<8x1024x512xf32, #tpu.memory_space<vmem>> -> memref<1x1024x512xf32, #tpu.memory_space<vmem>>
        %dma_start3A_865 = tpu.memref_squeeze %dma_start3A_864 : memref<1x1024x512xf32, #tpu.memory_space<vmem>> -> memref<1024x512xf32, #tpu.memory_space<vmem>>
        %dma_start3A_866 = arith.constant 0 : i32
        %dma_start3A_867 = tpu.memref_slice %arg6[%mul3A_856, %dma_start3A_866] : memref<32768x512xf32, #tpu.memory_space<any>> -> memref<1024x512xf32, #tpu.memory_space<any>>
        tpu.enqueue_dma source(%dma_start3A_867 : memref<1024x512xf32, #tpu.memory_space<any>>) target(%dma_start3A_865 : memref<1024x512xf32, #tpu.memory_space<vmem>>) target_semaphore(%dma_start3A_861 : memref<!tpu.dma_semaphore, #tpu.memory_space<semaphore_mem>>)
        %add3A_868 = arith.constant 8 : i32
        %add3A_869 = arith.addi %add3A_690, %add3A_868 : i32
        %mul3A_870 = arith.constant 1024 : i32
        %mul3A_871 = arith.muli %add3A_869, %mul3A_870 : i32
        %dma_start3A_872 = arith.constant 6 : i32
        %dma_start3A_873 = arith.constant 6 : i32
        %dma_start3A_874 = arith.constant 1 : i32
        %dma_start3A_875 = tpu.memref_slice %arg12[%dma_start3A_873, %dma_start3A_874] : memref<8x2x!tpu.dma_semaphore, #tpu.memory_space<semaphore_mem>> -> memref<1x1x!tpu.dma_semaphore, #tpu.memory_space<semaphore_mem>>
        %dma_start3A_876 = tpu.memref_squeeze %dma_start3A_875 : memref<1x1x!tpu.dma_semaphore, #tpu.memory_space<semaphore_mem>> -> memref<!tpu.dma_semaphore, #tpu.memory_space<semaphore_mem>>
        %dma_start3A_877 = arith.constant 0 : i32
        %dma_start3A_878 = arith.constant 0 : i32
        %dma_start3A_879 = tpu.memref_slice %arg10[%dma_start3A_872, %dma_start3A_877, %dma_start3A_878] : memref<8x1024x128xf32, #tpu.memory_space<vmem>> -> memref<1x1024x128xf32, #tpu.memory_space<vmem>>
        %dma_start3A_880 = tpu.memref_squeeze %dma_start3A_879 : memref<1x1024x128xf32, #tpu.memory_space<vmem>> -> memref<1024x128xf32, #tpu.memory_space<vmem>>
        %dma_start3A_881 = arith.constant 0 : i32
        %dma_start3A_882 = tpu.memref_slice %arg7[%mul3A_871, %dma_start3A_881] : memref<32768x128xf32, #tpu.memory_space<any>> -> memref<1024x128xf32, #tpu.memory_space<any>>
        tpu.enqueue_dma source(%dma_start3A_882 : memref<1024x128xf32, #tpu.memory_space<any>>) target(%dma_start3A_880 : memref<1024x128xf32, #tpu.memory_space<vmem>>) target_semaphore(%dma_start3A_876 : memref<!tpu.dma_semaphore, #tpu.memory_space<semaphore_mem>>)
      } else {
      }
      %mul3A_770 = arith.constant 8 : i32
      %mul3A_771 = arith.muli %scan3A_199, %mul3A_770 : i32
      %add3A_772 = arith.constant 7 : i32
      %add3A_773 = arith.addi %mul3A_771, %add3A_772 : i32
      %mul3A_774 = arith.constant 1024 : i32
      %mul3A_775 = arith.muli %add3A_773, %mul3A_774 : i32
      %dma_wait3A_776 = arith.constant 7 : i32
      %dma_wait3A_777 = arith.constant 7 : i32
      %dma_wait3A_778 = arith.constant 0 : i32
      %dma_wait3A_779 = tpu.memref_slice %arg12[%dma_wait3A_777, %dma_wait3A_778] : memref<8x2x!tpu.dma_semaphore, #tpu.memory_space<semaphore_mem>> -> memref<1x1x!tpu.dma_semaphore, #tpu.memory_space<semaphore_mem>>
      %dma_wait3A_780 = tpu.memref_squeeze %dma_wait3A_779 : memref<1x1x!tpu.dma_semaphore, #tpu.memory_space<semaphore_mem>> -> memref<!tpu.dma_semaphore, #tpu.memory_space<semaphore_mem>>
      %dma_wait3A_781 = arith.constant 0 : i32
      %dma_wait3A_782 = arith.constant 0 : i32
      %dma_wait3A_783 = tpu.memref_slice %arg9[%dma_wait3A_776, %dma_wait3A_781, %dma_wait3A_782] : memref<8x1024x512xf32, #tpu.memory_space<vmem>> -> memref<1x1024x512xf32, #tpu.memory_space<vmem>>
      %dma_wait3A_784 = tpu.memref_squeeze %dma_wait3A_783 : memref<1x1024x512xf32, #tpu.memory_space<vmem>> -> memref<1024x512xf32, #tpu.memory_space<vmem>>
      %dma_wait3A_785 = arith.constant 0 : i32
      %dma_wait3A_786 = tpu.memref_slice %arg6[%mul3A_775, %dma_wait3A_785] : memref<32768x512xf32, #tpu.memory_space<any>> -> memref<1024x512xf32, #tpu.memory_space<any>>
      tpu.wait_dma2 semaphore(%dma_wait3A_780 : memref<!tpu.dma_semaphore, #tpu.memory_space<semaphore_mem>>) src(%dma_wait3A_786 : memref<1024x512xf32, #tpu.memory_space<any>>) dst(%dma_wait3A_784 : memref<1024x512xf32, #tpu.memory_space<vmem>>)
      %mul3A_787 = arith.constant 1024 : i32
      %mul3A_788 = arith.muli %add3A_773, %mul3A_787 : i32
      %dma_wait3A_789 = arith.constant 7 : i32
      %dma_wait3A_790 = arith.constant 7 : i32
      %dma_wait3A_791 = arith.constant 1 : i32
      %dma_wait3A_792 = tpu.memref_slice %arg12[%dma_wait3A_790, %dma_wait3A_791] : memref<8x2x!tpu.dma_semaphore, #tpu.memory_space<semaphore_mem>> -> memref<1x1x!tpu.dma_semaphore, #tpu.memory_space<semaphore_mem>>
      %dma_wait3A_793 = tpu.memref_squeeze %dma_wait3A_792 : memref<1x1x!tpu.dma_semaphore, #tpu.memory_space<semaphore_mem>> -> memref<!tpu.dma_semaphore, #tpu.memory_space<semaphore_mem>>
      %dma_wait3A_794 = arith.constant 0 : i32
      %dma_wait3A_795 = arith.constant 0 : i32
      %dma_wait3A_796 = tpu.memref_slice %arg10[%dma_wait3A_789, %dma_wait3A_794, %dma_wait3A_795] : memref<8x1024x128xf32, #tpu.memory_space<vmem>> -> memref<1x1024x128xf32, #tpu.memory_space<vmem>>
      %dma_wait3A_797 = tpu.memref_squeeze %dma_wait3A_796 : memref<1x1024x128xf32, #tpu.memory_space<vmem>> -> memref<1024x128xf32, #tpu.memory_space<vmem>>
      %dma_wait3A_798 = arith.constant 0 : i32
      %dma_wait3A_799 = tpu.memref_slice %arg7[%mul3A_788, %dma_wait3A_798] : memref<32768x128xf32, #tpu.memory_space<any>> -> memref<1024x128xf32, #tpu.memory_space<any>>
      tpu.wait_dma2 semaphore(%dma_wait3A_793 : memref<!tpu.dma_semaphore, #tpu.memory_space<semaphore_mem>>) src(%dma_wait3A_799 : memref<1024x128xf32, #tpu.memory_space<any>>) dst(%dma_wait3A_797 : memref<1024x128xf32, #tpu.memory_space<vmem>>)
      %get3A_800 = arith.constant 7 : index
      %get3A_801 = arith.constant 0 : index
      %get3A_802 = arith.constant 0 : index
      %get3A_803 = vector.load %arg9[%get3A_800, %get3A_801, %get3A_802] : memref<8x1024x512xf32, #tpu.memory_space<vmem>>, vector<1x1024x512xf32>
      %get3A_804 = vector.shape_cast %get3A_803 : vector<1x1024x512xf32> to vector<1024x512xf32>
      %get3A_805 = arith.constant 0 : index
      %get3A_806 = arith.constant 0 : index
      %get3A_807 = vector.load %arg1[%get3A_805, %get3A_806] : memref<512x16xf32, #tpu.memory_space<vmem>>, vector<512x16xf32>
      %dot_general3A_808 = arith.constant dense<0.000000e+00> : vector<1024x16xf32>
      %dot_general3A_809 = tpu.matmul %get3A_804, %get3A_807, %dot_general3A_808 {dimension_numbers = #tpu.dot_dimension_numbers<[1], [0], [0], [1], [0, 0, 1, 1], [], []>, transpose_lhs_hint = false} : vector<1024x512xf32>, vector<512x16xf32>, vector<1024x16xf32> -> vector<1024x16xf32>
      %get3A_810 = arith.constant 7 : index
      %get3A_811 = arith.constant 0 : index
      %get3A_812 = arith.constant 0 : index
      %get3A_813 = vector.load %arg10[%get3A_810, %get3A_811, %get3A_812] : memref<8x1024x128xf32, #tpu.memory_space<vmem>>, vector<1x1024x128xf32>
      %get3A_814 = vector.shape_cast %get3A_813 : vector<1x1024x128xf32> to vector<1024x128xf32>
      %get3A_815 = arith.constant 0 : index
      %get3A_816 = arith.constant 0 : index
      %get3A_817 = vector.load %arg2[%get3A_815, %get3A_816] : memref<128x16xf32, #tpu.memory_space<vmem>>, vector<128x16xf32>
      %dot_general3A_818 = arith.constant dense<0.000000e+00> : vector<1024x16xf32>
      %dot_general3A_819 = tpu.matmul %get3A_814, %get3A_817, %dot_general3A_818 {dimension_numbers = #tpu.dot_dimension_numbers<[1], [0], [0], [1], [0, 0, 1, 1], [], []>, transpose_lhs_hint = false} : vector<1024x128xf32>, vector<128x16xf32>, vector<1024x16xf32> -> vector<1024x16xf32>
      %add3A_820 = arith.addf %dot_general3A_809, %dot_general3A_819 : vector<1024x16xf32>
      %get3A_821 = arith.constant 0 : index
      %get3A_822 = arith.constant 0 : index
      %get3A_823 = vector.load %arg3[%get3A_821, %get3A_822] : memref<1x16xf32, #tpu.memory_space<vmem>>, vector<1x16xf32>
      %add3A_824 = vector.broadcast %get3A_823 : vector<1x16xf32> to vector<1024x16xf32>
      %add3A_825 = arith.addf %add3A_820, %add3A_824 : vector<1024x16xf32>
      %max3A_826 = arith.constant 0.000000e+00 : f32
      %max3A_827 = vector.broadcast %max3A_826 : f32 to vector<1024x16xf32>
      %max3A_828 = arith.maximumf %add3A_825, %max3A_827 : vector<1024x16xf32>
      %get3A_829 = arith.constant 0 : index
      %get3A_830 = arith.constant 0 : index
      %get3A_831 = vector.load %arg4[%get3A_829, %get3A_830] : memref<1x16xf32, #tpu.memory_space<vmem>>, vector<1x16xf32>
      %mul3A_832 = vector.broadcast %get3A_831 : vector<1x16xf32> to vector<1024x16xf32>
      %mul3A_833 = arith.mulf %max3A_828, %mul3A_832 : vector<1024x16xf32>
      %reduce_sum3A_834 = arith.constant dense<0.000000e+00> : vector<1024xf32>
      %reduce_sum3A_835 = vector.multi_reduction <add>, %mul3A_833, %reduce_sum3A_834 [1] : vector<1024x16xf32> to vector<1024xf32>
      %broadcast_in_dim3A_836 = vector.shape_cast %reduce_sum3A_835 : vector<1024xf32> to vector<1024x1xf32>
      %get3A_837 = arith.constant 0 : index
      %get3A_838 = arith.constant 0 : index
      %get3A_839 = vector.load %arg5[%get3A_837, %get3A_838] : memref<1x1xf32, #tpu.memory_space<vmem>>, vector<1x1xf32>
      %add3A_840 = vector.broadcast %get3A_839 : vector<1x1xf32> to vector<1024x1xf32>
      %add3A_841 = arith.addf %broadcast_in_dim3A_836, %add3A_840 : vector<1024x1xf32>
      %reshape3A_842 = vector.shape_cast %add3A_841 : vector<1024x1xf32> to vector<8x128xf32>
      %mul3A_843 = arith.constant 8 : i32
      %mul3A_844 = arith.muli %add3A_773, %mul3A_843 : i32
      %swap3A_845 = arith.index_cast %mul3A_844 : i32 to index
      %swap3A_846 = arith.constant 0 : index
      %swap3A_847 = vector.load %arg11[%swap3A_845, %swap3A_846] : memref<256x128xf32, #tpu.memory_space<vmem>>, vector<8x128xf32>
      tpu.vector_store %arg11[%swap3A_845, %swap3A_846], %reshape3A_842 {strides = array<i32>} : memref<256x128xf32, #tpu.memory_space<vmem>>, vector<8x128xf32>,
      %lt3A_848 = arith.constant 3 : i32
      %lt3A_849 = arith.cmpi slt, %scan3A_199, %lt3A_848 : i32
      %convert_element_type3A_850 = arith.extui %lt3A_849 : i1 to i32
      %cond3A_851 = arith.constant 0 : i32
      %cond3A_852 = arith.cmpi ne, %convert_element_type3A_850, %cond3A_851 : i32
      scf.if %cond3A_852 {
        %add3A_853 = arith.constant 8 : i32
        %add3A_854 = arith.addi %add3A_773, %add3A_853 : i32
        %mul3A_855 = arith.constant 1024 : i32
        %mul3A_856 = arith.muli %add3A_854, %mul3A_855 : i32
        %dma_start3A_857 = arith.constant 7 : i32
        %dma_start3A_858 = arith.constant 7 : i32
        %dma_start3A_859 = arith.constant 0 : i32
        %dma_start3A_860 = tpu.memref_slice %arg12[%dma_start3A_858, %dma_start3A_859] : memref<8x2x!tpu.dma_semaphore, #tpu.memory_space<semaphore_mem>> -> memref<1x1x!tpu.dma_semaphore, #tpu.memory_space<semaphore_mem>>
        %dma_start3A_861 = tpu.memref_squeeze %dma_start3A_860 : memref<1x1x!tpu.dma_semaphore, #tpu.memory_space<semaphore_mem>> -> memref<!tpu.dma_semaphore, #tpu.memory_space<semaphore_mem>>
        %dma_start3A_862 = arith.constant 0 : i32
        %dma_start3A_863 = arith.constant 0 : i32
        %dma_start3A_864 = tpu.memref_slice %arg9[%dma_start3A_857, %dma_start3A_862, %dma_start3A_863] : memref<8x1024x512xf32, #tpu.memory_space<vmem>> -> memref<1x1024x512xf32, #tpu.memory_space<vmem>>
        %dma_start3A_865 = tpu.memref_squeeze %dma_start3A_864 : memref<1x1024x512xf32, #tpu.memory_space<vmem>> -> memref<1024x512xf32, #tpu.memory_space<vmem>>
        %dma_start3A_866 = arith.constant 0 : i32
        %dma_start3A_867 = tpu.memref_slice %arg6[%mul3A_856, %dma_start3A_866] : memref<32768x512xf32, #tpu.memory_space<any>> -> memref<1024x512xf32, #tpu.memory_space<any>>
        tpu.enqueue_dma source(%dma_start3A_867 : memref<1024x512xf32, #tpu.memory_space<any>>) target(%dma_start3A_865 : memref<1024x512xf32, #tpu.memory_space<vmem>>) target_semaphore(%dma_start3A_861 : memref<!tpu.dma_semaphore, #tpu.memory_space<semaphore_mem>>)
        %add3A_868 = arith.constant 8 : i32
        %add3A_869 = arith.addi %add3A_773, %add3A_868 : i32
        %mul3A_870 = arith.constant 1024 : i32
        %mul3A_871 = arith.muli %add3A_869, %mul3A_870 : i32
        %dma_start3A_872 = arith.constant 7 : i32
        %dma_start3A_873 = arith.constant 7 : i32
        %dma_start3A_874 = arith.constant 1 : i32
        %dma_start3A_875 = tpu.memref_slice %arg12[%dma_start3A_873, %dma_start3A_874] : memref<8x2x!tpu.dma_semaphore, #tpu.memory_space<semaphore_mem>> -> memref<1x1x!tpu.dma_semaphore, #tpu.memory_space<semaphore_mem>>
        %dma_start3A_876 = tpu.memref_squeeze %dma_start3A_875 : memref<1x1x!tpu.dma_semaphore, #tpu.memory_space<semaphore_mem>> -> memref<!tpu.dma_semaphore, #tpu.memory_space<semaphore_mem>>
        %dma_start3A_877 = arith.constant 0 : i32
        %dma_start3A_878 = arith.constant 0 : i32
        %dma_start3A_879 = tpu.memref_slice %arg10[%dma_start3A_872, %dma_start3A_877, %dma_start3A_878] : memref<8x1024x128xf32, #tpu.memory_space<vmem>> -> memref<1x1024x128xf32, #tpu.memory_space<vmem>>
        %dma_start3A_880 = tpu.memref_squeeze %dma_start3A_879 : memref<1x1024x128xf32, #tpu.memory_space<vmem>> -> memref<1024x128xf32, #tpu.memory_space<vmem>>
        %dma_start3A_881 = arith.constant 0 : i32
        %dma_start3A_882 = tpu.memref_slice %arg7[%mul3A_871, %dma_start3A_881] : memref<32768x128xf32, #tpu.memory_space<any>> -> memref<1024x128xf32, #tpu.memory_space<any>>
        tpu.enqueue_dma source(%dma_start3A_882 : memref<1024x128xf32, #tpu.memory_space<any>>) target(%dma_start3A_880 : memref<1024x128xf32, #tpu.memory_space<vmem>>) target_semaphore(%dma_start3A_876 : memref<!tpu.dma_semaphore, #tpu.memory_space<semaphore_mem>>)
      } else {
      }
    }
    %scan3A_194 = arith.constant 4 : i32
    %get3A = arith.constant 0 : index
    %get3A_195 = arith.constant 0 : index
    %get3A_196 = vector.load %arg11[%get3A, %get3A_195] : memref<256x128xf32, #tpu.memory_space<vmem>>, vector<256x128xf32>
    %swap3A = arith.constant 0 : index
    %swap3A_197 = arith.constant 0 : index
    %swap3A_198 = vector.load %arg8[%swap3A, %swap3A_197] : memref<256x128xf32, #tpu.memory_space<vmem>>, vector<256x128xf32>
    tpu.vector_store %arg8[%swap3A, %swap3A_197], %get3A_196 {strides = array<i32>} : memref<256x128xf32, #tpu.memory_space<vmem>>, vector<256x128xf32>,
    return
  }
  func.func @transform_0(%arg0: i32) -> (i32, i32) {
    %c0_i32 = arith.constant 0 : i32
    %c0_i32_0 = arith.constant 0 : i32
    %c0_i32_1 = arith.constant 0 : i32
    return %c0_i32, %c0_i32_0 : i32, i32
  }
  func.func @transform_1(%arg0: i32) -> (i32, i32) {
    %c0_i32 = arith.constant 0 : i32
    %c0_i32_0 = arith.constant 0 : i32
    %c0_i32_1 = arith.constant 0 : i32
    return %c0_i32, %c0_i32_0 : i32, i32
  }
  func.func @transform_2(%arg0: i32) -> (i32, i32) {
    %c0_i32 = arith.constant 0 : i32
    %c0_i32_0 = arith.constant 0 : i32
    %c0_i32_1 = arith.constant 0 : i32
    return %c0_i32, %c0_i32_0 : i32, i32
  }
  func.func @transform_3(%arg0: i32) -> (i32, i32) {
    %c0_i32 = arith.constant 0 : i32
    %c0_i32_0 = arith.constant 0 : i32
    %c0_i32_1 = arith.constant 0 : i32
    return %c0_i32, %c0_i32_0 : i32, i32
  }
  func.func @transform_4(%arg0: i32) -> (i32, i32) {
    %c0_i32 = arith.constant 0 : i32
    %c0_i32_0 = arith.constant 0 : i32
    %c0_i32_1 = arith.constant 0 : i32
    return %c0_i32, %c0_i32_0 : i32, i32
  }
  func.func @transform_7(%arg0: i32) -> (i32, i32) {
    %c0_i32 = arith.constant 0 : i32
    %c0_i32_0 = arith.constant 0 : i32
    %c0_i32_1 = arith.constant 0 : i32
    return %c0_i32, %c0_i32_0 : i32, i32
  }
}

</mosaic_0001>

<sc_bundles>
// kernel: kernel.4.cloned.1.call-start
scs
__scs_entry_jumppad:
0x0: {  	(pc) =	sbr.rel $0x88, $3  }
0x1: {  	(tag) =	ssettag $0x0;
	lr =	simm.s32 $0x1  }
0x2: {  	[smem:$0x3F9A] =	sst lr;
	_ =	strace $0xD0000000  }
0x3: {  	_ = 	snop  }
0x4: {  	_ = 	snop  }
0x5: {  	_ = 	snop  }
0x6: {  	_ = 	snop  }
0x7: {  	_ = 	snop  }
__scs_overlays_trampoline_lowered:
0x8: {  	[smem:$0x3FA9] =	sst s0  }
0x9: {  	[smem:$0x3FAA] =	sst s1  }
0xa: {  	[smem:$0x3FAB] =	sst s2  }
0xb: {  	[smem:$0x3FAC] =	sst s3  }
0xc: {  	[smem:$0x3FAD] =	sst s4  }
0xd: {  	[smem:$0x3FAE] =	sst s5  }
0xe: {  	[smem:$0x3FAF] =	sst s6  }
0xf: {  	[smem:$0x3FB0] =	sst s7  }
0x10: {  	[smem:$0x3FB1] =	sst s8  }
0x11: {  	[smem:$0x3FB2] =	sst s9;
	s0 =	simm.s32 @!p0 $0x0  }
0x12: {  	s1 =	sld [smem:$0x3F98];
	s0 =	simm.s32 @p0 $0x1  }
0x13: {  	[smem:$0x3FB3] =	sst s0;
	s0 =	simm.s32 @!p1 $0x0  }
0x14: {  	s2 =	sld [smem:$0x3F97];
	s0 =	simm.s32 @p1 $0x1  }
0x15: {  	[smem:$0x3FB4] =	sst s0;
	s0 =	simm.s32 @!p2 $0x0  }
0x16: {  	s3 =	sld [smem:$0x3FDB];
	s0 =	simm.s32 @p2 $0x1  }
0x17: {  	s4 =	simm.s32 $0x1BF5;
	[smem:$0x3FB6] =	sst s0  }
0x18: {  	s0 =	sld [smem:$0x3F99];
	_ =	swait.ge [sflag:s4], $0x0  }
0x19: {  	s7 =	sld [smem:$0x3F9A]  }
0x1a: {  	s8 =	sadd.s32 $0xFFFFE003, lr  }
0x1b: {  	s9 =	sadd.s32 $0xFFFFFEF7, lr;
	s5 =	simm.s32 $0xFFFFFFFF;
	p2 =	slt.u32 s8, $0xFFFFF086  }
0x1c: {  	p1 =	slt.u32 s9, $0xF7A;
	s5 =	simm.s32 @!p2 $0x0  }
0x1d: {  	s5 =	simm.s32 @p1 $0x1;
	p0 =	seq.s32 s7, s2  }
0x1e: {  	s7 =	smul.u32 @!p0 $0xF7A, s2;
	p2 =	seq.s32 @!p0 s5, $0x0  }
0x1f: {  	s9 =	smul.u32 $0xF7A, s1;
	s8 =	simm.s32 @!p0 $0x1BF5;
	p2 =	por !p2, p0  }
0x20: {  	[sflag:s8] =	ssyncset.s32 @!p0 $0xFFFFF086;
	s6 =	sadd.s32 @!p0 s3, s7;
	s7 =	simm.s32 @!p0 $0x108  }
0x21: {  	s3 =	sadd.s32 s3, s9;
	s6 =	sadd.s32 @!p0 $0x88, s6;
	s7 =	simm.s32 @p2 $0x1082  }
0x22: {  	[simem:s7], [sflag:s8] =	dma.local @!p0 [hbm:s6], $0xF7A  }
0x23: {  	s9 =	sor.u32 $0xD0000000, s2;
	s6 =	simm.s32 $0x108;
	_ =	swait.ge @!p0 [sflag:s8], $0x0  }
0x24: {  	s3 =	sadd.s32 $0x88, s3;
	s6 =	simm.s32 @!p1 $0x1082;
	[sflag:s4] =	ssyncset.s32 $0xFFFFF086  }
0x25: {  	[simem:s6], [sflag:s4] =	dma.local [hbm:s3], $0xF7A  }
0x26: {  	[smem:$0x3F9A] =	sst s1;
	(tag) =	ssettag s2;
	_ =	strace s9  }
0x27: {  	s1 =	sld [smem:$0x3FAA]  }
0x28: {  	s2 =	sld [smem:$0x3FAB]  }
0x29: {  	s4 =	sld [smem:$0x3FAD]  }
0x2a: {  	p0 =	seq.s32 s5, $0x0;
	s5 =	sld [smem:$0x3FAE]  }
0x2b: {  	s6 =	sld [smem:$0x3FAF]  }
0x2c: {  	s7 =	sld [smem:$0x3FB0]  }
0x2d: {  	s3 =	simm.s32 $0x108;
	s8 =	sld [smem:$0x3FB1]  }
0x2e: {  	s3 =	simm.s32 @!p0 $0x1082;
	s9 =	sld [smem:$0x3FB2]  }
0x2f: {  	lr =	sadd.s32 s0, s3;
	s0 =	sld [smem:$0x3FA9]  }
0x30: {  	s3 =	sld [smem:$0x3FAC]  }
0x31: {  	[smem:$0x3FB5] =	sst s10  }
0x32: {  	s10 =	sld [smem:$0x3FB3];
	_ =	sdelay $0x3  }
0x33: {  	p0 =	seq.s32 s10, $0x1;
	s10 =	sld [smem:$0x3FB5];
	_ =	sdelay $0x3  }
0x34: {  	[smem:$0x3FB5] =	sst s10  }
0x35: {  	s10 =	sld [smem:$0x3FB4];
	_ =	sdelay $0x3  }
0x36: {  	p1 =	seq.s32 s10, $0x1;
	s10 =	sld [smem:$0x3FB5];
	_ =	sdelay $0x3  }
0x37: {  	[smem:$0x3FB5] =	sst s10  }
0x38: {  	s10 =	sld [smem:$0x3FB6]  }
0x39: {  	_ = 	snop;
	(pc) =	sbr.ind lr, $3  }
0x3a: {  	_ = 	snop  }
0x3b: {  	_ = 	snop  }
0x3c: {  	p2 =	seq.s32 s10, $0x1;
	s10 =	sld [smem:$0x3FB5]  }
0x3d: {  	_ =	shalt  }
0x3e: {  	_ =	shalt  }
0x3f: {  	_ =	shalt  }
0x40: {  	_ =	shalt  }
0x41: {  	_ =	shalt  }
0x42: {  	_ =	shalt  }
0x43: {  	_ =	shalt  }
0x44: {  	_ =	shalt  }
0x45: {  	_ =	shalt  }
0x46: {  	_ =	shalt  }
0x47: {  	_ =	shalt  }
0x48: {  	_ =	shalt  }
0x49: {  	_ =	shalt  }
0x4a: {  	_ =	shalt  }
0x4b: {  	_ =	shalt  }
0x4c: {  	_ =	shalt  }
0x4d: {  	_ =	shalt  }
0x4e: {  	_ =	shalt  }
0x4f: {  	_ =	shalt  }
0x50: {  	_ =	shalt  }
0x51: {  	_ =	shalt  }
0x52: {  	_ =	shalt  }
0x53: {  	_ =	shalt  }
0x54: {  	_ =	shalt  }
0x55: {  	_ =	shalt  }
0x56: {  	_ =	shalt  }
0x57: {  	_ =	shalt  }
0x58: {  	_ =	shalt  }
0x59: {  	_ =	shalt  }
0x5a: {  	_ =	shalt  }
0x5b: {  	_ =	shalt  }
0x5c: {  	_ =	shalt  }
0x5d: {  	_ =	shalt  }
0x5e: {  	_ =	shalt  }
0x5f: {  	_ =	shalt  }
0x60: {  	_ =	shalt  }
0x61: {  	_ =	shalt  }
0x62: {  	_ =	shalt  }
0x63: {  	_ =	shalt  }
0x64: {  	_ =	shalt  }
0x65: {  	_ =	shalt  }
0x66: {  	_ =	shalt  }
0x67: {  	_ =	shalt  }
0x68: {  	_ =	shalt  }
0x69: {  	_ =	shalt  }
0x6a: {  	_ =	shalt  }
0x6b: {  	_ =	shalt  }
0x6c: {  	_ =	shalt  }
0x6d: {  	_ =	shalt  }
0x6e: {  	_ =	shalt  }
0x6f: {  	_ =	shalt  }
0x70: {  	_ =	shalt  }
0x71: {  	_ =	shalt  }
0x72: {  	_ =	shalt  }
0x73: {  	_ =	shalt  }
0x74: {  	_ =	shalt  }
0x75: {  	_ =	shalt  }
0x76: {  	_ =	shalt  }
0x77: {  	_ =	shalt  }
0x78: {  	_ =	shalt  }
0x79: {  	_ =	shalt  }
0x7a: {  	_ =	shalt  }
0x7b: {  	_ =	shalt  }
0x7c: {  	_ =	shalt  }
0x7d: {  	_ =	shalt  }
0x7e: {  	_ =	shalt  }
0x7f: {  	_ =	shalt  }
0x80: {  	_ =	shalt  }
0x81: {  	_ =	shalt  }
0x82: {  	_ =	shalt  }
0x83: {  	_ =	shalt  }
0x84: {  	_ =	shalt  }
0x85: {  	_ =	shalt  }
0x86: {  	_ =	shalt  }
0x87: {  	_ =	shalt  }
.Lfunc_end0:
.L_simem_size_0:
called_computation_lowered:
.L_overlay_start_0:
0x88: {  	s2 =	sld [smem:$0x3FD9]  }
0x89: {  	s3 =	sld [smem:$0x3FFE];
	_ =	sdelay $0x1  }
0x8a: {  	s1 =	srdreg.scid  }
0x8b: {  	s0 =	sand.u32 $0x1, s1  }
0x8c: {  	s16 =	sshll.u32 s0, $0xA;
	s2 =	sadd.s32 s3, s2  }
0x8d: {  	s2 =	sadd.s32 s2, s16  }
0x8e: {  	[smem:$0x3FC1] =	sst s2  }
0x8f: {  	_ = 	snop  }
0x90: {  	(tm) =	ssettm $0x1  }
0x91: {  	s17 =	sld [smem:$0x3FFB];
	_ =	sdelay $0x3  }
0x92: {  	_ =	strace s17  }
0x93: {  	s2 =	sld [smem:$0x3FFC];
	_ =	sdelay $0x3  }
0x94: {  	_ =	strace s2  }
0x95: {  	s2 =	sld [smem:$0x3FFD];
	_ =	sdelay $0x3  }
0x96: {  	_ =	strace s2  }
0x97: {  	_ =	strace $0x8FFFFFFF  }
0x98: {  	s18 =	sld [smem:$0x3FDB];
	_ =	sdelay $0x1  }
0x99: {  	s19 =	simm.s32 $_scs_section_size  }
0x9a: {  	s4 =	simm.s32 $_size__tile_overlayer_lowered;
	s5 =	simm.s32 $_tile_overlayer_lowered  }
0x9b: {  	s22 =	simm.s32 $0x1BFF;
	s21 =	sshll.u32 s5, $0x1;
	s2 =	sadd.s32 s19, s18  }
0x9c: {  	s6 =	simm.s32 $0x0;
	s20 =	sshll.u32 s4, $0x1;
	s4 =	sadd.s32 s21, s2  }
0x9d: {  	[timem:s6], [sflag:s22] =	dma.local [hbm:s4], s20  }
0x9e: {  	_ =	swait.ge [sflag:s22], s20  }
0x9f: {  	s3 =	ssub.s32 $0x0, s20;
	[sflag:s22] =	ssyncset.done $0x0  }
0xa0: {  	[sflag:s22] =	ssyncadd.s32 s3;
	_ =	sdelay $0x1  }
0xa1: {  	s23 =	simm.s32 $0x1B8B  }
0xa2: {  	_ =	swait.ge [sflag:s23], $0x1  }
0xa3: {  	[sflag:s23] =	ssyncset.done $0x0  }
0xa4: {  	s25 =	simm.s32 $0x1B8E;
	s24 =	sld [smem:$0x3FFE];
	[sflag:s23] =	ssyncadd.s32 $0xFFFFFFFF  }
0xa5: {  	s26 =	simm.s32 $execute0_lowered;
	[smem:$0x3FD2] =	sst s25  }
0xa6: {  	s4 =	sshll.u32 s26, $0x1;
	_ =	strace $0x80000046;
	[dreg:$0x1] =	wrdreg $0xFFFFFFFF  }
0xa7: {  	s28 =	simm.s32 $_size_execute0_lowered;
	s2 =	sadd.s32 s2, s4;
	[dreg:$0x0] =	wrdreg $0x0  }
0xa8: {  	s4 =	sshll.u32 s28, $0x1;
	[dreg:$0x2] =	wrdreg s2  }
0xa9: {  	[dreg:$0x3] =	wrdreg s4  }
0xaa: {  	[dreg:$0x4] =	wrdreg $0xC0  }
0xab: {  	_ =	task [dreg:s6], $0x5FFFF  }
0xac: {  	[dreg:$0x1] =	wrdreg $0xFFFFFFFF  }
0xad: {  	[dreg:$0x0] =	wrdreg $0x60  }
0xae: {  	[dreg:$0x2] =	wrdreg s24  }
0xaf: {  	[dreg:$0x3] =	wrdreg $0x9  }
0xb0: {  	_ =	task.clear_ibuf [dreg:s6], $0x4FFFF;
	_ =	strace $0x90000046  }
0xb1: {  	s29 =	simm.s32 $0x9;
	_ =	strace $0x80000048  }
0xb2: {  	_ =	swait.ge [sflag:s29], $0x1  }
0xb3: {  	[sflag:s29] =	ssyncadd.s32 $0xFFFFFFFF  }
0xb4: {  	_ =	strace $0x90000048  }
0xb5: {  	_ =	sfence  }
0xb6: {  	s30 =	sld [smem:$0x0];
	_ =	sdelay $0x2  }
0xb7: {  	s31 =	sshll.u32 s1, $0xD;
	s1 =	sshrl.u32 s1, $0x2  }
0xb8: {  	s3 =	sand.u32 $0x4000, s31;
	s1 =	sadd.s32 s1, s30  }
0xb9: {  	s0 =	sor.u32 s3, s0;
	s1 =	sshll.u32 s1, $0x11  }
0xba: {  	s0 =	sor.u32 s1, s0  }
0xbb: {  	s0 =	sadd.s32 $0x8F2B, s0  }
0xbc: {  	[sflag:s0] =	ssyncadd.remote.s32 $0x1  }
0xbd: {  	_ =	sfence.sel $0xFFFF  }
0xbe: {  	[dreg:$0x0] =	wrdreg $0xFFFFFFFF;
	(pc) =	sbr.abs _section_cstart, $3  }
0xbf: {  	[dreg:$0x1] =	wrdreg $0xFFFFFFFF  }
0xc0: {  	_ =	task.clear_ibuf [dreg:s6], $0x2FFFF;
	_ =	strace $0x9FFFFFFF  }
0xc1: {  	(tm) =	ssettm $0x7FFFFFFF  }
tec
execute0_lowered:
.L_overlay_start_1:
0x0: {  	(tag) =	ssettag $0x1  }
0x1: {  	s1 =	stileid.u32  }
0x2: {  	p0 =	sgt.u32 s1, $0x7  }
.Ltmp0:
0x3: {  	_ = 	snop;
	(pc) =	sbr.rel @p0 .LBB2_42-.Ltmp0, $4  }
0x4: {  	_ = 	snop  }
0x5: {  	s2 =	rddreg [dreg:$0x0];
	s3 =	simm.s32 $0x0  }
0x6: {  	[smem:$0x7FF] =	sst s3  }
0x7: {  	s0 =	rddreg [dreg:$0x1];
	_ =	strace $0x80000047  }
0x8: {  	s4 =	srdreg.scid  }
0x9: {  	s4 =	sand.u32 $0x1, s4  }
0xa: {  	s5 =	sshll.u32 s4, $0x3  }
0xb: {  	s12 =	sadd.s32 s1, s5  }
0xc: {  	p2 =	sgt.s32 s12, $0x1  }
0xd: {  	s11 =	simm.s32 @!p2 $0x0  }
0xe: {  	s11 =	simm.s32 @p2 $0x1;
	p2 =	seq.s32 s12, $0x0  }
0xf: {  	[smem:$0x7EC] =	sst s11;
	s11 =	simm.s32 @!p2 $0x0  }
0x10: {  	s11 =	simm.s32 @p2 $0x1;
	p2 =	seq.s32 s12, $0x1  }
0x11: {  	[smem:$0x7ED] =	sst s11;
	s11 =	simm.s32 @!p2 $0x0  }
0x12: {  	s11 =	simm.s32 @p2 $0x1;
	p2 =	seq.s32 s12, $0x2  }
0x13: {  	[smem:$0x7EE] =	sst s11;
	s11 =	simm.s32 @!p2 $0x0  }
0x14: {  	s11 =	simm.s32 @p2 $0x1;
	p2 =	seq.s32 s12, $0x3  }
0x15: {  	[smem:$0x7EF] =	sst s11;
	s11 =	simm.s32 @!p2 $0x0  }
0x16: {  	s11 =	simm.s32 @p2 $0x1;
	p2 =	sgt.s32 s12, $0x5  }
0x17: {  	s13 =	simm.s32 @!p2 $0x0  }
0x18: {  	s13 =	simm.s32 @p2 $0x1;
	p2 =	seq.s32 s12, $0x4  }
0x19: {  	[smem:$0x7F1] =	sst s13;
	s13 =	simm.s32 @!p2 $0x0  }
0x1a: {  	s13 =	simm.s32 @p2 $0x1;
	p2 =	seq.s32 s12, $0x5  }
0x1b: {  	[smem:$0x7F2] =	sst s13;
	s13 =	simm.s32 @!p2 $0x0  }
0x1c: {  	s13 =	simm.s32 @p2 $0x1;
	p2 =	seq.s32 s12, $0x6  }
0x1d: {  	[smem:$0x7F3] =	sst s13;
	s13 =	simm.s32 @!p2 $0x0  }
0x1e: {  	s13 =	simm.s32 @p2 $0x1;
	p2 =	seq.s32 s12, $0x7  }
0x1f: {  	s9 =	simm.s32 $0x1;
	[smem:$0x7F4] =	sst s13;
	s13 =	simm.s32 @!p2 $0x0  }
0x20: {  	s10 =	simm.s32 $0x900;
	s13 =	simm.s32 @p2 $0x1;
	p2 =	seq.s32 s12, $0x8  }
0x21: {  	s6 =	ssub.s32 $0x2, s4;
	[smem:$0x7F5] =	sst s13;
	s13 =	simm.s32 @!p2 $0x0  }
0x22: {  	s4 =	sadd.s32 $0x400, s2;
	s13 =	simm.s32 @p2 $0x1;
	p2 =	seq.s32 s12, $0x9  }
0x23: {  	s7 =	sshrl.u32 s6, $0x1;
	[smem:$0x7F6] =	sst s13;
	s13 =	simm.s32 @!p2 $0x0  }
0x24: {  	s5 =	sand.u32 $0x8, s12;
	s13 =	simm.s32 @p2 $0x1;
	p2 =	seq.s32 s12, $0xA  }
0x25: {  	v0 =	vimm.s32 $0xEFCDAB89;
	s7 =	ssub.s32 s6, s7;
	[smem:$0x7F7] =	sst s13;
	s13 =	simm.s32 @!p2 $0x0  }
0x26: {  	v1 =	vimm.s32 $0x67452301;
	v2 =	vimm.s32 $0xDCFE98BA;
	p0 =	sgt.s32 s12, $0x7;
	s13 =	simm.s32 @p2 $0x1;
	p2 =	seq.s32 s12, $0xB  }
0x27: {  	v3 =	vimm.s32 $0x54761032;
	v4 =	vimm.s32 $0xBA98FEDC;
	p1 =	sgt.s32 s12, $0x3;
	[smem:$0x7F8] =	sst s13;
	s13 =	simm.s32 @!p2 $0x0  }
0x28: {  	v5 =	vimm.s32 $0x32107654;
	v6 =	vimm.s32 $0xFEDCBA98;
	p5 =	sgt.s32 s12, $0xB;
	s13 =	simm.s32 @p2 $0x1;
	p2 =	seq.s32 s12, $0xC  }
0x29: {  	v7 =	vimm.s32 $0x76543210;
	v0 =	vunpack.c.l.s4.s8 v0;
	v1 =	vunpack.c.l.s4.s8 v1;
	p6 =	sgt.s32 s12, $0x9;
	[smem:$0x7F9] =	sst s13;
	s13 =	simm.s32 @!p2 $0x0  }
0x2a: {  	v2 =	vunpack.c.l.s4.s8 v2;
	v3 =	vunpack.c.l.s4.s8 v3;
	v4 =	vunpack.c.l.s4.s8 v4;
	p3 =	sgt.s32 s12, $0xD;
	s13 =	simm.s32 @p2 $0x1;
	p2 =	seq.s32 s12, $0xD  }
0x2b: {  	v5 =	vunpack.c.l.s4.s8 v5;
	v6 =	vunpack.c.l.s4.s8 v6;
	v7 =	vunpack.c.l.s4.s8 v7;
	s5 =	sadd.s32 s1, s5;
	[smem:$0x7FA] =	sst s13;
	s13 =	simm.s32 @!p2 $0x0  }
0x2c: {  	v0 =	vunpack.c.0.s8.s32 v0;
	v1 =	vunpack.c.0.s8.s32 v1;
	v2 =	vunpack.c.0.s8.s32 v2;
	s7 =	smax.u32 s7, $0x1;
	s13 =	simm.s32 @p2 $0x1;
	p2 =	seq.s32 s12, $0xE  }
0x2d: {  	v3 =	vunpack.c.0.s8.s32 v3;
	v4 =	vunpack.c.0.s8.s32 v4;
	v5 =	vunpack.c.0.s8.s32 v5;
	s5 =	sshll.u32 s5, $0x4;
	[smem:$0x7FB] =	sst s13;
	s13 =	simm.s32 @!p2 $0x0  }
0x2e: {  	v6 =	vunpack.c.0.s8.s32 v6;
	v1 =	vcombine.low v1, v0;
	s8 =	sadd.s32 s5, s2;
	s13 =	simm.s32 @p2 $0x1;
	p2 =	seq.s32 s12, $0xF  }
0x2f: {  	v2 =	vcombine.low v3, v2;
	v3 =	vcombine.low v5, v4;
	v4 =	vunpack.c.0.s8.s32 v7;
	s5 =	sadd.s32 $0x200, s2;
	[smem:$0x7F0] =	sst s11;
	s12 =	simm.s32 @!p2 $0x0  }
0x30: {  	v0 =	vlaneseq.u32;
	v5 =	vand.u32 $0xF, v6;
	v1 =	vand.u32 $0xF, v1;
	s6 =	sadd.s32 $0x1400, s8;
	[smem:$0x7FC] =	sst s13;
	s12 =	simm.s32 @p2 $0x1  }
0x31: {  	v2 =	vand.u32 $0xF, v2;
	v3 =	vand.u32 $0xF, v3;
	v4 =	vcombine.low v5, v4;
	s8 =	simm.s32 $0x880;
	s11 =	simm.s32 $0x980;
	[smem:$0x7FD] =	sst s12  }
.LBB2_2:
0x32: {  	s12 =	simm.s32 $0x0  }
0x33: {  	[tilespmem:s8], [sflag:$0x1] =	stream.linear.gather [hbm4b:s5+s12], $0x80, $0x38;
	[tilespmem:$0xB00] =	vst v63  }
0x34: {  	_ =	swait.ge [sflag:s9], $0x80  }
0x35: {  	[sflag:s9] =	ssyncset.done $0x0  }
0x36: {  	[sflag:s9] =	ssyncadd.s32 $0xFFFFFF80  }
0x37: {  	[tilespmem:s10], [sflag:$0x1] =	stream.linear.gather [hbm4b:s2+s12], $0x80, $0x38;
	[tilespmem:$0xB00] =	vst v63  }
.Ltmp1:
0x38: {  	_ =	swait.ge [sflag:s9], $0x80;
	(pc) =	sbr.rel @p0 .LBB2_18-.Ltmp1, $4  }
0x39: {  	[sflag:s9] =	ssyncset.done $0x0  }
0x3a: {  	[sflag:s9] =	ssyncadd.s32 $0xFFFFFF80  }
0x3b: {  	v5 =	vld [tilespmem:$0x880]  }
0x3c: {  	v6 =	vld [tilespmem:$0x900]  }
.Ltmp2:
0x3d: {  	(pc) =	sbr.rel @p1 .LBB2_11-.Ltmp2, $1  }
0x3e: {  	_ =	sdelay $0x3  }
0x3f: {  	s13 =	sld [smem:$0x7EC];
	_ =	sdelay $0x2  }
0x40: {  	p2 =	seq.s32 s13, $0x1  }
.Ltmp3:
0x41: {  	_ = 	snop;
	(pc) =	sbr.rel @p2 .LBB2_8-.Ltmp3, $1  }
0x42: {  	_ =	sdelay $0x3  }
0x43: {  	s13 =	sld [smem:$0x7ED];
	_ =	sdelay $0x2  }
0x44: {  	p2 =	seq.s32 s13, $0x1  }
.Ltmp4:
0x45: {  	_ = 	snop;
	(pc) =	sbr.rel @p2 .LBB2_40-.Ltmp4, $1  }
0x46: {  	_ =	sdelay $0x3  }
0x47: {  	s12 =	sld [smem:$0x7EE];
	_ =	sdelay $0x2  }
0x48: {  	p2 =	seq.s32 s12, $0x1  }
.Ltmp5:
0x49: {  	_ = 	snop;
	(pc) =	sbr.rel @!p2 .LBB2_41-.Ltmp5, $1  }
0x4a: {  	_ =	sdelay $0x3  }
.Ltmp6:
0x4b: {  	(pc) =	sbr.rel .LBB2_40-.Ltmp6, $2  }
0x4c: {  	_ =	sdelay $0x2  }
0x4d: {  	s12 =	simm.s32 $0x1  }
.LBB2_18:
.Ltmp7:
0x4e: {  	(pc) =	sbr.rel @p5 .LBB2_26-.Ltmp7, $1  }
0x4f: {  	_ =	sdelay $0x3  }
.Ltmp8:
0x50: {  	(pc) =	sbr.rel @p6 .LBB2_23-.Ltmp8, $1  }
0x51: {  	_ =	sdelay $0x3  }
0x52: {  	s12 =	sld [smem:$0x7F6];
	_ =	sdelay $0x2  }
0x53: {  	p2 =	seq.s32 s12, $0x1  }
.Ltmp9:
0x54: {  	_ = 	snop;
	(pc) =	sbr.rel @p2 .LBB2_36-.Ltmp9, $1  }
0x55: {  	_ =	sdelay $0x3  }
0x56: {  	s12 =	sld [smem:$0x7F7];
	_ =	sdelay $0x2  }
0x57: {  	p2 =	seq.s32 s12, $0x1  }
.Ltmp10:
0x58: {  	_ = 	snop;
	(pc) =	sbr.rel @!p2 .LBB2_41-.Ltmp10, $1  }
0x59: {  	_ =	sdelay $0x3  }
.Ltmp11:
0x5a: {  	(pc) =	sbr.rel .LBB2_40-.Ltmp11, $2  }
0x5b: {  	_ =	sdelay $0x2  }
0x5c: {  	s12 =	simm.s32 $0x9  }
.LBB2_11:
0x5d: {  	s12 =	sld [smem:$0x7F1];
	_ =	sdelay $0x2  }
0x5e: {  	p2 =	seq.s32 s12, $0x1  }
.Ltmp12:
0x5f: {  	_ = 	snop;
	(pc) =	sbr.rel @p2 .LBB2_15-.Ltmp12, $1  }
0x60: {  	_ =	sdelay $0x3  }
0x61: {  	s12 =	sld [smem:$0x7F2];
	_ =	sdelay $0x2  }
0x62: {  	p2 =	seq.s32 s12, $0x1  }
.Ltmp13:
0x63: {  	_ = 	snop;
	(pc) =	sbr.rel @p2 .LBB2_34-.Ltmp13, $1  }
0x64: {  	_ =	sdelay $0x3  }
0x65: {  	s12 =	sld [smem:$0x7F3];
	_ =	sdelay $0x2  }
0x66: {  	p2 =	seq.s32 s12, $0x1  }
.Ltmp14:
0x67: {  	_ = 	snop;
	(pc) =	sbr.rel @!p2 .LBB2_41-.Ltmp14, $1  }
0x68: {  	_ =	sdelay $0x3  }
.Ltmp15:
0x69: {  	(pc) =	sbr.rel .LBB2_40-.Ltmp15, $2  }
0x6a: {  	_ =	sdelay $0x2  }
0x6b: {  	s12 =	simm.s32 $0x5  }
.LBB2_26:
.Ltmp16:
0x6c: {  	(pc) =	sbr.rel @p3 .LBB2_30-.Ltmp16, $1  }
0x6d: {  	_ =	sdelay $0x3  }
0x6e: {  	s12 =	sld [smem:$0x7FA];
	_ =	sdelay $0x2  }
0x6f: {  	p2 =	seq.s32 s12, $0x1  }
.Ltmp17:
0x70: {  	_ = 	snop;
	(pc) =	sbr.rel @p2 .LBB2_38-.Ltmp17, $1  }
0x71: {  	_ =	sdelay $0x3  }
0x72: {  	s12 =	sld [smem:$0x7FB];
	_ =	sdelay $0x2  }
0x73: {  	p2 =	seq.s32 s12, $0x1  }
.Ltmp18:
0x74: {  	_ = 	snop;
	(pc) =	sbr.rel @!p2 .LBB2_41-.Ltmp18, $1  }
0x75: {  	_ =	sdelay $0x3  }
.Ltmp19:
0x76: {  	(pc) =	sbr.rel .LBB2_40-.Ltmp19, $2  }
0x77: {  	_ =	sdelay $0x2  }
0x78: {  	s12 =	simm.s32 $0xD  }
.LBB2_8:
0x79: {  	s12 =	sld [smem:$0x7EF];
	_ =	sdelay $0x2  }
0x7a: {  	p2 =	seq.s32 s12, $0x1  }
.Ltmp20:
0x7b: {  	_ = 	snop;
	(pc) =	sbr.rel @p2 .LBB2_33-.Ltmp20, $1  }
0x7c: {  	_ =	sdelay $0x3  }
0x7d: {  	s12 =	sld [smem:$0x7F0];
	_ =	sdelay $0x2  }
0x7e: {  	p2 =	seq.s32 s12, $0x1  }
.Ltmp21:
0x7f: {  	_ = 	snop;
	(pc) =	sbr.rel @!p2 .LBB2_41-.Ltmp21, $1  }
0x80: {  	_ =	sdelay $0x3  }
.Ltmp22:
0x81: {  	(pc) =	sbr.rel .LBB2_40-.Ltmp22, $2  }
0x82: {  	_ =	sdelay $0x2  }
0x83: {  	s12 =	simm.s32 $0x3  }
.LBB2_23:
0x84: {  	s12 =	sld [smem:$0x7F8];
	_ =	sdelay $0x2  }
0x85: {  	p2 =	seq.s32 s12, $0x1  }
.Ltmp23:
0x86: {  	_ = 	snop;
	(pc) =	sbr.rel @p2 .LBB2_37-.Ltmp23, $1  }
0x87: {  	_ =	sdelay $0x3  }
0x88: {  	s12 =	sld [smem:$0x7F9];
	_ =	sdelay $0x2  }
0x89: {  	p2 =	seq.s32 s12, $0x1  }
.Ltmp24:
0x8a: {  	_ = 	snop;
	(pc) =	sbr.rel @!p2 .LBB2_41-.Ltmp24, $1  }
0x8b: {  	_ =	sdelay $0x3  }
.Ltmp25:
0x8c: {  	(pc) =	sbr.rel .LBB2_40-.Ltmp25, $2  }
0x8d: {  	_ =	sdelay $0x2  }
0x8e: {  	s12 =	simm.s32 $0xB  }
.LBB2_15:
0x8f: {  	s12 =	sld [smem:$0x7F4];
	_ =	sdelay $0x2  }
0x90: {  	p2 =	seq.s32 s12, $0x1  }
.Ltmp26:
0x91: {  	_ = 	snop;
	(pc) =	sbr.rel @p2 .LBB2_35-.Ltmp26, $1  }
0x92: {  	_ =	sdelay $0x3  }
0x93: {  	s12 =	sld [smem:$0x7F5];
	_ =	sdelay $0x2  }
0x94: {  	p2 =	seq.s32 s12, $0x1  }
.Ltmp27:
0x95: {  	_ = 	snop;
	(pc) =	sbr.rel @!p2 .LBB2_41-.Ltmp27, $1  }
0x96: {  	_ =	sdelay $0x3  }
.Ltmp28:
0x97: {  	(pc) =	sbr.rel .LBB2_40-.Ltmp28, $2  }
0x98: {  	_ =	sdelay $0x2  }
0x99: {  	s12 =	simm.s32 $0x7  }
.LBB2_30:
0x9a: {  	s12 =	sld [smem:$0x7FC];
	_ =	sdelay $0x2  }
0x9b: {  	p2 =	seq.s32 s12, $0x1  }
.Ltmp29:
0x9c: {  	_ = 	snop;
	(pc) =	sbr.rel @p2 .LBB2_39-.Ltmp29, $1  }
0x9d: {  	_ =	sdelay $0x3  }
0x9e: {  	s12 =	sld [smem:$0x7FD];
	_ =	sdelay $0x2  }
0x9f: {  	p2 =	seq.s32 s12, $0x1  }
.Ltmp30:
0xa0: {  	_ = 	snop;
	(pc) =	sbr.rel @!p2 .LBB2_41-.Ltmp30, $1  }
0xa1: {  	_ =	sdelay $0x3  }
.Ltmp31:
0xa2: {  	(pc) =	sbr.rel .LBB2_40-.Ltmp31, $2  }
0xa3: {  	_ =	sdelay $0x2  }
0xa4: {  	s12 =	simm.s32 $0xF  }
.LBB2_36:
.Ltmp32:
0xa5: {  	(pc) =	sbr.rel .LBB2_40-.Ltmp32, $2  }
0xa6: {  	_ =	sdelay $0x2  }
0xa7: {  	s12 =	simm.s32 $0x8  }
.LBB2_34:
.Ltmp33:
0xa8: {  	(pc) =	sbr.rel .LBB2_40-.Ltmp33, $2  }
0xa9: {  	_ =	sdelay $0x2  }
0xaa: {  	s12 =	simm.s32 $0x4  }
.LBB2_38:
.Ltmp34:
0xab: {  	(pc) =	sbr.rel .LBB2_40-.Ltmp34, $2  }
0xac: {  	_ =	sdelay $0x2  }
0xad: {  	s12 =	simm.s32 $0xC  }
.LBB2_33:
.Ltmp35:
0xae: {  	(pc) =	sbr.rel .LBB2_40-.Ltmp35, $2  }
0xaf: {  	_ =	sdelay $0x2  }
0xb0: {  	s12 =	simm.s32 $0x2  }
.LBB2_37:
.Ltmp36:
0xb1: {  	(pc) =	sbr.rel .LBB2_40-.Ltmp36, $2  }
0xb2: {  	_ =	sdelay $0x2  }
0xb3: {  	s12 =	simm.s32 $0xA  }
.LBB2_35:
.Ltmp37:
0xb4: {  	(pc) =	sbr.rel .LBB2_40-.Ltmp37, $2  }
0xb5: {  	_ =	sdelay $0x2  }
0xb6: {  	s12 =	simm.s32 $0x6  }
.LBB2_39:
0xb7: {  	s12 =	simm.s32 $0xE  }
.LBB2_40:
0xb8: {  	(v2sf) =	vpush v5, s12  }
0xb9: {  	(v2sf) =	vpush v6, s12;
	_ =	sdelay $0xd  }
0xba: {  	s30 =	spop (v2sf)  }
0xbb: {  	[smem:$0x0] =	sst s30;
	s31 =	spop (v2sf)  }
0xbc: {  	[smem:$0x1] =	sst s31  }
.LBB2_41:
0xbd: {  	s12 =	sld [smem:$0x0];
	_ =	sdelay $0x2  }
0xbe: {  	s13 =	sand.u32 $0x7, s12  }
0xbf: {  	s14 =	sshra.s32 s12, $0x1F;
	p2 =	slt.s32 s12, $0x1;
	p4 =	sne.s32 s13, $0x0  }
0xc0: {  	s23 =	sshrl.u32 s14, $0x1D;
	p2 =	por !p2, !p4  }
0xc1: {  	s14 =	simm.s32 $0x1;
	s13 =	sadd.s32 s23, s12;
	p2 =	por !p2, !p2  }
0xc2: {  	s13 =	sshrl.u32 s13, $0x3;
	s14 =	simm.s32 @!p2 $0x0  }
0xc3: {  	s13 =	ssub.s32 s13, s14  }
0xc4: {  	s14 =	sshll.u32 s13, $0x3  }
0xc5: {  	s13 =	sld [smem:$0x1];
	p2 =	slt.s32 s14, $0x77F0  }
0xc6: {  	s14 =	simm.s32 @!p2 $0x77F0  }
0xc7: {  	s15 =	sshrl.u32 s14, $0x3;
	v7 =	vadd.s32 s14, v0  }
0xc8: {  	s24 =	sadd.s32 $0x10, s14;
	s25 =	sadd.s32 $0x20, s14;
	s26 =	sadd.s32 $0x30, s14;
	vm0 =	vge.s32 v7, s12;
	vm1 =	vlt.s32 v7, s13  }
0xc9: {  	s28 =	sadd.s32 $0x40, s14;
	s29 =	sadd.s32 $0x50, s14;
	s30 =	sadd.s32 $0x60, s14;
	v7 =	vadd.s32 s24, v0;
	v10 =	vadd.s32 s25, v0;
	v27 =	vadd.s32 s26, v0  }
0xca: {  	s31 =	sadd.s32 $0x70, s14;
	s16 =	sadd.s32 $0x80, s14;
	s17 =	sadd.s32 $0x90, s14;
	v28 =	vadd.s32 s28, v0;
	v32 =	vadd.s32 s29, v0;
	v35 =	vadd.s32 s30, v0  }
0xcb: {  	s18 =	sadd.s32 $0xA0, s14;
	s19 =	sadd.s32 $0xB0, s14;
	s20 =	sadd.s32 $0xC0, s14;
	v38 =	vadd.s32 s31, v0;
	v40 =	vadd.s32 s16, v0;
	v43 =	vadd.s32 s17, v0  }
0xcc: {  	s21 =	sadd.s32 $0xD0, s14;
	s22 =	sadd.s32 $0xE0, s14;
	s23 =	sadd.s32 $0xF0, s14;
	v46 =	vadd.s32 s18, v0;
	v49 =	vadd.s32 s19, v0;
	v51 =	vadd.s32 s20, v0  }
0xcd: {  	s15 =	sadd.s32 s4, s15;
	v54 =	vadd.s32 s21, v0;
	v57 =	vadd.s32 s22, v0;
	v60 =	vadd.s32 s23, v0  }
0xce: {  	[tilespmem:s3], [sflag:$0x1] =	stream.linear.gather [hbm4b:s15+s3], $0x810, $0x38;
	vm2 =	vge.s32 v7, s12;
	vm3 =	vlt.s32 v7, s13;
	vm0 =	vmand vm0, vm1;
	[tilespmem:$0xB00] =	vst v63  }
0xcf: {  	vm8 =	vge.s32 v10, s12;
	vm9 =	vlt.s32 v10, s13;
	vm10 =	vge.s32 v27, s12;
	_ =	swait.ge [sflag:s9], $0x810  }
0xd0: {  	vm11 =	vlt.s32 v27, s13;
	vm12 =	vge.s32 v28, s12;
	vm13 =	vlt.s32 v28, s13;
	[sflag:s9] =	ssyncset.done $0x0  }
0xd1: {  	s24 =	sadd.s32 $0x100, s14;
	s25 =	sadd.s32 $0x110, s14;
	vm15 =	vge.s32 v32, s12;
	vm4 =	vlt.s32 v32, s13;
	vm5 =	vge.s32 v35, s12;
	[sflag:s9] =	ssyncadd.s32 $0xFFFFF7F0  }
0xd2: {  	s26 =	sadd.s32 $0x120, s14;
	s28 =	sadd.s32 $0x130, s14;
	s29 =	sadd.s32 $0x140, s14;
	vm6 =	vlt.s32 v35, s13;
	v62 =	vadd.s32 s24, v0;
	v13 =	vadd.s32 s25, v0;
	v5 =	vld [tilespmem:$0x0]  }
0xd3: {  	s30 =	sadd.s32 $0x150, s14;
	s31 =	sadd.s32 $0x160, s14;
	s17 =	sadd.s32 $0x180, s14;
	v16 =	vadd.s32 s26, v0;
	v19 =	vadd.s32 s28, v0;
	v21 =	vadd.s32 s29, v0;
	v6 =	vld [tilespmem:$0x10]  }
0xd4: {  	s18 =	sadd.s32 $0x190, s14;
	v24 =	vadd.s32 s30, v0;
	v27 =	vadd.s32 s31, v0;
	v32 =	vadd.s32 s17, v0;
	v11 =	vld [tilespmem:$0x40]  }
0xd5: {  	v35 =	vadd.s32 s18, v0;
	vm7 =	vmand vm2, vm3;
	vm1 =	vmand vm8, vm9  }
0xd6: {  	s21 =	sadd.s32 $0x1C0, s14;
	vm14 =	vmand vm12, vm13;
	vm8 =	vlt.s32 v38, s13;
	vm9 =	vge.s32 v40, s12;
	v7 =	vld [tilespmem:$0x20]  }
0xd7: {  	vm12 =	vge.s32 v43, s12;
	vm13 =	vlt.s32 v43, s13;
	v43 =	vadd.s32 s21, v0;
	v26 =	vld [tilespmem:$0x30]  }
0xd8: {  	v8 =	vadd.f32 $0.0e+00, v5;
	v9 =	vnsel vm7, $0x0, v6;
	v6 =	vnsel vm7, $0xFF800000, v6  }
0xd9: {  	s19 =	sadd.s32 $0x1A0, s14;
	v31 =	vnsel vm14, $0x0, v11;
	vm7 =	vge.s32 v38, s12;
	v5 =	vmax.f32 v5, v6  }
0xda: {  	v39 =	vld [tilespmem:$0x80];
	v38 =	vadd.s32 s19, v0;
	v8 =	vnsel vm0, $0x0, v8;
	v5 =	vsel vm0, v5, v6  }
0xdb: {  	v6 =	vnsel vm1, $0x0, v7;
	vm0 =	vmand vm10, vm11;
	vm10 =	vlt.s32 v40, s13  }
0xdc: {  	v8 =	vadd.f32 v9, v8;
	v7 =	vmax.f32 v5, v7;
	v29 =	vnsel vm0, $0x0, v26  }
0xdd: {  	s25 =	sadd.s32 $0x200, s14;
	vm11 =	vmand vm9, vm10;
	vm9 =	vge.s32 v54, s12;
	vm10 =	vlt.s32 v54, s13  }
0xde: {  	v54 =	vadd.s32 s25, v0;
	v5 =	vsel vm1, v7, v5;
	vm1 =	vmand vm5, vm6  }
0xdf: {  	v7 =	vld [tilespmem:$0x50];
	v42 =	vnsel vm11, $0x0, v39;
	vm5 =	vlt.s32 v49, s13;
	v30 =	vmax.f32 v5, v26  }
0xe0: {  	v33 =	vld [tilespmem:$0x60];
	vm6 =	vge.s32 v51, s12;
	v6 =	vadd.f32 v8, v6;
	v5 =	vsel vm0, v30, v5  }
0xe1: {  	s16 =	sadd.s32 $0x170, s14;
	vm0 =	vmand vm15, vm4;
	vm15 =	vlt.s32 v46, s13;
	vm4 =	vge.s32 v49, s12  }
0xe2: {  	s23 =	sadd.s32 $0x1E0, s14;
	v37 =	vld [tilespmem:$0x70];
	v30 =	vadd.s32 s16, v0;
	v6 =	vadd.f32 v6, v29;
	v34 =	vmax.f32 v5, v11  }
0xe3: {  	v50 =	vld [tilespmem:$0xC0];
	v49 =	vadd.s32 s23, v0;
	v5 =	vsel vm14, v34, v5;
	vm14 =	vge.s32 v46, s12  }
0xe4: {  	s22 =	sadd.s32 $0x1D0, s14;
	v6 =	vadd.f32 v6, v31;
	v36 =	vnsel vm0, $0x0, v7;
	v7 =	vmax.f32 v5, v7  }
0xe5: {  	v46 =	vadd.s32 s22, v0;
	v5 =	vsel vm0, v7, v5;
	v7 =	vnsel vm1, $0x0, v33  }
0xe6: {  	vm0 =	vmand vm7, vm8;
	vm7 =	vlt.s32 v51, s13;
	v6 =	vadd.f32 v6, v36  }
0xe7: {  	v41 =	vnsel vm0, $0x0, v37;
	vm8 =	vmand vm6, vm7;
	vm6 =	vlt.s32 v62, s13  }
0xe8: {  	v61 =	vld [tilespmem:$0x100];
	v53 =	vnsel vm8, $0x0, v50;
	v6 =	vadd.f32 v6, v7;
	v7 =	vmax.f32 v5, v33  }
0xe9: {  	v5 =	vsel vm1, v7, v5;
	vm1 =	vmand vm14, vm15;
	vm14 =	vlt.s32 v60, s13  }
0xea: {  	v7 =	vld [tilespmem:$0x90];
	vm15 =	vge.s32 v62, s12;
	v6 =	vadd.f32 v6, v41;
	v8 =	vmax.f32 v5, v37  }
0xeb: {  	s20 =	sadd.s32 $0x1B0, s14;
	vm7 =	vmand vm15, vm6;
	vm15 =	vlt.s32 v21, s13;
	vm6 =	vge.s32 v24, s12  }
0xec: {  	v44 =	vld [tilespmem:$0xA0];
	v41 =	vadd.s32 s20, v0;
	v5 =	vsel vm0, v8, v5;
	vm0 =	vmand vm12, vm13  }
0xed: {  	s28 =	sadd.s32 $0x220, s14;
	vm12 =	vlt.s32 v57, s13;
	vm13 =	vge.s32 v60, s12;
	v12 =	vnsel vm7, $0x0, v61  }
0xee: {  	v48 =	vld [tilespmem:$0xB0];
	v60 =	vadd.s32 s28, v0;
	v6 =	vadd.f32 v6, v42;
	v45 =	vmax.f32 v5, v39  }
0xef: {  	s26 =	sadd.s32 $0x210, s14;
	v5 =	vsel vm11, v45, v5;
	vm11 =	vge.s32 v57, s12;
	v47 =	vnsel vm0, $0x0, v7  }
0xf0: {  	v57 =	vadd.s32 s26, v0;
	v7 =	vmax.f32 v5, v7;
	v6 =	vadd.f32 v6, v47  }
0xf1: {  	v5 =	vsel vm0, v7, v5;
	v7 =	vnsel vm1, $0x0, v44;
	vm0 =	vmand vm4, vm5  }
0xf2: {  	vm4 =	vlt.s32 v35, s13;
	v6 =	vadd.f32 v6, v7;
	v7 =	vmax.f32 v5, v44  }
0xf3: {  	v52 =	vnsel vm0, $0x0, v48;
	v5 =	vsel vm1, v7, v5;
	v7 =	vld [tilespmem:$0xD0];
	vm1 =	vmand vm11, vm12  }
0xf4: {  	s24 =	sadd.s32 $0x1F0, s14;
	vm11 =	vlt.s32 v16, s13;
	vm12 =	vge.s32 v19, s12;
	v8 =	vmax.f32 v5, v48  }
0xf5: {  	v55 =	vld [tilespmem:$0xE0];
	v6 =	vadd.f32 v6, v52;
	v52 =	vadd.s32 s24, v0;
	v5 =	vsel vm0, v8, v5  }
0xf6: {  	s31 =	sadd.s32 $0x250, s14;
	vm0 =	vmand vm9, vm10;
	vm9 =	vlt.s32 v13, s13;
	vm10 =	vge.s32 v16, s12  }
0xf7: {  	v59 =	vld [tilespmem:$0xF0];
	v16 =	vadd.s32 s31, v0;
	v6 =	vadd.f32 v6, v53;
	v56 =	vmax.f32 v5, v50  }
0xf8: {  	s30 =	sadd.s32 $0x240, s14;
	v5 =	vsel vm8, v56, v5;
	vm8 =	vge.s32 v13, s12;
	v58 =	vnsel vm0, $0x0, v7  }
0xf9: {  	v20 =	vld [tilespmem:$0x140];
	v13 =	vadd.s32 s30, v0;
	v7 =	vmax.f32 v5, v7;
	v6 =	vadd.f32 v6, v58  }
0xfa: {  	s16 =	sadd.s32 $0x260, s14;
	v5 =	vsel vm0, v7, v5;
	v7 =	vnsel vm1, $0x0, v55;
	vm0 =	vmand vm13, vm14  }
0xfb: {  	vm13 =	vlt.s32 v19, s13;
	vm14 =	vge.s32 v21, s12;
	v19 =	vadd.s32 s16, v0  }
0xfc: {  	s22 =	sadd.s32 $0x2C0, s14;
	v63 =	vnsel vm0, $0x0, v59;
	vm5 =	vmand vm14, vm15;
	vm15 =	vge.s32 v35, s12  }
0xfd: {  	v35 =	vadd.s32 s22, v0;
	v6 =	vadd.f32 v6, v7;
	v7 =	vmax.f32 v5, v55  }
0xfe: {  	s20 =	sadd.s32 $0x2A0, s14;
	v23 =	vnsel vm5, $0x0, v20;
	v5 =	vsel vm1, v7, v5;
	vm1 =	vmand vm10, vm11  }
0xff: {  	s29 =	sadd.s32 $0x230, s14;
	v7 =	vld [tilespmem:$0x110];
	vm10 =	vge.s32 v30, s12;
	vm11 =	vlt.s32 v30, s13;
	v30 =	vadd.s32 s20, v0  }
0x100: {  	v14 =	vld [tilespmem:$0x120];
	v6 =	vadd.f32 v6, v63;
	v8 =	vmax.f32 v5, v59;
	v63 =	vadd.s32 s29, v0  }
0x101: {  	s19 =	sadd.s32 $0x290, s14;
	v5 =	vsel vm0, v8, v5;
	vm0 =	vmand vm8, vm9;
	vm8 =	vge.s32 v27, s12  }
0x102: {  	v18 =	vld [tilespmem:$0x130];
	vm9 =	vlt.s32 v27, s13;
	v27 =	vadd.s32 s19, v0;
	v15 =	vmax.f32 v5, v61  }
0x103: {  	s18 =	sadd.s32 $0x280, s14;
	v6 =	vadd.f32 v6, v12;
	v5 =	vsel vm7, v15, v5;
	vm7 =	vlt.s32 v24, s13  }
0x104: {  	v31 =	vld [tilespmem:$0x180];
	v24 =	vadd.s32 s18, v0;
	v17 =	vnsel vm0, $0x0, v7;
	v7 =	vmax.f32 v5, v7  }
0x105: {  	v6 =	vadd.f32 v6, v17;
	v5 =	vsel vm0, v7, v5;
	v7 =	vnsel vm1, $0x0, v14  }
0x106: {  	vm0 =	vmand vm12, vm13;
	vm12 =	vge.s32 v32, s12;
	vm13 =	vlt.s32 v32, s13  }
0x107: {  	v22 =	vnsel vm0, $0x0, v18;
	vm14 =	vmand vm12, vm13;
	vm12 =	vge.s32 v46, s12  }
0x108: {  	s26 =	sadd.s32 $0x300, s14;
	vm13 =	vlt.s32 v46, s13;
	v6 =	vadd.f32 v6, v7;
	v7 =	vmax.f32 v5, v14  }
0x109: {  	v46 =	vadd.s32 s26, v0;
	v34 =	vnsel vm14, $0x0, v31;
	v5 =	vsel vm1, v7, v5  }
0x10a: {  	s17 =	sadd.s32 $0x270, s14;
	v7 =	vld [tilespmem:$0x150];
	vm1 =	vmand vm8, vm9;
	vm8 =	vlt.s32 v41, s13;
	vm9 =	vge.s32 v43, s12  }
0x10b: {  	v25 =	vld [tilespmem:$0x160];
	v6 =	vadd.f32 v6, v22;
	v8 =	vmax.f32 v5, v18;
	v22 =	vadd.s32 s17, v0  }
0x10c: {  	v29 =	vld [tilespmem:$0x170];
	s24 =	sadd.s32 $0x2E0, s14;
	v5 =	vsel vm0, v8, v5;
	vm0 =	vmand vm6, vm7;
	vm6 =	vlt.s32 v38, s13  }
0x10d: {  	vm7 =	vge.s32 v41, s12;
	v41 =	vadd.s32 s24, v0;
	v26 =	vmax.f32 v5, v20  }
0x10e: {  	s23 =	sadd.s32 $0x2D0, s14;
	v6 =	vadd.f32 v6, v23;
	v5 =	vsel vm5, v26, v5;
	vm5 =	vge.s32 v38, s12  }
0x10f: {  	v42 =	vld [tilespmem:$0x1C0];
	v38 =	vadd.s32 s23, v0;
	v28 =	vnsel vm0, $0x0, v7;
	v7 =	vmax.f32 v5, v7  }
0x110: {  	v6 =	vadd.f32 v6, v28;
	v5 =	vsel vm0, v7, v5;
	vm0 =	vmand vm10, vm11  }
0x111: {  	v7 =	vnsel vm1, $0x0, v25;
	vm10 =	vlt.s32 v43, s13;
	v33 =	vnsel vm0, $0x0, v29  }
0x112: {  	s31 =	sadd.s32 $0x340, s14;
	vm11 =	vmand vm9, vm10;
	vm9 =	vge.s32 v57, s12;
	vm10 =	vlt.s32 v57, s13  }
0x113: {  	v57 =	vadd.s32 s31, v0;
	v6 =	vadd.f32 v6, v7;
	v7 =	vmax.f32 v5, v25  }
0x114: {  	v45 =	vnsel vm11, $0x0, v42;
	v5 =	vsel vm1, v7, v5;
	v7 =	vld [tilespmem:$0x190];
	vm1 =	vmand vm5, vm6  }
0x115: {  	s21 =	sadd.s32 $0x2B0, s14;
	vm5 =	vlt.s32 v52, s13;
	vm6 =	vge.s32 v54, s12;
	v8 =	vmax.f32 v5, v29  }
0x116: {  	v40 =	vld [tilespmem:$0x1B0];
	v6 =	vadd.f32 v6, v33;
	v33 =	vadd.s32 s21, v0;
	v5 =	vsel vm0, v8, v5  }
0x117: {  	v36 =	vld [tilespmem:$0x1A0];
	s29 =	sadd.s32 $0x320, s14;
	vm0 =	vmand vm15, vm4;
	vm15 =	vlt.s32 v49, s13;
	vm4 =	vge.s32 v52, s12  }
0x118: {  	v52 =	vadd.s32 s29, v0;
	v6 =	vadd.f32 v6, v34;
	v37 =	vmax.f32 v5, v31  }
0x119: {  	s28 =	sadd.s32 $0x310, s14;
	v53 =	vld [tilespmem:$0x200];
	v5 =	vsel vm14, v37, v5;
	vm14 =	vge.s32 v49, s12;
	v39 =	vnsel vm0, $0x0, v7  }
0x11a: {  	v49 =	vadd.s32 s28, v0;
	v7 =	vmax.f32 v5, v7;
	v6 =	vadd.f32 v6, v39  }
0x11b: {  	v5 =	vsel vm0, v7, v5;
	vm0 =	vmand vm7, vm8;
	vm7 =	vlt.s32 v54, s13  }
0x11c: {  	v7 =	vnsel vm1, $0x0, v36;
	v44 =	vnsel vm0, $0x0, v40;
	vm8 =	vmand vm6, vm7  }
0x11d: {  	vm6 =	vlt.s32 v13, s13;
	v6 =	vadd.f32 v6, v7;
	v7 =	vmax.f32 v5, v36  }
0x11e: {  	v12 =	vld [tilespmem:$0x240];
	v56 =	vnsel vm8, $0x0, v53;
	v5 =	vsel vm1, v7, v5;
	vm1 =	vmand vm14, vm15  }
0x11f: {  	v7 =	vld [tilespmem:$0x1D0];
	vm14 =	vlt.s32 v63, s13;
	vm15 =	vge.s32 v13, s12;
	v6 =	vadd.f32 v6, v44  }
0x120: {  	s25 =	sadd.s32 $0x2F0, s14;
	v8 =	vmax.f32 v5, v40;
	vm7 =	vmand vm15, vm6;
	vm15 =	vlt.s32 v24, s13  }
0x121: {  	v47 =	vld [tilespmem:$0x1E0];
	vm6 =	vge.s32 v27, s12;
	v44 =	vadd.s32 s25, v0;
	v5 =	vsel vm0, v8, v5  }
0x122: {  	vm0 =	vmand vm12, vm13;
	vm12 =	vlt.s32 v60, s13;
	vm13 =	vge.s32 v63, s12  }
0x123: {  	v51 =	vld [tilespmem:$0x1F0];
	s17 =	sadd.s32 $0x360, s14;
	v15 =	vnsel vm7, $0x0, v12;
	v6 =	vadd.f32 v6, v45;
	v48 =	vmax.f32 v5, v42  }
0x124: {  	v63 =	vadd.s32 s17, v0;
	v5 =	vsel vm11, v48, v5;
	v50 =	vnsel vm0, $0x0, v7  }
0x125: {  	s16 =	sadd.s32 $0x350, s14;
	vm11 =	vge.s32 v60, s12;
	v7 =	vmax.f32 v5, v7;
	v6 =	vadd.f32 v6, v50  }
0x126: {  	v60 =	vadd.s32 s16, v0;
	v5 =	vsel vm0, v7, v5;
	v7 =	vnsel vm1, $0x0, v47  }
0x127: {  	vm0 =	vmand vm4, vm5;
	v6 =	vadd.f32 v6, v7;
	v7 =	vmax.f32 v5, v47  }
0x128: {  	vm4 =	vlt.s32 v38, s13;
	v55 =	vnsel vm0, $0x0, v51;
	v5 =	vsel vm1, v7, v5  }
0x129: {  	s30 =	sadd.s32 $0x330, s14;
	v7 =	vld [tilespmem:$0x210];
	vm1 =	vmand vm11, vm12;
	vm11 =	vlt.s32 v19, s13;
	vm12 =	vge.s32 v22, s12  }
0x12a: {  	v58 =	vld [tilespmem:$0x220];
	v6 =	vadd.f32 v6, v55;
	v8 =	vmax.f32 v5, v51;
	v55 =	vadd.s32 s30, v0  }
0x12b: {  	s20 =	sadd.s32 $0x390, s14;
	v5 =	vsel vm0, v8, v5;
	vm0 =	vmand vm9, vm10;
	vm9 =	vlt.s32 v16, s13  }
0x12c: {  	v62 =	vld [tilespmem:$0x230];
	vm10 =	vge.s32 v19, s12;
	v19 =	vadd.s32 s20, v0;
	v59 =	vmax.f32 v5, v53  }
0x12d: {  	s19 =	sadd.s32 $0x380, s14;
	v6 =	vadd.f32 v6, v56;
	v5 =	vsel vm8, v59, v5;
	vm8 =	vge.s32 v16, s12  }
0x12e: {  	v23 =	vld [tilespmem:$0x280];
	v16 =	vadd.s32 s19, v0;
	v61 =	vnsel vm0, $0x0, v7;
	v7 =	vmax.f32 v5, v7  }
0x12f: {  	v6 =	vadd.f32 v6, v61;
	v5 =	vsel vm0, v7, v5;
	v7 =	vnsel vm1, $0x0, v58  }
0x130: {  	s21 =	sadd.s32 $0x3A0, s14;
	vm0 =	vmand vm13, vm14;
	vm13 =	vlt.s32 v22, s13;
	vm14 =	vge.s32 v24, s12  }
0x131: {  	v22 =	vadd.s32 s21, v0;
	v14 =	vnsel vm0, $0x0, v62;
	vm5 =	vmand vm14, vm15  }
0x132: {  	s28 =	sadd.s32 $0x400, s14;
	vm15 =	vge.s32 v38, s12;
	v6 =	vadd.f32 v6, v7;
	v7 =	vmax.f32 v5, v58  }
0x133: {  	v38 =	vadd.s32 s28, v0;
	v26 =	vnsel vm5, $0x0, v23;
	v5 =	vsel vm1, v7, v5  }
0x134: {  	s25 =	sadd.s32 $0x3E0, s14;
	v7 =	vld [tilespmem:$0x250];
	vm1 =	vmand vm10, vm11;
	vm10 =	vge.s32 v33, s12;
	vm11 =	vlt.s32 v33, s13  }
0x135: {  	s18 =	sadd.s32 $0x370, s14;
	v33 =	vadd.s32 s25, v0;
	v6 =	vadd.f32 v6, v14;
	v8 =	vmax.f32 v5, v62  }
0x136: {  	v21 =	vld [tilespmem:$0x270];
	v14 =	vadd.s32 s18, v0;
	v5 =	vsel vm0, v8, v5;
	vm0 =	vmand vm8, vm9  }
0x137: {  	v17 =	vld [tilespmem:$0x260];
	s24 =	sadd.s32 $0x3D0, s14;
	vm8 =	vge.s32 v30, s12;
	vm9 =	vlt.s32 v30, s13;
	v18 =	vmax.f32 v5, v12  }
0x138: {  	v30 =	vadd.s32 s24, v0;
	v6 =	vadd.f32 v6, v15;
	v5 =	vsel vm7, v18, v5  }
0x139: {  	s23 =	sadd.s32 $0x3C0, s14;
	v34 =	vld [tilespmem:$0x2C0];
	vm7 =	vlt.s32 v27, s13;
	v20 =	vnsel vm0, $0x0, v7;
	v7 =	vmax.f32 v5, v7  }
0x13a: {  	v27 =	vadd.s32 s23, v0;
	v6 =	vadd.f32 v6, v20;
	v5 =	vsel vm0, v7, v5  }
0x13b: {  	vm0 =	vmand vm12, vm13;
	vm12 =	vge.s32 v35, s12;
	vm13 =	vlt.s32 v35, s13  }
0x13c: {  	s16 =	sadd.s32 $0x440, s14;
	v7 =	vnsel vm1, $0x0, v17;
	v25 =	vnsel vm0, $0x0, v21;
	vm14 =	vmand vm12, vm13  }
0x13d: {  	vm12 =	vge.s32 v49, s12;
	vm13 =	vlt.s32 v49, s13;
	v49 =	vadd.s32 s16, v0  }
0x13e: {  	v6 =	vadd.f32 v6, v7;
	v7 =	vmax.f32 v5, v17;
	v37 =	vnsel vm14, $0x0, v34  }
0x13f: {  	v5 =	vsel vm1, v7, v5;
	v7 =	vld [tilespmem:$0x290];
	vm1 =	vmand vm8, vm9;
	vm8 =	vlt.s32 v44, s13  }
0x140: {  	s22 =	sadd.s32 $0x3B0, s14;
	vm9 =	vge.s32 v46, s12;
	v6 =	vadd.f32 v6, v25;
	v8 =	vmax.f32 v5, v21  }
0x141: {  	v28 =	vld [tilespmem:$0x2A0];
	v25 =	vadd.s32 s22, v0;
	v5 =	vsel vm0, v8, v5;
	vm0 =	vmand vm6, vm7  }
0x142: {  	v32 =	vld [tilespmem:$0x2B0];
	s30 =	sadd.s32 $0x420, s14;
	vm6 =	vlt.s32 v41, s13;
	vm7 =	vge.s32 v44, s12;
	v29 =	vmax.f32 v5, v23  }
0x143: {  	v44 =	vadd.s32 s30, v0;
	v6 =	vadd.f32 v6, v26;
	v5 =	vsel vm5, v29, v5  }
0x144: {  	s29 =	sadd.s32 $0x410, s14;
	v45 =	vld [tilespmem:$0x300];
	vm5 =	vge.s32 v41, s12;
	v31 =	vnsel vm0, $0x0, v7;
	v7 =	vmax.f32 v5, v7  }
0x145: {  	v41 =	vadd.s32 s29, v0;
	v6 =	vadd.f32 v6, v31;
	v5 =	vsel vm0, v7, v5  }
0x146: {  	v7 =	vnsel vm1, $0x0, v28;
	vm0 =	vmand vm10, vm11;
	vm10 =	vlt.s32 v46, s13  }
0x147: {  	v36 =	vnsel vm0, $0x0, v32;
	vm11 =	vmand vm9, vm10;
	vm9 =	vge.s32 v60, s12  }
0x148: {  	s20 =	sadd.s32 $0x480, s14;
	vm10 =	vlt.s32 v60, s13;
	v6 =	vadd.f32 v6, v7;
	v7 =	vmax.f32 v5, v28  }
0x149: {  	v60 =	vadd.s32 s20, v0;
	v48 =	vnsel vm11, $0x0, v45;
	v5 =	vsel vm1, v7, v5  }
0x14a: {  	s26 =	sadd.s32 $0x3F0, s14;
	v7 =	vld [tilespmem:$0x2D0];
	vm1 =	vmand vm5, vm6;
	vm5 =	vlt.s32 v55, s13;
	vm6 =	vge.s32 v57, s12  }
0x14b: {  	v43 =	vld [tilespmem:$0x2F0];
	v6 =	vadd.f32 v6, v36;
	v8 =	vmax.f32 v5, v32;
	v36 =	vadd.s32 s26, v0  }
0x14c: {  	v39 =	vld [tilespmem:$0x2E0];
	s18 =	sadd.s32 $0x460, s14;
	v5 =	vsel vm0, v8, v5;
	vm0 =	vmand vm15, vm4;
	vm15 =	vlt.s32 v52, s13  }
0x14d: {  	vm4 =	vge.s32 v55, s12;
	v55 =	vadd.s32 s18, v0;
	v40 =	vmax.f32 v5, v34  }
0x14e: {  	s17 =	sadd.s32 $0x450, s14;
	v56 =	vld [tilespmem:$0x340];
	v6 =	vadd.f32 v6, v37;
	v5 =	vsel vm14, v40, v5;
	vm14 =	vge.s32 v52, s12  }
0x14f: {  	v52 =	vadd.s32 s17, v0;
	v42 =	vnsel vm0, $0x0, v7;
	v7 =	vmax.f32 v5, v7  }
0x150: {  	v6 =	vadd.f32 v6, v42;
	v5 =	vsel vm0, v7, v5;
	vm0 =	vmand vm7, vm8  }
0x151: {  	v7 =	vnsel vm1, $0x0, v39;
	vm7 =	vlt.s32 v57, s13;
	v47 =	vnsel vm0, $0x0, v43  }
0x152: {  	vm8 =	vmand vm6, vm7;
	v6 =	vadd.f32 v6, v7;
	v7 =	vmax.f32 v5, v39  }
0x153: {  	v15 =	vld [tilespmem:$0x380];
	vm6 =	vlt.s32 v16, s13;
	v59 =	vnsel vm8, $0x0, v56;
	v5 =	vsel vm1, v7, v5  }
0x154: {  	vm1 =	vmand vm14, vm15;
	vm14 =	vlt.s32 v14, s13;
	vm15 =	vge.s32 v16, s12  }
0x155: {  	s31 =	sadd.s32 $0x430, s14;
	v7 =	vld [tilespmem:$0x310];
	v6 =	vadd.f32 v6, v47;
	v8 =	vmax.f32 v5, v43;
	vm7 =	vmand vm15, vm6  }
0x156: {  	vm15 =	vlt.s32 v27, s13;
	vm6 =	vge.s32 v30, s12;
	v47 =	vadd.s32 s31, v0  }
0x157: {  	v50 =	vld [tilespmem:$0x320];
	v5 =	vsel vm0, v8, v5;
	vm0 =	vmand vm12, vm13;
	vm12 =	vlt.s32 v63, s13  }
0x158: {  	v54 =	vld [tilespmem:$0x330];
	s22 =	sadd.s32 $0x4A0, s14;
	vm13 =	vge.s32 v14, s12;
	v18 =	vnsel vm7, $0x0, v15;
	v51 =	vmax.f32 v5, v45  }
0x159: {  	v14 =	vadd.s32 s22, v0;
	v6 =	vadd.f32 v6, v48;
	v5 =	vsel vm11, v51, v5  }
0x15a: {  	s21 =	sadd.s32 $0x490, s14;
	vm11 =	vge.s32 v63, s12;
	v53 =	vnsel vm0, $0x0, v7;
	v7 =	vmax.f32 v5, v7  }
0x15b: {  	v63 =	vadd.s32 s21, v0;
	v6 =	vadd.f32 v6, v53;
	v5 =	vsel vm0, v7, v5  }
0x15c: {  	v7 =	vnsel vm1, $0x0, v50;
	vm0 =	vmand vm4, vm5;
	vm4 =	vlt.s32 v41, s13  }
0x15d: {  	v58 =	vnsel vm0, $0x0, v54;
	v6 =	vadd.f32 v6, v7;
	v7 =	vmax.f32 v5, v50  }
0x15e: {  	v5 =	vsel vm1, v7, v5;
	v7 =	vld [tilespmem:$0x350];
	vm1 =	vmand vm11, vm12;
	vm11 =	vlt.s32 v22, s13  }
0x15f: {  	s19 =	sadd.s32 $0x470, s14;
	vm12 =	vge.s32 v25, s12;
	v6 =	vadd.f32 v6, v58;
	v8 =	vmax.f32 v5, v54  }
0x160: {  	v61 =	vld [tilespmem:$0x360];
	v58 =	vadd.s32 s19, v0;
	v5 =	vsel vm0, v8, v5;
	vm0 =	vmand vm9, vm10  }
0x161: {  	v13 =	vld [tilespmem:$0x370];
	s25 =	sadd.s32 $0x4D0, s14;
	vm9 =	vlt.s32 v19, s13;
	vm10 =	vge.s32 v22, s12;
	v62 =	vmax.f32 v5, v56  }
0x162: {  	v22 =	vadd.s32 s25, v0;
	v6 =	vadd.f32 v6, v59;
	v5 =	vsel vm8, v62, v5  }
0x163: {  	s24 =	sadd.s32 $0x4C0, s14;
	v26 =	vld [tilespmem:$0x3C0];
	vm8 =	vge.s32 v19, s12;
	v12 =	vnsel vm0, $0x0, v7;
	v7 =	vmax.f32 v5, v7  }
0x164: {  	v19 =	vadd.s32 s24, v0;
	v6 =	vadd.f32 v6, v12;
	v5 =	vsel vm0, v7, v5  }
0x165: {  	s26 =	sadd.s32 $0x4E0, s14;
	v7 =	vnsel vm1, $0x0, v61;
	vm0 =	vmand vm13, vm14;
	vm13 =	vlt.s32 v25, s13  }
0x166: {  	s17 =	sadd.s32 $0x540, s14;
	vm14 =	vge.s32 v27, s12;
	v25 =	vadd.s32 s26, v0;
	v17 =	vnsel vm0, $0x0, v13  }
0x167: {  	vm5 =	vmand vm14, vm15;
	vm15 =	vge.s32 v41, s12;
	v41 =	vadd.s32 s17, v0  }
0x168: {  	v6 =	vadd.f32 v6, v7;
	v7 =	vmax.f32 v5, v61;
	v29 =	vnsel vm5, $0x0, v26  }
0x169: {  	s31 =	sadd.s32 $0x520, s14;
	v5 =	vsel vm1, v7, v5;
	v7 =	vld [tilespmem:$0x390];
	vm1 =	vmand vm10, vm11;
	vm10 =	vge.s32 v36, s12  }
0x16a: {  	s23 =	sadd.s32 $0x4B0, s14;
	vm11 =	vlt.s32 v36, s13;
	v36 =	vadd.s32 s31, v0;
	v8 =	vmax.f32 v5, v13  }
0x16b: {  	v20 =	vld [tilespmem:$0x3A0];
	v6 =	vadd.f32 v6, v17;
	v17 =	vadd.s32 s23, v0;
	v5 =	vsel vm0, v8, v5  }
0x16c: {  	v24 =	vld [tilespmem:$0x3B0];
	s30 =	sadd.s32 $0x510, s14;
	vm0 =	vmand vm8, vm9;
	vm8 =	vge.s32 v33, s12;
	vm9 =	vlt.s32 v33, s13  }
0x16d: {  	v33 =	vadd.s32 s30, v0;
	v6 =	vadd.f32 v6, v18;
	v21 =	vmax.f32 v5, v15  }
0x16e: {  	s29 =	sadd.s32 $0x500, s14;
	v5 =	vsel vm7, v21, v5;
	vm7 =	vlt.s32 v30, s13;
	v23 =	vnsel vm0, $0x0, v7  }
0x16f: {  	v37 =	vld [tilespmem:$0x400];
	v30 =	vadd.s32 s29, v0;
	v7 =	vmax.f32 v5, v7;
	v6 =	vadd.f32 v6, v23  }
0x170: {  	v5 =	vsel vm0, v7, v5;
	v7 =	vnsel vm1, $0x0, v20;
	vm0 =	vmand vm12, vm13  }
0x171: {  	vm12 =	vge.s32 v38, s12;
	vm13 =	vlt.s32 v38, s13;
	v28 =	vnsel vm0, $0x0, v24  }
0x172: {  	s21 =	sadd.s32 $0x580, s14;
	vm14 =	vmand vm12, vm13;
	vm12 =	vge.s32 v52, s12;
	vm13 =	vlt.s32 v52, s13  }
0x173: {  	v52 =	vadd.s32 s21, v0;
	v6 =	vadd.f32 v6, v7;
	v7 =	vmax.f32 v5, v20  }
0x174: {  	v40 =	vnsel vm14, $0x0, v37;
	v5 =	vsel vm1, v7, v5;
	v7 =	vld [tilespmem:$0x3D0];
	vm1 =	vmand vm8, vm9  }
0x175: {  	s28 =	sadd.s32 $0x4F0, s14;
	vm8 =	vlt.s32 v47, s13;
	vm9 =	vge.s32 v49, s12;
	v8 =	vmax.f32 v5, v24  }
0x176: {  	v35 =	vld [tilespmem:$0x3F0];
	v6 =	vadd.f32 v6, v28;
	v28 =	vadd.s32 s28, v0;
	v5 =	vsel vm0, v8, v5  }
0x177: {  	v31 =	vld [tilespmem:$0x3E0];
	s19 =	sadd.s32 $0x560, s14;
	vm0 =	vmand vm6, vm7;
	vm6 =	vlt.s32 v44, s13;
	vm7 =	vge.s32 v47, s12  }
0x178: {  	v47 =	vadd.s32 s19, v0;
	v6 =	vadd.f32 v6, v29;
	v32 =	vmax.f32 v5, v26  }
0x179: {  	s18 =	sadd.s32 $0x550, s14;
	v48 =	vld [tilespmem:$0x440];
	v5 =	vsel vm5, v32, v5;
	vm5 =	vge.s32 v44, s12;
	v34 =	vnsel vm0, $0x0, v7  }
0x17a: {  	v44 =	vadd.s32 s18, v0;
	v7 =	vmax.f32 v5, v7;
	v6 =	vadd.f32 v6, v34  }
0x17b: {  	v5 =	vsel vm0, v7, v5;
	vm0 =	vmand vm10, vm11;
	vm10 =	vlt.s32 v49, s13  }
0x17c: {  	s25 =	sadd.s32 $0x5C0, s14;
	v7 =	vnsel vm1, $0x0, v31;
	v39 =	vnsel vm0, $0x0, v35;
	vm11 =	vmand vm9, vm10  }
0x17d: {  	vm9 =	vge.s32 v63, s12;
	vm10 =	vlt.s32 v63, s13;
	v63 =	vadd.s32 s25, v0  }
0x17e: {  	v6 =	vadd.f32 v6, v7;
	v7 =	vmax.f32 v5, v31;
	v51 =	vnsel vm11, $0x0, v48  }
0x17f: {  	v5 =	vsel vm1, v7, v5;
	v7 =	vld [tilespmem:$0x410];
	vm1 =	vmand vm5, vm6;
	vm5 =	vlt.s32 v58, s13  }
0x180: {  	s16 =	sadd.s32 $0x530, s14;
	vm6 =	vge.s32 v60, s12;
	v6 =	vadd.f32 v6, v39;
	v8 =	vmax.f32 v5, v35  }
0x181: {  	v42 =	vld [tilespmem:$0x420];
	v39 =	vadd.s32 s16, v0;
	v5 =	vsel vm0, v8, v5;
	vm0 =	vmand vm15, vm4  }
0x182: {  	v46 =	vld [tilespmem:$0x430];
	s23 =	sadd.s32 $0x5A0, s14;
	vm15 =	vlt.s32 v55, s13;
	vm4 =	vge.s32 v58, s12;
	v43 =	vmax.f32 v5, v37  }
0x183: {  	v59 =	vld [tilespmem:$0x480];
	v58 =	vadd.s32 s23, v0;
	v6 =	vadd.f32 v6, v40;
	v5 =	vsel vm14, v43, v5  }
0x184: {  	s22 =	sadd.s32 $0x590, s14;
	vm14 =	vge.s32 v55, s12;
	v45 =	vnsel vm0, $0x0, v7;
	v7 =	vmax.f32 v5, v7  }
0x185: {  	v55 =	vadd.s32 s22, v0;
	v6 =	vadd.f32 v6, v45;
	v5 =	vsel vm0, v7, v5  }
0x186: {  	v7 =	vnsel vm1, $0x0, v42;
	vm0 =	vmand vm7, vm8;
	vm7 =	vlt.s32 v60, s13  }
0x187: {  	v50 =	vnsel vm0, $0x0, v46;
	vm8 =	vmand vm6, vm7;
	vm6 =	vlt.s32 v19, s13  }
0x188: {  	v18 =	vld [tilespmem:$0x4C0];
	v6 =	vadd.f32 v6, v7;
	v7 =	vmax.f32 v5, v42;
	v62 =	vnsel vm8, $0x0, v59  }
0x189: {  	v5 =	vsel vm1, v7, v5;
	vm1 =	vmand vm14, vm15;
	vm14 =	vlt.s32 v17, s13  }
0x18a: {  	v7 =	vld [tilespmem:$0x450];
	vm15 =	vge.s32 v19, s12;
	v6 =	vadd.f32 v6, v50;
	v8 =	vmax.f32 v5, v46  }
0x18b: {  	s20 =	sadd.s32 $0x570, s14;
	vm7 =	vmand vm15, vm6;
	vm15 =	vlt.s32 v30, s13;
	vm6 =	vge.s32 v33, s12  }
0x18c: {  	v53 =	vld [tilespmem:$0x460];
	v50 =	vadd.s32 s20, v0;
	v5 =	vsel vm0, v8, v5;
	vm0 =	vmand vm12, vm13  }
0x18d: {  	s28 =	sadd.s32 $0x5E0, s14;
	vm12 =	vlt.s32 v14, s13;
	vm13 =	vge.s32 v17, s12;
	v21 =	vnsel vm7, $0x0, v18  }
0x18e: {  	v57 =	vld [tilespmem:$0x470];
	v17 =	vadd.s32 s28, v0;
	v6 =	vadd.f32 v6, v51;
	v54 =	vmax.f32 v5, v48  }
0x18f: {  	s26 =	sadd.s32 $0x5D0, s14;
	v5 =	vsel vm11, v54, v5;
	vm11 =	vge.s32 v14, s12;
	v56 =	vnsel vm0, $0x0, v7  }
0x190: {  	v14 =	vadd.s32 s26, v0;
	v7 =	vmax.f32 v5, v7;
	v6 =	vadd.f32 v6, v56  }
0x191: {  	v5 =	vsel vm0, v7, v5;
	v7 =	vnsel vm1, $0x0, v53;
	vm0 =	vmand vm4, vm5  }
0x192: {  	vm4 =	vlt.s32 v44, s13;
	v6 =	vadd.f32 v6, v7;
	v7 =	vmax.f32 v5, v53  }
0x193: {  	v61 =	vnsel vm0, $0x0, v57;
	v5 =	vsel vm1, v7, v5;
	v7 =	vld [tilespmem:$0x490];
	vm1 =	vmand vm11, vm12  }
0x194: {  	s24 =	sadd.s32 $0x5B0, s14;
	vm11 =	vlt.s32 v25, s13;
	vm12 =	vge.s32 v28, s12;
	v8 =	vmax.f32 v5, v57  }
0x195: {  	v12 =	vld [tilespmem:$0x4A0];
	v6 =	vadd.f32 v6, v61;
	v61 =	vadd.s32 s24, v0;
	v5 =	vsel vm0, v8, v5  }
0x196: {  	s31 =	sadd.s32 $0x610, s14;
	vm0 =	vmand vm9, vm10;
	vm9 =	vlt.s32 v22, s13;
	vm10 =	vge.s32 v25, s12  }
0x197: {  	v16 =	vld [tilespmem:$0x4B0];
	v25 =	vadd.s32 s31, v0;
	v6 =	vadd.f32 v6, v62;
	v13 =	vmax.f32 v5, v59  }
0x198: {  	s30 =	sadd.s32 $0x600, s14;
	v5 =	vsel vm8, v13, v5;
	vm8 =	vge.s32 v22, s12;
	v15 =	vnsel vm0, $0x0, v7  }
0x199: {  	v29 =	vld [tilespmem:$0x500];
	v22 =	vadd.s32 s30, v0;
	v7 =	vmax.f32 v5, v7;
	v6 =	vadd.f32 v6, v15  }
0x19a: {  	s16 =	sadd.s32 $0x620, s14;
	v5 =	vsel vm0, v7, v5;
	v7 =	vnsel vm1, $0x0, v12;
	vm0 =	vmand vm13, vm14  }
0x19b: {  	vm13 =	vlt.s32 v28, s13;
	vm14 =	vge.s32 v30, s12;
	v28 =	vadd.s32 s16, v0  }
0x19c: {  	s22 =	sadd.s32 $0x680, s14;
	v20 =	vnsel vm0, $0x0, v16;
	vm5 =	vmand vm14, vm15;
	vm15 =	vge.s32 v44, s12  }
0x19d: {  	v44 =	vadd.s32 s22, v0;
	v6 =	vadd.f32 v6, v7;
	v7 =	vmax.f32 v5, v12  }
0x19e: {  	s20 =	sadd.s32 $0x660, s14;
	v32 =	vnsel vm5, $0x0, v29;
	v5 =	vsel vm1, v7, v5;
	vm1 =	vmand vm10, vm11  }
0x19f: {  	s29 =	sadd.s32 $0x5F0, s14;
	v7 =	vld [tilespmem:$0x4D0];
	vm10 =	vge.s32 v39, s12;
	vm11 =	vlt.s32 v39, s13;
	v39 =	vadd.s32 s20, v0  }
0x1a0: {  	v23 =	vld [tilespmem:$0x4E0];
	v6 =	vadd.f32 v6, v20;
	v8 =	vmax.f32 v5, v16;
	v20 =	vadd.s32 s29, v0  }
0x1a1: {  	s19 =	sadd.s32 $0x650, s14;
	v5 =	vsel vm0, v8, v5;
	vm0 =	vmand vm8, vm9;
	vm8 =	vge.s32 v36, s12  }
0x1a2: {  	v27 =	vld [tilespmem:$0x4F0];
	vm9 =	vlt.s32 v36, s13;
	v36 =	vadd.s32 s19, v0;
	v24 =	vmax.f32 v5, v18  }
0x1a3: {  	s18 =	sadd.s32 $0x640, s14;
	v6 =	vadd.f32 v6, v21;
	v5 =	vsel vm7, v24, v5;
	vm7 =	vlt.s32 v33, s13  }
0x1a4: {  	v40 =	vld [tilespmem:$0x540];
	v33 =	vadd.s32 s18, v0;
	v26 =	vnsel vm0, $0x0, v7;
	v7 =	vmax.f32 v5, v7  }
0x1a5: {  	v6 =	vadd.f32 v6, v26;
	v5 =	vsel vm0, v7, v5;
	v7 =	vnsel vm1, $0x0, v23  }
0x1a6: {  	vm0 =	vmand vm12, vm13;
	vm12 =	vge.s32 v41, s12;
	vm13 =	vlt.s32 v41, s13  }
0x1a7: {  	v31 =	vnsel vm0, $0x0, v27;
	vm14 =	vmand vm12, vm13;
	vm12 =	vge.s32 v55, s12  }
0x1a8: {  	s26 =	sadd.s32 $0x6C0, s14;
	vm13 =	vlt.s32 v55, s13;
	v6 =	vadd.f32 v6, v7;
	v7 =	vmax.f32 v5, v23  }
0x1a9: {  	v55 =	vadd.s32 s26, v0;
	v43 =	vnsel vm14, $0x0, v40;
	v5 =	vsel vm1, v7, v5  }
0x1aa: {  	s17 =	sadd.s32 $0x630, s14;
	v7 =	vld [tilespmem:$0x510];
	vm1 =	vmand vm8, vm9;
	vm8 =	vlt.s32 v50, s13;
	vm9 =	vge.s32 v52, s12  }
0x1ab: {  	v38 =	vld [tilespmem:$0x530];
	v6 =	vadd.f32 v6, v31;
	v8 =	vmax.f32 v5, v27;
	v31 =	vadd.s32 s17, v0  }
0x1ac: {  	v34 =	vld [tilespmem:$0x520];
	s24 =	sadd.s32 $0x6A0, s14;
	v5 =	vsel vm0, v8, v5;
	vm0 =	vmand vm6, vm7;
	vm6 =	vlt.s32 v47, s13  }
0x1ad: {  	vm7 =	vge.s32 v50, s12;
	v50 =	vadd.s32 s24, v0;
	v35 =	vmax.f32 v5, v29  }
0x1ae: {  	s23 =	sadd.s32 $0x690, s14;
	v6 =	vadd.f32 v6, v32;
	v5 =	vsel vm5, v35, v5;
	vm5 =	vge.s32 v47, s12  }
0x1af: {  	v51 =	vld [tilespmem:$0x580];
	v47 =	vadd.s32 s23, v0;
	v37 =	vnsel vm0, $0x0, v7;
	v7 =	vmax.f32 v5, v7  }
0x1b0: {  	v6 =	vadd.f32 v6, v37;
	v5 =	vsel vm0, v7, v5;
	vm0 =	vmand vm10, vm11  }
0x1b1: {  	v7 =	vnsel vm1, $0x0, v34;
	vm10 =	vlt.s32 v52, s13;
	v42 =	vnsel vm0, $0x0, v38  }
0x1b2: {  	s31 =	sadd.s32 $0x700, s14;
	vm11 =	vmand vm9, vm10;
	vm9 =	vge.s32 v14, s12;
	vm10 =	vlt.s32 v14, s13  }
0x1b3: {  	v14 =	vadd.s32 s31, v0;
	v6 =	vadd.f32 v6, v7;
	v7 =	vmax.f32 v5, v34  }
0x1b4: {  	v54 =	vnsel vm11, $0x0, v51;
	v5 =	vsel vm1, v7, v5;
	v7 =	vld [tilespmem:$0x550];
	vm1 =	vmand vm5, vm6  }
0x1b5: {  	s21 =	sadd.s32 $0x670, s14;
	vm5 =	vlt.s32 v61, s13;
	vm6 =	vge.s32 v63, s12;
	v8 =	vmax.f32 v5, v38  }
0x1b6: {  	v49 =	vld [tilespmem:$0x570];
	v6 =	vadd.f32 v6, v42;
	v42 =	vadd.s32 s21, v0;
	v5 =	vsel vm0, v8, v5  }
0x1b7: {  	v45 =	vld [tilespmem:$0x560];
	s29 =	sadd.s32 $0x6E0, s14;
	vm0 =	vmand vm15, vm4;
	vm15 =	vlt.s32 v58, s13;
	vm4 =	vge.s32 v61, s12  }
0x1b8: {  	v61 =	vadd.s32 s29, v0;
	v6 =	vadd.f32 v6, v43;
	v46 =	vmax.f32 v5, v40  }
0x1b9: {  	s28 =	sadd.s32 $0x6D0, s14;
	v62 =	vld [tilespmem:$0x5C0];
	v5 =	vsel vm14, v46, v5;
	vm14 =	vge.s32 v58, s12;
	v48 =	vnsel vm0, $0x0, v7  }
0x1ba: {  	v58 =	vadd.s32 s28, v0;
	v7 =	vmax.f32 v5, v7;
	v6 =	vadd.f32 v6, v48  }
0x1bb: {  	v5 =	vsel vm0, v7, v5;
	vm0 =	vmand vm7, vm8;
	vm7 =	vlt.s32 v63, s13  }
0x1bc: {  	v7 =	vnsel vm1, $0x0, v45;
	v53 =	vnsel vm0, $0x0, v49;
	vm8 =	vmand vm6, vm7  }
0x1bd: {  	vm6 =	vlt.s32 v22, s13;
	v6 =	vadd.f32 v6, v7;
	v7 =	vmax.f32 v5, v45  }
0x1be: {  	v21 =	vld [tilespmem:$0x600];
	v13 =	vnsel vm8, $0x0, v62;
	v5 =	vsel vm1, v7, v5;
	vm1 =	vmand vm14, vm15  }
0x1bf: {  	v7 =	vld [tilespmem:$0x590];
	vm14 =	vlt.s32 v20, s13;
	vm15 =	vge.s32 v22, s12;
	v6 =	vadd.f32 v6, v53  }
0x1c0: {  	s25 =	sadd.s32 $0x6B0, s14;
	v8 =	vmax.f32 v5, v49;
	vm7 =	vmand vm15, vm6;
	vm15 =	vlt.s32 v33, s13  }
0x1c1: {  	v56 =	vld [tilespmem:$0x5A0];
	vm6 =	vge.s32 v36, s12;
	v53 =	vadd.s32 s25, v0;
	v5 =	vsel vm0, v8, v5  }
0x1c2: {  	vm0 =	vmand vm12, vm13;
	vm12 =	vlt.s32 v17, s13;
	vm13 =	vge.s32 v20, s12  }
0x1c3: {  	v60 =	vld [tilespmem:$0x5B0];
	s17 =	sadd.s32 $0x720, s14;
	v24 =	vnsel vm7, $0x0, v21;
	v6 =	vadd.f32 v6, v54;
	v57 =	vmax.f32 v5, v51  }
0x1c4: {  	v20 =	vadd.s32 s17, v0;
	v5 =	vsel vm11, v57, v5;
	v59 =	vnsel vm0, $0x0, v7  }
0x1c5: {  	s16 =	sadd.s32 $0x710, s14;
	vm11 =	vge.s32 v17, s12;
	v7 =	vmax.f32 v5, v7;
	v6 =	vadd.f32 v6, v59  }
0x1c6: {  	v17 =	vadd.s32 s16, v0;
	v5 =	vsel vm0, v7, v5;
	v7 =	vnsel vm1, $0x0, v56  }
0x1c7: {  	vm0 =	vmand vm4, vm5;
	v6 =	vadd.f32 v6, v7;
	v7 =	vmax.f32 v5, v56  }
0x1c8: {  	vm4 =	vlt.s32 v47, s13;
	v12 =	vnsel vm0, $0x0, v60;
	v5 =	vsel vm1, v7, v5;
	v7 =	vld [tilespmem:$0x5D0]  }
0x1c9: {  	s30 =	sadd.s32 $0x6F0, s14;
	vm1 =	vmand vm11, vm12;
	vm11 =	vlt.s32 v28, s13;
	vm12 =	vge.s32 v31, s12  }
0x1ca: {  	v15 =	vld [tilespmem:$0x5E0];
	v6 =	vadd.f32 v6, v12;
	v8 =	vmax.f32 v5, v60;
	v12 =	vadd.s32 s30, v0  }
0x1cb: {  	v5 =	vsel vm0, v8, v5;
	vm0 =	vmand vm9, vm10;
	vm9 =	vlt.s32 v25, s13  }
0x1cc: {  	s20 =	sadd.s32 $0x750, s14;
	vm10 =	vge.s32 v28, s12;
	v6 =	vadd.f32 v6, v13;
	v16 =	vmax.f32 v5, v62  }
0x1cd: {  	v19 =	vld [tilespmem:$0x5F0];
	v28 =	vadd.s32 s20, v0;
	v5 =	vsel vm8, v16, v5;
	v18 =	vnsel vm0, $0x0, v7  }
0x1ce: {  	s19 =	sadd.s32 $0x740, s14;
	vm8 =	vge.s32 v25, s12;
	v7 =	vmax.f32 v5, v7;
	v6 =	vadd.f32 v6, v18  }
0x1cf: {  	v32 =	vld [tilespmem:$0x640];
	v25 =	vadd.s32 s19, v0;
	v5 =	vsel vm0, v7, v5;
	v7 =	vnsel vm1, $0x0, v15  }
0x1d0: {  	vm0 =	vmand vm13, vm14;
	v6 =	vadd.f32 v6, v7;
	v7 =	vmax.f32 v5, v15  }
0x1d1: {  	s21 =	sadd.s32 $0x760, s14;
	vm13 =	vlt.s32 v31, s13;
	vm14 =	vge.s32 v33, s12;
	v5 =	vsel vm1, v7, v5;
	v7 =	vld [tilespmem:$0x610]  }
0x1d2: {  	v31 =	vadd.s32 s21, v0;
	v23 =	vnsel vm0, $0x0, v19;
	vm5 =	vmand vm14, vm15  }
0x1d3: {  	v26 =	vld [tilespmem:$0x620];
	s28 =	sadd.s32 $0x7C0, s14;
	vm15 =	vge.s32 v47, s12;
	v6 =	vadd.f32 v6, v23;
	v8 =	vmax.f32 v5, v19  }
0x1d4: {  	v47 =	vadd.s32 s28, v0;
	v35 =	vnsel vm5, $0x0, v32;
	v5 =	vsel vm0, v8, v5  }
0x1d5: {  	vm0 =	vmand vm8, vm9;
	v6 =	vadd.f32 v6, v24;
	v27 =	vmax.f32 v5, v21  }
0x1d6: {  	v30 =	vld [tilespmem:$0x630];
	vm1 =	vmand vm10, vm11;
	v5 =	vsel vm7, v27, v5;
	v29 =	vnsel vm0, $0x0, v7  }
0x1d7: {  	vm10 =	vge.s32 v42, s12;
	v7 =	vmax.f32 v5, v7;
	v6 =	vadd.f32 v6, v29  }
0x1d8: {  	s25 =	sadd.s32 $0x7A0, s14;
	vm11 =	vlt.s32 v42, s13;
	v5 =	vsel vm0, v7, v5;
	v7 =	vnsel vm1, $0x0, v26  }
0x1d9: {  	s18 =	sadd.s32 $0x730, s14;
	v42 =	vadd.s32 s25, v0;
	v6 =	vadd.f32 v6, v7;
	v7 =	vmax.f32 v5, v26  }
0x1da: {  	v23 =	vadd.s32 s18, v0;
	vm0 =	vmand vm12, vm13;
	v5 =	vsel vm1, v7, v5;
	v7 =	vld [tilespmem:$0x650]  }
0x1db: {  	s24 =	sadd.s32 $0x790, s14;
	vm8 =	vge.s32 v39, s12;
	vm9 =	vlt.s32 v39, s13;
	v34 =	vnsel vm0, $0x0, v30  }
0x1dc: {  	s23 =	sadd.s32 $0x780, s14;
	v37 =	vld [tilespmem:$0x660];
	v39 =	vadd.s32 s24, v0;
	v6 =	vadd.f32 v6, v34;
	v8 =	vmax.f32 v5, v30  }
0x1dd: {  	vm7 =	vlt.s32 v36, s13;
	v36 =	vadd.s32 s23, v0;
	v5 =	vsel vm0, v8, v5  }
0x1de: {  	v41 =	vld [tilespmem:$0x670];
	vm0 =	vmand vm6, vm7;
	v6 =	vadd.f32 v6, v35;
	v38 =	vmax.f32 v5, v32  }
0x1df: {  	v43 =	vld [tilespmem:$0x680];
	vm12 =	vge.s32 v44, s12;
	v5 =	vsel vm5, v38, v5;
	v40 =	vnsel vm0, $0x0, v7  }
0x1e0: {  	vm1 =	vmand vm8, vm9;
	v7 =	vmax.f32 v5, v7;
	v6 =	vadd.f32 v6, v40  }
0x1e1: {  	vm13 =	vlt.s32 v44, s13;
	v5 =	vsel vm0, v7, v5;
	v7 =	vnsel vm1, $0x0, v37  }
0x1e2: {  	vm14 =	vmand vm12, vm13;
	v6 =	vadd.f32 v6, v7;
	v7 =	vmax.f32 v5, v37  }
0x1e3: {  	vm12 =	vge.s32 v58, s12;
	vm0 =	vmand vm10, vm11;
	v5 =	vsel vm1, v7, v5;
	v7 =	vld [tilespmem:$0x690]  }
0x1e4: {  	vm13 =	vlt.s32 v58, s13;
	v46 =	vnsel vm14, $0x0, v43;
	v45 =	vnsel vm0, $0x0, v41  }
0x1e5: {  	v48 =	vld [tilespmem:$0x6A0];
	vm8 =	vlt.s32 v53, s13;
	v6 =	vadd.f32 v6, v45;
	v8 =	vmax.f32 v5, v41  }
0x1e6: {  	vm9 =	vge.s32 v55, s12;
	vm6 =	vlt.s32 v50, s13;
	v5 =	vsel vm0, v8, v5  }
0x1e7: {  	vm0 =	vmand vm15, vm4;
	v6 =	vadd.f32 v6, v46;
	v49 =	vmax.f32 v5, v43  }
0x1e8: {  	v52 =	vld [tilespmem:$0x6B0];
	vm5 =	vge.s32 v50, s12;
	v5 =	vsel vm14, v49, v5;
	v51 =	vnsel vm0, $0x0, v7  }
0x1e9: {  	v54 =	vld [tilespmem:$0x6C0];
	vm1 =	vmand vm5, vm6;
	v7 =	vmax.f32 v5, v7;
	v6 =	vadd.f32 v6, v51  }
0x1ea: {  	vm7 =	vge.s32 v53, s12;
	v5 =	vsel vm0, v7, v5;
	v7 =	vnsel vm1, $0x0, v48  }
0x1eb: {  	vm10 =	vlt.s32 v55, s13;
	v6 =	vadd.f32 v6, v7;
	v7 =	vmax.f32 v5, v48  }
0x1ec: {  	vm11 =	vmand vm9, vm10;
	vm0 =	vmand vm7, vm8;
	v5 =	vsel vm1, v7, v5;
	v7 =	vld [tilespmem:$0x6D0]  }
0x1ed: {  	vm9 =	vge.s32 v17, s12;
	vm10 =	vlt.s32 v17, s13;
	v56 =	vnsel vm0, $0x0, v52  }
0x1ee: {  	v59 =	vld [tilespmem:$0x6E0];
	v57 =	vnsel vm11, $0x0, v54;
	v6 =	vadd.f32 v6, v56;
	v8 =	vmax.f32 v5, v52  }
0x1ef: {  	vm5 =	vlt.s32 v12, s13;
	vm15 =	vlt.s32 v61, s13;
	v5 =	vsel vm0, v8, v5  }
0x1f0: {  	vm0 =	vmand vm12, vm13;
	v6 =	vadd.f32 v6, v57;
	v60 =	vmax.f32 v5, v54  }
0x1f1: {  	v63 =	vld [tilespmem:$0x6F0];
	vm14 =	vge.s32 v61, s12;
	v5 =	vsel vm11, v60, v5;
	v62 =	vnsel vm0, $0x0, v7  }
0x1f2: {  	v13 =	vld [tilespmem:$0x700];
	vm1 =	vmand vm14, vm15;
	v7 =	vmax.f32 v5, v7;
	v6 =	vadd.f32 v6, v62  }
0x1f3: {  	vm6 =	vge.s32 v14, s12;
	v5 =	vsel vm0, v7, v5;
	v7 =	vnsel vm1, $0x0, v59  }
0x1f4: {  	vm4 =	vge.s32 v12, s12;
	v6 =	vadd.f32 v6, v7;
	v7 =	vmax.f32 v5, v59  }
0x1f5: {  	vm7 =	vlt.s32 v14, s13;
	vm0 =	vmand vm4, vm5;
	v5 =	vsel vm1, v7, v5;
	v7 =	vld [tilespmem:$0x710]  }
0x1f6: {  	vm8 =	vmand vm6, vm7;
	vm6 =	vlt.s32 v25, s13;
	v15 =	vnsel vm0, $0x0, v63  }
0x1f7: {  	v18 =	vld [tilespmem:$0x720];
	v16 =	vnsel vm8, $0x0, v13;
	v6 =	vadd.f32 v6, v15;
	v8 =	vmax.f32 v5, v63  }
0x1f8: {  	vm14 =	vlt.s32 v23, s13;
	vm12 =	vlt.s32 v20, s13;
	v5 =	vsel vm0, v8, v5  }
0x1f9: {  	v22 =	vld [tilespmem:$0x730];
	vm0 =	vmand vm9, vm10;
	v6 =	vadd.f32 v6, v16;
	v19 =	vmax.f32 v5, v13  }
0x1fa: {  	v24 =	vld [tilespmem:$0x740];
	vm11 =	vge.s32 v20, s12;
	v5 =	vsel vm8, v19, v5;
	v21 =	vnsel vm0, $0x0, v7  }
0x1fb: {  	vm1 =	vmand vm11, vm12;
	v7 =	vmax.f32 v5, v7;
	v6 =	vadd.f32 v6, v21  }
0x1fc: {  	vm15 =	vge.s32 v25, s12;
	v5 =	vsel vm0, v7, v5;
	v7 =	vnsel vm1, $0x0, v18  }
0x1fd: {  	vm13 =	vge.s32 v23, s12;
	v6 =	vadd.f32 v6, v7;
	v7 =	vmax.f32 v5, v18  }
0x1fe: {  	s22 =	sadd.s32 $0x770, s14;
	vm7 =	vmand vm15, vm6;
	vm0 =	vmand vm13, vm14;
	v5 =	vsel vm1, v7, v5;
	v7 =	vld [tilespmem:$0x750]  }
0x1ff: {  	v34 =	vadd.s32 s22, v0;
	v27 =	vnsel vm7, $0x0, v24;
	v26 =	vnsel vm0, $0x0, v22  }
0x200: {  	v29 =	vld [tilespmem:$0x760];
	vm11 =	vlt.s32 v31, s13;
	v6 =	vadd.f32 v6, v26;
	v8 =	vmax.f32 v5, v22  }
0x201: {  	vm9 =	vlt.s32 v28, s13;
	vm8 =	vge.s32 v28, s12;
	v5 =	vsel vm0, v8, v5  }
0x202: {  	vm0 =	vmand vm8, vm9;
	v6 =	vadd.f32 v6, v27;
	v30 =	vmax.f32 v5, v24  }
0x203: {  	v33 =	vld [tilespmem:$0x770];
	vm10 =	vge.s32 v31, s12;
	v5 =	vsel vm7, v30, v5;
	v32 =	vnsel vm0, $0x0, v7  }
0x204: {  	vm1 =	vmand vm10, vm11;
	v7 =	vmax.f32 v5, v7;
	v6 =	vadd.f32 v6, v32  }
0x205: {  	v35 =	vld [tilespmem:$0x780];
	vm12 =	vge.s32 v34, s12;
	v5 =	vsel vm0, v7, v5;
	v7 =	vnsel vm1, $0x0, v29  }
0x206: {  	s26 =	sadd.s32 $0x7B0, s14;
	vm13 =	vlt.s32 v34, s13;
	v6 =	vadd.f32 v6, v7;
	v7 =	vmax.f32 v5, v29  }
0x207: {  	v45 =	vadd.s32 s26, v0;
	vm0 =	vmand vm12, vm13;
	v5 =	vsel vm1, v7, v5;
	v7 =	vld [tilespmem:$0x790]  }
0x208: {  	vm15 =	vlt.s32 v36, s13;
	vm14 =	vge.s32 v36, s12;
	v37 =	vnsel vm0, $0x0, v33  }
0x209: {  	v40 =	vld [tilespmem:$0x7A0];
	vm6 =	vlt.s32 v39, s13;
	vm4 =	vmand vm14, vm15;
	v6 =	vadd.f32 v6, v37  }
0x20a: {  	vm5 =	vge.s32 v39, s12;
	v38 =	vnsel vm4, $0x0, v35;
	v8 =	vmax.f32 v5, v33  }
0x20b: {  	v43 =	vld [tilespmem:$0x7B0];
	v5 =	vsel vm0, v8, v5;
	vm0 =	vmand vm5, vm6;
	v6 =	vadd.f32 v6, v38  }
0x20c: {  	vm8 =	vlt.s32 v42, s13;
	vm7 =	vge.s32 v42, s12;
	v44 =	vnsel vm0, $0x0, v7  }
0x20d: {  	v46 =	vld [tilespmem:$0x7C0];
	vm10 =	vlt.s32 v45, s13;
	vm1 =	vmand vm7, vm8;
	v6 =	vadd.f32 v6, v44  }
0x20e: {  	vm11 =	vge.s32 v47, s12;
	vm9 =	vge.s32 v45, s12;
	v12 =	vnsel vm1, $0x0, v40  }
0x20f: {  	v48 =	vld [tilespmem:$0x7D0];
	vm2 =	vmand vm9, vm10;
	v41 =	vmax.f32 v5, v35;
	v6 =	vadd.f32 v6, v12  }
0x210: {  	s29 =	sadd.s32 $0x7D0, s14;
	v13 =	vnsel vm2, $0x0, v43;
	v5 =	vsel vm4, v41, v5;
	vm4 =	vlt.s32 v47, s13  }
0x211: {  	v50 =	vld [tilespmem:$0x7E0];
	v49 =	vadd.s32 s29, v0;
	vm3 =	vmand vm11, vm4;
	v6 =	vadd.f32 v6, v13  }
0x212: {  	s30 =	sadd.s32 $0x7E0, s14;
	vm12 =	vge.s32 v49, s12;
	vm5 =	vlt.s32 v49, s13;
	v14 =	vnsel vm3, $0x0, v46  }
0x213: {  	v51 =	vadd.s32 s30, v0;
	v52 =	vld [tilespmem:$0x7F0];
	vm4 =	vmand vm12, vm5;
	v6 =	vadd.f32 v6, v14  }
0x214: {  	s31 =	sadd.s32 $0x7F0, s14;
	vm13 =	vge.s32 v51, s12;
	vm6 =	vlt.s32 v51, s13;
	v15 =	vnsel vm4, $0x0, v48  }
0x215: {  	v53 =	vadd.s32 s31, v0;
	v54 =	vld [tilespmem:$0x800];
	vm5 =	vmand vm13, vm6;
	v6 =	vadd.f32 v6, v15  }
0x216: {  	s14 =	sadd.s32 $0x800, s14;
	vm14 =	vge.s32 v53, s12;
	vm7 =	vlt.s32 v53, s13;
	v55 =	vnsel vm5, $0x0, v50  }
0x217: {  	v56 =	vadd.s32 s14, v0;
	vm6 =	vmand vm14, vm7;
	v6 =	vadd.f32 v6, v55  }
0x218: {  	vm15 =	vge.s32 v56, s12;
	vm8 =	vlt.s32 v56, s13;
	v57 =	vnsel vm6, $0x0, v52  }
0x219: {  	vm7 =	vmand vm15, vm8;
	v7 =	vmax.f32 v5, v7;
	v6 =	vadd.f32 v6, v57  }
0x21a: {  	v5 =	vsel vm0, v7, v5;
	v7 =	vnsel vm7, $0x0, v54  }
0x21b: {  	v6 =	vadd.f32 v6, v7;
	v7 =	vmax.f32 v5, v40  }
0x21c: {  	v5 =	vsel vm1, v7, v5  }
0x21d: {  	[tilespmem:$0xA00] =	vst v6;
	v6 =	vmax.f32 v5, v43  }
0x21e: {  	v5 =	vsel vm2, v6, v5;
	v6 =	vld [tilespmem:$0xA00]  }
0x21f: {  	v7 =	vmax.f32 v5, v46  }
0x220: {  	v5 =	vsel vm3, v7, v5  }
0x221: {  	v7 =	vmax.f32 v5, v48  }
0x222: {  	v5 =	vsel vm4, v7, v5  }
0x223: {  	v7 =	vmax.f32 v5, v50;
	v58 =	vperm.xlane v6, v1  }
0x224: {  	v5 =	vsel vm5, v7, v5  }
0x225: {  	s12 =	ssub.s32 s13, s12;
	v6 =	vadd.f32 v58, v6;
	v7 =	vmax.f32 v5, v52  }
0x226: {  	s12 =	scvt.s32.f32 s12;
	v5 =	vsel vm6, v7, v5  }
0x227: {  	v7 =	vmax.f32 v5, v54;
	v8 =	vperm.xlane v6, v2  }
0x228: {  	v5 =	vsel vm7, v7, v5;
	v7 =	vmov s12  }
0x229: {  	v6 =	vadd.f32 v8, v6;
	v59 =	vperm.xlane v5, v1;
	(erf) = vrcp.f32 v7;
	_ =	sdelay $0x1  }
0x22a: {  	v7 =	vperm.xlane v6, v3;
	v8 =	vmax.f32 v5, v59  }
0x22b: {  	v60 =	vperm.xlane v8, v2  }
0x22c: {  	v6 =	vadd.f32 v7, v6  }
0x22d: {  	v7 =	vmax.f32 v8, v60  }
0x22e: {  	v61 =	vperm.xlane v6, v4;
	v9 =	vperm.xlane v7, v3;
	_ =	sdelay $0x1  }
0x22f: {  	v6 =	vadd.f32 v61, v6;
	v7 =	vmax.f32 v7, v9  }
0x230: {  	v62 =	vperm.xlane v7, v4;
	v63 =	vpop (erf)  }
0x231: {  	v6 =	vmul.f32 v6, v63  }
0x232: {  	v7 =	vmax.f32 v7, v62  }
0x233: {  	v7 =	vmul.f32 $6.999999880e-01, v7;
	v6 =	vmul.f32 $3.000000120e-01, v6;
	_ =	sdelay $0x1  }
0x234: {  	s7 =	sadd.s32 $0xFFFFFFFF, s7;
	v6 =	vadd.f32 v7, v6  }
0x235: {  	p2 =	sne.s32 s7, $0x0;
	[tilespmem:$0xA80] =	vst v5  }
.Ltmp38:
0x236: {  	[tilespmem:$0x980] =	vst v6;
	(pc) =	sbr.rel @p2 .LBB2_2-.Ltmp38, $4  }
0x237: {  	[hbm4b:s6+s3] =	stream.linear.scatter [tilespmem:s11], [sflag:$0x1], $0x80, $0x38;
	[tilespmem:$0xB00] =	vst v63  }
0x238: {  	_ =	swait.ge [sflag:s9], $0x80  }
0x239: {  	[sflag:s9] =	ssyncset.done $0x0  }
0x23a: {  	[sflag:s9] =	ssyncadd.s32 $0xFFFFFF80  }
.LBB2_42:
0x23b: {  	_ =	sfence.sel $0x180000  }
0x23c: {  	[bflag:$0x0] =	sbarrier.arrive $0xFFFF  }
0x23d: {  	p0 =	sne.s32 s1, $0x0;
	_ =	strace $0x90000047  }
0x23e: {  	s0 =	sadd.s32 @!p0 $0x100000, s0;
	[bflag:$0x2] =	sbarrier.arrive $0xFFFF  }
0x23f: {  	[sflag:s0] =	ssyncadd.tile.s32 @!p0 $0x1;
	_ =	shalt  }
.Lfunc_end2:
_tile_overlayer_lowered:
.L_overlay_start_2:
0x240: {  	(tag) =	ssettag $0x2  }
0x241: {  	s0 =	rddreg [dreg:$0x0];
	s2 =	stileid.u32  }
0x242: {  	s1 =	rddreg [dreg:$0x1];
	p0 =	sne.s32 s2, $0x0  }
0x243: {  	s3 =	rddreg [dreg:$0x2];
	[bflag:$0x3] =	sbarrier.arrive $0xFFFF;
	s2 =	simm.s32 @!p0 $0x1C01  }
0x244: {  	[timem:s3], [sflag:s2] =	dma.local @!p0 [hbm:s0], s1  }
0x245: {  	s0 =	simm.s32 @!p0 $0x1  }
0x246: {  	_ =	swait.ge @!p0 [sflag:s0], s1  }
0x247: {  	s1 =	ssub.s32 @!p0 $0x0, s1;
	[sflag:s0] =	ssyncset.done @!p0 $0x0  }
0x248: {  	[sflag:s0] =	ssyncadd.s32 @!p0 s1  }
0x249: {  	[bflag:$0x3] =	sbarrier.arrive $0xFFFF  }
0x24a: {  	_ =	shalt  }

</sc_bundles>
